<compile_context>
chip_gen: v7x
topology: tpu7x:2x2x1
jax: 0.10.2.dev20260603
libtpu: 0.0.44.dev20260713+nightly
codegen_flags: <defaults>
</compile_context>

<pallas_src>
import functools

import jax
import jax.numpy as jnp
from jax import lax
from jax.experimental import pallas as pl
from jax.experimental.pallas import tpu as pltpu
from jax.experimental.pallas import tpu_sc as plsc

OUT_SIZE = 7
SPATIAL_SCALE = 0.25
SAMPLE_NUM = 2
L = 16


_GATHER_DNUMS = lax.GatherDimensionNumbers(
    offset_dims=(), collapsed_slice_dims=(0,), start_index_map=(0,))


def _dyn_gather(v, idx):
    return lax.gather(v, idx[:, None], _GATHER_DNUMS, (1,),
                      mode=lax.GatherScatterMode.PROMISE_IN_BOUNDS)


def _splat(v, i):
    return _dyn_gather(v, jnp.zeros((L,), jnp.int32) + i)


def _transpose_kernel(f_ref, o_ref, *, HW, W):
    t = f_ref[...].T
    o_ref[:, : t.shape[1]] = t
    o_ref[: HW - W, t.shape[1]:] = t[W:, :]
    o_ref[HW - W:, t.shape[1]:] = t[HW - W:, :]


def _make_table(features):
    N, C, H, W = features.shape
    f2 = features.reshape(N, C, H * W)
    out = pl.pallas_call(
        functools.partial(_transpose_kernel, HW=H * W, W=W),
        grid=(N,),
        in_specs=[pl.BlockSpec((None, C, H * W), lambda b: (b, 0, 0))],
        out_specs=pl.BlockSpec((None, H * W, 2 * C), lambda b: (b, 0, 0)),
        out_shape=jax.ShapeDtypeStruct((N, H * W, 2 * C), jnp.float32),
    )(f2)
    return out.reshape(N * H * W, 2 * C)


def _roi_align_sc(table, rois_flat, *, N, C, H, W, KPAD):
    PH = PW = OUT_SIZE
    G = SAMPLE_NUM
    SX = PW * G
    SY = PH * G
    NS = SY * SX
    NTAP = 2 * NS
    CHUNKS = [(0, 112), (112, 112), (224, 112), (336, 56)]
    OUTSZ = C * PH * PW

    info = plsc.get_sparse_core_info()
    NC, NSUB = info.num_cores, info.num_subcores
    NW = NC * NSUB
    RPW = KPAD // NW
    mesh = plsc.VectorSubcoreMesh(core_axis_name="c", subcore_axis_name="s")

    @functools.partial(
        pl.kernel,
        mesh=mesh,
        compiler_params=pltpu.CompilerParams(
            needs_layout_passes=False, use_tc_tiling_on_sc=True),
        out_type=jax.ShapeDtypeStruct((KPAD * OUTSZ,), jnp.float32),
        scratch_types=[
            pltpu.VMEM((RPW * 8 + L,), jnp.float32),
            pltpu.VMEM((NTAP,), jnp.int32),
            pltpu.VMEM((NTAP, 2 * C), jnp.float32),
            pltpu.VMEM((OUTSZ,), jnp.float32),
            pltpu.SemaphoreType.DMA,
        ],
    )
    def k(table_hbm, rois_hbm, out_hbm, roipar, idxbuf, rows, outt, sem):
        wid = lax.axis_index("s") * NC + lax.axis_index("c")
        li = lax.iota(jnp.int32, L)
        lf = li.astype(jnp.float32)
        mask14 = li < SX
        zeros16 = jnp.zeros((L,), jnp.float32)
        off = (li >> 1).astype(jnp.float32) + (li & 1).astype(jnp.float32) * 0.5 + 0.25
        cgs = [li * (PH * PW) + g * L * (PH * PW) for g in range(4)]

        pltpu.sync_copy(rois_hbm.at[pl.ds(wid * RPW * 8, RPW * 8)],
                        roipar.at[pl.ds(0, RPW * 8)])

        def per_roi(r, carry):
            pv = roipar[pl.ds(r * 8, L)]
            b = _splat(pv, 0)
            x1s = _splat(pv, 1) * SPATIAL_SCALE
            y1s = _splat(pv, 2) * SPATIAL_SCALE
            x2s = _splat(pv, 3) * SPATIAL_SCALE
            y2s = _splat(pv, 4) * SPATIAL_SCALE
            roi_w = jnp.maximum(x2s - x1s, 1.0)
            roi_h = jnp.maximum(y2s - y1s, 1.0)
            bin_w = roi_w / PW
            bin_h = roi_h / PH
            Y = y1s + off * bin_h
            X = x1s + off * bin_w
            vy = jnp.where((Y >= -1.0) & (Y <= float(H)), 0.5, 0.0)
            vx = jnp.where((X >= -1.0) & (X <= float(W)), 0.5, 0.0)
            yc = jnp.clip(Y, 0.0, float(H - 1))
            xc = jnp.clip(X, 0.0, float(W - 1))
            yi = jnp.minimum(yc.astype(jnp.int32), H - 2)
            xi = jnp.minimum(xc.astype(jnp.int32), W - 2)
            fy = yc - yi.astype(jnp.float32)
            fx = xc - xi.astype(jnp.float32)
            ay0 = (1.0 - fy) * vy
            ay1 = fy * vy
            bx0 = (1.0 - fx) * vx
            bx1 = fx * vx
            ybase_f = b * float(H * W) + yi.astype(jnp.float32) * float(W)

            def build(sy, c2):
                ybs = _splat(ybase_f, sy).astype(jnp.int32)
                i00 = ybs + xi
                pos = li + sy * SX
                plsc.store_scatter(idxbuf, [pos], i00, mask=mask14)
                plsc.store_scatter(idxbuf, [pos + NS], i00 + 1, mask=mask14)
                return c2

            lax.fori_loop(0, SY, build, 0, unroll=False)

            copies = [
                pltpu.async_copy(
                    table_hbm.at[idxbuf.at[pl.ds(off, sz)]],
                    rows.at[pl.ds(off, sz)],
                    sem,
                )
                for off, sz in CHUNKS
            ]

            for cp in copies:
                cp.wait()

            def accum(ph, c2):
                sy0 = 2 * ph
                syv = jnp.zeros((L,), jnp.int32) + sy0
                ayv = [_dyn_gather(ay0, syv), _dyn_gather(ay1, syv),
                       _dyn_gather(ay0, syv + 1), _dyn_gather(ay1, syv + 1)]
                bin0 = ph * PW
                for pw in range(PW):
                    sx0 = 2 * pw
                    bxv = [_splat(bx0, sx0), _splat(bx1, sx0),
                           _splat(bx0, sx0 + 1), _splat(bx1, sx0 + 1)]
                    ws = []
                    srs = []
                    for j in range(2):
                        for i in range(2):
                            s = (sy0 + j) * SX + sx0 + i
                            srs.append(s)
                            ws.append([ayv[2 * j] * bxv[2 * i],
                                       ayv[2 * j] * bxv[2 * i + 1],
                                       ayv[2 * j + 1] * bxv[2 * i],
                                       ayv[2 * j + 1] * bxv[2 * i + 1]])
                    for g in range(4):
                        c0 = g * L
                        ps = []
                        for s, w in zip(srs, ws):
                            ps.append(w[0] * rows[s, pl.ds(c0, L)])
                            ps.append(w[1] * rows[s + NS, pl.ds(c0, L)])
                            ps.append(w[2] * rows[s, pl.ds(c0 + C, L)])
                            ps.append(w[3] * rows[s + NS, pl.ds(c0 + C, L)])
                        while len(ps) > 1:
                            ps = [a + b for a, b in zip(ps[::2], ps[1::2])]
                        plsc.store_scatter(outt, [cgs[g] + (bin0 + pw)], ps[0])
                return c2

            lax.fori_loop(0, PH, accum, 0, unroll=False)

            roi = wid * RPW + r
            pltpu.sync_copy(outt, out_hbm.at[pl.ds(roi * OUTSZ, OUTSZ)])
            return carry

        lax.fori_loop(0, RPW, per_roi, 0, unroll=False)

    return k(table, rois_flat)


def kernel(features, rois):
    N, C, H, W = features.shape
    K = rois.shape[0]
    KPAD = 1024 if K <= 1024 else ((K + 255) // 256) * 256
    table = _make_table(features)
    rois_pad = jnp.zeros((KPAD, 8), jnp.float32).at[:K, :5].set(rois)
    out_flat = _roi_align_sc(table, rois_pad.reshape(-1),
                             N=N, C=C, H=H, W=W, KPAD=KPAD)
    out = out_flat.reshape(KPAD, C, OUT_SIZE, OUT_SIZE)
    return out[:K]

# --- scband reference (transcript-rebuilt; emitter-appended) ---
"""Pipeline reference for scband-ro-ialign-13692355740312 (READ-ONLY COPY).

The authoritative reference and input builder live on the scoring server;
editing this copy changes nothing except your own understanding.
"""

import jax, jax.numpy as jnp
import numpy as np

OUT_SIZE = 7
SPATIAL_SCALE = 0.25
SAMPLE_NUM = 2


def setup_inputs(seed: int = 0) -> dict:
    key = jax.random.key(seed)
    k1, k2, k3 = jax.random.split(key, 3)
    features = jax.random.normal(k1, (2, 64, 100, 100), dtype=jnp.float32)
    K = 1000
    bidx = jax.random.randint(k2, (K, 1), 0, 2).astype(jnp.float32)
    coords = jax.random.uniform(k3, (K, 4), dtype=jnp.float32, minval=0.0, maxval=400.0)
    x1 = jnp.minimum(coords[:, 0], coords[:, 2])
    x2 = jnp.maximum(coords[:, 0], coords[:, 2])
    y1 = jnp.minimum(coords[:, 1], coords[:, 3])
    y2 = jnp.maximum(coords[:, 1], coords[:, 3])
    rois = jnp.concatenate([bidx, x1[:, None], y1[:, None], x2[:, None], y2[:, None]], axis=1)
    return {"features": features, "rois": rois}


def _roi_align(features, rois):
    N, C, H, W = features.shape
    PH = PW = OUT_SIZE
    G = SAMPLE_NUM
    K = rois.shape[0]
    batch = rois[:, 0].astype(jnp.int32)
    sx1 = rois[:, 1] * SPATIAL_SCALE
    sy1 = rois[:, 2] * SPATIAL_SCALE
    sx2 = rois[:, 3] * SPATIAL_SCALE
    sy2 = rois[:, 4] * SPATIAL_SCALE
    roi_w = jnp.maximum(sx2 - sx1, 1.0)
    roi_h = jnp.maximum(sy2 - sy1, 1.0)
    bin_h = roi_h / PH
    bin_w = roi_w / PW
    frac = (jnp.arange(G, dtype=jnp.float32) + 0.5) / G
    ph = jnp.arange(PH, dtype=jnp.float32)
    pw = jnp.arange(PW, dtype=jnp.float32)
    ys = sy1[:, None, None] + (ph[None, :, None] + frac[None, None, :]) * bin_h[:, None, None]
    xs = sx1[:, None, None] + (pw[None, :, None] + frac[None, None, :]) * bin_w[:, None, None]
    SY = PH * G
    SX = PW * G
    Y = ys.reshape(K, SY)
    X = xs.reshape(K, SX)
    valid_y = (Y >= -1.0) & (Y <= float(H))
    valid_x = (X >= -1.0) & (X <= float(W))
    y = jnp.clip(Y, 0.0, float(H - 1))
    x = jnp.clip(X, 0.0, float(W - 1))
    y0i = jnp.floor(y).astype(jnp.int32)
    x0i = jnp.floor(x).astype(jnp.int32)
    y1i = jnp.minimum(y0i + 1, H - 1)
    x1i = jnp.minimum(x0i + 1, W - 1)
    ly = y - y0i.astype(jnp.float32)
    lx = x - x0i.astype(jnp.float32)
    hy = 1.0 - ly
    hx = 1.0 - lx

    def gather(yi, xi):
        return features[batch[:, None, None], :, yi[:, :, None], xi[:, None, :]]

    v00 = gather(y0i, x0i)
    v01 = gather(y0i, x1i)
    v10 = gather(y1i, x0i)
    v11 = gather(y1i, x1i)
    w00 = (hy[:, :, None] * hx[:, None, :])[..., None]
    w01 = (hy[:, :, None] * lx[:, None, :])[..., None]
    w10 = (ly[:, :, None] * hx[:, None, :])[..., None]
    w11 = (ly[:, :, None] * lx[:, None, :])[..., None]
    val = w00 * v00 + w01 * v01 + w10 * v10 + w11 * v11
    mask = (valid_y[:, :, None] & valid_x[:, None, :])[..., None]
    val = jnp.where(mask, val, 0.0)
    val = val.reshape(K, PH, G, PW, G, C).mean(axis=(2, 4))
    return jnp.transpose(val, (0, 3, 1, 2))


def reference(features, rois):
    return _roi_align(features, rois)

if __name__ == "__main__":
    import jax
    _d = setup_inputs()
    print(jax.jit(kernel)(*tuple(_d.values())))

</pallas_src>

<mosaic_0001>
#map = affine_map<(d0, d1) -> (0, 0)>
#map1 = affine_map<(d0, d1) -> (0)>
module attributes {stable_mosaic.version = 14 : i64} {
  func.func @k(%arg0: i32, %arg1: i32, %arg2: memref<20000x128xf32, #tpu.memory_space<hbm>>, %arg3: memref<8192xf32, #tpu.memory_space<hbm>>, %arg4: memref<3211264xf32, #tpu.memory_space<hbm>>, %arg5: memref<272xf32, #tpu.memory_space<vmem>>, %arg6: memref<392xi32, #tpu.memory_space<vmem>>, %arg7: memref<392x128xf32, #tpu.memory_space<vmem>>, %arg8: memref<3136xf32, #tpu.memory_space<vmem>>, %arg9: memref<!tpu.dma_semaphore, #tpu.memory_space<semaphore_mem>>) attributes {dimension_semantics = [#tpu.dimension_semantics<core_parallel>, #tpu.dimension_semantics<subcore_parallel>], iteration_bounds = array<i64: 2, 16>, scalar_prefetch = 0 : i64, scratch_operands = 5 : i64, tpu.core_type = #tpu.core_type<sc_vector_subcore>, window_params = [{transform_indices = #map}, {transform_indices = #map1}, {transform_indices = #map1}]} {
    %mul3A = arith.constant 2 : i32
    %mul3A_0 = arith.muli %arg1, %mul3A : i32
    %add3A = arith.addi %mul3A_0, %arg0 : i32
    %iota3A = tpu.iota {dimensions = array<i32: 0>} : vector<16xi32>
    %convert_element_type3A = arith.sitofp %iota3A : vector<16xi32> to vector<16xf32>
    %lt3A = arith.constant 14 : i32
    %lt3A_1 = vector.broadcast %lt3A : i32 to vector<16xi32>
    %lt3A_2 = arith.cmpi slt, %iota3A, %lt3A_1 : vector<16xi32>
    %broadcast_in_dim3A = arith.constant 0.000000e+00 : f32
    %broadcast_in_dim3A_3 = vector.broadcast %broadcast_in_dim3A : f32 to vector<16xf32>
    %shift_right_arithmetic3A = arith.constant 1 : i32
    %shift_right_arithmetic3A_4 = vector.broadcast %shift_right_arithmetic3A : i32 to vector<16xi32>
    %shift_right_arithmetic3A_5 = arith.shrsi %iota3A, %shift_right_arithmetic3A_4 : vector<16xi32>
    %convert_element_type3A_6 = arith.sitofp %shift_right_arithmetic3A_5 : vector<16xi32> to vector<16xf32>
    %and3A = arith.constant 1 : i32
    %and3A_7 = vector.broadcast %and3A : i32 to vector<16xi32>
    %and3A_8 = arith.andi %iota3A, %and3A_7 : vector<16xi32>
    %convert_element_type3A_9 = arith.sitofp %and3A_8 : vector<16xi32> to vector<16xf32>
    %mul3A_10 = arith.constant 5.000000e-01 : f32
    %mul3A_11 = vector.broadcast %mul3A_10 : f32 to vector<16xf32>
    %mul3A_12 = arith.mulf %convert_element_type3A_9, %mul3A_11 : vector<16xf32>
    %add3A_13 = arith.addf %convert_element_type3A_6, %mul3A_12 : vector<16xf32>
    %add3A_14 = arith.constant 2.500000e-01 : f32
    %add3A_15 = vector.broadcast %add3A_14 : f32 to vector<16xf32>
    %add3A_16 = arith.addf %add3A_13, %add3A_15 : vector<16xf32>
    %mul3A_17 = arith.constant 49 : i32
    %mul3A_18 = vector.broadcast %mul3A_17 : i32 to vector<16xi32>
    %mul3A_19 = arith.muli %iota3A, %mul3A_18 : vector<16xi32>
    %add3A_20 = arith.constant 0 : i32
    %add3A_21 = vector.broadcast %add3A_20 : i32 to vector<16xi32>
    %add3A_22 = arith.addi %mul3A_19, %add3A_21 : vector<16xi32>
    %mul3A_23 = arith.constant 49 : i32
    %mul3A_24 = vector.broadcast %mul3A_23 : i32 to vector<16xi32>
    %mul3A_25 = arith.muli %iota3A, %mul3A_24 : vector<16xi32>
    %add3A_26 = arith.constant 784 : i32
    %add3A_27 = vector.broadcast %add3A_26 : i32 to vector<16xi32>
    %add3A_28 = arith.addi %mul3A_25, %add3A_27 : vector<16xi32>
    %mul3A_29 = arith.constant 49 : i32
    %mul3A_30 = vector.broadcast %mul3A_29 : i32 to vector<16xi32>
    %mul3A_31 = arith.muli %iota3A, %mul3A_30 : vector<16xi32>
    %add3A_32 = arith.constant 1568 : i32
    %add3A_33 = vector.broadcast %add3A_32 : i32 to vector<16xi32>
    %add3A_34 = arith.addi %mul3A_31, %add3A_33 : vector<16xi32>
    %mul3A_35 = arith.constant 49 : i32
    %mul3A_36 = vector.broadcast %mul3A_35 : i32 to vector<16xi32>
    %mul3A_37 = arith.muli %iota3A, %mul3A_36 : vector<16xi32>
    %add3A_38 = arith.constant 2352 : i32
    %add3A_39 = vector.broadcast %add3A_38 : i32 to vector<16xi32>
    %add3A_40 = arith.addi %mul3A_37, %add3A_39 : vector<16xi32>
    %mul3A_41 = arith.constant 32 : i32
    %mul3A_42 = arith.muli %add3A, %mul3A_41 : i32
    %mul3A_43 = arith.constant 8 : i32
    %mul3A_44 = arith.muli %mul3A_42, %mul3A_43 : i32
    "tpu.region"() ({
      %run_scoped3A = tpu.sem_alloc : memref<!tpu.dma_semaphore, #tpu.memory_space<semaphore_mem>>
      %dma_start3A = arith.constant 0 : i32
      %dma_start3A_50 = tpu.memref_slice %arg5[%dma_start3A] : memref<272xf32, #tpu.memory_space<vmem>> -> memref<256xf32, #tpu.memory_space<vmem>>
      %dma_start3A_51 = tpu.memref_slice %arg3[%mul3A_44] : memref<8192xf32, #tpu.memory_space<hbm>> -> memref<256xf32, #tpu.memory_space<hbm>>
      %dma_start3A_52 = arith.constant 0 : i32
      %dma_start3A_53 = tpu.memref_slice %arg5[%dma_start3A_52] : memref<272xf32, #tpu.memory_space<vmem>> -> memref<256xf32, #tpu.memory_space<vmem>>
      %dma_start3A_54 = tpu.memref_slice %arg3[%mul3A_44] : memref<8192xf32, #tpu.memory_space<hbm>> -> memref<256xf32, #tpu.memory_space<hbm>>
      tpu.enqueue_dma source(%dma_start3A_54 : memref<256xf32, #tpu.memory_space<hbm>>) target(%dma_start3A_53 : memref<256xf32, #tpu.memory_space<vmem>>) target_semaphore(%run_scoped3A : memref<!tpu.dma_semaphore, #tpu.memory_space<semaphore_mem>>)
      %dma_wait3A = arith.constant 0 : i32
      %dma_wait3A_55 = tpu.memref_slice %arg5[%dma_wait3A] : memref<272xf32, #tpu.memory_space<vmem>> -> memref<256xf32, #tpu.memory_space<vmem>>
      %dma_wait3A_56 = tpu.memref_slice %arg3[%mul3A_44] : memref<8192xf32, #tpu.memory_space<hbm>> -> memref<256xf32, #tpu.memory_space<hbm>>
      %dma_wait3A_57 = arith.constant 0 : i32
      %dma_wait3A_58 = tpu.memref_slice %arg5[%dma_wait3A_57] : memref<272xf32, #tpu.memory_space<vmem>> -> memref<256xf32, #tpu.memory_space<vmem>>
      %dma_wait3A_59 = tpu.memref_slice %arg3[%mul3A_44] : memref<8192xf32, #tpu.memory_space<hbm>> -> memref<256xf32, #tpu.memory_space<hbm>>
      tpu.wait_dma2 semaphore(%run_scoped3A : memref<!tpu.dma_semaphore, #tpu.memory_space<semaphore_mem>>) src(%dma_wait3A_59 : memref<256xf32, #tpu.memory_space<hbm>>) dst(%dma_wait3A_58 : memref<256xf32, #tpu.memory_space<vmem>>)
      tpu.yield
    }) : () -> ()
    %scan3A = arith.constant 0 : i32
    %scan3A_45 = arith.constant 0 : i32
    %scan3A_46 = arith.constant 32 : i32
    %scan3A_47 = arith.addi %scan3A_45, %scan3A_46 : i32
    %scan3A_48 = arith.constant 1 : i32
    scf.for %scan3A_50 = %scan3A_45 to %scan3A_47 step %scan3A_48  : i32 {
      %mul3A_51 = arith.constant 8 : i32
      %mul3A_52 = arith.muli %scan3A_50, %mul3A_51 : i32
      %get3A = arith.index_cast %mul3A_52 : i32 to index
      %get3A_53 = tpu.vector_load %arg5[%get3A] {strides = array<i32>} : memref<272xf32, #tpu.memory_space<vmem>>, vector<16xf32>,
      %broadcast_in_dim3A_54 = arith.constant 0 : i32
      %broadcast_in_dim3A_55 = vector.broadcast %broadcast_in_dim3A_54 : i32 to vector<16xi32>
      %add3A_56 = arith.constant 0 : i32
      %add3A_57 = vector.broadcast %add3A_56 : i32 to vector<16xi32>
      %add3A_58 = arith.addi %broadcast_in_dim3A_55, %add3A_57 : vector<16xi32>
      %broadcast_in_dim3A_59 = vector.shape_cast %add3A_58 : vector<16xi32> to vector<16x1xi32>
      %gather3A = vector.shape_cast %broadcast_in_dim3A_59 : vector<16x1xi32> to vector<16xi32>
      %gather3A_60 = tpu.dynamic_gather %get3A_53[%gather3A] in [0] : vector<16xf32>, vector<16xi32> -> vector<16xf32>
      %broadcast_in_dim3A_61 = arith.constant 0 : i32
      %broadcast_in_dim3A_62 = vector.broadcast %broadcast_in_dim3A_61 : i32 to vector<16xi32>
      %add3A_63 = arith.constant 1 : i32
      %add3A_64 = vector.broadcast %add3A_63 : i32 to vector<16xi32>
      %add3A_65 = arith.addi %broadcast_in_dim3A_62, %add3A_64 : vector<16xi32>
      %broadcast_in_dim3A_66 = vector.shape_cast %add3A_65 : vector<16xi32> to vector<16x1xi32>
      %gather3A_67 = vector.shape_cast %broadcast_in_dim3A_66 : vector<16x1xi32> to vector<16xi32>
      %gather3A_68 = tpu.dynamic_gather %get3A_53[%gather3A_67] in [0] : vector<16xf32>, vector<16xi32> -> vector<16xf32>
      %mul3A_69 = arith.constant 2.500000e-01 : f32
      %mul3A_70 = vector.broadcast %mul3A_69 : f32 to vector<16xf32>
      %mul3A_71 = arith.mulf %gather3A_68, %mul3A_70 : vector<16xf32>
      %broadcast_in_dim3A_72 = arith.constant 0 : i32
      %broadcast_in_dim3A_73 = vector.broadcast %broadcast_in_dim3A_72 : i32 to vector<16xi32>
      %add3A_74 = arith.constant 2 : i32
      %add3A_75 = vector.broadcast %add3A_74 : i32 to vector<16xi32>
      %add3A_76 = arith.addi %broadcast_in_dim3A_73, %add3A_75 : vector<16xi32>
      %broadcast_in_dim3A_77 = vector.shape_cast %add3A_76 : vector<16xi32> to vector<16x1xi32>
      %gather3A_78 = vector.shape_cast %broadcast_in_dim3A_77 : vector<16x1xi32> to vector<16xi32>
      %gather3A_79 = tpu.dynamic_gather %get3A_53[%gather3A_78] in [0] : vector<16xf32>, vector<16xi32> -> vector<16xf32>
      %mul3A_80 = arith.constant 2.500000e-01 : f32
      %mul3A_81 = vector.broadcast %mul3A_80 : f32 to vector<16xf32>
      %mul3A_82 = arith.mulf %gather3A_79, %mul3A_81 : vector<16xf32>
      %broadcast_in_dim3A_83 = arith.constant 0 : i32
      %broadcast_in_dim3A_84 = vector.broadcast %broadcast_in_dim3A_83 : i32 to vector<16xi32>
      %add3A_85 = arith.constant 3 : i32
      %add3A_86 = vector.broadcast %add3A_85 : i32 to vector<16xi32>
      %add3A_87 = arith.addi %broadcast_in_dim3A_84, %add3A_86 : vector<16xi32>
      %broadcast_in_dim3A_88 = vector.shape_cast %add3A_87 : vector<16xi32> to vector<16x1xi32>
      %gather3A_89 = vector.shape_cast %broadcast_in_dim3A_88 : vector<16x1xi32> to vector<16xi32>
      %gather3A_90 = tpu.dynamic_gather %get3A_53[%gather3A_89] in [0] : vector<16xf32>, vector<16xi32> -> vector<16xf32>
      %mul3A_91 = arith.constant 2.500000e-01 : f32
      %mul3A_92 = vector.broadcast %mul3A_91 : f32 to vector<16xf32>
      %mul3A_93 = arith.mulf %gather3A_90, %mul3A_92 : vector<16xf32>
      %broadcast_in_dim3A_94 = arith.constant 0 : i32
      %broadcast_in_dim3A_95 = vector.broadcast %broadcast_in_dim3A_94 : i32 to vector<16xi32>
      %add3A_96 = arith.constant 4 : i32
      %add3A_97 = vector.broadcast %add3A_96 : i32 to vector<16xi32>
      %add3A_98 = arith.addi %broadcast_in_dim3A_95, %add3A_97 : vector<16xi32>
      %broadcast_in_dim3A_99 = vector.shape_cast %add3A_98 : vector<16xi32> to vector<16x1xi32>
      %gather3A_100 = vector.shape_cast %broadcast_in_dim3A_99 : vector<16x1xi32> to vector<16xi32>
      %gather3A_101 = tpu.dynamic_gather %get3A_53[%gather3A_100] in [0] : vector<16xf32>, vector<16xi32> -> vector<16xf32>
      %mul3A_102 = arith.constant 2.500000e-01 : f32
      %mul3A_103 = vector.broadcast %mul3A_102 : f32 to vector<16xf32>
      %mul3A_104 = arith.mulf %gather3A_101, %mul3A_103 : vector<16xf32>
      %sub3A = arith.subf %mul3A_93, %mul3A_71 : vector<16xf32>
      %max3A = arith.constant 1.000000e+00 : f32
      %max3A_105 = vector.broadcast %max3A : f32 to vector<16xf32>
      %max3A_106 = arith.maximumf %sub3A, %max3A_105 : vector<16xf32>
      %sub3A_107 = arith.subf %mul3A_104, %mul3A_82 : vector<16xf32>
      %max3A_108 = arith.constant 1.000000e+00 : f32
      %max3A_109 = vector.broadcast %max3A_108 : f32 to vector<16xf32>
      %max3A_110 = arith.maximumf %sub3A_107, %max3A_109 : vector<16xf32>
      %div3A = arith.constant 7.000000e+00 : f32
      %div3A_111 = vector.broadcast %div3A : f32 to vector<16xf32>
      %div3A_112 = arith.divf %max3A_106, %div3A_111 : vector<16xf32>
      %div3A_113 = arith.constant 7.000000e+00 : f32
      %div3A_114 = vector.broadcast %div3A_113 : f32 to vector<16xf32>
      %div3A_115 = arith.divf %max3A_110, %div3A_114 : vector<16xf32>
      %mul3A_116 = arith.mulf %add3A_16, %div3A_115 : vector<16xf32>
      %add3A_117 = arith.addf %mul3A_82, %mul3A_116 : vector<16xf32>
      %mul3A_118 = arith.mulf %add3A_16, %div3A_112 : vector<16xf32>
      %add3A_119 = arith.addf %mul3A_71, %mul3A_118 : vector<16xf32>
      %ge3A = arith.constant -1.000000e+00 : f32
      %ge3A_120 = vector.broadcast %ge3A : f32 to vector<16xf32>
      %ge3A_121 = arith.cmpf oge, %add3A_117, %ge3A_120 : vector<16xf32>
      %le3A = arith.constant 1.000000e+02 : f32
      %le3A_122 = vector.broadcast %le3A : f32 to vector<16xf32>
      %le3A_123 = arith.cmpf ole, %add3A_117, %le3A_122 : vector<16xf32>
      %and3A_124 = arith.andi %ge3A_121, %le3A_123 : vector<16xi1>
      %jit3A = arith.constant 5.000000e-01 : f32
      %jit3A_125 = arith.constant 0.000000e+00 : f32
      %broadcast_in_dim3A_126 = vector.broadcast %jit3A : f32 to vector<16xf32>
      %broadcast_in_dim3A_127 = vector.broadcast %jit3A_125 : f32 to vector<16xf32>
      %select_n3A = arith.select %and3A_124, %broadcast_in_dim3A_126, %broadcast_in_dim3A_127 : vector<16xi1>, vector<16xf32>
      %ge3A_128 = arith.constant -1.000000e+00 : f32
      %ge3A_129 = vector.broadcast %ge3A_128 : f32 to vector<16xf32>
      %ge3A_130 = arith.cmpf oge, %add3A_119, %ge3A_129 : vector<16xf32>
      %le3A_131 = arith.constant 1.000000e+02 : f32
      %le3A_132 = vector.broadcast %le3A_131 : f32 to vector<16xf32>
      %le3A_133 = arith.cmpf ole, %add3A_119, %le3A_132 : vector<16xf32>
      %and3A_134 = arith.andi %ge3A_130, %le3A_133 : vector<16xi1>
      %jit3A_135 = arith.constant 5.000000e-01 : f32
      %jit3A_136 = arith.constant 0.000000e+00 : f32
      %broadcast_in_dim3A_137 = vector.broadcast %jit3A_135 : f32 to vector<16xf32>
      %broadcast_in_dim3A_138 = vector.broadcast %jit3A_136 : f32 to vector<16xf32>
      %select_n3A_139 = arith.select %and3A_134, %broadcast_in_dim3A_137, %broadcast_in_dim3A_138 : vector<16xi1>, vector<16xf32>
      %jit3A_140 = arith.constant 0.000000e+00 : f32
      %jit3A_141 = arith.constant 9.900000e+01 : f32
      %max3A_142 = vector.broadcast %jit3A_140 : f32 to vector<16xf32>
      %max3A_143 = arith.maximumf %max3A_142, %add3A_117 : vector<16xf32>
      %min3A = vector.broadcast %jit3A_141 : f32 to vector<16xf32>
      %min3A_144 = arith.minimumf %min3A, %max3A_143 : vector<16xf32>
      %jit3A_145 = arith.constant 0.000000e+00 : f32
      %jit3A_146 = arith.constant 9.900000e+01 : f32
      %max3A_147 = vector.broadcast %jit3A_145 : f32 to vector<16xf32>
      %max3A_148 = arith.maximumf %max3A_147, %add3A_119 : vector<16xf32>
      %min3A_149 = vector.broadcast %jit3A_146 : f32 to vector<16xf32>
      %min3A_150 = arith.minimumf %min3A_149, %max3A_148 : vector<16xf32>
      %convert_element_type3A_151 = arith.fptosi %min3A_144 : vector<16xf32> to vector<16xi32>
      %min3A_152 = arith.constant 98 : i32
      %min3A_153 = vector.broadcast %min3A_152 : i32 to vector<16xi32>
      %min3A_154 = arith.minsi %convert_element_type3A_151, %min3A_153 : vector<16xi32>
      %convert_element_type3A_155 = arith.fptosi %min3A_150 : vector<16xf32> to vector<16xi32>
      %min3A_156 = arith.constant 98 : i32
      %min3A_157 = vector.broadcast %min3A_156 : i32 to vector<16xi32>
      %min3A_158 = arith.minsi %convert_element_type3A_155, %min3A_157 : vector<16xi32>
      %convert_element_type3A_159 = arith.sitofp %min3A_154 : vector<16xi32> to vector<16xf32>
      %sub3A_160 = arith.subf %min3A_144, %convert_element_type3A_159 : vector<16xf32>
      %convert_element_type3A_161 = arith.sitofp %min3A_158 : vector<16xi32> to vector<16xf32>
      %sub3A_162 = arith.subf %min3A_150, %convert_element_type3A_161 : vector<16xf32>
      %sub3A_163 = arith.constant 1.000000e+00 : f32
      %sub3A_164 = vector.broadcast %sub3A_163 : f32 to vector<16xf32>
      %sub3A_165 = arith.subf %sub3A_164, %sub3A_160 : vector<16xf32>
      %mul3A_166 = arith.mulf %sub3A_165, %select_n3A : vector<16xf32>
      %mul3A_167 = arith.mulf %sub3A_160, %select_n3A : vector<16xf32>
      %sub3A_168 = arith.constant 1.000000e+00 : f32
      %sub3A_169 = vector.broadcast %sub3A_168 : f32 to vector<16xf32>
      %sub3A_170 = arith.subf %sub3A_169, %sub3A_162 : vector<16xf32>
      %mul3A_171 = arith.mulf %sub3A_170, %select_n3A_139 : vector<16xf32>
      %mul3A_172 = arith.mulf %sub3A_162, %select_n3A_139 : vector<16xf32>
      %mul3A_173 = arith.constant 1.000000e+04 : f32
      %mul3A_174 = vector.broadcast %mul3A_173 : f32 to vector<16xf32>
      %mul3A_175 = arith.mulf %gather3A_60, %mul3A_174 : vector<16xf32>
      %convert_element_type3A_176 = arith.sitofp %min3A_154 : vector<16xi32> to vector<16xf32>
      %mul3A_177 = arith.constant 1.000000e+02 : f32
      %mul3A_178 = vector.broadcast %mul3A_177 : f32 to vector<16xf32>
      %mul3A_179 = arith.mulf %convert_element_type3A_176, %mul3A_178 : vector<16xf32>
      %add3A_180 = arith.addf %mul3A_175, %mul3A_179 : vector<16xf32>
      %scan3A_181 = arith.constant 0 : i32
      %scan3A_182 = arith.constant 0 : i32
      %scan3A_183 = arith.constant 14 : i32
      %scan3A_184 = arith.addi %scan3A_182, %scan3A_183 : i32
      %scan3A_185 = arith.constant 1 : i32
      scf.for %scan3A_260 = %scan3A_182 to %scan3A_184 step %scan3A_185  : i32 {
        %broadcast_in_dim3A_261 = arith.constant 0 : i32
        %broadcast_in_dim3A_262 = vector.broadcast %broadcast_in_dim3A_261 : i32 to vector<16xi32>
        %add3A_263 = vector.broadcast %scan3A_260 : i32 to vector<16xi32>
        %add3A_264 = arith.addi %broadcast_in_dim3A_262, %add3A_263 : vector<16xi32>
        %broadcast_in_dim3A_265 = vector.shape_cast %add3A_264 : vector<16xi32> to vector<16x1xi32>
        %gather3A_266 = vector.shape_cast %broadcast_in_dim3A_265 : vector<16x1xi32> to vector<16xi32>
        %gather3A_267 = tpu.dynamic_gather %add3A_180[%gather3A_266] in [0] : vector<16xf32>, vector<16xi32> -> vector<16xf32>
        %convert_element_type3A_268 = arith.fptosi %gather3A_267 : vector<16xf32> to vector<16xi32>
        %add3A_269 = arith.addi %convert_element_type3A_268, %min3A_158 : vector<16xi32>
        %mul3A_270 = arith.constant 14 : i32
        %mul3A_271 = arith.muli %scan3A_260, %mul3A_270 : i32
        %add3A_272 = vector.broadcast %mul3A_271 : i32 to vector<16xi32>
        %add3A_273 = arith.addi %iota3A, %add3A_272 : vector<16xi32>
        tpu.vector_store_idx %arg6[%add3A_273], %add3A_269 masked %lt3A_2 : memref<392xi32, #tpu.memory_space<vmem>>[vector<16xi32>], vector<16xi32>, vector<16xi1>
        %add3A_274 = arith.constant 196 : i32
        %add3A_275 = vector.broadcast %add3A_274 : i32 to vector<16xi32>
        %add3A_276 = arith.addi %add3A_273, %add3A_275 : vector<16xi32>
        %add3A_277 = arith.constant 1 : i32
        %add3A_278 = vector.broadcast %add3A_277 : i32 to vector<16xi32>
        %add3A_279 = arith.addi %add3A_269, %add3A_278 : vector<16xi32>
        tpu.vector_store_idx %arg6[%add3A_276], %add3A_279 masked %lt3A_2 : memref<392xi32, #tpu.memory_space<vmem>>[vector<16xi32>], vector<16xi32>, vector<16xi1>
      }
      %scan3A_186 = arith.constant 14 : i32
      %dma_start3A = arith.constant 0 : i32
      %dma_start3A_187 = arith.constant 0 : i32
      %dma_start3A_188 = tpu.memref_slice %arg7[%dma_start3A, %dma_start3A_187] : memref<392x128xf32, #tpu.memory_space<vmem>> -> memref<112x128xf32, #tpu.memory_space<vmem>>
      %dma_start3A_189 = arith.constant 0 : i32
      %dma_start3A_190 = tpu.memref_slice %arg6[%dma_start3A_189] : memref<392xi32, #tpu.memory_space<vmem>> -> memref<112xi32, #tpu.memory_space<vmem>>
      %dma_start3A_191 = arith.constant 0 : i32
      %dma_start3A_192 = arith.constant 0 : i32
      %dma_start3A_193 = tpu.memref_slice %arg2[%dma_start3A_191, %dma_start3A_192] : memref<20000x128xf32, #tpu.memory_space<hbm>> -> memref<20000x128xf32, #tpu.memory_space<hbm>>
      tpu.enqueue_indirect_dma source(%dma_start3A_193 : memref<20000x128xf32, #tpu.memory_space<hbm>>) target(%dma_start3A_188 : memref<112x128xf32, #tpu.memory_space<vmem>>) offsets(%dma_start3A_190 : memref<112xi32, #tpu.memory_space<vmem>>) semaphore(%arg9 : memref<!tpu.dma_semaphore, #tpu.memory_space<semaphore_mem>>)
      %dma_start3A_194 = arith.constant 112 : i32
      %dma_start3A_195 = arith.constant 0 : i32
      %dma_start3A_196 = tpu.memref_slice %arg7[%dma_start3A_194, %dma_start3A_195] : memref<392x128xf32, #tpu.memory_space<vmem>> -> memref<112x128xf32, #tpu.memory_space<vmem>>
      %dma_start3A_197 = arith.constant 112 : i32
      %dma_start3A_198 = tpu.memref_slice %arg6[%dma_start3A_197] : memref<392xi32, #tpu.memory_space<vmem>> -> memref<112xi32, #tpu.memory_space<vmem>>
      %dma_start3A_199 = arith.constant 0 : i32
      %dma_start3A_200 = arith.constant 0 : i32
      %dma_start3A_201 = tpu.memref_slice %arg2[%dma_start3A_199, %dma_start3A_200] : memref<20000x128xf32, #tpu.memory_space<hbm>> -> memref<20000x128xf32, #tpu.memory_space<hbm>>
      tpu.enqueue_indirect_dma source(%dma_start3A_201 : memref<20000x128xf32, #tpu.memory_space<hbm>>) target(%dma_start3A_196 : memref<112x128xf32, #tpu.memory_space<vmem>>) offsets(%dma_start3A_198 : memref<112xi32, #tpu.memory_space<vmem>>) semaphore(%arg9 : memref<!tpu.dma_semaphore, #tpu.memory_space<semaphore_mem>>)
      %dma_start3A_202 = arith.constant 224 : i32
      %dma_start3A_203 = arith.constant 0 : i32
      %dma_start3A_204 = tpu.memref_slice %arg7[%dma_start3A_202, %dma_start3A_203] : memref<392x128xf32, #tpu.memory_space<vmem>> -> memref<112x128xf32, #tpu.memory_space<vmem>>
      %dma_start3A_205 = arith.constant 224 : i32
      %dma_start3A_206 = tpu.memref_slice %arg6[%dma_start3A_205] : memref<392xi32, #tpu.memory_space<vmem>> -> memref<112xi32, #tpu.memory_space<vmem>>
      %dma_start3A_207 = arith.constant 0 : i32
      %dma_start3A_208 = arith.constant 0 : i32
      %dma_start3A_209 = tpu.memref_slice %arg2[%dma_start3A_207, %dma_start3A_208] : memref<20000x128xf32, #tpu.memory_space<hbm>> -> memref<20000x128xf32, #tpu.memory_space<hbm>>
      tpu.enqueue_indirect_dma source(%dma_start3A_209 : memref<20000x128xf32, #tpu.memory_space<hbm>>) target(%dma_start3A_204 : memref<112x128xf32, #tpu.memory_space<vmem>>) offsets(%dma_start3A_206 : memref<112xi32, #tpu.memory_space<vmem>>) semaphore(%arg9 : memref<!tpu.dma_semaphore, #tpu.memory_space<semaphore_mem>>)
      %dma_start3A_210 = arith.constant 336 : i32
      %dma_start3A_211 = arith.constant 0 : i32
      %dma_start3A_212 = tpu.memref_slice %arg7[%dma_start3A_210, %dma_start3A_211] : memref<392x128xf32, #tpu.memory_space<vmem>> -> memref<56x128xf32, #tpu.memory_space<vmem>>
      %dma_start3A_213 = arith.constant 336 : i32
      %dma_start3A_214 = tpu.memref_slice %arg6[%dma_start3A_213] : memref<392xi32, #tpu.memory_space<vmem>> -> memref<56xi32, #tpu.memory_space<vmem>>
      %dma_start3A_215 = arith.constant 0 : i32
      %dma_start3A_216 = arith.constant 0 : i32
      %dma_start3A_217 = tpu.memref_slice %arg2[%dma_start3A_215, %dma_start3A_216] : memref<20000x128xf32, #tpu.memory_space<hbm>> -> memref<20000x128xf32, #tpu.memory_space<hbm>>
      tpu.enqueue_indirect_dma source(%dma_start3A_217 : memref<20000x128xf32, #tpu.memory_space<hbm>>) target(%dma_start3A_212 : memref<56x128xf32, #tpu.memory_space<vmem>>) offsets(%dma_start3A_214 : memref<56xi32, #tpu.memory_space<vmem>>) semaphore(%arg9 : memref<!tpu.dma_semaphore, #tpu.memory_space<semaphore_mem>>)
      %dma_wait3A = arith.constant 0 : i32
      %dma_wait3A_218 = arith.constant 0 : i32
      %dma_wait3A_219 = tpu.memref_slice %arg7[%dma_wait3A, %dma_wait3A_218] : memref<392x128xf32, #tpu.memory_space<vmem>> -> memref<112x128xf32, #tpu.memory_space<vmem>>
      %dma_wait3A_220 = arith.constant 0 : i32
      %dma_wait3A_221 = tpu.memref_slice %arg6[%dma_wait3A_220] : memref<392xi32, #tpu.memory_space<vmem>> -> memref<112xi32, #tpu.memory_space<vmem>>
      %dma_wait3A_222 = arith.constant 0 : i32
      %dma_wait3A_223 = arith.constant 0 : i32
      %dma_wait3A_224 = tpu.memref_slice %arg2[%dma_wait3A_222, %dma_wait3A_223] : memref<20000x128xf32, #tpu.memory_space<hbm>> -> memref<20000x128xf32, #tpu.memory_space<hbm>>
      tpu.wait_indirect_dma semaphore(%arg9 : memref<!tpu.dma_semaphore, #tpu.memory_space<semaphore_mem>>) src(%dma_wait3A_224 : memref<20000x128xf32, #tpu.memory_space<hbm>>) dst(%dma_wait3A_219 : memref<112x128xf32, #tpu.memory_space<vmem>>)
      %dma_wait3A_225 = arith.constant 112 : i32
      %dma_wait3A_226 = arith.constant 0 : i32
      %dma_wait3A_227 = tpu.memref_slice %arg7[%dma_wait3A_225, %dma_wait3A_226] : memref<392x128xf32, #tpu.memory_space<vmem>> -> memref<112x128xf32, #tpu.memory_space<vmem>>
      %dma_wait3A_228 = arith.constant 112 : i32
      %dma_wait3A_229 = tpu.memref_slice %arg6[%dma_wait3A_228] : memref<392xi32, #tpu.memory_space<vmem>> -> memref<112xi32, #tpu.memory_space<vmem>>
      %dma_wait3A_230 = arith.constant 0 : i32
      %dma_wait3A_231 = arith.constant 0 : i32
      %dma_wait3A_232 = tpu.memref_slice %arg2[%dma_wait3A_230, %dma_wait3A_231] : memref<20000x128xf32, #tpu.memory_space<hbm>> -> memref<20000x128xf32, #tpu.memory_space<hbm>>
      tpu.wait_indirect_dma semaphore(%arg9 : memref<!tpu.dma_semaphore, #tpu.memory_space<semaphore_mem>>) src(%dma_wait3A_232 : memref<20000x128xf32, #tpu.memory_space<hbm>>) dst(%dma_wait3A_227 : memref<112x128xf32, #tpu.memory_space<vmem>>)
      %dma_wait3A_233 = arith.constant 224 : i32
      %dma_wait3A_234 = arith.constant 0 : i32
      %dma_wait3A_235 = tpu.memref_slice %arg7[%dma_wait3A_233, %dma_wait3A_234] : memref<392x128xf32, #tpu.memory_space<vmem>> -> memref<112x128xf32, #tpu.memory_space<vmem>>
      %dma_wait3A_236 = arith.constant 224 : i32
      %dma_wait3A_237 = tpu.memref_slice %arg6[%dma_wait3A_236] : memref<392xi32, #tpu.memory_space<vmem>> -> memref<112xi32, #tpu.memory_space<vmem>>
      %dma_wait3A_238 = arith.constant 0 : i32
      %dma_wait3A_239 = arith.constant 0 : i32
      %dma_wait3A_240 = tpu.memref_slice %arg2[%dma_wait3A_238, %dma_wait3A_239] : memref<20000x128xf32, #tpu.memory_space<hbm>> -> memref<20000x128xf32, #tpu.memory_space<hbm>>
      tpu.wait_indirect_dma semaphore(%arg9 : memref<!tpu.dma_semaphore, #tpu.memory_space<semaphore_mem>>) src(%dma_wait3A_240 : memref<20000x128xf32, #tpu.memory_space<hbm>>) dst(%dma_wait3A_235 : memref<112x128xf32, #tpu.memory_space<vmem>>)
      %dma_wait3A_241 = arith.constant 336 : i32
      %dma_wait3A_242 = arith.constant 0 : i32
      %dma_wait3A_243 = tpu.memref_slice %arg7[%dma_wait3A_241, %dma_wait3A_242] : memref<392x128xf32, #tpu.memory_space<vmem>> -> memref<56x128xf32, #tpu.memory_space<vmem>>
      %dma_wait3A_244 = arith.constant 336 : i32
      %dma_wait3A_245 = tpu.memref_slice %arg6[%dma_wait3A_244] : memref<392xi32, #tpu.memory_space<vmem>> -> memref<56xi32, #tpu.memory_space<vmem>>
      %dma_wait3A_246 = arith.constant 0 : i32
      %dma_wait3A_247 = arith.constant 0 : i32
      %dma_wait3A_248 = tpu.memref_slice %arg2[%dma_wait3A_246, %dma_wait3A_247] : memref<20000x128xf32, #tpu.memory_space<hbm>> -> memref<20000x128xf32, #tpu.memory_space<hbm>>
      tpu.wait_indirect_dma semaphore(%arg9 : memref<!tpu.dma_semaphore, #tpu.memory_space<semaphore_mem>>) src(%dma_wait3A_248 : memref<20000x128xf32, #tpu.memory_space<hbm>>) dst(%dma_wait3A_243 : memref<56x128xf32, #tpu.memory_space<vmem>>)
      %scan3A_249 = arith.constant 0 : i32
      %scan3A_250 = arith.constant 0 : i32
      %scan3A_251 = arith.constant 7 : i32
      %scan3A_252 = arith.addi %scan3A_250, %scan3A_251 : i32
      %scan3A_253 = arith.constant 1 : i32
      scf.for %scan3A_260 = %scan3A_250 to %scan3A_252 step %scan3A_253  : i32 {
        %mul3A_261 = arith.constant 2 : i32
        %mul3A_262 = arith.muli %mul3A_261, %scan3A_260 : i32
        %broadcast_in_dim3A_263 = arith.constant 0 : i32
        %broadcast_in_dim3A_264 = vector.broadcast %broadcast_in_dim3A_263 : i32 to vector<16xi32>
        %add3A_265 = vector.broadcast %mul3A_262 : i32 to vector<16xi32>
        %add3A_266 = arith.addi %broadcast_in_dim3A_264, %add3A_265 : vector<16xi32>
        %broadcast_in_dim3A_267 = vector.shape_cast %add3A_266 : vector<16xi32> to vector<16x1xi32>
        %gather3A_268 = vector.shape_cast %broadcast_in_dim3A_267 : vector<16x1xi32> to vector<16xi32>
        %gather3A_269 = tpu.dynamic_gather %mul3A_166[%gather3A_268] in [0] : vector<16xf32>, vector<16xi32> -> vector<16xf32>
        %broadcast_in_dim3A_270 = vector.shape_cast %add3A_266 : vector<16xi32> to vector<16x1xi32>
        %gather3A_271 = vector.shape_cast %broadcast_in_dim3A_270 : vector<16x1xi32> to vector<16xi32>
        %gather3A_272 = tpu.dynamic_gather %mul3A_167[%gather3A_271] in [0] : vector<16xf32>, vector<16xi32> -> vector<16xf32>
        %add3A_273 = arith.constant 1 : i32
        %add3A_274 = vector.broadcast %add3A_273 : i32 to vector<16xi32>
        %add3A_275 = arith.addi %add3A_266, %add3A_274 : vector<16xi32>
        %broadcast_in_dim3A_276 = vector.shape_cast %add3A_275 : vector<16xi32> to vector<16x1xi32>
        %gather3A_277 = vector.shape_cast %broadcast_in_dim3A_276 : vector<16x1xi32> to vector<16xi32>
        %gather3A_278 = tpu.dynamic_gather %mul3A_166[%gather3A_277] in [0] : vector<16xf32>, vector<16xi32> -> vector<16xf32>
        %add3A_279 = arith.constant 1 : i32
        %add3A_280 = vector.broadcast %add3A_279 : i32 to vector<16xi32>
        %add3A_281 = arith.addi %add3A_266, %add3A_280 : vector<16xi32>
        %broadcast_in_dim3A_282 = vector.shape_cast %add3A_281 : vector<16xi32> to vector<16x1xi32>
        %gather3A_283 = vector.shape_cast %broadcast_in_dim3A_282 : vector<16x1xi32> to vector<16xi32>
        %gather3A_284 = tpu.dynamic_gather %mul3A_167[%gather3A_283] in [0] : vector<16xf32>, vector<16xi32> -> vector<16xf32>
        %mul3A_285 = arith.constant 7 : i32
        %mul3A_286 = arith.muli %scan3A_260, %mul3A_285 : i32
        %broadcast_in_dim3A_287 = arith.constant 0 : i32
        %broadcast_in_dim3A_288 = vector.broadcast %broadcast_in_dim3A_287 : i32 to vector<16xi32>
        %add3A_289 = arith.constant 0 : i32
        %add3A_290 = vector.broadcast %add3A_289 : i32 to vector<16xi32>
        %add3A_291 = arith.addi %broadcast_in_dim3A_288, %add3A_290 : vector<16xi32>
        %broadcast_in_dim3A_292 = vector.shape_cast %add3A_291 : vector<16xi32> to vector<16x1xi32>
        %gather3A_293 = vector.shape_cast %broadcast_in_dim3A_292 : vector<16x1xi32> to vector<16xi32>
        %gather3A_294 = tpu.dynamic_gather %mul3A_171[%gather3A_293] in [0] : vector<16xf32>, vector<16xi32> -> vector<16xf32>
        %broadcast_in_dim3A_295 = arith.constant 0 : i32
        %broadcast_in_dim3A_296 = vector.broadcast %broadcast_in_dim3A_295 : i32 to vector<16xi32>
        %add3A_297 = arith.constant 0 : i32
        %add3A_298 = vector.broadcast %add3A_297 : i32 to vector<16xi32>
        %add3A_299 = arith.addi %broadcast_in_dim3A_296, %add3A_298 : vector<16xi32>
        %broadcast_in_dim3A_300 = vector.shape_cast %add3A_299 : vector<16xi32> to vector<16x1xi32>
        %gather3A_301 = vector.shape_cast %broadcast_in_dim3A_300 : vector<16x1xi32> to vector<16xi32>
        %gather3A_302 = tpu.dynamic_gather %mul3A_172[%gather3A_301] in [0] : vector<16xf32>, vector<16xi32> -> vector<16xf32>
        %broadcast_in_dim3A_303 = arith.constant 0 : i32
        %broadcast_in_dim3A_304 = vector.broadcast %broadcast_in_dim3A_303 : i32 to vector<16xi32>
        %add3A_305 = arith.constant 1 : i32
        %add3A_306 = vector.broadcast %add3A_305 : i32 to vector<16xi32>
        %add3A_307 = arith.addi %broadcast_in_dim3A_304, %add3A_306 : vector<16xi32>
        %broadcast_in_dim3A_308 = vector.shape_cast %add3A_307 : vector<16xi32> to vector<16x1xi32>
        %gather3A_309 = vector.shape_cast %broadcast_in_dim3A_308 : vector<16x1xi32> to vector<16xi32>
        %gather3A_310 = tpu.dynamic_gather %mul3A_171[%gather3A_309] in [0] : vector<16xf32>, vector<16xi32> -> vector<16xf32>
        %broadcast_in_dim3A_311 = arith.constant 0 : i32
        %broadcast_in_dim3A_312 = vector.broadcast %broadcast_in_dim3A_311 : i32 to vector<16xi32>
        %add3A_313 = arith.constant 1 : i32
        %add3A_314 = vector.broadcast %add3A_313 : i32 to vector<16xi32>
        %add3A_315 = arith.addi %broadcast_in_dim3A_312, %add3A_314 : vector<16xi32>
        %broadcast_in_dim3A_316 = vector.shape_cast %add3A_315 : vector<16xi32> to vector<16x1xi32>
        %gather3A_317 = vector.shape_cast %broadcast_in_dim3A_316 : vector<16x1xi32> to vector<16xi32>
        %gather3A_318 = tpu.dynamic_gather %mul3A_172[%gather3A_317] in [0] : vector<16xf32>, vector<16xi32> -> vector<16xf32>
        %add3A_319 = arith.constant 0 : i32
        %add3A_320 = arith.addi %mul3A_262, %add3A_319 : i32
        %mul3A_321 = arith.constant 14 : i32
        %mul3A_322 = arith.muli %add3A_320, %mul3A_321 : i32
        %add3A_323 = arith.constant 0 : i32
        %add3A_324 = arith.addi %mul3A_322, %add3A_323 : i32
        %add3A_325 = arith.constant 0 : i32
        %add3A_326 = arith.addi %add3A_324, %add3A_325 : i32
        %mul3A_327 = arith.mulf %gather3A_269, %gather3A_294 : vector<16xf32>
        %mul3A_328 = arith.mulf %gather3A_269, %gather3A_302 : vector<16xf32>
        %mul3A_329 = arith.mulf %gather3A_272, %gather3A_294 : vector<16xf32>
        %mul3A_330 = arith.mulf %gather3A_272, %gather3A_302 : vector<16xf32>
        %add3A_331 = arith.constant 0 : i32
        %add3A_332 = arith.addi %mul3A_262, %add3A_331 : i32
        %mul3A_333 = arith.constant 14 : i32
        %mul3A_334 = arith.muli %add3A_332, %mul3A_333 : i32
        %add3A_335 = arith.constant 0 : i32
        %add3A_336 = arith.addi %mul3A_334, %add3A_335 : i32
        %add3A_337 = arith.constant 1 : i32
        %add3A_338 = arith.addi %add3A_336, %add3A_337 : i32
        %mul3A_339 = arith.mulf %gather3A_269, %gather3A_310 : vector<16xf32>
        %mul3A_340 = arith.mulf %gather3A_269, %gather3A_318 : vector<16xf32>
        %mul3A_341 = arith.mulf %gather3A_272, %gather3A_310 : vector<16xf32>
        %mul3A_342 = arith.mulf %gather3A_272, %gather3A_318 : vector<16xf32>
        %add3A_343 = arith.constant 1 : i32
        %add3A_344 = arith.addi %mul3A_262, %add3A_343 : i32
        %mul3A_345 = arith.constant 14 : i32
        %mul3A_346 = arith.muli %add3A_344, %mul3A_345 : i32
        %add3A_347 = arith.constant 0 : i32
        %add3A_348 = arith.addi %mul3A_346, %add3A_347 : i32
        %add3A_349 = arith.constant 0 : i32
        %add3A_350 = arith.addi %add3A_348, %add3A_349 : i32
        %mul3A_351 = arith.mulf %gather3A_278, %gather3A_294 : vector<16xf32>
        %mul3A_352 = arith.mulf %gather3A_278, %gather3A_302 : vector<16xf32>
        %mul3A_353 = arith.mulf %gather3A_284, %gather3A_294 : vector<16xf32>
        %mul3A_354 = arith.mulf %gather3A_284, %gather3A_302 : vector<16xf32>
        %add3A_355 = arith.constant 1 : i32
        %add3A_356 = arith.addi %mul3A_262, %add3A_355 : i32
        %mul3A_357 = arith.constant 14 : i32
        %mul3A_358 = arith.muli %add3A_356, %mul3A_357 : i32
        %add3A_359 = arith.constant 0 : i32
        %add3A_360 = arith.addi %mul3A_358, %add3A_359 : i32
        %add3A_361 = arith.constant 1 : i32
        %add3A_362 = arith.addi %add3A_360, %add3A_361 : i32
        %mul3A_363 = arith.mulf %gather3A_278, %gather3A_310 : vector<16xf32>
        %mul3A_364 = arith.mulf %gather3A_278, %gather3A_318 : vector<16xf32>
        %mul3A_365 = arith.mulf %gather3A_284, %gather3A_310 : vector<16xf32>
        %mul3A_366 = arith.mulf %gather3A_284, %gather3A_318 : vector<16xf32>
        %get3A_367 = arith.index_cast %add3A_326 : i32 to index
        %get3A_368 = arith.constant 0 : index
        %get3A_369 = tpu.vector_load %arg7[%get3A_367, %get3A_368] {strides = array<i32>} : memref<392x128xf32, #tpu.memory_space<vmem>>, vector<16xf32>,
        %mul3A_370 = arith.mulf %mul3A_327, %get3A_369 : vector<16xf32>
        %add3A_371 = arith.constant 196 : i32
        %add3A_372 = arith.addi %add3A_326, %add3A_371 : i32
        %get3A_373 = arith.index_cast %add3A_372 : i32 to index
        %get3A_374 = arith.constant 0 : index
        %get3A_375 = tpu.vector_load %arg7[%get3A_373, %get3A_374] {strides = array<i32>} : memref<392x128xf32, #tpu.memory_space<vmem>>, vector<16xf32>,
        %mul3A_376 = arith.mulf %mul3A_328, %get3A_375 : vector<16xf32>
        %get3A_377 = arith.index_cast %add3A_326 : i32 to index
        %get3A_378 = arith.constant 64 : index
        %get3A_379 = tpu.vector_load %arg7[%get3A_377, %get3A_378] {strides = array<i32>} : memref<392x128xf32, #tpu.memory_space<vmem>>, vector<16xf32>,
        %mul3A_380 = arith.mulf %mul3A_329, %get3A_379 : vector<16xf32>
        %add3A_381 = arith.constant 196 : i32
        %add3A_382 = arith.addi %add3A_326, %add3A_381 : i32
        %get3A_383 = arith.index_cast %add3A_382 : i32 to index
        %get3A_384 = arith.constant 64 : index
        %get3A_385 = tpu.vector_load %arg7[%get3A_383, %get3A_384] {strides = array<i32>} : memref<392x128xf32, #tpu.memory_space<vmem>>, vector<16xf32>,
        %mul3A_386 = arith.mulf %mul3A_330, %get3A_385 : vector<16xf32>
        %get3A_387 = arith.index_cast %add3A_338 : i32 to index
        %get3A_388 = arith.constant 0 : index
        %get3A_389 = tpu.vector_load %arg7[%get3A_387, %get3A_388] {strides = array<i32>} : memref<392x128xf32, #tpu.memory_space<vmem>>, vector<16xf32>,
        %mul3A_390 = arith.mulf %mul3A_339, %get3A_389 : vector<16xf32>
        %add3A_391 = arith.constant 196 : i32
        %add3A_392 = arith.addi %add3A_338, %add3A_391 : i32
        %get3A_393 = arith.index_cast %add3A_392 : i32 to index
        %get3A_394 = arith.constant 0 : index
        %get3A_395 = tpu.vector_load %arg7[%get3A_393, %get3A_394] {strides = array<i32>} : memref<392x128xf32, #tpu.memory_space<vmem>>, vector<16xf32>,
        %mul3A_396 = arith.mulf %mul3A_340, %get3A_395 : vector<16xf32>
        %get3A_397 = arith.index_cast %add3A_338 : i32 to index
        %get3A_398 = arith.constant 64 : index
        %get3A_399 = tpu.vector_load %arg7[%get3A_397, %get3A_398] {strides = array<i32>} : memref<392x128xf32, #tpu.memory_space<vmem>>, vector<16xf32>,
        %mul3A_400 = arith.mulf %mul3A_341, %get3A_399 : vector<16xf32>
        %add3A_401 = arith.constant 196 : i32
        %add3A_402 = arith.addi %add3A_338, %add3A_401 : i32
        %get3A_403 = arith.index_cast %add3A_402 : i32 to index
        %get3A_404 = arith.constant 64 : index
        %get3A_405 = tpu.vector_load %arg7[%get3A_403, %get3A_404] {strides = array<i32>} : memref<392x128xf32, #tpu.memory_space<vmem>>, vector<16xf32>,
        %mul3A_406 = arith.mulf %mul3A_342, %get3A_405 : vector<16xf32>
        %get3A_407 = arith.index_cast %add3A_350 : i32 to index
        %get3A_408 = arith.constant 0 : index
        %get3A_409 = tpu.vector_load %arg7[%get3A_407, %get3A_408] {strides = array<i32>} : memref<392x128xf32, #tpu.memory_space<vmem>>, vector<16xf32>,
        %mul3A_410 = arith.mulf %mul3A_351, %get3A_409 : vector<16xf32>
        %add3A_411 = arith.constant 196 : i32
        %add3A_412 = arith.addi %add3A_350, %add3A_411 : i32
        %get3A_413 = arith.index_cast %add3A_412 : i32 to index
        %get3A_414 = arith.constant 0 : index
        %get3A_415 = tpu.vector_load %arg7[%get3A_413, %get3A_414] {strides = array<i32>} : memref<392x128xf32, #tpu.memory_space<vmem>>, vector<16xf32>,
        %mul3A_416 = arith.mulf %mul3A_352, %get3A_415 : vector<16xf32>
        %get3A_417 = arith.index_cast %add3A_350 : i32 to index
        %get3A_418 = arith.constant 64 : index
        %get3A_419 = tpu.vector_load %arg7[%get3A_417, %get3A_418] {strides = array<i32>} : memref<392x128xf32, #tpu.memory_space<vmem>>, vector<16xf32>,
        %mul3A_420 = arith.mulf %mul3A_353, %get3A_419 : vector<16xf32>
        %add3A_421 = arith.constant 196 : i32
        %add3A_422 = arith.addi %add3A_350, %add3A_421 : i32
        %get3A_423 = arith.index_cast %add3A_422 : i32 to index
        %get3A_424 = arith.constant 64 : index
        %get3A_425 = tpu.vector_load %arg7[%get3A_423, %get3A_424] {strides = array<i32>} : memref<392x128xf32, #tpu.memory_space<vmem>>, vector<16xf32>,
        %mul3A_426 = arith.mulf %mul3A_354, %get3A_425 : vector<16xf32>
        %get3A_427 = arith.index_cast %add3A_362 : i32 to index
        %get3A_428 = arith.constant 0 : index
        %get3A_429 = tpu.vector_load %arg7[%get3A_427, %get3A_428] {strides = array<i32>} : memref<392x128xf32, #tpu.memory_space<vmem>>, vector<16xf32>,
        %mul3A_430 = arith.mulf %mul3A_363, %get3A_429 : vector<16xf32>
        %add3A_431 = arith.constant 196 : i32
        %add3A_432 = arith.addi %add3A_362, %add3A_431 : i32
        %get3A_433 = arith.index_cast %add3A_432 : i32 to index
        %get3A_434 = arith.constant 0 : index
        %get3A_435 = tpu.vector_load %arg7[%get3A_433, %get3A_434] {strides = array<i32>} : memref<392x128xf32, #tpu.memory_space<vmem>>, vector<16xf32>,
        %mul3A_436 = arith.mulf %mul3A_364, %get3A_435 : vector<16xf32>
        %get3A_437 = arith.index_cast %add3A_362 : i32 to index
        %get3A_438 = arith.constant 64 : index
        %get3A_439 = tpu.vector_load %arg7[%get3A_437, %get3A_438] {strides = array<i32>} : memref<392x128xf32, #tpu.memory_space<vmem>>, vector<16xf32>,
        %mul3A_440 = arith.mulf %mul3A_365, %get3A_439 : vector<16xf32>
        %add3A_441 = arith.constant 196 : i32
        %add3A_442 = arith.addi %add3A_362, %add3A_441 : i32
        %get3A_443 = arith.index_cast %add3A_442 : i32 to index
        %get3A_444 = arith.constant 64 : index
        %get3A_445 = tpu.vector_load %arg7[%get3A_443, %get3A_444] {strides = array<i32>} : memref<392x128xf32, #tpu.memory_space<vmem>>, vector<16xf32>,
        %mul3A_446 = arith.mulf %mul3A_366, %get3A_445 : vector<16xf32>
        %add3A_447 = arith.addf %mul3A_370, %mul3A_376 : vector<16xf32>
        %add3A_448 = arith.addf %mul3A_380, %mul3A_386 : vector<16xf32>
        %add3A_449 = arith.addf %mul3A_390, %mul3A_396 : vector<16xf32>
        %add3A_450 = arith.addf %mul3A_400, %mul3A_406 : vector<16xf32>
        %add3A_451 = arith.addf %mul3A_410, %mul3A_416 : vector<16xf32>
        %add3A_452 = arith.addf %mul3A_420, %mul3A_426 : vector<16xf32>
        %add3A_453 = arith.addf %mul3A_430, %mul3A_436 : vector<16xf32>
        %add3A_454 = arith.addf %mul3A_440, %mul3A_446 : vector<16xf32>
        %add3A_455 = arith.addf %add3A_447, %add3A_448 : vector<16xf32>
        %add3A_456 = arith.addf %add3A_449, %add3A_450 : vector<16xf32>
        %add3A_457 = arith.addf %add3A_451, %add3A_452 : vector<16xf32>
        %add3A_458 = arith.addf %add3A_453, %add3A_454 : vector<16xf32>
        %add3A_459 = arith.addf %add3A_455, %add3A_456 : vector<16xf32>
        %add3A_460 = arith.addf %add3A_457, %add3A_458 : vector<16xf32>
        %add3A_461 = arith.addf %add3A_459, %add3A_460 : vector<16xf32>
        %add3A_462 = arith.constant 0 : i32
        %add3A_463 = arith.addi %mul3A_286, %add3A_462 : i32
        %add3A_464 = vector.broadcast %add3A_463 : i32 to vector<16xi32>
        %add3A_465 = arith.addi %add3A_22, %add3A_464 : vector<16xi32>
        tpu.vector_store_idx %arg8[%add3A_465], %add3A_461 : memref<3136xf32, #tpu.memory_space<vmem>>[vector<16xi32>], vector<16xf32>,
        %get3A_466 = arith.index_cast %add3A_326 : i32 to index
        %get3A_467 = arith.constant 16 : index
        %get3A_468 = tpu.vector_load %arg7[%get3A_466, %get3A_467] {strides = array<i32>} : memref<392x128xf32, #tpu.memory_space<vmem>>, vector<16xf32>,
        %mul3A_469 = arith.mulf %mul3A_327, %get3A_468 : vector<16xf32>
        %add3A_470 = arith.constant 196 : i32
        %add3A_471 = arith.addi %add3A_326, %add3A_470 : i32
        %get3A_472 = arith.index_cast %add3A_471 : i32 to index
        %get3A_473 = arith.constant 16 : index
        %get3A_474 = tpu.vector_load %arg7[%get3A_472, %get3A_473] {strides = array<i32>} : memref<392x128xf32, #tpu.memory_space<vmem>>, vector<16xf32>,
        %mul3A_475 = arith.mulf %mul3A_328, %get3A_474 : vector<16xf32>
        %get3A_476 = arith.index_cast %add3A_326 : i32 to index
        %get3A_477 = arith.constant 80 : index
        %get3A_478 = tpu.vector_load %arg7[%get3A_476, %get3A_477] {strides = array<i32>} : memref<392x128xf32, #tpu.memory_space<vmem>>, vector<16xf32>,
        %mul3A_479 = arith.mulf %mul3A_329, %get3A_478 : vector<16xf32>
        %add3A_480 = arith.constant 196 : i32
        %add3A_481 = arith.addi %add3A_326, %add3A_480 : i32
        %get3A_482 = arith.index_cast %add3A_481 : i32 to index
        %get3A_483 = arith.constant 80 : index
        %get3A_484 = tpu.vector_load %arg7[%get3A_482, %get3A_483] {strides = array<i32>} : memref<392x128xf32, #tpu.memory_space<vmem>>, vector<16xf32>,
        %mul3A_485 = arith.mulf %mul3A_330, %get3A_484 : vector<16xf32>
        %get3A_486 = arith.index_cast %add3A_338 : i32 to index
        %get3A_487 = arith.constant 16 : index
        %get3A_488 = tpu.vector_load %arg7[%get3A_486, %get3A_487] {strides = array<i32>} : memref<392x128xf32, #tpu.memory_space<vmem>>, vector<16xf32>,
        %mul3A_489 = arith.mulf %mul3A_339, %get3A_488 : vector<16xf32>
        %add3A_490 = arith.constant 196 : i32
        %add3A_491 = arith.addi %add3A_338, %add3A_490 : i32
        %get3A_492 = arith.index_cast %add3A_491 : i32 to index
        %get3A_493 = arith.constant 16 : index
        %get3A_494 = tpu.vector_load %arg7[%get3A_492, %get3A_493] {strides = array<i32>} : memref<392x128xf32, #tpu.memory_space<vmem>>, vector<16xf32>,
        %mul3A_495 = arith.mulf %mul3A_340, %get3A_494 : vector<16xf32>
        %get3A_496 = arith.index_cast %add3A_338 : i32 to index
        %get3A_497 = arith.constant 80 : index
        %get3A_498 = tpu.vector_load %arg7[%get3A_496, %get3A_497] {strides = array<i32>} : memref<392x128xf32, #tpu.memory_space<vmem>>, vector<16xf32>,
        %mul3A_499 = arith.mulf %mul3A_341, %get3A_498 : vector<16xf32>
        %add3A_500 = arith.constant 196 : i32
        %add3A_501 = arith.addi %add3A_338, %add3A_500 : i32
        %get3A_502 = arith.index_cast %add3A_501 : i32 to index
        %get3A_503 = arith.constant 80 : index
        %get3A_504 = tpu.vector_load %arg7[%get3A_502, %get3A_503] {strides = array<i32>} : memref<392x128xf32, #tpu.memory_space<vmem>>, vector<16xf32>,
        %mul3A_505 = arith.mulf %mul3A_342, %get3A_504 : vector<16xf32>
        %get3A_506 = arith.index_cast %add3A_350 : i32 to index
        %get3A_507 = arith.constant 16 : index
        %get3A_508 = tpu.vector_load %arg7[%get3A_506, %get3A_507] {strides = array<i32>} : memref<392x128xf32, #tpu.memory_space<vmem>>, vector<16xf32>,
        %mul3A_509 = arith.mulf %mul3A_351, %get3A_508 : vector<16xf32>
        %add3A_510 = arith.constant 196 : i32
        %add3A_511 = arith.addi %add3A_350, %add3A_510 : i32
        %get3A_512 = arith.index_cast %add3A_511 : i32 to index
        %get3A_513 = arith.constant 16 : index
        %get3A_514 = tpu.vector_load %arg7[%get3A_512, %get3A_513] {strides = array<i32>} : memref<392x128xf32, #tpu.memory_space<vmem>>, vector<16xf32>,
        %mul3A_515 = arith.mulf %mul3A_352, %get3A_514 : vector<16xf32>
        %get3A_516 = arith.index_cast %add3A_350 : i32 to index
        %get3A_517 = arith.constant 80 : index
        %get3A_518 = tpu.vector_load %arg7[%get3A_516, %get3A_517] {strides = array<i32>} : memref<392x128xf32, #tpu.memory_space<vmem>>, vector<16xf32>,
        %mul3A_519 = arith.mulf %mul3A_353, %get3A_518 : vector<16xf32>
        %add3A_520 = arith.constant 196 : i32
        %add3A_521 = arith.addi %add3A_350, %add3A_520 : i32
        %get3A_522 = arith.index_cast %add3A_521 : i32 to index
        %get3A_523 = arith.constant 80 : index
        %get3A_524 = tpu.vector_load %arg7[%get3A_522, %get3A_523] {strides = array<i32>} : memref<392x128xf32, #tpu.memory_space<vmem>>, vector<16xf32>,
        %mul3A_525 = arith.mulf %mul3A_354, %get3A_524 : vector<16xf32>
        %get3A_526 = arith.index_cast %add3A_362 : i32 to index
        %get3A_527 = arith.constant 16 : index
        %get3A_528 = tpu.vector_load %arg7[%get3A_526, %get3A_527] {strides = array<i32>} : memref<392x128xf32, #tpu.memory_space<vmem>>, vector<16xf32>,
        %mul3A_529 = arith.mulf %mul3A_363, %get3A_528 : vector<16xf32>
        %add3A_530 = arith.constant 196 : i32
        %add3A_531 = arith.addi %add3A_362, %add3A_530 : i32
        %get3A_532 = arith.index_cast %add3A_531 : i32 to index
        %get3A_533 = arith.constant 16 : index
        %get3A_534 = tpu.vector_load %arg7[%get3A_532, %get3A_533] {strides = array<i32>} : memref<392x128xf32, #tpu.memory_space<vmem>>, vector<16xf32>,
        %mul3A_535 = arith.mulf %mul3A_364, %get3A_534 : vector<16xf32>
        %get3A_536 = arith.index_cast %add3A_362 : i32 to index
        %get3A_537 = arith.constant 80 : index
        %get3A_538 = tpu.vector_load %arg7[%get3A_536, %get3A_537] {strides = array<i32>} : memref<392x128xf32, #tpu.memory_space<vmem>>, vector<16xf32>,
        %mul3A_539 = arith.mulf %mul3A_365, %get3A_538 : vector<16xf32>
        %add3A_540 = arith.constant 196 : i32
        %add3A_541 = arith.addi %add3A_362, %add3A_540 : i32
        %get3A_542 = arith.index_cast %add3A_541 : i32 to index
        %get3A_543 = arith.constant 80 : index
        %get3A_544 = tpu.vector_load %arg7[%get3A_542, %get3A_543] {strides = array<i32>} : memref<392x128xf32, #tpu.memory_space<vmem>>, vector<16xf32>,
        %mul3A_545 = arith.mulf %mul3A_366, %get3A_544 : vector<16xf32>
        %add3A_546 = arith.addf %mul3A_469, %mul3A_475 : vector<16xf32>
        %add3A_547 = arith.addf %mul3A_479, %mul3A_485 : vector<16xf32>
        %add3A_548 = arith.addf %mul3A_489, %mul3A_495 : vector<16xf32>
        %add3A_549 = arith.addf %mul3A_499, %mul3A_505 : vector<16xf32>
        %add3A_550 = arith.addf %mul3A_509, %mul3A_515 : vector<16xf32>
        %add3A_551 = arith.addf %mul3A_519, %mul3A_525 : vector<16xf32>
        %add3A_552 = arith.addf %mul3A_529, %mul3A_535 : vector<16xf32>
        %add3A_553 = arith.addf %mul3A_539, %mul3A_545 : vector<16xf32>
        %add3A_554 = arith.addf %add3A_546, %add3A_547 : vector<16xf32>
        %add3A_555 = arith.addf %add3A_548, %add3A_549 : vector<16xf32>
        %add3A_556 = arith.addf %add3A_550, %add3A_551 : vector<16xf32>
        %add3A_557 = arith.addf %add3A_552, %add3A_553 : vector<16xf32>
        %add3A_558 = arith.addf %add3A_554, %add3A_555 : vector<16xf32>
        %add3A_559 = arith.addf %add3A_556, %add3A_557 : vector<16xf32>
        %add3A_560 = arith.addf %add3A_558, %add3A_559 : vector<16xf32>
        %add3A_561 = arith.constant 0 : i32
        %add3A_562 = arith.addi %mul3A_286, %add3A_561 : i32
        %add3A_563 = vector.broadcast %add3A_562 : i32 to vector<16xi32>
        %add3A_564 = arith.addi %add3A_28, %add3A_563 : vector<16xi32>
        tpu.vector_store_idx %arg8[%add3A_564], %add3A_560 : memref<3136xf32, #tpu.memory_space<vmem>>[vector<16xi32>], vector<16xf32>,
        %get3A_565 = arith.index_cast %add3A_326 : i32 to index
        %get3A_566 = arith.constant 32 : index
        %get3A_567 = tpu.vector_load %arg7[%get3A_565, %get3A_566] {strides = array<i32>} : memref<392x128xf32, #tpu.memory_space<vmem>>, vector<16xf32>,
        %mul3A_568 = arith.mulf %mul3A_327, %get3A_567 : vector<16xf32>
        %add3A_569 = arith.constant 196 : i32
        %add3A_570 = arith.addi %add3A_326, %add3A_569 : i32
        %get3A_571 = arith.index_cast %add3A_570 : i32 to index
        %get3A_572 = arith.constant 32 : index
        %get3A_573 = tpu.vector_load %arg7[%get3A_571, %get3A_572] {strides = array<i32>} : memref<392x128xf32, #tpu.memory_space<vmem>>, vector<16xf32>,
        %mul3A_574 = arith.mulf %mul3A_328, %get3A_573 : vector<16xf32>
        %get3A_575 = arith.index_cast %add3A_326 : i32 to index
        %get3A_576 = arith.constant 96 : index
        %get3A_577 = tpu.vector_load %arg7[%get3A_575, %get3A_576] {strides = array<i32>} : memref<392x128xf32, #tpu.memory_space<vmem>>, vector<16xf32>,
        %mul3A_578 = arith.mulf %mul3A_329, %get3A_577 : vector<16xf32>
        %add3A_579 = arith.constant 196 : i32
        %add3A_580 = arith.addi %add3A_326, %add3A_579 : i32
        %get3A_581 = arith.index_cast %add3A_580 : i32 to index
        %get3A_582 = arith.constant 96 : index
        %get3A_583 = tpu.vector_load %arg7[%get3A_581, %get3A_582] {strides = array<i32>} : memref<392x128xf32, #tpu.memory_space<vmem>>, vector<16xf32>,
        %mul3A_584 = arith.mulf %mul3A_330, %get3A_583 : vector<16xf32>
        %get3A_585 = arith.index_cast %add3A_338 : i32 to index
        %get3A_586 = arith.constant 32 : index
        %get3A_587 = tpu.vector_load %arg7[%get3A_585, %get3A_586] {strides = array<i32>} : memref<392x128xf32, #tpu.memory_space<vmem>>, vector<16xf32>,
        %mul3A_588 = arith.mulf %mul3A_339, %get3A_587 : vector<16xf32>
        %add3A_589 = arith.constant 196 : i32
        %add3A_590 = arith.addi %add3A_338, %add3A_589 : i32
        %get3A_591 = arith.index_cast %add3A_590 : i32 to index
        %get3A_592 = arith.constant 32 : index
        %get3A_593 = tpu.vector_load %arg7[%get3A_591, %get3A_592] {strides = array<i32>} : memref<392x128xf32, #tpu.memory_space<vmem>>, vector<16xf32>,
        %mul3A_594 = arith.mulf %mul3A_340, %get3A_593 : vector<16xf32>
        %get3A_595 = arith.index_cast %add3A_338 : i32 to index
        %get3A_596 = arith.constant 96 : index
        %get3A_597 = tpu.vector_load %arg7[%get3A_595, %get3A_596] {strides = array<i32>} : memref<392x128xf32, #tpu.memory_space<vmem>>, vector<16xf32>,
        %mul3A_598 = arith.mulf %mul3A_341, %get3A_597 : vector<16xf32>
        %add3A_599 = arith.constant 196 : i32
        %add3A_600 = arith.addi %add3A_338, %add3A_599 : i32
        %get3A_601 = arith.index_cast %add3A_600 : i32 to index
        %get3A_602 = arith.constant 96 : index
        %get3A_603 = tpu.vector_load %arg7[%get3A_601, %get3A_602] {strides = array<i32>} : memref<392x128xf32, #tpu.memory_space<vmem>>, vector<16xf32>,
        %mul3A_604 = arith.mulf %mul3A_342, %get3A_603 : vector<16xf32>
        %get3A_605 = arith.index_cast %add3A_350 : i32 to index
        %get3A_606 = arith.constant 32 : index
        %get3A_607 = tpu.vector_load %arg7[%get3A_605, %get3A_606] {strides = array<i32>} : memref<392x128xf32, #tpu.memory_space<vmem>>, vector<16xf32>,
        %mul3A_608 = arith.mulf %mul3A_351, %get3A_607 : vector<16xf32>
        %add3A_609 = arith.constant 196 : i32
        %add3A_610 = arith.addi %add3A_350, %add3A_609 : i32
        %get3A_611 = arith.index_cast %add3A_610 : i32 to index
        %get3A_612 = arith.constant 32 : index
        %get3A_613 = tpu.vector_load %arg7[%get3A_611, %get3A_612] {strides = array<i32>} : memref<392x128xf32, #tpu.memory_space<vmem>>, vector<16xf32>,
        %mul3A_614 = arith.mulf %mul3A_352, %get3A_613 : vector<16xf32>
        %get3A_615 = arith.index_cast %add3A_350 : i32 to index
        %get3A_616 = arith.constant 96 : index
        %get3A_617 = tpu.vector_load %arg7[%get3A_615, %get3A_616] {strides = array<i32>} : memref<392x128xf32, #tpu.memory_space<vmem>>, vector<16xf32>,
        %mul3A_618 = arith.mulf %mul3A_353, %get3A_617 : vector<16xf32>
        %add3A_619 = arith.constant 196 : i32
        %add3A_620 = arith.addi %add3A_350, %add3A_619 : i32
        %get3A_621 = arith.index_cast %add3A_620 : i32 to index
        %get3A_622 = arith.constant 96 : index
        %get3A_623 = tpu.vector_load %arg7[%get3A_621, %get3A_622] {strides = array<i32>} : memref<392x128xf32, #tpu.memory_space<vmem>>, vector<16xf32>,
        %mul3A_624 = arith.mulf %mul3A_354, %get3A_623 : vector<16xf32>
        %get3A_625 = arith.index_cast %add3A_362 : i32 to index
        %get3A_626 = arith.constant 32 : index
        %get3A_627 = tpu.vector_load %arg7[%get3A_625, %get3A_626] {strides = array<i32>} : memref<392x128xf32, #tpu.memory_space<vmem>>, vector<16xf32>,
        %mul3A_628 = arith.mulf %mul3A_363, %get3A_627 : vector<16xf32>
        %add3A_629 = arith.constant 196 : i32
        %add3A_630 = arith.addi %add3A_362, %add3A_629 : i32
        %get3A_631 = arith.index_cast %add3A_630 : i32 to index
        %get3A_632 = arith.constant 32 : index
        %get3A_633 = tpu.vector_load %arg7[%get3A_631, %get3A_632] {strides = array<i32>} : memref<392x128xf32, #tpu.memory_space<vmem>>, vector<16xf32>,
        %mul3A_634 = arith.mulf %mul3A_364, %get3A_633 : vector<16xf32>
        %get3A_635 = arith.index_cast %add3A_362 : i32 to index
        %get3A_636 = arith.constant 96 : index
        %get3A_637 = tpu.vector_load %arg7[%get3A_635, %get3A_636] {strides = array<i32>} : memref<392x128xf32, #tpu.memory_space<vmem>>, vector<16xf32>,
        %mul3A_638 = arith.mulf %mul3A_365, %get3A_637 : vector<16xf32>
        %add3A_639 = arith.constant 196 : i32
        %add3A_640 = arith.addi %add3A_362, %add3A_639 : i32
        %get3A_641 = arith.index_cast %add3A_640 : i32 to index
        %get3A_642 = arith.constant 96 : index
        %get3A_643 = tpu.vector_load %arg7[%get3A_641, %get3A_642] {strides = array<i32>} : memref<392x128xf32, #tpu.memory_space<vmem>>, vector<16xf32>,
        %mul3A_644 = arith.mulf %mul3A_366, %get3A_643 : vector<16xf32>
        %add3A_645 = arith.addf %mul3A_568, %mul3A_574 : vector<16xf32>
        %add3A_646 = arith.addf %mul3A_578, %mul3A_584 : vector<16xf32>
        %add3A_647 = arith.addf %mul3A_588, %mul3A_594 : vector<16xf32>
        %add3A_648 = arith.addf %mul3A_598, %mul3A_604 : vector<16xf32>
        %add3A_649 = arith.addf %mul3A_608, %mul3A_614 : vector<16xf32>
        %add3A_650 = arith.addf %mul3A_618, %mul3A_624 : vector<16xf32>
        %add3A_651 = arith.addf %mul3A_628, %mul3A_634 : vector<16xf32>
        %add3A_652 = arith.addf %mul3A_638, %mul3A_644 : vector<16xf32>
        %add3A_653 = arith.addf %add3A_645, %add3A_646 : vector<16xf32>
        %add3A_654 = arith.addf %add3A_647, %add3A_648 : vector<16xf32>
        %add3A_655 = arith.addf %add3A_649, %add3A_650 : vector<16xf32>
        %add3A_656 = arith.addf %add3A_651, %add3A_652 : vector<16xf32>
        %add3A_657 = arith.addf %add3A_653, %add3A_654 : vector<16xf32>
        %add3A_658 = arith.addf %add3A_655, %add3A_656 : vector<16xf32>
        %add3A_659 = arith.addf %add3A_657, %add3A_658 : vector<16xf32>
        %add3A_660 = arith.constant 0 : i32
        %add3A_661 = arith.addi %mul3A_286, %add3A_660 : i32
        %add3A_662 = vector.broadcast %add3A_661 : i32 to vector<16xi32>
        %add3A_663 = arith.addi %add3A_34, %add3A_662 : vector<16xi32>
        tpu.vector_store_idx %arg8[%add3A_663], %add3A_659 : memref<3136xf32, #tpu.memory_space<vmem>>[vector<16xi32>], vector<16xf32>,
        %get3A_664 = arith.index_cast %add3A_326 : i32 to index
        %get3A_665 = arith.constant 48 : index
        %get3A_666 = tpu.vector_load %arg7[%get3A_664, %get3A_665] {strides = array<i32>} : memref<392x128xf32, #tpu.memory_space<vmem>>, vector<16xf32>,
        %mul3A_667 = arith.mulf %mul3A_327, %get3A_666 : vector<16xf32>
        %add3A_668 = arith.constant 196 : i32
        %add3A_669 = arith.addi %add3A_326, %add3A_668 : i32
        %get3A_670 = arith.index_cast %add3A_669 : i32 to index
        %get3A_671 = arith.constant 48 : index
        %get3A_672 = tpu.vector_load %arg7[%get3A_670, %get3A_671] {strides = array<i32>} : memref<392x128xf32, #tpu.memory_space<vmem>>, vector<16xf32>,
        %mul3A_673 = arith.mulf %mul3A_328, %get3A_672 : vector<16xf32>
        %get3A_674 = arith.index_cast %add3A_326 : i32 to index
        %get3A_675 = arith.constant 112 : index
        %get3A_676 = tpu.vector_load %arg7[%get3A_674, %get3A_675] {strides = array<i32>} : memref<392x128xf32, #tpu.memory_space<vmem>>, vector<16xf32>,
        %mul3A_677 = arith.mulf %mul3A_329, %get3A_676 : vector<16xf32>
        %add3A_678 = arith.constant 196 : i32
        %add3A_679 = arith.addi %add3A_326, %add3A_678 : i32
        %get3A_680 = arith.index_cast %add3A_679 : i32 to index
        %get3A_681 = arith.constant 112 : index
        %get3A_682 = tpu.vector_load %arg7[%get3A_680, %get3A_681] {strides = array<i32>} : memref<392x128xf32, #tpu.memory_space<vmem>>, vector<16xf32>,
        %mul3A_683 = arith.mulf %mul3A_330, %get3A_682 : vector<16xf32>
        %get3A_684 = arith.index_cast %add3A_338 : i32 to index
        %get3A_685 = arith.constant 48 : index
        %get3A_686 = tpu.vector_load %arg7[%get3A_684, %get3A_685] {strides = array<i32>} : memref<392x128xf32, #tpu.memory_space<vmem>>, vector<16xf32>,
        %mul3A_687 = arith.mulf %mul3A_339, %get3A_686 : vector<16xf32>
        %add3A_688 = arith.constant 196 : i32
        %add3A_689 = arith.addi %add3A_338, %add3A_688 : i32
        %get3A_690 = arith.index_cast %add3A_689 : i32 to index
        %get3A_691 = arith.constant 48 : index
        %get3A_692 = tpu.vector_load %arg7[%get3A_690, %get3A_691] {strides = array<i32>} : memref<392x128xf32, #tpu.memory_space<vmem>>, vector<16xf32>,
        %mul3A_693 = arith.mulf %mul3A_340, %get3A_692 : vector<16xf32>
        %get3A_694 = arith.index_cast %add3A_338 : i32 to index
        %get3A_695 = arith.constant 112 : index
        %get3A_696 = tpu.vector_load %arg7[%get3A_694, %get3A_695] {strides = array<i32>} : memref<392x128xf32, #tpu.memory_space<vmem>>, vector<16xf32>,
        %mul3A_697 = arith.mulf %mul3A_341, %get3A_696 : vector<16xf32>
        %add3A_698 = arith.constant 196 : i32
        %add3A_699 = arith.addi %add3A_338, %add3A_698 : i32
        %get3A_700 = arith.index_cast %add3A_699 : i32 to index
        %get3A_701 = arith.constant 112 : index
        %get3A_702 = tpu.vector_load %arg7[%get3A_700, %get3A_701] {strides = array<i32>} : memref<392x128xf32, #tpu.memory_space<vmem>>, vector<16xf32>,
        %mul3A_703 = arith.mulf %mul3A_342, %get3A_702 : vector<16xf32>
        %get3A_704 = arith.index_cast %add3A_350 : i32 to index
        %get3A_705 = arith.constant 48 : index
        %get3A_706 = tpu.vector_load %arg7[%get3A_704, %get3A_705] {strides = array<i32>} : memref<392x128xf32, #tpu.memory_space<vmem>>, vector<16xf32>,
        %mul3A_707 = arith.mulf %mul3A_351, %get3A_706 : vector<16xf32>
        %add3A_708 = arith.constant 196 : i32
        %add3A_709 = arith.addi %add3A_350, %add3A_708 : i32
        %get3A_710 = arith.index_cast %add3A_709 : i32 to index
        %get3A_711 = arith.constant 48 : index
        %get3A_712 = tpu.vector_load %arg7[%get3A_710, %get3A_711] {strides = array<i32>} : memref<392x128xf32, #tpu.memory_space<vmem>>, vector<16xf32>,
        %mul3A_713 = arith.mulf %mul3A_352, %get3A_712 : vector<16xf32>
        %get3A_714 = arith.index_cast %add3A_350 : i32 to index
        %get3A_715 = arith.constant 112 : index
        %get3A_716 = tpu.vector_load %arg7[%get3A_714, %get3A_715] {strides = array<i32>} : memref<392x128xf32, #tpu.memory_space<vmem>>, vector<16xf32>,
        %mul3A_717 = arith.mulf %mul3A_353, %get3A_716 : vector<16xf32>
        %add3A_718 = arith.constant 196 : i32
        %add3A_719 = arith.addi %add3A_350, %add3A_718 : i32
        %get3A_720 = arith.index_cast %add3A_719 : i32 to index
        %get3A_721 = arith.constant 112 : index
        %get3A_722 = tpu.vector_load %arg7[%get3A_720, %get3A_721] {strides = array<i32>} : memref<392x128xf32, #tpu.memory_space<vmem>>, vector<16xf32>,
        %mul3A_723 = arith.mulf %mul3A_354, %get3A_722 : vector<16xf32>
        %get3A_724 = arith.index_cast %add3A_362 : i32 to index
        %get3A_725 = arith.constant 48 : index
        %get3A_726 = tpu.vector_load %arg7[%get3A_724, %get3A_725] {strides = array<i32>} : memref<392x128xf32, #tpu.memory_space<vmem>>, vector<16xf32>,
        %mul3A_727 = arith.mulf %mul3A_363, %get3A_726 : vector<16xf32>
        %add3A_728 = arith.constant 196 : i32
        %add3A_729 = arith.addi %add3A_362, %add3A_728 : i32
        %get3A_730 = arith.index_cast %add3A_729 : i32 to index
        %get3A_731 = arith.constant 48 : index
        %get3A_732 = tpu.vector_load %arg7[%get3A_730, %get3A_731] {strides = array<i32>} : memref<392x128xf32, #tpu.memory_space<vmem>>, vector<16xf32>,
        %mul3A_733 = arith.mulf %mul3A_364, %get3A_732 : vector<16xf32>
        %get3A_734 = arith.index_cast %add3A_362 : i32 to index
        %get3A_735 = arith.constant 112 : index
        %get3A_736 = tpu.vector_load %arg7[%get3A_734, %get3A_735] {strides = array<i32>} : memref<392x128xf32, #tpu.memory_space<vmem>>, vector<16xf32>,
        %mul3A_737 = arith.mulf %mul3A_365, %get3A_736 : vector<16xf32>
        %add3A_738 = arith.constant 196 : i32
        %add3A_739 = arith.addi %add3A_362, %add3A_738 : i32
        %get3A_740 = arith.index_cast %add3A_739 : i32 to index
        %get3A_741 = arith.constant 112 : index
        %get3A_742 = tpu.vector_load %arg7[%get3A_740, %get3A_741] {strides = array<i32>} : memref<392x128xf32, #tpu.memory_space<vmem>>, vector<16xf32>,
        %mul3A_743 = arith.mulf %mul3A_366, %get3A_742 : vector<16xf32>
        %add3A_744 = arith.addf %mul3A_667, %mul3A_673 : vector<16xf32>
        %add3A_745 = arith.addf %mul3A_677, %mul3A_683 : vector<16xf32>
        %add3A_746 = arith.addf %mul3A_687, %mul3A_693 : vector<16xf32>
        %add3A_747 = arith.addf %mul3A_697, %mul3A_703 : vector<16xf32>
        %add3A_748 = arith.addf %mul3A_707, %mul3A_713 : vector<16xf32>
        %add3A_749 = arith.addf %mul3A_717, %mul3A_723 : vector<16xf32>
        %add3A_750 = arith.addf %mul3A_727, %mul3A_733 : vector<16xf32>
        %add3A_751 = arith.addf %mul3A_737, %mul3A_743 : vector<16xf32>
        %add3A_752 = arith.addf %add3A_744, %add3A_745 : vector<16xf32>
        %add3A_753 = arith.addf %add3A_746, %add3A_747 : vector<16xf32>
        %add3A_754 = arith.addf %add3A_748, %add3A_749 : vector<16xf32>
        %add3A_755 = arith.addf %add3A_750, %add3A_751 : vector<16xf32>
        %add3A_756 = arith.addf %add3A_752, %add3A_753 : vector<16xf32>
        %add3A_757 = arith.addf %add3A_754, %add3A_755 : vector<16xf32>
        %add3A_758 = arith.addf %add3A_756, %add3A_757 : vector<16xf32>
        %add3A_759 = arith.constant 0 : i32
        %add3A_760 = arith.addi %mul3A_286, %add3A_759 : i32
        %add3A_761 = vector.broadcast %add3A_760 : i32 to vector<16xi32>
        %add3A_762 = arith.addi %add3A_40, %add3A_761 : vector<16xi32>
        tpu.vector_store_idx %arg8[%add3A_762], %add3A_758 : memref<3136xf32, #tpu.memory_space<vmem>>[vector<16xi32>], vector<16xf32>,
        %broadcast_in_dim3A_763 = arith.constant 0 : i32
        %broadcast_in_dim3A_764 = vector.broadcast %broadcast_in_dim3A_763 : i32 to vector<16xi32>
        %add3A_765 = arith.constant 2 : i32
        %add3A_766 = vector.broadcast %add3A_765 : i32 to vector<16xi32>
        %add3A_767 = arith.addi %broadcast_in_dim3A_764, %add3A_766 : vector<16xi32>
        %broadcast_in_dim3A_768 = vector.shape_cast %add3A_767 : vector<16xi32> to vector<16x1xi32>
        %gather3A_769 = vector.shape_cast %broadcast_in_dim3A_768 : vector<16x1xi32> to vector<16xi32>
        %gather3A_770 = tpu.dynamic_gather %mul3A_171[%gather3A_769] in [0] : vector<16xf32>, vector<16xi32> -> vector<16xf32>
        %broadcast_in_dim3A_771 = arith.constant 0 : i32
        %broadcast_in_dim3A_772 = vector.broadcast %broadcast_in_dim3A_771 : i32 to vector<16xi32>
        %add3A_773 = arith.constant 2 : i32
        %add3A_774 = vector.broadcast %add3A_773 : i32 to vector<16xi32>
        %add3A_775 = arith.addi %broadcast_in_dim3A_772, %add3A_774 : vector<16xi32>
        %broadcast_in_dim3A_776 = vector.shape_cast %add3A_775 : vector<16xi32> to vector<16x1xi32>
        %gather3A_777 = vector.shape_cast %broadcast_in_dim3A_776 : vector<16x1xi32> to vector<16xi32>
        %gather3A_778 = tpu.dynamic_gather %mul3A_172[%gather3A_777] in [0] : vector<16xf32>, vector<16xi32> -> vector<16xf32>
        %broadcast_in_dim3A_779 = arith.constant 0 : i32
        %broadcast_in_dim3A_780 = vector.broadcast %broadcast_in_dim3A_779 : i32 to vector<16xi32>
        %add3A_781 = arith.constant 3 : i32
        %add3A_782 = vector.broadcast %add3A_781 : i32 to vector<16xi32>
        %add3A_783 = arith.addi %broadcast_in_dim3A_780, %add3A_782 : vector<16xi32>
        %broadcast_in_dim3A_784 = vector.shape_cast %add3A_783 : vector<16xi32> to vector<16x1xi32>
        %gather3A_785 = vector.shape_cast %broadcast_in_dim3A_784 : vector<16x1xi32> to vector<16xi32>
        %gather3A_786 = tpu.dynamic_gather %mul3A_171[%gather3A_785] in [0] : vector<16xf32>, vector<16xi32> -> vector<16xf32>
        %broadcast_in_dim3A_787 = arith.constant 0 : i32
        %broadcast_in_dim3A_788 = vector.broadcast %broadcast_in_dim3A_787 : i32 to vector<16xi32>
        %add3A_789 = arith.constant 3 : i32
        %add3A_790 = vector.broadcast %add3A_789 : i32 to vector<16xi32>
        %add3A_791 = arith.addi %broadcast_in_dim3A_788, %add3A_790 : vector<16xi32>
        %broadcast_in_dim3A_792 = vector.shape_cast %add3A_791 : vector<16xi32> to vector<16x1xi32>
        %gather3A_793 = vector.shape_cast %broadcast_in_dim3A_792 : vector<16x1xi32> to vector<16xi32>
        %gather3A_794 = tpu.dynamic_gather %mul3A_172[%gather3A_793] in [0] : vector<16xf32>, vector<16xi32> -> vector<16xf32>
        %add3A_795 = arith.constant 0 : i32
        %add3A_796 = arith.addi %mul3A_262, %add3A_795 : i32
        %mul3A_797 = arith.constant 14 : i32
        %mul3A_798 = arith.muli %add3A_796, %mul3A_797 : i32
        %add3A_799 = arith.constant 2 : i32
        %add3A_800 = arith.addi %mul3A_798, %add3A_799 : i32
        %add3A_801 = arith.constant 0 : i32
        %add3A_802 = arith.addi %add3A_800, %add3A_801 : i32
        %mul3A_803 = arith.mulf %gather3A_269, %gather3A_770 : vector<16xf32>
        %mul3A_804 = arith.mulf %gather3A_269, %gather3A_778 : vector<16xf32>
        %mul3A_805 = arith.mulf %gather3A_272, %gather3A_770 : vector<16xf32>
        %mul3A_806 = arith.mulf %gather3A_272, %gather3A_778 : vector<16xf32>
        %add3A_807 = arith.constant 0 : i32
        %add3A_808 = arith.addi %mul3A_262, %add3A_807 : i32
        %mul3A_809 = arith.constant 14 : i32
        %mul3A_810 = arith.muli %add3A_808, %mul3A_809 : i32
        %add3A_811 = arith.constant 2 : i32
        %add3A_812 = arith.addi %mul3A_810, %add3A_811 : i32
        %add3A_813 = arith.constant 1 : i32
        %add3A_814 = arith.addi %add3A_812, %add3A_813 : i32
        %mul3A_815 = arith.mulf %gather3A_269, %gather3A_786 : vector<16xf32>
        %mul3A_816 = arith.mulf %gather3A_269, %gather3A_794 : vector<16xf32>
        %mul3A_817 = arith.mulf %gather3A_272, %gather3A_786 : vector<16xf32>
        %mul3A_818 = arith.mulf %gather3A_272, %gather3A_794 : vector<16xf32>
        %add3A_819 = arith.constant 1 : i32
        %add3A_820 = arith.addi %mul3A_262, %add3A_819 : i32
        %mul3A_821 = arith.constant 14 : i32
        %mul3A_822 = arith.muli %add3A_820, %mul3A_821 : i32
        %add3A_823 = arith.constant 2 : i32
        %add3A_824 = arith.addi %mul3A_822, %add3A_823 : i32
        %add3A_825 = arith.constant 0 : i32
        %add3A_826 = arith.addi %add3A_824, %add3A_825 : i32
        %mul3A_827 = arith.mulf %gather3A_278, %gather3A_770 : vector<16xf32>
        %mul3A_828 = arith.mulf %gather3A_278, %gather3A_778 : vector<16xf32>
        %mul3A_829 = arith.mulf %gather3A_284, %gather3A_770 : vector<16xf32>
        %mul3A_830 = arith.mulf %gather3A_284, %gather3A_778 : vector<16xf32>
        %add3A_831 = arith.constant 1 : i32
        %add3A_832 = arith.addi %mul3A_262, %add3A_831 : i32
        %mul3A_833 = arith.constant 14 : i32
        %mul3A_834 = arith.muli %add3A_832, %mul3A_833 : i32
        %add3A_835 = arith.constant 2 : i32
        %add3A_836 = arith.addi %mul3A_834, %add3A_835 : i32
        %add3A_837 = arith.constant 1 : i32
        %add3A_838 = arith.addi %add3A_836, %add3A_837 : i32
        %mul3A_839 = arith.mulf %gather3A_278, %gather3A_786 : vector<16xf32>
        %mul3A_840 = arith.mulf %gather3A_278, %gather3A_794 : vector<16xf32>
        %mul3A_841 = arith.mulf %gather3A_284, %gather3A_786 : vector<16xf32>
        %mul3A_842 = arith.mulf %gather3A_284, %gather3A_794 : vector<16xf32>
        %get3A_843 = arith.index_cast %add3A_802 : i32 to index
        %get3A_844 = arith.constant 0 : index
        %get3A_845 = tpu.vector_load %arg7[%get3A_843, %get3A_844] {strides = array<i32>} : memref<392x128xf32, #tpu.memory_space<vmem>>, vector<16xf32>,
        %mul3A_846 = arith.mulf %mul3A_803, %get3A_845 : vector<16xf32>
        %add3A_847 = arith.constant 196 : i32
        %add3A_848 = arith.addi %add3A_802, %add3A_847 : i32
        %get3A_849 = arith.index_cast %add3A_848 : i32 to index
        %get3A_850 = arith.constant 0 : index
        %get3A_851 = tpu.vector_load %arg7[%get3A_849, %get3A_850] {strides = array<i32>} : memref<392x128xf32, #tpu.memory_space<vmem>>, vector<16xf32>,
        %mul3A_852 = arith.mulf %mul3A_804, %get3A_851 : vector<16xf32>
        %get3A_853 = arith.index_cast %add3A_802 : i32 to index
        %get3A_854 = arith.constant 64 : index
        %get3A_855 = tpu.vector_load %arg7[%get3A_853, %get3A_854] {strides = array<i32>} : memref<392x128xf32, #tpu.memory_space<vmem>>, vector<16xf32>,
        %mul3A_856 = arith.mulf %mul3A_805, %get3A_855 : vector<16xf32>
        %add3A_857 = arith.constant 196 : i32
        %add3A_858 = arith.addi %add3A_802, %add3A_857 : i32
        %get3A_859 = arith.index_cast %add3A_858 : i32 to index
        %get3A_860 = arith.constant 64 : index
        %get3A_861 = tpu.vector_load %arg7[%get3A_859, %get3A_860] {strides = array<i32>} : memref<392x128xf32, #tpu.memory_space<vmem>>, vector<16xf32>,
        %mul3A_862 = arith.mulf %mul3A_806, %get3A_861 : vector<16xf32>
        %get3A_863 = arith.index_cast %add3A_814 : i32 to index
        %get3A_864 = arith.constant 0 : index
        %get3A_865 = tpu.vector_load %arg7[%get3A_863, %get3A_864] {strides = array<i32>} : memref<392x128xf32, #tpu.memory_space<vmem>>, vector<16xf32>,
        %mul3A_866 = arith.mulf %mul3A_815, %get3A_865 : vector<16xf32>
        %add3A_867 = arith.constant 196 : i32
        %add3A_868 = arith.addi %add3A_814, %add3A_867 : i32
        %get3A_869 = arith.index_cast %add3A_868 : i32 to index
        %get3A_870 = arith.constant 0 : index
        %get3A_871 = tpu.vector_load %arg7[%get3A_869, %get3A_870] {strides = array<i32>} : memref<392x128xf32, #tpu.memory_space<vmem>>, vector<16xf32>,
        %mul3A_872 = arith.mulf %mul3A_816, %get3A_871 : vector<16xf32>
        %get3A_873 = arith.index_cast %add3A_814 : i32 to index
        %get3A_874 = arith.constant 64 : index
        %get3A_875 = tpu.vector_load %arg7[%get3A_873, %get3A_874] {strides = array<i32>} : memref<392x128xf32, #tpu.memory_space<vmem>>, vector<16xf32>,
        %mul3A_876 = arith.mulf %mul3A_817, %get3A_875 : vector<16xf32>
        %add3A_877 = arith.constant 196 : i32
        %add3A_878 = arith.addi %add3A_814, %add3A_877 : i32
        %get3A_879 = arith.index_cast %add3A_878 : i32 to index
        %get3A_880 = arith.constant 64 : index
        %get3A_881 = tpu.vector_load %arg7[%get3A_879, %get3A_880] {strides = array<i32>} : memref<392x128xf32, #tpu.memory_space<vmem>>, vector<16xf32>,
        %mul3A_882 = arith.mulf %mul3A_818, %get3A_881 : vector<16xf32>
        %get3A_883 = arith.index_cast %add3A_826 : i32 to index
        %get3A_884 = arith.constant 0 : index
        %get3A_885 = tpu.vector_load %arg7[%get3A_883, %get3A_884] {strides = array<i32>} : memref<392x128xf32, #tpu.memory_space<vmem>>, vector<16xf32>,
        %mul3A_886 = arith.mulf %mul3A_827, %get3A_885 : vector<16xf32>
        %add3A_887 = arith.constant 196 : i32
        %add3A_888 = arith.addi %add3A_826, %add3A_887 : i32
        %get3A_889 = arith.index_cast %add3A_888 : i32 to index
        %get3A_890 = arith.constant 0 : index
        %get3A_891 = tpu.vector_load %arg7[%get3A_889, %get3A_890] {strides = array<i32>} : memref<392x128xf32, #tpu.memory_space<vmem>>, vector<16xf32>,
        %mul3A_892 = arith.mulf %mul3A_828, %get3A_891 : vector<16xf32>
        %get3A_893 = arith.index_cast %add3A_826 : i32 to index
        %get3A_894 = arith.constant 64 : index
        %get3A_895 = tpu.vector_load %arg7[%get3A_893, %get3A_894] {strides = array<i32>} : memref<392x128xf32, #tpu.memory_space<vmem>>, vector<16xf32>,
        %mul3A_896 = arith.mulf %mul3A_829, %get3A_895 : vector<16xf32>
        %add3A_897 = arith.constant 196 : i32
        %add3A_898 = arith.addi %add3A_826, %add3A_897 : i32
        %get3A_899 = arith.index_cast %add3A_898 : i32 to index
        %get3A_900 = arith.constant 64 : index
        %get3A_901 = tpu.vector_load %arg7[%get3A_899, %get3A_900] {strides = array<i32>} : memref<392x128xf32, #tpu.memory_space<vmem>>, vector<16xf32>,
        %mul3A_902 = arith.mulf %mul3A_830, %get3A_901 : vector<16xf32>
        %get3A_903 = arith.index_cast %add3A_838 : i32 to index
        %get3A_904 = arith.constant 0 : index
        %get3A_905 = tpu.vector_load %arg7[%get3A_903, %get3A_904] {strides = array<i32>} : memref<392x128xf32, #tpu.memory_space<vmem>>, vector<16xf32>,
        %mul3A_906 = arith.mulf %mul3A_839, %get3A_905 : vector<16xf32>
        %add3A_907 = arith.constant 196 : i32
        %add3A_908 = arith.addi %add3A_838, %add3A_907 : i32
        %get3A_909 = arith.index_cast %add3A_908 : i32 to index
        %get3A_910 = arith.constant 0 : index
        %get3A_911 = tpu.vector_load %arg7[%get3A_909, %get3A_910] {strides = array<i32>} : memref<392x128xf32, #tpu.memory_space<vmem>>, vector<16xf32>,
        %mul3A_912 = arith.mulf %mul3A_840, %get3A_911 : vector<16xf32>
        %get3A_913 = arith.index_cast %add3A_838 : i32 to index
        %get3A_914 = arith.constant 64 : index
        %get3A_915 = tpu.vector_load %arg7[%get3A_913, %get3A_914] {strides = array<i32>} : memref<392x128xf32, #tpu.memory_space<vmem>>, vector<16xf32>,
        %mul3A_916 = arith.mulf %mul3A_841, %get3A_915 : vector<16xf32>
        %add3A_917 = arith.constant 196 : i32
        %add3A_918 = arith.addi %add3A_838, %add3A_917 : i32
        %get3A_919 = arith.index_cast %add3A_918 : i32 to index
        %get3A_920 = arith.constant 64 : index
        %get3A_921 = tpu.vector_load %arg7[%get3A_919, %get3A_920] {strides = array<i32>} : memref<392x128xf32, #tpu.memory_space<vmem>>, vector<16xf32>,
        %mul3A_922 = arith.mulf %mul3A_842, %get3A_921 : vector<16xf32>
        %add3A_923 = arith.addf %mul3A_846, %mul3A_852 : vector<16xf32>
        %add3A_924 = arith.addf %mul3A_856, %mul3A_862 : vector<16xf32>
        %add3A_925 = arith.addf %mul3A_866, %mul3A_872 : vector<16xf32>
        %add3A_926 = arith.addf %mul3A_876, %mul3A_882 : vector<16xf32>
        %add3A_927 = arith.addf %mul3A_886, %mul3A_892 : vector<16xf32>
        %add3A_928 = arith.addf %mul3A_896, %mul3A_902 : vector<16xf32>
        %add3A_929 = arith.addf %mul3A_906, %mul3A_912 : vector<16xf32>
        %add3A_930 = arith.addf %mul3A_916, %mul3A_922 : vector<16xf32>
        %add3A_931 = arith.addf %add3A_923, %add3A_924 : vector<16xf32>
        %add3A_932 = arith.addf %add3A_925, %add3A_926 : vector<16xf32>
        %add3A_933 = arith.addf %add3A_927, %add3A_928 : vector<16xf32>
        %add3A_934 = arith.addf %add3A_929, %add3A_930 : vector<16xf32>
        %add3A_935 = arith.addf %add3A_931, %add3A_932 : vector<16xf32>
        %add3A_936 = arith.addf %add3A_933, %add3A_934 : vector<16xf32>
        %add3A_937 = arith.addf %add3A_935, %add3A_936 : vector<16xf32>
        %add3A_938 = arith.constant 1 : i32
        %add3A_939 = arith.addi %mul3A_286, %add3A_938 : i32
        %add3A_940 = vector.broadcast %add3A_939 : i32 to vector<16xi32>
        %add3A_941 = arith.addi %add3A_22, %add3A_940 : vector<16xi32>
        tpu.vector_store_idx %arg8[%add3A_941], %add3A_937 : memref<3136xf32, #tpu.memory_space<vmem>>[vector<16xi32>], vector<16xf32>,
        %get3A_942 = arith.index_cast %add3A_802 : i32 to index
        %get3A_943 = arith.constant 16 : index
        %get3A_944 = tpu.vector_load %arg7[%get3A_942, %get3A_943] {strides = array<i32>} : memref<392x128xf32, #tpu.memory_space<vmem>>, vector<16xf32>,
        %mul3A_945 = arith.mulf %mul3A_803, %get3A_944 : vector<16xf32>
        %add3A_946 = arith.constant 196 : i32
        %add3A_947 = arith.addi %add3A_802, %add3A_946 : i32
        %get3A_948 = arith.index_cast %add3A_947 : i32 to index
        %get3A_949 = arith.constant 16 : index
        %get3A_950 = tpu.vector_load %arg7[%get3A_948, %get3A_949] {strides = array<i32>} : memref<392x128xf32, #tpu.memory_space<vmem>>, vector<16xf32>,
        %mul3A_951 = arith.mulf %mul3A_804, %get3A_950 : vector<16xf32>
        %get3A_952 = arith.index_cast %add3A_802 : i32 to index
        %get3A_953 = arith.constant 80 : index
        %get3A_954 = tpu.vector_load %arg7[%get3A_952, %get3A_953] {strides = array<i32>} : memref<392x128xf32, #tpu.memory_space<vmem>>, vector<16xf32>,
        %mul3A_955 = arith.mulf %mul3A_805, %get3A_954 : vector<16xf32>
        %add3A_956 = arith.constant 196 : i32
        %add3A_957 = arith.addi %add3A_802, %add3A_956 : i32
        %get3A_958 = arith.index_cast %add3A_957 : i32 to index
        %get3A_959 = arith.constant 80 : index
        %get3A_960 = tpu.vector_load %arg7[%get3A_958, %get3A_959] {strides = array<i32>} : memref<392x128xf32, #tpu.memory_space<vmem>>, vector<16xf32>,
        %mul3A_961 = arith.mulf %mul3A_806, %get3A_960 : vector<16xf32>
        %get3A_962 = arith.index_cast %add3A_814 : i32 to index
        %get3A_963 = arith.constant 16 : index
        %get3A_964 = tpu.vector_load %arg7[%get3A_962, %get3A_963] {strides = array<i32>} : memref<392x128xf32, #tpu.memory_space<vmem>>, vector<16xf32>,
        %mul3A_965 = arith.mulf %mul3A_815, %get3A_964 : vector<16xf32>
        %add3A_966 = arith.constant 196 : i32
        %add3A_967 = arith.addi %add3A_814, %add3A_966 : i32
        %get3A_968 = arith.index_cast %add3A_967 : i32 to index
        %get3A_969 = arith.constant 16 : index
        %get3A_970 = tpu.vector_load %arg7[%get3A_968, %get3A_969] {strides = array<i32>} : memref<392x128xf32, #tpu.memory_space<vmem>>, vector<16xf32>,
        %mul3A_971 = arith.mulf %mul3A_816, %get3A_970 : vector<16xf32>
        %get3A_972 = arith.index_cast %add3A_814 : i32 to index
        %get3A_973 = arith.constant 80 : index
        %get3A_974 = tpu.vector_load %arg7[%get3A_972, %get3A_973] {strides = array<i32>} : memref<392x128xf32, #tpu.memory_space<vmem>>, vector<16xf32>,
        %mul3A_975 = arith.mulf %mul3A_817, %get3A_974 : vector<16xf32>
        %add3A_976 = arith.constant 196 : i32
        %add3A_977 = arith.addi %add3A_814, %add3A_976 : i32
        %get3A_978 = arith.index_cast %add3A_977 : i32 to index
        %get3A_979 = arith.constant 80 : index
        %get3A_980 = tpu.vector_load %arg7[%get3A_978, %get3A_979] {strides = array<i32>} : memref<392x128xf32, #tpu.memory_space<vmem>>, vector<16xf32>,
        %mul3A_981 = arith.mulf %mul3A_818, %get3A_980 : vector<16xf32>
        %get3A_982 = arith.index_cast %add3A_826 : i32 to index
        %get3A_983 = arith.constant 16 : index
        %get3A_984 = tpu.vector_load %arg7[%get3A_982, %get3A_983] {strides = array<i32>} : memref<392x128xf32, #tpu.memory_space<vmem>>, vector<16xf32>,
        %mul3A_985 = arith.mulf %mul3A_827, %get3A_984 : vector<16xf32>
        %add3A_986 = arith.constant 196 : i32
        %add3A_987 = arith.addi %add3A_826, %add3A_986 : i32
        %get3A_988 = arith.index_cast %add3A_987 : i32 to index
        %get3A_989 = arith.constant 16 : index
        %get3A_990 = tpu.vector_load %arg7[%get3A_988, %get3A_989] {strides = array<i32>} : memref<392x128xf32, #tpu.memory_space<vmem>>, vector<16xf32>,
        %mul3A_991 = arith.mulf %mul3A_828, %get3A_990 : vector<16xf32>
        %get3A_992 = arith.index_cast %add3A_826 : i32 to index
        %get3A_993 = arith.constant 80 : index
        %get3A_994 = tpu.vector_load %arg7[%get3A_992, %get3A_993] {strides = array<i32>} : memref<392x128xf32, #tpu.memory_space<vmem>>, vector<16xf32>,
        %mul3A_995 = arith.mulf %mul3A_829, %get3A_994 : vector<16xf32>
        %add3A_996 = arith.constant 196 : i32
        %add3A_997 = arith.addi %add3A_826, %add3A_996 : i32
        %get3A_998 = arith.index_cast %add3A_997 : i32 to index
        %get3A_999 = arith.constant 80 : index
        %get3A_1000 = tpu.vector_load %arg7[%get3A_998, %get3A_999] {strides = array<i32>} : memref<392x128xf32, #tpu.memory_space<vmem>>, vector<16xf32>,
        %mul3A_1001 = arith.mulf %mul3A_830, %get3A_1000 : vector<16xf32>
        %get3A_1002 = arith.index_cast %add3A_838 : i32 to index
        %get3A_1003 = arith.constant 16 : index
        %get3A_1004 = tpu.vector_load %arg7[%get3A_1002, %get3A_1003] {strides = array<i32>} : memref<392x128xf32, #tpu.memory_space<vmem>>, vector<16xf32>,
        %mul3A_1005 = arith.mulf %mul3A_839, %get3A_1004 : vector<16xf32>
        %add3A_1006 = arith.constant 196 : i32
        %add3A_1007 = arith.addi %add3A_838, %add3A_1006 : i32
        %get3A_1008 = arith.index_cast %add3A_1007 : i32 to index
        %get3A_1009 = arith.constant 16 : index
        %get3A_1010 = tpu.vector_load %arg7[%get3A_1008, %get3A_1009] {strides = array<i32>} : memref<392x128xf32, #tpu.memory_space<vmem>>, vector<16xf32>,
        %mul3A_1011 = arith.mulf %mul3A_840, %get3A_1010 : vector<16xf32>
        %get3A_1012 = arith.index_cast %add3A_838 : i32 to index
        %get3A_1013 = arith.constant 80 : index
        %get3A_1014 = tpu.vector_load %arg7[%get3A_1012, %get3A_1013] {strides = array<i32>} : memref<392x128xf32, #tpu.memory_space<vmem>>, vector<16xf32>,
        %mul3A_1015 = arith.mulf %mul3A_841, %get3A_1014 : vector<16xf32>
        %add3A_1016 = arith.constant 196 : i32
        %add3A_1017 = arith.addi %add3A_838, %add3A_1016 : i32
        %get3A_1018 = arith.index_cast %add3A_1017 : i32 to index
        %get3A_1019 = arith.constant 80 : index
        %get3A_1020 = tpu.vector_load %arg7[%get3A_1018, %get3A_1019] {strides = array<i32>} : memref<392x128xf32, #tpu.memory_space<vmem>>, vector<16xf32>,
        %mul3A_1021 = arith.mulf %mul3A_842, %get3A_1020 : vector<16xf32>
        %add3A_1022 = arith.addf %mul3A_945, %mul3A_951 : vector<16xf32>
        %add3A_1023 = arith.addf %mul3A_955, %mul3A_961 : vector<16xf32>
        %add3A_1024 = arith.addf %mul3A_965, %mul3A_971 : vector<16xf32>
        %add3A_1025 = arith.addf %mul3A_975, %mul3A_981 : vector<16xf32>
        %add3A_1026 = arith.addf %mul3A_985, %mul3A_991 : vector<16xf32>
        %add3A_1027 = arith.addf %mul3A_995, %mul3A_1001 : vector<16xf32>
        %add3A_1028 = arith.addf %mul3A_1005, %mul3A_1011 : vector<16xf32>
        %add3A_1029 = arith.addf %mul3A_1015, %mul3A_1021 : vector<16xf32>
        %add3A_1030 = arith.addf %add3A_1022, %add3A_1023 : vector<16xf32>
        %add3A_1031 = arith.addf %add3A_1024, %add3A_1025 : vector<16xf32>
        %add3A_1032 = arith.addf %add3A_1026, %add3A_1027 : vector<16xf32>
        %add3A_1033 = arith.addf %add3A_1028, %add3A_1029 : vector<16xf32>
        %add3A_1034 = arith.addf %add3A_1030, %add3A_1031 : vector<16xf32>
        %add3A_1035 = arith.addf %add3A_1032, %add3A_1033 : vector<16xf32>
        %add3A_1036 = arith.addf %add3A_1034, %add3A_1035 : vector<16xf32>
        %add3A_1037 = arith.constant 1 : i32
        %add3A_1038 = arith.addi %mul3A_286, %add3A_1037 : i32
        %add3A_1039 = vector.broadcast %add3A_1038 : i32 to vector<16xi32>
        %add3A_1040 = arith.addi %add3A_28, %add3A_1039 : vector<16xi32>
        tpu.vector_store_idx %arg8[%add3A_1040], %add3A_1036 : memref<3136xf32, #tpu.memory_space<vmem>>[vector<16xi32>], vector<16xf32>,
        %get3A_1041 = arith.index_cast %add3A_802 : i32 to index
        %get3A_1042 = arith.constant 32 : index
        %get3A_1043 = tpu.vector_load %arg7[%get3A_1041, %get3A_1042] {strides = array<i32>} : memref<392x128xf32, #tpu.memory_space<vmem>>, vector<16xf32>,
        %mul3A_1044 = arith.mulf %mul3A_803, %get3A_1043 : vector<16xf32>
        %add3A_1045 = arith.constant 196 : i32
        %add3A_1046 = arith.addi %add3A_802, %add3A_1045 : i32
        %get3A_1047 = arith.index_cast %add3A_1046 : i32 to index
        %get3A_1048 = arith.constant 32 : index
        %get3A_1049 = tpu.vector_load %arg7[%get3A_1047, %get3A_1048] {strides = array<i32>} : memref<392x128xf32, #tpu.memory_space<vmem>>, vector<16xf32>,
        %mul3A_1050 = arith.mulf %mul3A_804, %get3A_1049 : vector<16xf32>
        %get3A_1051 = arith.index_cast %add3A_802 : i32 to index
        %get3A_1052 = arith.constant 96 : index
        %get3A_1053 = tpu.vector_load %arg7[%get3A_1051, %get3A_1052] {strides = array<i32>} : memref<392x128xf32, #tpu.memory_space<vmem>>, vector<16xf32>,
        %mul3A_1054 = arith.mulf %mul3A_805, %get3A_1053 : vector<16xf32>
        %add3A_1055 = arith.constant 196 : i32
        %add3A_1056 = arith.addi %add3A_802, %add3A_1055 : i32
        %get3A_1057 = arith.index_cast %add3A_1056 : i32 to index
        %get3A_1058 = arith.constant 96 : index
        %get3A_1059 = tpu.vector_load %arg7[%get3A_1057, %get3A_1058] {strides = array<i32>} : memref<392x128xf32, #tpu.memory_space<vmem>>, vector<16xf32>,
        %mul3A_1060 = arith.mulf %mul3A_806, %get3A_1059 : vector<16xf32>
        %get3A_1061 = arith.index_cast %add3A_814 : i32 to index
        %get3A_1062 = arith.constant 32 : index
        %get3A_1063 = tpu.vector_load %arg7[%get3A_1061, %get3A_1062] {strides = array<i32>} : memref<392x128xf32, #tpu.memory_space<vmem>>, vector<16xf32>,
        %mul3A_1064 = arith.mulf %mul3A_815, %get3A_1063 : vector<16xf32>
        %add3A_1065 = arith.constant 196 : i32
        %add3A_1066 = arith.addi %add3A_814, %add3A_1065 : i32
        %get3A_1067 = arith.index_cast %add3A_1066 : i32 to index
        %get3A_1068 = arith.constant 32 : index
        %get3A_1069 = tpu.vector_load %arg7[%get3A_1067, %get3A_1068] {strides = array<i32>} : memref<392x128xf32, #tpu.memory_space<vmem>>, vector<16xf32>,
        %mul3A_1070 = arith.mulf %mul3A_816, %get3A_1069 : vector<16xf32>
        %get3A_1071 = arith.index_cast %add3A_814 : i32 to index
        %get3A_1072 = arith.constant 96 : index
        %get3A_1073 = tpu.vector_load %arg7[%get3A_1071, %get3A_1072] {strides = array<i32>} : memref<392x128xf32, #tpu.memory_space<vmem>>, vector<16xf32>,
        %mul3A_1074 = arith.mulf %mul3A_817, %get3A_1073 : vector<16xf32>
        %add3A_1075 = arith.constant 196 : i32
        %add3A_1076 = arith.addi %add3A_814, %add3A_1075 : i32
        %get3A_1077 = arith.index_cast %add3A_1076 : i32 to index
        %get3A_1078 = arith.constant 96 : index
        %get3A_1079 = tpu.vector_load %arg7[%get3A_1077, %get3A_1078] {strides = array<i32>} : memref<392x128xf32, #tpu.memory_space<vmem>>, vector<16xf32>,
        %mul3A_1080 = arith.mulf %mul3A_818, %get3A_1079 : vector<16xf32>
        %get3A_1081 = arith.index_cast %add3A_826 : i32 to index
        %get3A_1082 = arith.constant 32 : index
        %get3A_1083 = tpu.vector_load %arg7[%get3A_1081, %get3A_1082] {strides = array<i32>} : memref<392x128xf32, #tpu.memory_space<vmem>>, vector<16xf32>,
        %mul3A_1084 = arith.mulf %mul3A_827, %get3A_1083 : vector<16xf32>
        %add3A_1085 = arith.constant 196 : i32
        %add3A_1086 = arith.addi %add3A_826, %add3A_1085 : i32
        %get3A_1087 = arith.index_cast %add3A_1086 : i32 to index
        %get3A_1088 = arith.constant 32 : index
        %get3A_1089 = tpu.vector_load %arg7[%get3A_1087, %get3A_1088] {strides = array<i32>} : memref<392x128xf32, #tpu.memory_space<vmem>>, vector<16xf32>,
        %mul3A_1090 = arith.mulf %mul3A_828, %get3A_1089 : vector<16xf32>
        %get3A_1091 = arith.index_cast %add3A_826 : i32 to index
        %get3A_1092 = arith.constant 96 : index
        %get3A_1093 = tpu.vector_load %arg7[%get3A_1091, %get3A_1092] {strides = array<i32>} : memref<392x128xf32, #tpu.memory_space<vmem>>, vector<16xf32>,
        %mul3A_1094 = arith.mulf %mul3A_829, %get3A_1093 : vector<16xf32>
        %add3A_1095 = arith.constant 196 : i32
        %add3A_1096 = arith.addi %add3A_826, %add3A_1095 : i32
        %get3A_1097 = arith.index_cast %add3A_1096 : i32 to index
        %get3A_1098 = arith.constant 96 : index
        %get3A_1099 = tpu.vector_load %arg7[%get3A_1097, %get3A_1098] {strides = array<i32>} : memref<392x128xf32, #tpu.memory_space<vmem>>, vector<16xf32>,
        %mul3A_1100 = arith.mulf %mul3A_830, %get3A_1099 : vector<16xf32>
        %get3A_1101 = arith.index_cast %add3A_838 : i32 to index
        %get3A_1102 = arith.constant 32 : index
        %get3A_1103 = tpu.vector_load %arg7[%get3A_1101, %get3A_1102] {strides = array<i32>} : memref<392x128xf32, #tpu.memory_space<vmem>>, vector<16xf32>,
        %mul3A_1104 = arith.mulf %mul3A_839, %get3A_1103 : vector<16xf32>
        %add3A_1105 = arith.constant 196 : i32
        %add3A_1106 = arith.addi %add3A_838, %add3A_1105 : i32
        %get3A_1107 = arith.index_cast %add3A_1106 : i32 to index
        %get3A_1108 = arith.constant 32 : index
        %get3A_1109 = tpu.vector_load %arg7[%get3A_1107, %get3A_1108] {strides = array<i32>} : memref<392x128xf32, #tpu.memory_space<vmem>>, vector<16xf32>,
        %mul3A_1110 = arith.mulf %mul3A_840, %get3A_1109 : vector<16xf32>
        %get3A_1111 = arith.index_cast %add3A_838 : i32 to index
        %get3A_1112 = arith.constant 96 : index
        %get3A_1113 = tpu.vector_load %arg7[%get3A_1111, %get3A_1112] {strides = array<i32>} : memref<392x128xf32, #tpu.memory_space<vmem>>, vector<16xf32>,
        %mul3A_1114 = arith.mulf %mul3A_841, %get3A_1113 : vector<16xf32>
        %add3A_1115 = arith.constant 196 : i32
        %add3A_1116 = arith.addi %add3A_838, %add3A_1115 : i32
        %get3A_1117 = arith.index_cast %add3A_1116 : i32 to index
        %get3A_1118 = arith.constant 96 : index
        %get3A_1119 = tpu.vector_load %arg7[%get3A_1117, %get3A_1118] {strides = array<i32>} : memref<392x128xf32, #tpu.memory_space<vmem>>, vector<16xf32>,
        %mul3A_1120 = arith.mulf %mul3A_842, %get3A_1119 : vector<16xf32>
        %add3A_1121 = arith.addf %mul3A_1044, %mul3A_1050 : vector<16xf32>
        %add3A_1122 = arith.addf %mul3A_1054, %mul3A_1060 : vector<16xf32>
        %add3A_1123 = arith.addf %mul3A_1064, %mul3A_1070 : vector<16xf32>
        %add3A_1124 = arith.addf %mul3A_1074, %mul3A_1080 : vector<16xf32>
        %add3A_1125 = arith.addf %mul3A_1084, %mul3A_1090 : vector<16xf32>
        %add3A_1126 = arith.addf %mul3A_1094, %mul3A_1100 : vector<16xf32>
        %add3A_1127 = arith.addf %mul3A_1104, %mul3A_1110 : vector<16xf32>
        %add3A_1128 = arith.addf %mul3A_1114, %mul3A_1120 : vector<16xf32>
        %add3A_1129 = arith.addf %add3A_1121, %add3A_1122 : vector<16xf32>
        %add3A_1130 = arith.addf %add3A_1123, %add3A_1124 : vector<16xf32>
        %add3A_1131 = arith.addf %add3A_1125, %add3A_1126 : vector<16xf32>
        %add3A_1132 = arith.addf %add3A_1127, %add3A_1128 : vector<16xf32>
        %add3A_1133 = arith.addf %add3A_1129, %add3A_1130 : vector<16xf32>
        %add3A_1134 = arith.addf %add3A_1131, %add3A_1132 : vector<16xf32>
        %add3A_1135 = arith.addf %add3A_1133, %add3A_1134 : vector<16xf32>
        %add3A_1136 = arith.constant 1 : i32
        %add3A_1137 = arith.addi %mul3A_286, %add3A_1136 : i32
        %add3A_1138 = vector.broadcast %add3A_1137 : i32 to vector<16xi32>
        %add3A_1139 = arith.addi %add3A_34, %add3A_1138 : vector<16xi32>
        tpu.vector_store_idx %arg8[%add3A_1139], %add3A_1135 : memref<3136xf32, #tpu.memory_space<vmem>>[vector<16xi32>], vector<16xf32>,
        %get3A_1140 = arith.index_cast %add3A_802 : i32 to index
        %get3A_1141 = arith.constant 48 : index
        %get3A_1142 = tpu.vector_load %arg7[%get3A_1140, %get3A_1141] {strides = array<i32>} : memref<392x128xf32, #tpu.memory_space<vmem>>, vector<16xf32>,
        %mul3A_1143 = arith.mulf %mul3A_803, %get3A_1142 : vector<16xf32>
        %add3A_1144 = arith.constant 196 : i32
        %add3A_1145 = arith.addi %add3A_802, %add3A_1144 : i32
        %get3A_1146 = arith.index_cast %add3A_1145 : i32 to index
        %get3A_1147 = arith.constant 48 : index
        %get3A_1148 = tpu.vector_load %arg7[%get3A_1146, %get3A_1147] {strides = array<i32>} : memref<392x128xf32, #tpu.memory_space<vmem>>, vector<16xf32>,
        %mul3A_1149 = arith.mulf %mul3A_804, %get3A_1148 : vector<16xf32>
        %get3A_1150 = arith.index_cast %add3A_802 : i32 to index
        %get3A_1151 = arith.constant 112 : index
        %get3A_1152 = tpu.vector_load %arg7[%get3A_1150, %get3A_1151] {strides = array<i32>} : memref<392x128xf32, #tpu.memory_space<vmem>>, vector<16xf32>,
        %mul3A_1153 = arith.mulf %mul3A_805, %get3A_1152 : vector<16xf32>
        %add3A_1154 = arith.constant 196 : i32
        %add3A_1155 = arith.addi %add3A_802, %add3A_1154 : i32
        %get3A_1156 = arith.index_cast %add3A_1155 : i32 to index
        %get3A_1157 = arith.constant 112 : index
        %get3A_1158 = tpu.vector_load %arg7[%get3A_1156, %get3A_1157] {strides = array<i32>} : memref<392x128xf32, #tpu.memory_space<vmem>>, vector<16xf32>,
        %mul3A_1159 = arith.mulf %mul3A_806, %get3A_1158 : vector<16xf32>
        %get3A_1160 = arith.index_cast %add3A_814 : i32 to index
        %get3A_1161 = arith.constant 48 : index
        %get3A_1162 = tpu.vector_load %arg7[%get3A_1160, %get3A_1161] {strides = array<i32>} : memref<392x128xf32, #tpu.memory_space<vmem>>, vector<16xf32>,
        %mul3A_1163 = arith.mulf %mul3A_815, %get3A_1162 : vector<16xf32>
        %add3A_1164 = arith.constant 196 : i32
        %add3A_1165 = arith.addi %add3A_814, %add3A_1164 : i32
        %get3A_1166 = arith.index_cast %add3A_1165 : i32 to index
        %get3A_1167 = arith.constant 48 : index
        %get3A_1168 = tpu.vector_load %arg7[%get3A_1166, %get3A_1167] {strides = array<i32>} : memref<392x128xf32, #tpu.memory_space<vmem>>, vector<16xf32>,
        %mul3A_1169 = arith.mulf %mul3A_816, %get3A_1168 : vector<16xf32>
        %get3A_1170 = arith.index_cast %add3A_814 : i32 to index
        %get3A_1171 = arith.constant 112 : index
        %get3A_1172 = tpu.vector_load %arg7[%get3A_1170, %get3A_1171] {strides = array<i32>} : memref<392x128xf32, #tpu.memory_space<vmem>>, vector<16xf32>,
        %mul3A_1173 = arith.mulf %mul3A_817, %get3A_1172 : vector<16xf32>
        %add3A_1174 = arith.constant 196 : i32
        %add3A_1175 = arith.addi %add3A_814, %add3A_1174 : i32
        %get3A_1176 = arith.index_cast %add3A_1175 : i32 to index
        %get3A_1177 = arith.constant 112 : index
        %get3A_1178 = tpu.vector_load %arg7[%get3A_1176, %get3A_1177] {strides = array<i32>} : memref<392x128xf32, #tpu.memory_space<vmem>>, vector<16xf32>,
        %mul3A_1179 = arith.mulf %mul3A_818, %get3A_1178 : vector<16xf32>
        %get3A_1180 = arith.index_cast %add3A_826 : i32 to index
        %get3A_1181 = arith.constant 48 : index
        %get3A_1182 = tpu.vector_load %arg7[%get3A_1180, %get3A_1181] {strides = array<i32>} : memref<392x128xf32, #tpu.memory_space<vmem>>, vector<16xf32>,
        %mul3A_1183 = arith.mulf %mul3A_827, %get3A_1182 : vector<16xf32>
        %add3A_1184 = arith.constant 196 : i32
        %add3A_1185 = arith.addi %add3A_826, %add3A_1184 : i32
        %get3A_1186 = arith.index_cast %add3A_1185 : i32 to index
        %get3A_1187 = arith.constant 48 : index
        %get3A_1188 = tpu.vector_load %arg7[%get3A_1186, %get3A_1187] {strides = array<i32>} : memref<392x128xf32, #tpu.memory_space<vmem>>, vector<16xf32>,
        %mul3A_1189 = arith.mulf %mul3A_828, %get3A_1188 : vector<16xf32>
        %get3A_1190 = arith.index_cast %add3A_826 : i32 to index
        %get3A_1191 = arith.constant 112 : index
        %get3A_1192 = tpu.vector_load %arg7[%get3A_1190, %get3A_1191] {strides = array<i32>} : memref<392x128xf32, #tpu.memory_space<vmem>>, vector<16xf32>,
        %mul3A_1193 = arith.mulf %mul3A_829, %get3A_1192 : vector<16xf32>
        %add3A_1194 = arith.constant 196 : i32
        %add3A_1195 = arith.addi %add3A_826, %add3A_1194 : i32
        %get3A_1196 = arith.index_cast %add3A_1195 : i32 to index
        %get3A_1197 = arith.constant 112 : index
        %get3A_1198 = tpu.vector_load %arg7[%get3A_1196, %get3A_1197] {strides = array<i32>} : memref<392x128xf32, #tpu.memory_space<vmem>>, vector<16xf32>,
        %mul3A_1199 = arith.mulf %mul3A_830, %get3A_1198 : vector<16xf32>
        %get3A_1200 = arith.index_cast %add3A_838 : i32 to index
        %get3A_1201 = arith.constant 48 : index
        %get3A_1202 = tpu.vector_load %arg7[%get3A_1200, %get3A_1201] {strides = array<i32>} : memref<392x128xf32, #tpu.memory_space<vmem>>, vector<16xf32>,
        %mul3A_1203 = arith.mulf %mul3A_839, %get3A_1202 : vector<16xf32>
        %add3A_1204 = arith.constant 196 : i32
        %add3A_1205 = arith.addi %add3A_838, %add3A_1204 : i32
        %get3A_1206 = arith.index_cast %add3A_1205 : i32 to index
        %get3A_1207 = arith.constant 48 : index
        %get3A_1208 = tpu.vector_load %arg7[%get3A_1206, %get3A_1207] {strides = array<i32>} : memref<392x128xf32, #tpu.memory_space<vmem>>, vector<16xf32>,
        %mul3A_1209 = arith.mulf %mul3A_840, %get3A_1208 : vector<16xf32>
        %get3A_1210 = arith.index_cast %add3A_838 : i32 to index
        %get3A_1211 = arith.constant 112 : index
        %get3A_1212 = tpu.vector_load %arg7[%get3A_1210, %get3A_1211] {strides = array<i32>} : memref<392x128xf32, #tpu.memory_space<vmem>>, vector<16xf32>,
        %mul3A_1213 = arith.mulf %mul3A_841, %get3A_1212 : vector<16xf32>
        %add3A_1214 = arith.constant 196 : i32
        %add3A_1215 = arith.addi %add3A_838, %add3A_1214 : i32
        %get3A_1216 = arith.index_cast %add3A_1215 : i32 to index
        %get3A_1217 = arith.constant 112 : index
        %get3A_1218 = tpu.vector_load %arg7[%get3A_1216, %get3A_1217] {strides = array<i32>} : memref<392x128xf32, #tpu.memory_space<vmem>>, vector<16xf32>,
        %mul3A_1219 = arith.mulf %mul3A_842, %get3A_1218 : vector<16xf32>
        %add3A_1220 = arith.addf %mul3A_1143, %mul3A_1149 : vector<16xf32>
        %add3A_1221 = arith.addf %mul3A_1153, %mul3A_1159 : vector<16xf32>
        %add3A_1222 = arith.addf %mul3A_1163, %mul3A_1169 : vector<16xf32>
        %add3A_1223 = arith.addf %mul3A_1173, %mul3A_1179 : vector<16xf32>
        %add3A_1224 = arith.addf %mul3A_1183, %mul3A_1189 : vector<16xf32>
        %add3A_1225 = arith.addf %mul3A_1193, %mul3A_1199 : vector<16xf32>
        %add3A_1226 = arith.addf %mul3A_1203, %mul3A_1209 : vector<16xf32>
        %add3A_1227 = arith.addf %mul3A_1213, %mul3A_1219 : vector<16xf32>
        %add3A_1228 = arith.addf %add3A_1220, %add3A_1221 : vector<16xf32>
        %add3A_1229 = arith.addf %add3A_1222, %add3A_1223 : vector<16xf32>
        %add3A_1230 = arith.addf %add3A_1224, %add3A_1225 : vector<16xf32>
        %add3A_1231 = arith.addf %add3A_1226, %add3A_1227 : vector<16xf32>
        %add3A_1232 = arith.addf %add3A_1228, %add3A_1229 : vector<16xf32>
        %add3A_1233 = arith.addf %add3A_1230, %add3A_1231 : vector<16xf32>
        %add3A_1234 = arith.addf %add3A_1232, %add3A_1233 : vector<16xf32>
        %add3A_1235 = arith.constant 1 : i32
        %add3A_1236 = arith.addi %mul3A_286, %add3A_1235 : i32
        %add3A_1237 = vector.broadcast %add3A_1236 : i32 to vector<16xi32>
        %add3A_1238 = arith.addi %add3A_40, %add3A_1237 : vector<16xi32>
        tpu.vector_store_idx %arg8[%add3A_1238], %add3A_1234 : memref<3136xf32, #tpu.memory_space<vmem>>[vector<16xi32>], vector<16xf32>,
        %broadcast_in_dim3A_1239 = arith.constant 0 : i32
        %broadcast_in_dim3A_1240 = vector.broadcast %broadcast_in_dim3A_1239 : i32 to vector<16xi32>
        %add3A_1241 = arith.constant 4 : i32
        %add3A_1242 = vector.broadcast %add3A_1241 : i32 to vector<16xi32>
        %add3A_1243 = arith.addi %broadcast_in_dim3A_1240, %add3A_1242 : vector<16xi32>
        %broadcast_in_dim3A_1244 = vector.shape_cast %add3A_1243 : vector<16xi32> to vector<16x1xi32>
        %gather3A_1245 = vector.shape_cast %broadcast_in_dim3A_1244 : vector<16x1xi32> to vector<16xi32>
        %gather3A_1246 = tpu.dynamic_gather %mul3A_171[%gather3A_1245] in [0] : vector<16xf32>, vector<16xi32> -> vector<16xf32>
        %broadcast_in_dim3A_1247 = arith.constant 0 : i32
        %broadcast_in_dim3A_1248 = vector.broadcast %broadcast_in_dim3A_1247 : i32 to vector<16xi32>
        %add3A_1249 = arith.constant 4 : i32
        %add3A_1250 = vector.broadcast %add3A_1249 : i32 to vector<16xi32>
        %add3A_1251 = arith.addi %broadcast_in_dim3A_1248, %add3A_1250 : vector<16xi32>
        %broadcast_in_dim3A_1252 = vector.shape_cast %add3A_1251 : vector<16xi32> to vector<16x1xi32>
        %gather3A_1253 = vector.shape_cast %broadcast_in_dim3A_1252 : vector<16x1xi32> to vector<16xi32>
        %gather3A_1254 = tpu.dynamic_gather %mul3A_172[%gather3A_1253] in [0] : vector<16xf32>, vector<16xi32> -> vector<16xf32>
        %broadcast_in_dim3A_1255 = arith.constant 0 : i32
        %broadcast_in_dim3A_1256 = vector.broadcast %broadcast_in_dim3A_1255 : i32 to vector<16xi32>
        %add3A_1257 = arith.constant 5 : i32
        %add3A_1258 = vector.broadcast %add3A_1257 : i32 to vector<16xi32>
        %add3A_1259 = arith.addi %broadcast_in_dim3A_1256, %add3A_1258 : vector<16xi32>
        %broadcast_in_dim3A_1260 = vector.shape_cast %add3A_1259 : vector<16xi32> to vector<16x1xi32>
        %gather3A_1261 = vector.shape_cast %broadcast_in_dim3A_1260 : vector<16x1xi32> to vector<16xi32>
        %gather3A_1262 = tpu.dynamic_gather %mul3A_171[%gather3A_1261] in [0] : vector<16xf32>, vector<16xi32> -> vector<16xf32>
        %broadcast_in_dim3A_1263 = arith.constant 0 : i32
        %broadcast_in_dim3A_1264 = vector.broadcast %broadcast_in_dim3A_1263 : i32 to vector<16xi32>
        %add3A_1265 = arith.constant 5 : i32
        %add3A_1266 = vector.broadcast %add3A_1265 : i32 to vector<16xi32>
        %add3A_1267 = arith.addi %broadcast_in_dim3A_1264, %add3A_1266 : vector<16xi32>
        %broadcast_in_dim3A_1268 = vector.shape_cast %add3A_1267 : vector<16xi32> to vector<16x1xi32>
        %gather3A_1269 = vector.shape_cast %broadcast_in_dim3A_1268 : vector<16x1xi32> to vector<16xi32>
        %gather3A_1270 = tpu.dynamic_gather %mul3A_172[%gather3A_1269] in [0] : vector<16xf32>, vector<16xi32> -> vector<16xf32>
        %add3A_1271 = arith.constant 0 : i32
        %add3A_1272 = arith.addi %mul3A_262, %add3A_1271 : i32
        %mul3A_1273 = arith.constant 14 : i32
        %mul3A_1274 = arith.muli %add3A_1272, %mul3A_1273 : i32
        %add3A_1275 = arith.constant 4 : i32
        %add3A_1276 = arith.addi %mul3A_1274, %add3A_1275 : i32
        %add3A_1277 = arith.constant 0 : i32
        %add3A_1278 = arith.addi %add3A_1276, %add3A_1277 : i32
        %mul3A_1279 = arith.mulf %gather3A_269, %gather3A_1246 : vector<16xf32>
        %mul3A_1280 = arith.mulf %gather3A_269, %gather3A_1254 : vector<16xf32>
        %mul3A_1281 = arith.mulf %gather3A_272, %gather3A_1246 : vector<16xf32>
        %mul3A_1282 = arith.mulf %gather3A_272, %gather3A_1254 : vector<16xf32>
        %add3A_1283 = arith.constant 0 : i32
        %add3A_1284 = arith.addi %mul3A_262, %add3A_1283 : i32
        %mul3A_1285 = arith.constant 14 : i32
        %mul3A_1286 = arith.muli %add3A_1284, %mul3A_1285 : i32
        %add3A_1287 = arith.constant 4 : i32
        %add3A_1288 = arith.addi %mul3A_1286, %add3A_1287 : i32
        %add3A_1289 = arith.constant 1 : i32
        %add3A_1290 = arith.addi %add3A_1288, %add3A_1289 : i32
        %mul3A_1291 = arith.mulf %gather3A_269, %gather3A_1262 : vector<16xf32>
        %mul3A_1292 = arith.mulf %gather3A_269, %gather3A_1270 : vector<16xf32>
        %mul3A_1293 = arith.mulf %gather3A_272, %gather3A_1262 : vector<16xf32>
        %mul3A_1294 = arith.mulf %gather3A_272, %gather3A_1270 : vector<16xf32>
        %add3A_1295 = arith.constant 1 : i32
        %add3A_1296 = arith.addi %mul3A_262, %add3A_1295 : i32
        %mul3A_1297 = arith.constant 14 : i32
        %mul3A_1298 = arith.muli %add3A_1296, %mul3A_1297 : i32
        %add3A_1299 = arith.constant 4 : i32
        %add3A_1300 = arith.addi %mul3A_1298, %add3A_1299 : i32
        %add3A_1301 = arith.constant 0 : i32
        %add3A_1302 = arith.addi %add3A_1300, %add3A_1301 : i32
        %mul3A_1303 = arith.mulf %gather3A_278, %gather3A_1246 : vector<16xf32>
        %mul3A_1304 = arith.mulf %gather3A_278, %gather3A_1254 : vector<16xf32>
        %mul3A_1305 = arith.mulf %gather3A_284, %gather3A_1246 : vector<16xf32>
        %mul3A_1306 = arith.mulf %gather3A_284, %gather3A_1254 : vector<16xf32>
        %add3A_1307 = arith.constant 1 : i32
        %add3A_1308 = arith.addi %mul3A_262, %add3A_1307 : i32
        %mul3A_1309 = arith.constant 14 : i32
        %mul3A_1310 = arith.muli %add3A_1308, %mul3A_1309 : i32
        %add3A_1311 = arith.constant 4 : i32
        %add3A_1312 = arith.addi %mul3A_1310, %add3A_1311 : i32
        %add3A_1313 = arith.constant 1 : i32
        %add3A_1314 = arith.addi %add3A_1312, %add3A_1313 : i32
        %mul3A_1315 = arith.mulf %gather3A_278, %gather3A_1262 : vector<16xf32>
        %mul3A_1316 = arith.mulf %gather3A_278, %gather3A_1270 : vector<16xf32>
        %mul3A_1317 = arith.mulf %gather3A_284, %gather3A_1262 : vector<16xf32>
        %mul3A_1318 = arith.mulf %gather3A_284, %gather3A_1270 : vector<16xf32>
        %get3A_1319 = arith.index_cast %add3A_1278 : i32 to index
        %get3A_1320 = arith.constant 0 : index
        %get3A_1321 = tpu.vector_load %arg7[%get3A_1319, %get3A_1320] {strides = array<i32>} : memref<392x128xf32, #tpu.memory_space<vmem>>, vector<16xf32>,
        %mul3A_1322 = arith.mulf %mul3A_1279, %get3A_1321 : vector<16xf32>
        %add3A_1323 = arith.constant 196 : i32
        %add3A_1324 = arith.addi %add3A_1278, %add3A_1323 : i32
        %get3A_1325 = arith.index_cast %add3A_1324 : i32 to index
        %get3A_1326 = arith.constant 0 : index
        %get3A_1327 = tpu.vector_load %arg7[%get3A_1325, %get3A_1326] {strides = array<i32>} : memref<392x128xf32, #tpu.memory_space<vmem>>, vector<16xf32>,
        %mul3A_1328 = arith.mulf %mul3A_1280, %get3A_1327 : vector<16xf32>
        %get3A_1329 = arith.index_cast %add3A_1278 : i32 to index
        %get3A_1330 = arith.constant 64 : index
        %get3A_1331 = tpu.vector_load %arg7[%get3A_1329, %get3A_1330] {strides = array<i32>} : memref<392x128xf32, #tpu.memory_space<vmem>>, vector<16xf32>,
        %mul3A_1332 = arith.mulf %mul3A_1281, %get3A_1331 : vector<16xf32>
        %add3A_1333 = arith.constant 196 : i32
        %add3A_1334 = arith.addi %add3A_1278, %add3A_1333 : i32
        %get3A_1335 = arith.index_cast %add3A_1334 : i32 to index
        %get3A_1336 = arith.constant 64 : index
        %get3A_1337 = tpu.vector_load %arg7[%get3A_1335, %get3A_1336] {strides = array<i32>} : memref<392x128xf32, #tpu.memory_space<vmem>>, vector<16xf32>,
        %mul3A_1338 = arith.mulf %mul3A_1282, %get3A_1337 : vector<16xf32>
        %get3A_1339 = arith.index_cast %add3A_1290 : i32 to index
        %get3A_1340 = arith.constant 0 : index
        %get3A_1341 = tpu.vector_load %arg7[%get3A_1339, %get3A_1340] {strides = array<i32>} : memref<392x128xf32, #tpu.memory_space<vmem>>, vector<16xf32>,
        %mul3A_1342 = arith.mulf %mul3A_1291, %get3A_1341 : vector<16xf32>
        %add3A_1343 = arith.constant 196 : i32
        %add3A_1344 = arith.addi %add3A_1290, %add3A_1343 : i32
        %get3A_1345 = arith.index_cast %add3A_1344 : i32 to index
        %get3A_1346 = arith.constant 0 : index
        %get3A_1347 = tpu.vector_load %arg7[%get3A_1345, %get3A_1346] {strides = array<i32>} : memref<392x128xf32, #tpu.memory_space<vmem>>, vector<16xf32>,
        %mul3A_1348 = arith.mulf %mul3A_1292, %get3A_1347 : vector<16xf32>
        %get3A_1349 = arith.index_cast %add3A_1290 : i32 to index
        %get3A_1350 = arith.constant 64 : index
        %get3A_1351 = tpu.vector_load %arg7[%get3A_1349, %get3A_1350] {strides = array<i32>} : memref<392x128xf32, #tpu.memory_space<vmem>>, vector<16xf32>,
        %mul3A_1352 = arith.mulf %mul3A_1293, %get3A_1351 : vector<16xf32>
        %add3A_1353 = arith.constant 196 : i32
        %add3A_1354 = arith.addi %add3A_1290, %add3A_1353 : i32
        %get3A_1355 = arith.index_cast %add3A_1354 : i32 to index
        %get3A_1356 = arith.constant 64 : index
        %get3A_1357 = tpu.vector_load %arg7[%get3A_1355, %get3A_1356] {strides = array<i32>} : memref<392x128xf32, #tpu.memory_space<vmem>>, vector<16xf32>,
        %mul3A_1358 = arith.mulf %mul3A_1294, %get3A_1357 : vector<16xf32>
        %get3A_1359 = arith.index_cast %add3A_1302 : i32 to index
        %get3A_1360 = arith.constant 0 : index
        %get3A_1361 = tpu.vector_load %arg7[%get3A_1359, %get3A_1360] {strides = array<i32>} : memref<392x128xf32, #tpu.memory_space<vmem>>, vector<16xf32>,
        %mul3A_1362 = arith.mulf %mul3A_1303, %get3A_1361 : vector<16xf32>
        %add3A_1363 = arith.constant 196 : i32
        %add3A_1364 = arith.addi %add3A_1302, %add3A_1363 : i32
        %get3A_1365 = arith.index_cast %add3A_1364 : i32 to index
        %get3A_1366 = arith.constant 0 : index
        %get3A_1367 = tpu.vector_load %arg7[%get3A_1365, %get3A_1366] {strides = array<i32>} : memref<392x128xf32, #tpu.memory_space<vmem>>, vector<16xf32>,
        %mul3A_1368 = arith.mulf %mul3A_1304, %get3A_1367 : vector<16xf32>
        %get3A_1369 = arith.index_cast %add3A_1302 : i32 to index
        %get3A_1370 = arith.constant 64 : index
        %get3A_1371 = tpu.vector_load %arg7[%get3A_1369, %get3A_1370] {strides = array<i32>} : memref<392x128xf32, #tpu.memory_space<vmem>>, vector<16xf32>,
        %mul3A_1372 = arith.mulf %mul3A_1305, %get3A_1371 : vector<16xf32>
        %add3A_1373 = arith.constant 196 : i32
        %add3A_1374 = arith.addi %add3A_1302, %add3A_1373 : i32
        %get3A_1375 = arith.index_cast %add3A_1374 : i32 to index
        %get3A_1376 = arith.constant 64 : index
        %get3A_1377 = tpu.vector_load %arg7[%get3A_1375, %get3A_1376] {strides = array<i32>} : memref<392x128xf32, #tpu.memory_space<vmem>>, vector<16xf32>,
        %mul3A_1378 = arith.mulf %mul3A_1306, %get3A_1377 : vector<16xf32>
        %get3A_1379 = arith.index_cast %add3A_1314 : i32 to index
        %get3A_1380 = arith.constant 0 : index
        %get3A_1381 = tpu.vector_load %arg7[%get3A_1379, %get3A_1380] {strides = array<i32>} : memref<392x128xf32, #tpu.memory_space<vmem>>, vector<16xf32>,
        %mul3A_1382 = arith.mulf %mul3A_1315, %get3A_1381 : vector<16xf32>
        %add3A_1383 = arith.constant 196 : i32
        %add3A_1384 = arith.addi %add3A_1314, %add3A_1383 : i32
        %get3A_1385 = arith.index_cast %add3A_1384 : i32 to index
        %get3A_1386 = arith.constant 0 : index
        %get3A_1387 = tpu.vector_load %arg7[%get3A_1385, %get3A_1386] {strides = array<i32>} : memref<392x128xf32, #tpu.memory_space<vmem>>, vector<16xf32>,
        %mul3A_1388 = arith.mulf %mul3A_1316, %get3A_1387 : vector<16xf32>
        %get3A_1389 = arith.index_cast %add3A_1314 : i32 to index
        %get3A_1390 = arith.constant 64 : index
        %get3A_1391 = tpu.vector_load %arg7[%get3A_1389, %get3A_1390] {strides = array<i32>} : memref<392x128xf32, #tpu.memory_space<vmem>>, vector<16xf32>,
        %mul3A_1392 = arith.mulf %mul3A_1317, %get3A_1391 : vector<16xf32>
        %add3A_1393 = arith.constant 196 : i32
        %add3A_1394 = arith.addi %add3A_1314, %add3A_1393 : i32
        %get3A_1395 = arith.index_cast %add3A_1394 : i32 to index
        %get3A_1396 = arith.constant 64 : index
        %get3A_1397 = tpu.vector_load %arg7[%get3A_1395, %get3A_1396] {strides = array<i32>} : memref<392x128xf32, #tpu.memory_space<vmem>>, vector<16xf32>,
        %mul3A_1398 = arith.mulf %mul3A_1318, %get3A_1397 : vector<16xf32>
        %add3A_1399 = arith.addf %mul3A_1322, %mul3A_1328 : vector<16xf32>
        %add3A_1400 = arith.addf %mul3A_1332, %mul3A_1338 : vector<16xf32>
        %add3A_1401 = arith.addf %mul3A_1342, %mul3A_1348 : vector<16xf32>
        %add3A_1402 = arith.addf %mul3A_1352, %mul3A_1358 : vector<16xf32>
        %add3A_1403 = arith.addf %mul3A_1362, %mul3A_1368 : vector<16xf32>
        %add3A_1404 = arith.addf %mul3A_1372, %mul3A_1378 : vector<16xf32>
        %add3A_1405 = arith.addf %mul3A_1382, %mul3A_1388 : vector<16xf32>
        %add3A_1406 = arith.addf %mul3A_1392, %mul3A_1398 : vector<16xf32>
        %add3A_1407 = arith.addf %add3A_1399, %add3A_1400 : vector<16xf32>
        %add3A_1408 = arith.addf %add3A_1401, %add3A_1402 : vector<16xf32>
        %add3A_1409 = arith.addf %add3A_1403, %add3A_1404 : vector<16xf32>
        %add3A_1410 = arith.addf %add3A_1405, %add3A_1406 : vector<16xf32>
        %add3A_1411 = arith.addf %add3A_1407, %add3A_1408 : vector<16xf32>
        %add3A_1412 = arith.addf %add3A_1409, %add3A_1410 : vector<16xf32>
        %add3A_1413 = arith.addf %add3A_1411, %add3A_1412 : vector<16xf32>
        %add3A_1414 = arith.constant 2 : i32
        %add3A_1415 = arith.addi %mul3A_286, %add3A_1414 : i32
        %add3A_1416 = vector.broadcast %add3A_1415 : i32 to vector<16xi32>
        %add3A_1417 = arith.addi %add3A_22, %add3A_1416 : vector<16xi32>
        tpu.vector_store_idx %arg8[%add3A_1417], %add3A_1413 : memref<3136xf32, #tpu.memory_space<vmem>>[vector<16xi32>], vector<16xf32>,
        %get3A_1418 = arith.index_cast %add3A_1278 : i32 to index
        %get3A_1419 = arith.constant 16 : index
        %get3A_1420 = tpu.vector_load %arg7[%get3A_1418, %get3A_1419] {strides = array<i32>} : memref<392x128xf32, #tpu.memory_space<vmem>>, vector<16xf32>,
        %mul3A_1421 = arith.mulf %mul3A_1279, %get3A_1420 : vector<16xf32>
        %add3A_1422 = arith.constant 196 : i32
        %add3A_1423 = arith.addi %add3A_1278, %add3A_1422 : i32
        %get3A_1424 = arith.index_cast %add3A_1423 : i32 to index
        %get3A_1425 = arith.constant 16 : index
        %get3A_1426 = tpu.vector_load %arg7[%get3A_1424, %get3A_1425] {strides = array<i32>} : memref<392x128xf32, #tpu.memory_space<vmem>>, vector<16xf32>,
        %mul3A_1427 = arith.mulf %mul3A_1280, %get3A_1426 : vector<16xf32>
        %get3A_1428 = arith.index_cast %add3A_1278 : i32 to index
        %get3A_1429 = arith.constant 80 : index
        %get3A_1430 = tpu.vector_load %arg7[%get3A_1428, %get3A_1429] {strides = array<i32>} : memref<392x128xf32, #tpu.memory_space<vmem>>, vector<16xf32>,
        %mul3A_1431 = arith.mulf %mul3A_1281, %get3A_1430 : vector<16xf32>
        %add3A_1432 = arith.constant 196 : i32
        %add3A_1433 = arith.addi %add3A_1278, %add3A_1432 : i32
        %get3A_1434 = arith.index_cast %add3A_1433 : i32 to index
        %get3A_1435 = arith.constant 80 : index
        %get3A_1436 = tpu.vector_load %arg7[%get3A_1434, %get3A_1435] {strides = array<i32>} : memref<392x128xf32, #tpu.memory_space<vmem>>, vector<16xf32>,
        %mul3A_1437 = arith.mulf %mul3A_1282, %get3A_1436 : vector<16xf32>
        %get3A_1438 = arith.index_cast %add3A_1290 : i32 to index
        %get3A_1439 = arith.constant 16 : index
        %get3A_1440 = tpu.vector_load %arg7[%get3A_1438, %get3A_1439] {strides = array<i32>} : memref<392x128xf32, #tpu.memory_space<vmem>>, vector<16xf32>,
        %mul3A_1441 = arith.mulf %mul3A_1291, %get3A_1440 : vector<16xf32>
        %add3A_1442 = arith.constant 196 : i32
        %add3A_1443 = arith.addi %add3A_1290, %add3A_1442 : i32
        %get3A_1444 = arith.index_cast %add3A_1443 : i32 to index
        %get3A_1445 = arith.constant 16 : index
        %get3A_1446 = tpu.vector_load %arg7[%get3A_1444, %get3A_1445] {strides = array<i32>} : memref<392x128xf32, #tpu.memory_space<vmem>>, vector<16xf32>,
        %mul3A_1447 = arith.mulf %mul3A_1292, %get3A_1446 : vector<16xf32>
        %get3A_1448 = arith.index_cast %add3A_1290 : i32 to index
        %get3A_1449 = arith.constant 80 : index
        %get3A_1450 = tpu.vector_load %arg7[%get3A_1448, %get3A_1449] {strides = array<i32>} : memref<392x128xf32, #tpu.memory_space<vmem>>, vector<16xf32>,
        %mul3A_1451 = arith.mulf %mul3A_1293, %get3A_1450 : vector<16xf32>
        %add3A_1452 = arith.constant 196 : i32
        %add3A_1453 = arith.addi %add3A_1290, %add3A_1452 : i32
        %get3A_1454 = arith.index_cast %add3A_1453 : i32 to index
        %get3A_1455 = arith.constant 80 : index
        %get3A_1456 = tpu.vector_load %arg7[%get3A_1454, %get3A_1455] {strides = array<i32>} : memref<392x128xf32, #tpu.memory_space<vmem>>, vector<16xf32>,
        %mul3A_1457 = arith.mulf %mul3A_1294, %get3A_1456 : vector<16xf32>
        %get3A_1458 = arith.index_cast %add3A_1302 : i32 to index
        %get3A_1459 = arith.constant 16 : index
        %get3A_1460 = tpu.vector_load %arg7[%get3A_1458, %get3A_1459] {strides = array<i32>} : memref<392x128xf32, #tpu.memory_space<vmem>>, vector<16xf32>,
        %mul3A_1461 = arith.mulf %mul3A_1303, %get3A_1460 : vector<16xf32>
        %add3A_1462 = arith.constant 196 : i32
        %add3A_1463 = arith.addi %add3A_1302, %add3A_1462 : i32
        %get3A_1464 = arith.index_cast %add3A_1463 : i32 to index
        %get3A_1465 = arith.constant 16 : index
        %get3A_1466 = tpu.vector_load %arg7[%get3A_1464, %get3A_1465] {strides = array<i32>} : memref<392x128xf32, #tpu.memory_space<vmem>>, vector<16xf32>,
        %mul3A_1467 = arith.mulf %mul3A_1304, %get3A_1466 : vector<16xf32>
        %get3A_1468 = arith.index_cast %add3A_1302 : i32 to index
        %get3A_1469 = arith.constant 80 : index
        %get3A_1470 = tpu.vector_load %arg7[%get3A_1468, %get3A_1469] {strides = array<i32>} : memref<392x128xf32, #tpu.memory_space<vmem>>, vector<16xf32>,
        %mul3A_1471 = arith.mulf %mul3A_1305, %get3A_1470 : vector<16xf32>
        %add3A_1472 = arith.constant 196 : i32
        %add3A_1473 = arith.addi %add3A_1302, %add3A_1472 : i32
        %get3A_1474 = arith.index_cast %add3A_1473 : i32 to index
        %get3A_1475 = arith.constant 80 : index
        %get3A_1476 = tpu.vector_load %arg7[%get3A_1474, %get3A_1475] {strides = array<i32>} : memref<392x128xf32, #tpu.memory_space<vmem>>, vector<16xf32>,
        %mul3A_1477 = arith.mulf %mul3A_1306, %get3A_1476 : vector<16xf32>
        %get3A_1478 = arith.index_cast %add3A_1314 : i32 to index
        %get3A_1479 = arith.constant 16 : index
        %get3A_1480 = tpu.vector_load %arg7[%get3A_1478, %get3A_1479] {strides = array<i32>} : memref<392x128xf32, #tpu.memory_space<vmem>>, vector<16xf32>,
        %mul3A_1481 = arith.mulf %mul3A_1315, %get3A_1480 : vector<16xf32>
        %add3A_1482 = arith.constant 196 : i32
        %add3A_1483 = arith.addi %add3A_1314, %add3A_1482 : i32
        %get3A_1484 = arith.index_cast %add3A_1483 : i32 to index
        %get3A_1485 = arith.constant 16 : index
        %get3A_1486 = tpu.vector_load %arg7[%get3A_1484, %get3A_1485] {strides = array<i32>} : memref<392x128xf32, #tpu.memory_space<vmem>>, vector<16xf32>,
        %mul3A_1487 = arith.mulf %mul3A_1316, %get3A_1486 : vector<16xf32>
        %get3A_1488 = arith.index_cast %add3A_1314 : i32 to index
        %get3A_1489 = arith.constant 80 : index
        %get3A_1490 = tpu.vector_load %arg7[%get3A_1488, %get3A_1489] {strides = array<i32>} : memref<392x128xf32, #tpu.memory_space<vmem>>, vector<16xf32>,
        %mul3A_1491 = arith.mulf %mul3A_1317, %get3A_1490 : vector<16xf32>
        %add3A_1492 = arith.constant 196 : i32
        %add3A_1493 = arith.addi %add3A_1314, %add3A_1492 : i32
        %get3A_1494 = arith.index_cast %add3A_1493 : i32 to index
        %get3A_1495 = arith.constant 80 : index
        %get3A_1496 = tpu.vector_load %arg7[%get3A_1494, %get3A_1495] {strides = array<i32>} : memref<392x128xf32, #tpu.memory_space<vmem>>, vector<16xf32>,
        %mul3A_1497 = arith.mulf %mul3A_1318, %get3A_1496 : vector<16xf32>
        %add3A_1498 = arith.addf %mul3A_1421, %mul3A_1427 : vector<16xf32>
        %add3A_1499 = arith.addf %mul3A_1431, %mul3A_1437 : vector<16xf32>
        %add3A_1500 = arith.addf %mul3A_1441, %mul3A_1447 : vector<16xf32>
        %add3A_1501 = arith.addf %mul3A_1451, %mul3A_1457 : vector<16xf32>
        %add3A_1502 = arith.addf %mul3A_1461, %mul3A_1467 : vector<16xf32>
        %add3A_1503 = arith.addf %mul3A_1471, %mul3A_1477 : vector<16xf32>
        %add3A_1504 = arith.addf %mul3A_1481, %mul3A_1487 : vector<16xf32>
        %add3A_1505 = arith.addf %mul3A_1491, %mul3A_1497 : vector<16xf32>
        %add3A_1506 = arith.addf %add3A_1498, %add3A_1499 : vector<16xf32>
        %add3A_1507 = arith.addf %add3A_1500, %add3A_1501 : vector<16xf32>
        %add3A_1508 = arith.addf %add3A_1502, %add3A_1503 : vector<16xf32>
        %add3A_1509 = arith.addf %add3A_1504, %add3A_1505 : vector<16xf32>
        %add3A_1510 = arith.addf %add3A_1506, %add3A_1507 : vector<16xf32>
        %add3A_1511 = arith.addf %add3A_1508, %add3A_1509 : vector<16xf32>
        %add3A_1512 = arith.addf %add3A_1510, %add3A_1511 : vector<16xf32>
        %add3A_1513 = arith.constant 2 : i32
        %add3A_1514 = arith.addi %mul3A_286, %add3A_1513 : i32
        %add3A_1515 = vector.broadcast %add3A_1514 : i32 to vector<16xi32>
        %add3A_1516 = arith.addi %add3A_28, %add3A_1515 : vector<16xi32>
        tpu.vector_store_idx %arg8[%add3A_1516], %add3A_1512 : memref<3136xf32, #tpu.memory_space<vmem>>[vector<16xi32>], vector<16xf32>,
        %get3A_1517 = arith.index_cast %add3A_1278 : i32 to index
        %get3A_1518 = arith.constant 32 : index
        %get3A_1519 = tpu.vector_load %arg7[%get3A_1517, %get3A_1518] {strides = array<i32>} : memref<392x128xf32, #tpu.memory_space<vmem>>, vector<16xf32>,
        %mul3A_1520 = arith.mulf %mul3A_1279, %get3A_1519 : vector<16xf32>
        %add3A_1521 = arith.constant 196 : i32
        %add3A_1522 = arith.addi %add3A_1278, %add3A_1521 : i32
        %get3A_1523 = arith.index_cast %add3A_1522 : i32 to index
        %get3A_1524 = arith.constant 32 : index
        %get3A_1525 = tpu.vector_load %arg7[%get3A_1523, %get3A_1524] {strides = array<i32>} : memref<392x128xf32, #tpu.memory_space<vmem>>, vector<16xf32>,
        %mul3A_1526 = arith.mulf %mul3A_1280, %get3A_1525 : vector<16xf32>
        %get3A_1527 = arith.index_cast %add3A_1278 : i32 to index
        %get3A_1528 = arith.constant 96 : index
        %get3A_1529 = tpu.vector_load %arg7[%get3A_1527, %get3A_1528] {strides = array<i32>} : memref<392x128xf32, #tpu.memory_space<vmem>>, vector<16xf32>,
        %mul3A_1530 = arith.mulf %mul3A_1281, %get3A_1529 : vector<16xf32>
        %add3A_1531 = arith.constant 196 : i32
        %add3A_1532 = arith.addi %add3A_1278, %add3A_1531 : i32
        %get3A_1533 = arith.index_cast %add3A_1532 : i32 to index
        %get3A_1534 = arith.constant 96 : index
        %get3A_1535 = tpu.vector_load %arg7[%get3A_1533, %get3A_1534] {strides = array<i32>} : memref<392x128xf32, #tpu.memory_space<vmem>>, vector<16xf32>,
        %mul3A_1536 = arith.mulf %mul3A_1282, %get3A_1535 : vector<16xf32>
        %get3A_1537 = arith.index_cast %add3A_1290 : i32 to index
        %get3A_1538 = arith.constant 32 : index
        %get3A_1539 = tpu.vector_load %arg7[%get3A_1537, %get3A_1538] {strides = array<i32>} : memref<392x128xf32, #tpu.memory_space<vmem>>, vector<16xf32>,
        %mul3A_1540 = arith.mulf %mul3A_1291, %get3A_1539 : vector<16xf32>
        %add3A_1541 = arith.constant 196 : i32
        %add3A_1542 = arith.addi %add3A_1290, %add3A_1541 : i32
        %get3A_1543 = arith.index_cast %add3A_1542 : i32 to index
        %get3A_1544 = arith.constant 32 : index
        %get3A_1545 = tpu.vector_load %arg7[%get3A_1543, %get3A_1544] {strides = array<i32>} : memref<392x128xf32, #tpu.memory_space<vmem>>, vector<16xf32>,
        %mul3A_1546 = arith.mulf %mul3A_1292, %get3A_1545 : vector<16xf32>
        %get3A_1547 = arith.index_cast %add3A_1290 : i32 to index
        %get3A_1548 = arith.constant 96 : index
        %get3A_1549 = tpu.vector_load %arg7[%get3A_1547, %get3A_1548] {strides = array<i32>} : memref<392x128xf32, #tpu.memory_space<vmem>>, vector<16xf32>,
        %mul3A_1550 = arith.mulf %mul3A_1293, %get3A_1549 : vector<16xf32>
        %add3A_1551 = arith.constant 196 : i32
        %add3A_1552 = arith.addi %add3A_1290, %add3A_1551 : i32
        %get3A_1553 = arith.index_cast %add3A_1552 : i32 to index
        %get3A_1554 = arith.constant 96 : index
        %get3A_1555 = tpu.vector_load %arg7[%get3A_1553, %get3A_1554] {strides = array<i32>} : memref<392x128xf32, #tpu.memory_space<vmem>>, vector<16xf32>,
        %mul3A_1556 = arith.mulf %mul3A_1294, %get3A_1555 : vector<16xf32>
        %get3A_1557 = arith.index_cast %add3A_1302 : i32 to index
        %get3A_1558 = arith.constant 32 : index
        %get3A_1559 = tpu.vector_load %arg7[%get3A_1557, %get3A_1558] {strides = array<i32>} : memref<392x128xf32, #tpu.memory_space<vmem>>, vector<16xf32>,
        %mul3A_1560 = arith.mulf %mul3A_1303, %get3A_1559 : vector<16xf32>
        %add3A_1561 = arith.constant 196 : i32
        %add3A_1562 = arith.addi %add3A_1302, %add3A_1561 : i32
        %get3A_1563 = arith.index_cast %add3A_1562 : i32 to index
        %get3A_1564 = arith.constant 32 : index
        %get3A_1565 = tpu.vector_load %arg7[%get3A_1563, %get3A_1564] {strides = array<i32>} : memref<392x128xf32, #tpu.memory_space<vmem>>, vector<16xf32>,
        %mul3A_1566 = arith.mulf %mul3A_1304, %get3A_1565 : vector<16xf32>
        %get3A_1567 = arith.index_cast %add3A_1302 : i32 to index
        %get3A_1568 = arith.constant 96 : index
        %get3A_1569 = tpu.vector_load %arg7[%get3A_1567, %get3A_1568] {strides = array<i32>} : memref<392x128xf32, #tpu.memory_space<vmem>>, vector<16xf32>,
        %mul3A_1570 = arith.mulf %mul3A_1305, %get3A_1569 : vector<16xf32>
        %add3A_1571 = arith.constant 196 : i32
        %add3A_1572 = arith.addi %add3A_1302, %add3A_1571 : i32
        %get3A_1573 = arith.index_cast %add3A_1572 : i32 to index
        %get3A_1574 = arith.constant 96 : index
        %get3A_1575 = tpu.vector_load %arg7[%get3A_1573, %get3A_1574] {strides = array<i32>} : memref<392x128xf32, #tpu.memory_space<vmem>>, vector<16xf32>,
        %mul3A_1576 = arith.mulf %mul3A_1306, %get3A_1575 : vector<16xf32>
        %get3A_1577 = arith.index_cast %add3A_1314 : i32 to index
        %get3A_1578 = arith.constant 32 : index
        %get3A_1579 = tpu.vector_load %arg7[%get3A_1577, %get3A_1578] {strides = array<i32>} : memref<392x128xf32, #tpu.memory_space<vmem>>, vector<16xf32>,
        %mul3A_1580 = arith.mulf %mul3A_1315, %get3A_1579 : vector<16xf32>
        %add3A_1581 = arith.constant 196 : i32
        %add3A_1582 = arith.addi %add3A_1314, %add3A_1581 : i32
        %get3A_1583 = arith.index_cast %add3A_1582 : i32 to index
        %get3A_1584 = arith.constant 32 : index
        %get3A_1585 = tpu.vector_load %arg7[%get3A_1583, %get3A_1584] {strides = array<i32>} : memref<392x128xf32, #tpu.memory_space<vmem>>, vector<16xf32>,
        %mul3A_1586 = arith.mulf %mul3A_1316, %get3A_1585 : vector<16xf32>
        %get3A_1587 = arith.index_cast %add3A_1314 : i32 to index
        %get3A_1588 = arith.constant 96 : index
        %get3A_1589 = tpu.vector_load %arg7[%get3A_1587, %get3A_1588] {strides = array<i32>} : memref<392x128xf32, #tpu.memory_space<vmem>>, vector<16xf32>,
        %mul3A_1590 = arith.mulf %mul3A_1317, %get3A_1589 : vector<16xf32>
        %add3A_1591 = arith.constant 196 : i32
        %add3A_1592 = arith.addi %add3A_1314, %add3A_1591 : i32
        %get3A_1593 = arith.index_cast %add3A_1592 : i32 to index
        %get3A_1594 = arith.constant 96 : index
        %get3A_1595 = tpu.vector_load %arg7[%get3A_1593, %get3A_1594] {strides = array<i32>} : memref<392x128xf32, #tpu.memory_space<vmem>>, vector<16xf32>,
        %mul3A_1596 = arith.mulf %mul3A_1318, %get3A_1595 : vector<16xf32>
        %add3A_1597 = arith.addf %mul3A_1520, %mul3A_1526 : vector<16xf32>
        %add3A_1598 = arith.addf %mul3A_1530, %mul3A_1536 : vector<16xf32>
        %add3A_1599 = arith.addf %mul3A_1540, %mul3A_1546 : vector<16xf32>
        %add3A_1600 = arith.addf %mul3A_1550, %mul3A_1556 : vector<16xf32>
        %add3A_1601 = arith.addf %mul3A_1560, %mul3A_1566 : vector<16xf32>
        %add3A_1602 = arith.addf %mul3A_1570, %mul3A_1576 : vector<16xf32>
        %add3A_1603 = arith.addf %mul3A_1580, %mul3A_1586 : vector<16xf32>
        %add3A_1604 = arith.addf %mul3A_1590, %mul3A_1596 : vector<16xf32>
        %add3A_1605 = arith.addf %add3A_1597, %add3A_1598 : vector<16xf32>
        %add3A_1606 = arith.addf %add3A_1599, %add3A_1600 : vector<16xf32>
        %add3A_1607 = arith.addf %add3A_1601, %add3A_1602 : vector<16xf32>
        %add3A_1608 = arith.addf %add3A_1603, %add3A_1604 : vector<16xf32>
        %add3A_1609 = arith.addf %add3A_1605, %add3A_1606 : vector<16xf32>
        %add3A_1610 = arith.addf %add3A_1607, %add3A_1608 : vector<16xf32>
        %add3A_1611 = arith.addf %add3A_1609, %add3A_1610 : vector<16xf32>
        %add3A_1612 = arith.constant 2 : i32
        %add3A_1613 = arith.addi %mul3A_286, %add3A_1612 : i32
        %add3A_1614 = vector.broadcast %add3A_1613 : i32 to vector<16xi32>
        %add3A_1615 = arith.addi %add3A_34, %add3A_1614 : vector<16xi32>
        tpu.vector_store_idx %arg8[%add3A_1615], %add3A_1611 : memref<3136xf32, #tpu.memory_space<vmem>>[vector<16xi32>], vector<16xf32>,
        %get3A_1616 = arith.index_cast %add3A_1278 : i32 to index
        %get3A_1617 = arith.constant 48 : index
        %get3A_1618 = tpu.vector_load %arg7[%get3A_1616, %get3A_1617] {strides = array<i32>} : memref<392x128xf32, #tpu.memory_space<vmem>>, vector<16xf32>,
        %mul3A_1619 = arith.mulf %mul3A_1279, %get3A_1618 : vector<16xf32>
        %add3A_1620 = arith.constant 196 : i32
        %add3A_1621 = arith.addi %add3A_1278, %add3A_1620 : i32
        %get3A_1622 = arith.index_cast %add3A_1621 : i32 to index
        %get3A_1623 = arith.constant 48 : index
        %get3A_1624 = tpu.vector_load %arg7[%get3A_1622, %get3A_1623] {strides = array<i32>} : memref<392x128xf32, #tpu.memory_space<vmem>>, vector<16xf32>,
        %mul3A_1625 = arith.mulf %mul3A_1280, %get3A_1624 : vector<16xf32>
        %get3A_1626 = arith.index_cast %add3A_1278 : i32 to index
        %get3A_1627 = arith.constant 112 : index
        %get3A_1628 = tpu.vector_load %arg7[%get3A_1626, %get3A_1627] {strides = array<i32>} : memref<392x128xf32, #tpu.memory_space<vmem>>, vector<16xf32>,
        %mul3A_1629 = arith.mulf %mul3A_1281, %get3A_1628 : vector<16xf32>
        %add3A_1630 = arith.constant 196 : i32
        %add3A_1631 = arith.addi %add3A_1278, %add3A_1630 : i32
        %get3A_1632 = arith.index_cast %add3A_1631 : i32 to index
        %get3A_1633 = arith.constant 112 : index
        %get3A_1634 = tpu.vector_load %arg7[%get3A_1632, %get3A_1633] {strides = array<i32>} : memref<392x128xf32, #tpu.memory_space<vmem>>, vector<16xf32>,
        %mul3A_1635 = arith.mulf %mul3A_1282, %get3A_1634 : vector<16xf32>
        %get3A_1636 = arith.index_cast %add3A_1290 : i32 to index
        %get3A_1637 = arith.constant 48 : index
        %get3A_1638 = tpu.vector_load %arg7[%get3A_1636, %get3A_1637] {strides = array<i32>} : memref<392x128xf32, #tpu.memory_space<vmem>>, vector<16xf32>,
        %mul3A_1639 = arith.mulf %mul3A_1291, %get3A_1638 : vector<16xf32>
        %add3A_1640 = arith.constant 196 : i32
        %add3A_1641 = arith.addi %add3A_1290, %add3A_1640 : i32
        %get3A_1642 = arith.index_cast %add3A_1641 : i32 to index
        %get3A_1643 = arith.constant 48 : index
        %get3A_1644 = tpu.vector_load %arg7[%get3A_1642, %get3A_1643] {strides = array<i32>} : memref<392x128xf32, #tpu.memory_space<vmem>>, vector<16xf32>,
        %mul3A_1645 = arith.mulf %mul3A_1292, %get3A_1644 : vector<16xf32>
        %get3A_1646 = arith.index_cast %add3A_1290 : i32 to index
        %get3A_1647 = arith.constant 112 : index
        %get3A_1648 = tpu.vector_load %arg7[%get3A_1646, %get3A_1647] {strides = array<i32>} : memref<392x128xf32, #tpu.memory_space<vmem>>, vector<16xf32>,
        %mul3A_1649 = arith.mulf %mul3A_1293, %get3A_1648 : vector<16xf32>
        %add3A_1650 = arith.constant 196 : i32
        %add3A_1651 = arith.addi %add3A_1290, %add3A_1650 : i32
        %get3A_1652 = arith.index_cast %add3A_1651 : i32 to index
        %get3A_1653 = arith.constant 112 : index
        %get3A_1654 = tpu.vector_load %arg7[%get3A_1652, %get3A_1653] {strides = array<i32>} : memref<392x128xf32, #tpu.memory_space<vmem>>, vector<16xf32>,
        %mul3A_1655 = arith.mulf %mul3A_1294, %get3A_1654 : vector<16xf32>
        %get3A_1656 = arith.index_cast %add3A_1302 : i32 to index
        %get3A_1657 = arith.constant 48 : index
        %get3A_1658 = tpu.vector_load %arg7[%get3A_1656, %get3A_1657] {strides = array<i32>} : memref<392x128xf32, #tpu.memory_space<vmem>>, vector<16xf32>,
        %mul3A_1659 = arith.mulf %mul3A_1303, %get3A_1658 : vector<16xf32>
        %add3A_1660 = arith.constant 196 : i32
        %add3A_1661 = arith.addi %add3A_1302, %add3A_1660 : i32
        %get3A_1662 = arith.index_cast %add3A_1661 : i32 to index
        %get3A_1663 = arith.constant 48 : index
        %get3A_1664 = tpu.vector_load %arg7[%get3A_1662, %get3A_1663] {strides = array<i32>} : memref<392x128xf32, #tpu.memory_space<vmem>>, vector<16xf32>,
        %mul3A_1665 = arith.mulf %mul3A_1304, %get3A_1664 : vector<16xf32>
        %get3A_1666 = arith.index_cast %add3A_1302 : i32 to index
        %get3A_1667 = arith.constant 112 : index
        %get3A_1668 = tpu.vector_load %arg7[%get3A_1666, %get3A_1667] {strides = array<i32>} : memref<392x128xf32, #tpu.memory_space<vmem>>, vector<16xf32>,
        %mul3A_1669 = arith.mulf %mul3A_1305, %get3A_1668 : vector<16xf32>
        %add3A_1670 = arith.constant 196 : i32
        %add3A_1671 = arith.addi %add3A_1302, %add3A_1670 : i32
        %get3A_1672 = arith.index_cast %add3A_1671 : i32 to index
        %get3A_1673 = arith.constant 112 : index
        %get3A_1674 = tpu.vector_load %arg7[%get3A_1672, %get3A_1673] {strides = array<i32>} : memref<392x128xf32, #tpu.memory_space<vmem>>, vector<16xf32>,
        %mul3A_1675 = arith.mulf %mul3A_1306, %get3A_1674 : vector<16xf32>
        %get3A_1676 = arith.index_cast %add3A_1314 : i32 to index
        %get3A_1677 = arith.constant 48 : index
        %get3A_1678 = tpu.vector_load %arg7[%get3A_1676, %get3A_1677] {strides = array<i32>} : memref<392x128xf32, #tpu.memory_space<vmem>>, vector<16xf32>,
        %mul3A_1679 = arith.mulf %mul3A_1315, %get3A_1678 : vector<16xf32>
        %add3A_1680 = arith.constant 196 : i32
        %add3A_1681 = arith.addi %add3A_1314, %add3A_1680 : i32
        %get3A_1682 = arith.index_cast %add3A_1681 : i32 to index
        %get3A_1683 = arith.constant 48 : index
        %get3A_1684 = tpu.vector_load %arg7[%get3A_1682, %get3A_1683] {strides = array<i32>} : memref<392x128xf32, #tpu.memory_space<vmem>>, vector<16xf32>,
        %mul3A_1685 = arith.mulf %mul3A_1316, %get3A_1684 : vector<16xf32>
        %get3A_1686 = arith.index_cast %add3A_1314 : i32 to index
        %get3A_1687 = arith.constant 112 : index
        %get3A_1688 = tpu.vector_load %arg7[%get3A_1686, %get3A_1687] {strides = array<i32>} : memref<392x128xf32, #tpu.memory_space<vmem>>, vector<16xf32>,
        %mul3A_1689 = arith.mulf %mul3A_1317, %get3A_1688 : vector<16xf32>
        %add3A_1690 = arith.constant 196 : i32
        %add3A_1691 = arith.addi %add3A_1314, %add3A_1690 : i32
        %get3A_1692 = arith.index_cast %add3A_1691 : i32 to index
        %get3A_1693 = arith.constant 112 : index
        %get3A_1694 = tpu.vector_load %arg7[%get3A_1692, %get3A_1693] {strides = array<i32>} : memref<392x128xf32, #tpu.memory_space<vmem>>, vector<16xf32>,
        %mul3A_1695 = arith.mulf %mul3A_1318, %get3A_1694 : vector<16xf32>
        %add3A_1696 = arith.addf %mul3A_1619, %mul3A_1625 : vector<16xf32>
        %add3A_1697 = arith.addf %mul3A_1629, %mul3A_1635 : vector<16xf32>
        %add3A_1698 = arith.addf %mul3A_1639, %mul3A_1645 : vector<16xf32>
        %add3A_1699 = arith.addf %mul3A_1649, %mul3A_1655 : vector<16xf32>
        %add3A_1700 = arith.addf %mul3A_1659, %mul3A_1665 : vector<16xf32>
        %add3A_1701 = arith.addf %mul3A_1669, %mul3A_1675 : vector<16xf32>
        %add3A_1702 = arith.addf %mul3A_1679, %mul3A_1685 : vector<16xf32>
        %add3A_1703 = arith.addf %mul3A_1689, %mul3A_1695 : vector<16xf32>
        %add3A_1704 = arith.addf %add3A_1696, %add3A_1697 : vector<16xf32>
        %add3A_1705 = arith.addf %add3A_1698, %add3A_1699 : vector<16xf32>
        %add3A_1706 = arith.addf %add3A_1700, %add3A_1701 : vector<16xf32>
        %add3A_1707 = arith.addf %add3A_1702, %add3A_1703 : vector<16xf32>
        %add3A_1708 = arith.addf %add3A_1704, %add3A_1705 : vector<16xf32>
        %add3A_1709 = arith.addf %add3A_1706, %add3A_1707 : vector<16xf32>
        %add3A_1710 = arith.addf %add3A_1708, %add3A_1709 : vector<16xf32>
        %add3A_1711 = arith.constant 2 : i32
        %add3A_1712 = arith.addi %mul3A_286, %add3A_1711 : i32
        %add3A_1713 = vector.broadcast %add3A_1712 : i32 to vector<16xi32>
        %add3A_1714 = arith.addi %add3A_40, %add3A_1713 : vector<16xi32>
        tpu.vector_store_idx %arg8[%add3A_1714], %add3A_1710 : memref<3136xf32, #tpu.memory_space<vmem>>[vector<16xi32>], vector<16xf32>,
        %broadcast_in_dim3A_1715 = arith.constant 0 : i32
        %broadcast_in_dim3A_1716 = vector.broadcast %broadcast_in_dim3A_1715 : i32 to vector<16xi32>
        %add3A_1717 = arith.constant 6 : i32
        %add3A_1718 = vector.broadcast %add3A_1717 : i32 to vector<16xi32>
        %add3A_1719 = arith.addi %broadcast_in_dim3A_1716, %add3A_1718 : vector<16xi32>
        %broadcast_in_dim3A_1720 = vector.shape_cast %add3A_1719 : vector<16xi32> to vector<16x1xi32>
        %gather3A_1721 = vector.shape_cast %broadcast_in_dim3A_1720 : vector<16x1xi32> to vector<16xi32>
        %gather3A_1722 = tpu.dynamic_gather %mul3A_171[%gather3A_1721] in [0] : vector<16xf32>, vector<16xi32> -> vector<16xf32>
        %broadcast_in_dim3A_1723 = arith.constant 0 : i32
        %broadcast_in_dim3A_1724 = vector.broadcast %broadcast_in_dim3A_1723 : i32 to vector<16xi32>
        %add3A_1725 = arith.constant 6 : i32
        %add3A_1726 = vector.broadcast %add3A_1725 : i32 to vector<16xi32>
        %add3A_1727 = arith.addi %broadcast_in_dim3A_1724, %add3A_1726 : vector<16xi32>
        %broadcast_in_dim3A_1728 = vector.shape_cast %add3A_1727 : vector<16xi32> to vector<16x1xi32>
        %gather3A_1729 = vector.shape_cast %broadcast_in_dim3A_1728 : vector<16x1xi32> to vector<16xi32>
        %gather3A_1730 = tpu.dynamic_gather %mul3A_172[%gather3A_1729] in [0] : vector<16xf32>, vector<16xi32> -> vector<16xf32>
        %broadcast_in_dim3A_1731 = arith.constant 0 : i32
        %broadcast_in_dim3A_1732 = vector.broadcast %broadcast_in_dim3A_1731 : i32 to vector<16xi32>
        %add3A_1733 = arith.constant 7 : i32
        %add3A_1734 = vector.broadcast %add3A_1733 : i32 to vector<16xi32>
        %add3A_1735 = arith.addi %broadcast_in_dim3A_1732, %add3A_1734 : vector<16xi32>
        %broadcast_in_dim3A_1736 = vector.shape_cast %add3A_1735 : vector<16xi32> to vector<16x1xi32>
        %gather3A_1737 = vector.shape_cast %broadcast_in_dim3A_1736 : vector<16x1xi32> to vector<16xi32>
        %gather3A_1738 = tpu.dynamic_gather %mul3A_171[%gather3A_1737] in [0] : vector<16xf32>, vector<16xi32> -> vector<16xf32>
        %broadcast_in_dim3A_1739 = arith.constant 0 : i32
        %broadcast_in_dim3A_1740 = vector.broadcast %broadcast_in_dim3A_1739 : i32 to vector<16xi32>
        %add3A_1741 = arith.constant 7 : i32
        %add3A_1742 = vector.broadcast %add3A_1741 : i32 to vector<16xi32>
        %add3A_1743 = arith.addi %broadcast_in_dim3A_1740, %add3A_1742 : vector<16xi32>
        %broadcast_in_dim3A_1744 = vector.shape_cast %add3A_1743 : vector<16xi32> to vector<16x1xi32>
        %gather3A_1745 = vector.shape_cast %broadcast_in_dim3A_1744 : vector<16x1xi32> to vector<16xi32>
        %gather3A_1746 = tpu.dynamic_gather %mul3A_172[%gather3A_1745] in [0] : vector<16xf32>, vector<16xi32> -> vector<16xf32>
        %add3A_1747 = arith.constant 0 : i32
        %add3A_1748 = arith.addi %mul3A_262, %add3A_1747 : i32
        %mul3A_1749 = arith.constant 14 : i32
        %mul3A_1750 = arith.muli %add3A_1748, %mul3A_1749 : i32
        %add3A_1751 = arith.constant 6 : i32
        %add3A_1752 = arith.addi %mul3A_1750, %add3A_1751 : i32
        %add3A_1753 = arith.constant 0 : i32
        %add3A_1754 = arith.addi %add3A_1752, %add3A_1753 : i32
        %mul3A_1755 = arith.mulf %gather3A_269, %gather3A_1722 : vector<16xf32>
        %mul3A_1756 = arith.mulf %gather3A_269, %gather3A_1730 : vector<16xf32>
        %mul3A_1757 = arith.mulf %gather3A_272, %gather3A_1722 : vector<16xf32>
        %mul3A_1758 = arith.mulf %gather3A_272, %gather3A_1730 : vector<16xf32>
        %add3A_1759 = arith.constant 0 : i32
        %add3A_1760 = arith.addi %mul3A_262, %add3A_1759 : i32
        %mul3A_1761 = arith.constant 14 : i32
        %mul3A_1762 = arith.muli %add3A_1760, %mul3A_1761 : i32
        %add3A_1763 = arith.constant 6 : i32
        %add3A_1764 = arith.addi %mul3A_1762, %add3A_1763 : i32
        %add3A_1765 = arith.constant 1 : i32
        %add3A_1766 = arith.addi %add3A_1764, %add3A_1765 : i32
        %mul3A_1767 = arith.mulf %gather3A_269, %gather3A_1738 : vector<16xf32>
        %mul3A_1768 = arith.mulf %gather3A_269, %gather3A_1746 : vector<16xf32>
        %mul3A_1769 = arith.mulf %gather3A_272, %gather3A_1738 : vector<16xf32>
        %mul3A_1770 = arith.mulf %gather3A_272, %gather3A_1746 : vector<16xf32>
        %add3A_1771 = arith.constant 1 : i32
        %add3A_1772 = arith.addi %mul3A_262, %add3A_1771 : i32
        %mul3A_1773 = arith.constant 14 : i32
        %mul3A_1774 = arith.muli %add3A_1772, %mul3A_1773 : i32
        %add3A_1775 = arith.constant 6 : i32
        %add3A_1776 = arith.addi %mul3A_1774, %add3A_1775 : i32
        %add3A_1777 = arith.constant 0 : i32
        %add3A_1778 = arith.addi %add3A_1776, %add3A_1777 : i32
        %mul3A_1779 = arith.mulf %gather3A_278, %gather3A_1722 : vector<16xf32>
        %mul3A_1780 = arith.mulf %gather3A_278, %gather3A_1730 : vector<16xf32>
        %mul3A_1781 = arith.mulf %gather3A_284, %gather3A_1722 : vector<16xf32>
        %mul3A_1782 = arith.mulf %gather3A_284, %gather3A_1730 : vector<16xf32>
        %add3A_1783 = arith.constant 1 : i32
        %add3A_1784 = arith.addi %mul3A_262, %add3A_1783 : i32
        %mul3A_1785 = arith.constant 14 : i32
        %mul3A_1786 = arith.muli %add3A_1784, %mul3A_1785 : i32
        %add3A_1787 = arith.constant 6 : i32
        %add3A_1788 = arith.addi %mul3A_1786, %add3A_1787 : i32
        %add3A_1789 = arith.constant 1 : i32
        %add3A_1790 = arith.addi %add3A_1788, %add3A_1789 : i32
        %mul3A_1791 = arith.mulf %gather3A_278, %gather3A_1738 : vector<16xf32>
        %mul3A_1792 = arith.mulf %gather3A_278, %gather3A_1746 : vector<16xf32>
        %mul3A_1793 = arith.mulf %gather3A_284, %gather3A_1738 : vector<16xf32>
        %mul3A_1794 = arith.mulf %gather3A_284, %gather3A_1746 : vector<16xf32>
        %get3A_1795 = arith.index_cast %add3A_1754 : i32 to index
        %get3A_1796 = arith.constant 0 : index
        %get3A_1797 = tpu.vector_load %arg7[%get3A_1795, %get3A_1796] {strides = array<i32>} : memref<392x128xf32, #tpu.memory_space<vmem>>, vector<16xf32>,
        %mul3A_1798 = arith.mulf %mul3A_1755, %get3A_1797 : vector<16xf32>
        %add3A_1799 = arith.constant 196 : i32
        %add3A_1800 = arith.addi %add3A_1754, %add3A_1799 : i32
        %get3A_1801 = arith.index_cast %add3A_1800 : i32 to index
        %get3A_1802 = arith.constant 0 : index
        %get3A_1803 = tpu.vector_load %arg7[%get3A_1801, %get3A_1802] {strides = array<i32>} : memref<392x128xf32, #tpu.memory_space<vmem>>, vector<16xf32>,
        %mul3A_1804 = arith.mulf %mul3A_1756, %get3A_1803 : vector<16xf32>
        %get3A_1805 = arith.index_cast %add3A_1754 : i32 to index
        %get3A_1806 = arith.constant 64 : index
        %get3A_1807 = tpu.vector_load %arg7[%get3A_1805, %get3A_1806] {strides = array<i32>} : memref<392x128xf32, #tpu.memory_space<vmem>>, vector<16xf32>,
        %mul3A_1808 = arith.mulf %mul3A_1757, %get3A_1807 : vector<16xf32>
        %add3A_1809 = arith.constant 196 : i32
        %add3A_1810 = arith.addi %add3A_1754, %add3A_1809 : i32
        %get3A_1811 = arith.index_cast %add3A_1810 : i32 to index
        %get3A_1812 = arith.constant 64 : index
        %get3A_1813 = tpu.vector_load %arg7[%get3A_1811, %get3A_1812] {strides = array<i32>} : memref<392x128xf32, #tpu.memory_space<vmem>>, vector<16xf32>,
        %mul3A_1814 = arith.mulf %mul3A_1758, %get3A_1813 : vector<16xf32>
        %get3A_1815 = arith.index_cast %add3A_1766 : i32 to index
        %get3A_1816 = arith.constant 0 : index
        %get3A_1817 = tpu.vector_load %arg7[%get3A_1815, %get3A_1816] {strides = array<i32>} : memref<392x128xf32, #tpu.memory_space<vmem>>, vector<16xf32>,
        %mul3A_1818 = arith.mulf %mul3A_1767, %get3A_1817 : vector<16xf32>
        %add3A_1819 = arith.constant 196 : i32
        %add3A_1820 = arith.addi %add3A_1766, %add3A_1819 : i32
        %get3A_1821 = arith.index_cast %add3A_1820 : i32 to index
        %get3A_1822 = arith.constant 0 : index
        %get3A_1823 = tpu.vector_load %arg7[%get3A_1821, %get3A_1822] {strides = array<i32>} : memref<392x128xf32, #tpu.memory_space<vmem>>, vector<16xf32>,
        %mul3A_1824 = arith.mulf %mul3A_1768, %get3A_1823 : vector<16xf32>
        %get3A_1825 = arith.index_cast %add3A_1766 : i32 to index
        %get3A_1826 = arith.constant 64 : index
        %get3A_1827 = tpu.vector_load %arg7[%get3A_1825, %get3A_1826] {strides = array<i32>} : memref<392x128xf32, #tpu.memory_space<vmem>>, vector<16xf32>,
        %mul3A_1828 = arith.mulf %mul3A_1769, %get3A_1827 : vector<16xf32>
        %add3A_1829 = arith.constant 196 : i32
        %add3A_1830 = arith.addi %add3A_1766, %add3A_1829 : i32
        %get3A_1831 = arith.index_cast %add3A_1830 : i32 to index
        %get3A_1832 = arith.constant 64 : index
        %get3A_1833 = tpu.vector_load %arg7[%get3A_1831, %get3A_1832] {strides = array<i32>} : memref<392x128xf32, #tpu.memory_space<vmem>>, vector<16xf32>,
        %mul3A_1834 = arith.mulf %mul3A_1770, %get3A_1833 : vector<16xf32>
        %get3A_1835 = arith.index_cast %add3A_1778 : i32 to index
        %get3A_1836 = arith.constant 0 : index
        %get3A_1837 = tpu.vector_load %arg7[%get3A_1835, %get3A_1836] {strides = array<i32>} : memref<392x128xf32, #tpu.memory_space<vmem>>, vector<16xf32>,
        %mul3A_1838 = arith.mulf %mul3A_1779, %get3A_1837 : vector<16xf32>
        %add3A_1839 = arith.constant 196 : i32
        %add3A_1840 = arith.addi %add3A_1778, %add3A_1839 : i32
        %get3A_1841 = arith.index_cast %add3A_1840 : i32 to index
        %get3A_1842 = arith.constant 0 : index
        %get3A_1843 = tpu.vector_load %arg7[%get3A_1841, %get3A_1842] {strides = array<i32>} : memref<392x128xf32, #tpu.memory_space<vmem>>, vector<16xf32>,
        %mul3A_1844 = arith.mulf %mul3A_1780, %get3A_1843 : vector<16xf32>
        %get3A_1845 = arith.index_cast %add3A_1778 : i32 to index
        %get3A_1846 = arith.constant 64 : index
        %get3A_1847 = tpu.vector_load %arg7[%get3A_1845, %get3A_1846] {strides = array<i32>} : memref<392x128xf32, #tpu.memory_space<vmem>>, vector<16xf32>,
        %mul3A_1848 = arith.mulf %mul3A_1781, %get3A_1847 : vector<16xf32>
        %add3A_1849 = arith.constant 196 : i32
        %add3A_1850 = arith.addi %add3A_1778, %add3A_1849 : i32
        %get3A_1851 = arith.index_cast %add3A_1850 : i32 to index
        %get3A_1852 = arith.constant 64 : index
        %get3A_1853 = tpu.vector_load %arg7[%get3A_1851, %get3A_1852] {strides = array<i32>} : memref<392x128xf32, #tpu.memory_space<vmem>>, vector<16xf32>,
        %mul3A_1854 = arith.mulf %mul3A_1782, %get3A_1853 : vector<16xf32>
        %get3A_1855 = arith.index_cast %add3A_1790 : i32 to index
        %get3A_1856 = arith.constant 0 : index
        %get3A_1857 = tpu.vector_load %arg7[%get3A_1855, %get3A_1856] {strides = array<i32>} : memref<392x128xf32, #tpu.memory_space<vmem>>, vector<16xf32>,
        %mul3A_1858 = arith.mulf %mul3A_1791, %get3A_1857 : vector<16xf32>
        %add3A_1859 = arith.constant 196 : i32
        %add3A_1860 = arith.addi %add3A_1790, %add3A_1859 : i32
        %get3A_1861 = arith.index_cast %add3A_1860 : i32 to index
        %get3A_1862 = arith.constant 0 : index
        %get3A_1863 = tpu.vector_load %arg7[%get3A_1861, %get3A_1862] {strides = array<i32>} : memref<392x128xf32, #tpu.memory_space<vmem>>, vector<16xf32>,
        %mul3A_1864 = arith.mulf %mul3A_1792, %get3A_1863 : vector<16xf32>
        %get3A_1865 = arith.index_cast %add3A_1790 : i32 to index
        %get3A_1866 = arith.constant 64 : index
        %get3A_1867 = tpu.vector_load %arg7[%get3A_1865, %get3A_1866] {strides = array<i32>} : memref<392x128xf32, #tpu.memory_space<vmem>>, vector<16xf32>,
        %mul3A_1868 = arith.mulf %mul3A_1793, %get3A_1867 : vector<16xf32>
        %add3A_1869 = arith.constant 196 : i32
        %add3A_1870 = arith.addi %add3A_1790, %add3A_1869 : i32
        %get3A_1871 = arith.index_cast %add3A_1870 : i32 to index
        %get3A_1872 = arith.constant 64 : index
        %get3A_1873 = tpu.vector_load %arg7[%get3A_1871, %get3A_1872] {strides = array<i32>} : memref<392x128xf32, #tpu.memory_space<vmem>>, vector<16xf32>,
        %mul3A_1874 = arith.mulf %mul3A_1794, %get3A_1873 : vector<16xf32>
        %add3A_1875 = arith.addf %mul3A_1798, %mul3A_1804 : vector<16xf32>
        %add3A_1876 = arith.addf %mul3A_1808, %mul3A_1814 : vector<16xf32>
        %add3A_1877 = arith.addf %mul3A_1818, %mul3A_1824 : vector<16xf32>
        %add3A_1878 = arith.addf %mul3A_1828, %mul3A_1834 : vector<16xf32>
        %add3A_1879 = arith.addf %mul3A_1838, %mul3A_1844 : vector<16xf32>
        %add3A_1880 = arith.addf %mul3A_1848, %mul3A_1854 : vector<16xf32>
        %add3A_1881 = arith.addf %mul3A_1858, %mul3A_1864 : vector<16xf32>
        %add3A_1882 = arith.addf %mul3A_1868, %mul3A_1874 : vector<16xf32>
        %add3A_1883 = arith.addf %add3A_1875, %add3A_1876 : vector<16xf32>
        %add3A_1884 = arith.addf %add3A_1877, %add3A_1878 : vector<16xf32>
        %add3A_1885 = arith.addf %add3A_1879, %add3A_1880 : vector<16xf32>
        %add3A_1886 = arith.addf %add3A_1881, %add3A_1882 : vector<16xf32>
        %add3A_1887 = arith.addf %add3A_1883, %add3A_1884 : vector<16xf32>
        %add3A_1888 = arith.addf %add3A_1885, %add3A_1886 : vector<16xf32>
        %add3A_1889 = arith.addf %add3A_1887, %add3A_1888 : vector<16xf32>
        %add3A_1890 = arith.constant 3 : i32
        %add3A_1891 = arith.addi %mul3A_286, %add3A_1890 : i32
        %add3A_1892 = vector.broadcast %add3A_1891 : i32 to vector<16xi32>
        %add3A_1893 = arith.addi %add3A_22, %add3A_1892 : vector<16xi32>
        tpu.vector_store_idx %arg8[%add3A_1893], %add3A_1889 : memref<3136xf32, #tpu.memory_space<vmem>>[vector<16xi32>], vector<16xf32>,
        %get3A_1894 = arith.index_cast %add3A_1754 : i32 to index
        %get3A_1895 = arith.constant 16 : index
        %get3A_1896 = tpu.vector_load %arg7[%get3A_1894, %get3A_1895] {strides = array<i32>} : memref<392x128xf32, #tpu.memory_space<vmem>>, vector<16xf32>,
        %mul3A_1897 = arith.mulf %mul3A_1755, %get3A_1896 : vector<16xf32>
        %add3A_1898 = arith.constant 196 : i32
        %add3A_1899 = arith.addi %add3A_1754, %add3A_1898 : i32
        %get3A_1900 = arith.index_cast %add3A_1899 : i32 to index
        %get3A_1901 = arith.constant 16 : index
        %get3A_1902 = tpu.vector_load %arg7[%get3A_1900, %get3A_1901] {strides = array<i32>} : memref<392x128xf32, #tpu.memory_space<vmem>>, vector<16xf32>,
        %mul3A_1903 = arith.mulf %mul3A_1756, %get3A_1902 : vector<16xf32>
        %get3A_1904 = arith.index_cast %add3A_1754 : i32 to index
        %get3A_1905 = arith.constant 80 : index
        %get3A_1906 = tpu.vector_load %arg7[%get3A_1904, %get3A_1905] {strides = array<i32>} : memref<392x128xf32, #tpu.memory_space<vmem>>, vector<16xf32>,
        %mul3A_1907 = arith.mulf %mul3A_1757, %get3A_1906 : vector<16xf32>
        %add3A_1908 = arith.constant 196 : i32
        %add3A_1909 = arith.addi %add3A_1754, %add3A_1908 : i32
        %get3A_1910 = arith.index_cast %add3A_1909 : i32 to index
        %get3A_1911 = arith.constant 80 : index
        %get3A_1912 = tpu.vector_load %arg7[%get3A_1910, %get3A_1911] {strides = array<i32>} : memref<392x128xf32, #tpu.memory_space<vmem>>, vector<16xf32>,
        %mul3A_1913 = arith.mulf %mul3A_1758, %get3A_1912 : vector<16xf32>
        %get3A_1914 = arith.index_cast %add3A_1766 : i32 to index
        %get3A_1915 = arith.constant 16 : index
        %get3A_1916 = tpu.vector_load %arg7[%get3A_1914, %get3A_1915] {strides = array<i32>} : memref<392x128xf32, #tpu.memory_space<vmem>>, vector<16xf32>,
        %mul3A_1917 = arith.mulf %mul3A_1767, %get3A_1916 : vector<16xf32>
        %add3A_1918 = arith.constant 196 : i32
        %add3A_1919 = arith.addi %add3A_1766, %add3A_1918 : i32
        %get3A_1920 = arith.index_cast %add3A_1919 : i32 to index
        %get3A_1921 = arith.constant 16 : index
        %get3A_1922 = tpu.vector_load %arg7[%get3A_1920, %get3A_1921] {strides = array<i32>} : memref<392x128xf32, #tpu.memory_space<vmem>>, vector<16xf32>,
        %mul3A_1923 = arith.mulf %mul3A_1768, %get3A_1922 : vector<16xf32>
        %get3A_1924 = arith.index_cast %add3A_1766 : i32 to index
        %get3A_1925 = arith.constant 80 : index
        %get3A_1926 = tpu.vector_load %arg7[%get3A_1924, %get3A_1925] {strides = array<i32>} : memref<392x128xf32, #tpu.memory_space<vmem>>, vector<16xf32>,
        %mul3A_1927 = arith.mulf %mul3A_1769, %get3A_1926 : vector<16xf32>
        %add3A_1928 = arith.constant 196 : i32
        %add3A_1929 = arith.addi %add3A_1766, %add3A_1928 : i32
        %get3A_1930 = arith.index_cast %add3A_1929 : i32 to index
        %get3A_1931 = arith.constant 80 : index
        %get3A_1932 = tpu.vector_load %arg7[%get3A_1930, %get3A_1931] {strides = array<i32>} : memref<392x128xf32, #tpu.memory_space<vmem>>, vector<16xf32>,
        %mul3A_1933 = arith.mulf %mul3A_1770, %get3A_1932 : vector<16xf32>
        %get3A_1934 = arith.index_cast %add3A_1778 : i32 to index
        %get3A_1935 = arith.constant 16 : index
        %get3A_1936 = tpu.vector_load %arg7[%get3A_1934, %get3A_1935] {strides = array<i32>} : memref<392x128xf32, #tpu.memory_space<vmem>>, vector<16xf32>,
        %mul3A_1937 = arith.mulf %mul3A_1779, %get3A_1936 : vector<16xf32>
        %add3A_1938 = arith.constant 196 : i32
        %add3A_1939 = arith.addi %add3A_1778, %add3A_1938 : i32
        %get3A_1940 = arith.index_cast %add3A_1939 : i32 to index
        %get3A_1941 = arith.constant 16 : index
        %get3A_1942 = tpu.vector_load %arg7[%get3A_1940, %get3A_1941] {strides = array<i32>} : memref<392x128xf32, #tpu.memory_space<vmem>>, vector<16xf32>,
        %mul3A_1943 = arith.mulf %mul3A_1780, %get3A_1942 : vector<16xf32>
        %get3A_1944 = arith.index_cast %add3A_1778 : i32 to index
        %get3A_1945 = arith.constant 80 : index
        %get3A_1946 = tpu.vector_load %arg7[%get3A_1944, %get3A_1945] {strides = array<i32>} : memref<392x128xf32, #tpu.memory_space<vmem>>, vector<16xf32>,
        %mul3A_1947 = arith.mulf %mul3A_1781, %get3A_1946 : vector<16xf32>
        %add3A_1948 = arith.constant 196 : i32
        %add3A_1949 = arith.addi %add3A_1778, %add3A_1948 : i32
        %get3A_1950 = arith.index_cast %add3A_1949 : i32 to index
        %get3A_1951 = arith.constant 80 : index
        %get3A_1952 = tpu.vector_load %arg7[%get3A_1950, %get3A_1951] {strides = array<i32>} : memref<392x128xf32, #tpu.memory_space<vmem>>, vector<16xf32>,
        %mul3A_1953 = arith.mulf %mul3A_1782, %get3A_1952 : vector<16xf32>
        %get3A_1954 = arith.index_cast %add3A_1790 : i32 to index
        %get3A_1955 = arith.constant 16 : index
        %get3A_1956 = tpu.vector_load %arg7[%get3A_1954, %get3A_1955] {strides = array<i32>} : memref<392x128xf32, #tpu.memory_space<vmem>>, vector<16xf32>,
        %mul3A_1957 = arith.mulf %mul3A_1791, %get3A_1956 : vector<16xf32>
        %add3A_1958 = arith.constant 196 : i32
        %add3A_1959 = arith.addi %add3A_1790, %add3A_1958 : i32
        %get3A_1960 = arith.index_cast %add3A_1959 : i32 to index
        %get3A_1961 = arith.constant 16 : index
        %get3A_1962 = tpu.vector_load %arg7[%get3A_1960, %get3A_1961] {strides = array<i32>} : memref<392x128xf32, #tpu.memory_space<vmem>>, vector<16xf32>,
        %mul3A_1963 = arith.mulf %mul3A_1792, %get3A_1962 : vector<16xf32>
        %get3A_1964 = arith.index_cast %add3A_1790 : i32 to index
        %get3A_1965 = arith.constant 80 : index
        %get3A_1966 = tpu.vector_load %arg7[%get3A_1964, %get3A_1965] {strides = array<i32>} : memref<392x128xf32, #tpu.memory_space<vmem>>, vector<16xf32>,
        %mul3A_1967 = arith.mulf %mul3A_1793, %get3A_1966 : vector<16xf32>
        %add3A_1968 = arith.constant 196 : i32
        %add3A_1969 = arith.addi %add3A_1790, %add3A_1968 : i32
        %get3A_1970 = arith.index_cast %add3A_1969 : i32 to index
        %get3A_1971 = arith.constant 80 : index
        %get3A_1972 = tpu.vector_load %arg7[%get3A_1970, %get3A_1971] {strides = array<i32>} : memref<392x128xf32, #tpu.memory_space<vmem>>, vector<16xf32>,
        %mul3A_1973 = arith.mulf %mul3A_1794, %get3A_1972 : vector<16xf32>
        %add3A_1974 = arith.addf %mul3A_1897, %mul3A_1903 : vector<16xf32>
        %add3A_1975 = arith.addf %mul3A_1907, %mul3A_1913 : vector<16xf32>
        %add3A_1976 = arith.addf %mul3A_1917, %mul3A_1923 : vector<16xf32>
        %add3A_1977 = arith.addf %mul3A_1927, %mul3A_1933 : vector<16xf32>
        %add3A_1978 = arith.addf %mul3A_1937, %mul3A_1943 : vector<16xf32>
        %add3A_1979 = arith.addf %mul3A_1947, %mul3A_1953 : vector<16xf32>
        %add3A_1980 = arith.addf %mul3A_1957, %mul3A_1963 : vector<16xf32>
        %add3A_1981 = arith.addf %mul3A_1967, %mul3A_1973 : vector<16xf32>
        %add3A_1982 = arith.addf %add3A_1974, %add3A_1975 : vector<16xf32>
        %add3A_1983 = arith.addf %add3A_1976, %add3A_1977 : vector<16xf32>
        %add3A_1984 = arith.addf %add3A_1978, %add3A_1979 : vector<16xf32>
        %add3A_1985 = arith.addf %add3A_1980, %add3A_1981 : vector<16xf32>
        %add3A_1986 = arith.addf %add3A_1982, %add3A_1983 : vector<16xf32>
        %add3A_1987 = arith.addf %add3A_1984, %add3A_1985 : vector<16xf32>
        %add3A_1988 = arith.addf %add3A_1986, %add3A_1987 : vector<16xf32>
        %add3A_1989 = arith.constant 3 : i32
        %add3A_1990 = arith.addi %mul3A_286, %add3A_1989 : i32
        %add3A_1991 = vector.broadcast %add3A_1990 : i32 to vector<16xi32>
        %add3A_1992 = arith.addi %add3A_28, %add3A_1991 : vector<16xi32>
        tpu.vector_store_idx %arg8[%add3A_1992], %add3A_1988 : memref<3136xf32, #tpu.memory_space<vmem>>[vector<16xi32>], vector<16xf32>,
        %get3A_1993 = arith.index_cast %add3A_1754 : i32 to index
        %get3A_1994 = arith.constant 32 : index
        %get3A_1995 = tpu.vector_load %arg7[%get3A_1993, %get3A_1994] {strides = array<i32>} : memref<392x128xf32, #tpu.memory_space<vmem>>, vector<16xf32>,
        %mul3A_1996 = arith.mulf %mul3A_1755, %get3A_1995 : vector<16xf32>
        %add3A_1997 = arith.constant 196 : i32
        %add3A_1998 = arith.addi %add3A_1754, %add3A_1997 : i32
        %get3A_1999 = arith.index_cast %add3A_1998 : i32 to index
        %get3A_2000 = arith.constant 32 : index
        %get3A_2001 = tpu.vector_load %arg7[%get3A_1999, %get3A_2000] {strides = array<i32>} : memref<392x128xf32, #tpu.memory_space<vmem>>, vector<16xf32>,
        %mul3A_2002 = arith.mulf %mul3A_1756, %get3A_2001 : vector<16xf32>
        %get3A_2003 = arith.index_cast %add3A_1754 : i32 to index
        %get3A_2004 = arith.constant 96 : index
        %get3A_2005 = tpu.vector_load %arg7[%get3A_2003, %get3A_2004] {strides = array<i32>} : memref<392x128xf32, #tpu.memory_space<vmem>>, vector<16xf32>,
        %mul3A_2006 = arith.mulf %mul3A_1757, %get3A_2005 : vector<16xf32>
        %add3A_2007 = arith.constant 196 : i32
        %add3A_2008 = arith.addi %add3A_1754, %add3A_2007 : i32
        %get3A_2009 = arith.index_cast %add3A_2008 : i32 to index
        %get3A_2010 = arith.constant 96 : index
        %get3A_2011 = tpu.vector_load %arg7[%get3A_2009, %get3A_2010] {strides = array<i32>} : memref<392x128xf32, #tpu.memory_space<vmem>>, vector<16xf32>,
        %mul3A_2012 = arith.mulf %mul3A_1758, %get3A_2011 : vector<16xf32>
        %get3A_2013 = arith.index_cast %add3A_1766 : i32 to index
        %get3A_2014 = arith.constant 32 : index
        %get3A_2015 = tpu.vector_load %arg7[%get3A_2013, %get3A_2014] {strides = array<i32>} : memref<392x128xf32, #tpu.memory_space<vmem>>, vector<16xf32>,
        %mul3A_2016 = arith.mulf %mul3A_1767, %get3A_2015 : vector<16xf32>
        %add3A_2017 = arith.constant 196 : i32
        %add3A_2018 = arith.addi %add3A_1766, %add3A_2017 : i32
        %get3A_2019 = arith.index_cast %add3A_2018 : i32 to index
        %get3A_2020 = arith.constant 32 : index
        %get3A_2021 = tpu.vector_load %arg7[%get3A_2019, %get3A_2020] {strides = array<i32>} : memref<392x128xf32, #tpu.memory_space<vmem>>, vector<16xf32>,
        %mul3A_2022 = arith.mulf %mul3A_1768, %get3A_2021 : vector<16xf32>
        %get3A_2023 = arith.index_cast %add3A_1766 : i32 to index
        %get3A_2024 = arith.constant 96 : index
        %get3A_2025 = tpu.vector_load %arg7[%get3A_2023, %get3A_2024] {strides = array<i32>} : memref<392x128xf32, #tpu.memory_space<vmem>>, vector<16xf32>,
        %mul3A_2026 = arith.mulf %mul3A_1769, %get3A_2025 : vector<16xf32>
        %add3A_2027 = arith.constant 196 : i32
        %add3A_2028 = arith.addi %add3A_1766, %add3A_2027 : i32
        %get3A_2029 = arith.index_cast %add3A_2028 : i32 to index
        %get3A_2030 = arith.constant 96 : index
        %get3A_2031 = tpu.vector_load %arg7[%get3A_2029, %get3A_2030] {strides = array<i32>} : memref<392x128xf32, #tpu.memory_space<vmem>>, vector<16xf32>,
        %mul3A_2032 = arith.mulf %mul3A_1770, %get3A_2031 : vector<16xf32>
        %get3A_2033 = arith.index_cast %add3A_1778 : i32 to index
        %get3A_2034 = arith.constant 32 : index
        %get3A_2035 = tpu.vector_load %arg7[%get3A_2033, %get3A_2034] {strides = array<i32>} : memref<392x128xf32, #tpu.memory_space<vmem>>, vector<16xf32>,
        %mul3A_2036 = arith.mulf %mul3A_1779, %get3A_2035 : vector<16xf32>
        %add3A_2037 = arith.constant 196 : i32
        %add3A_2038 = arith.addi %add3A_1778, %add3A_2037 : i32
        %get3A_2039 = arith.index_cast %add3A_2038 : i32 to index
        %get3A_2040 = arith.constant 32 : index
        %get3A_2041 = tpu.vector_load %arg7[%get3A_2039, %get3A_2040] {strides = array<i32>} : memref<392x128xf32, #tpu.memory_space<vmem>>, vector<16xf32>,
        %mul3A_2042 = arith.mulf %mul3A_1780, %get3A_2041 : vector<16xf32>
        %get3A_2043 = arith.index_cast %add3A_1778 : i32 to index
        %get3A_2044 = arith.constant 96 : index
        %get3A_2045 = tpu.vector_load %arg7[%get3A_2043, %get3A_2044] {strides = array<i32>} : memref<392x128xf32, #tpu.memory_space<vmem>>, vector<16xf32>,
        %mul3A_2046 = arith.mulf %mul3A_1781, %get3A_2045 : vector<16xf32>
        %add3A_2047 = arith.constant 196 : i32
        %add3A_2048 = arith.addi %add3A_1778, %add3A_2047 : i32
        %get3A_2049 = arith.index_cast %add3A_2048 : i32 to index
        %get3A_2050 = arith.constant 96 : index
        %get3A_2051 = tpu.vector_load %arg7[%get3A_2049, %get3A_2050] {strides = array<i32>} : memref<392x128xf32, #tpu.memory_space<vmem>>, vector<16xf32>,
        %mul3A_2052 = arith.mulf %mul3A_1782, %get3A_2051 : vector<16xf32>
        %get3A_2053 = arith.index_cast %add3A_1790 : i32 to index
        %get3A_2054 = arith.constant 32 : index
        %get3A_2055 = tpu.vector_load %arg7[%get3A_2053, %get3A_2054] {strides = array<i32>} : memref<392x128xf32, #tpu.memory_space<vmem>>, vector<16xf32>,
        %mul3A_2056 = arith.mulf %mul3A_1791, %get3A_2055 : vector<16xf32>
        %add3A_2057 = arith.constant 196 : i32
        %add3A_2058 = arith.addi %add3A_1790, %add3A_2057 : i32
        %get3A_2059 = arith.index_cast %add3A_2058 : i32 to index
        %get3A_2060 = arith.constant 32 : index
        %get3A_2061 = tpu.vector_load %arg7[%get3A_2059, %get3A_2060] {strides = array<i32>} : memref<392x128xf32, #tpu.memory_space<vmem>>, vector<16xf32>,
        %mul3A_2062 = arith.mulf %mul3A_1792, %get3A_2061 : vector<16xf32>
        %get3A_2063 = arith.index_cast %add3A_1790 : i32 to index
        %get3A_2064 = arith.constant 96 : index
        %get3A_2065 = tpu.vector_load %arg7[%get3A_2063, %get3A_2064] {strides = array<i32>} : memref<392x128xf32, #tpu.memory_space<vmem>>, vector<16xf32>,
        %mul3A_2066 = arith.mulf %mul3A_1793, %get3A_2065 : vector<16xf32>
        %add3A_2067 = arith.constant 196 : i32
        %add3A_2068 = arith.addi %add3A_1790, %add3A_2067 : i32
        %get3A_2069 = arith.index_cast %add3A_2068 : i32 to index
        %get3A_2070 = arith.constant 96 : index
        %get3A_2071 = tpu.vector_load %arg7[%get3A_2069, %get3A_2070] {strides = array<i32>} : memref<392x128xf32, #tpu.memory_space<vmem>>, vector<16xf32>,
        %mul3A_2072 = arith.mulf %mul3A_1794, %get3A_2071 : vector<16xf32>
        %add3A_2073 = arith.addf %mul3A_1996, %mul3A_2002 : vector<16xf32>
        %add3A_2074 = arith.addf %mul3A_2006, %mul3A_2012 : vector<16xf32>
        %add3A_2075 = arith.addf %mul3A_2016, %mul3A_2022 : vector<16xf32>
        %add3A_2076 = arith.addf %mul3A_2026, %mul3A_2032 : vector<16xf32>
        %add3A_2077 = arith.addf %mul3A_2036, %mul3A_2042 : vector<16xf32>
        %add3A_2078 = arith.addf %mul3A_2046, %mul3A_2052 : vector<16xf32>
        %add3A_2079 = arith.addf %mul3A_2056, %mul3A_2062 : vector<16xf32>
        %add3A_2080 = arith.addf %mul3A_2066, %mul3A_2072 : vector<16xf32>
        %add3A_2081 = arith.addf %add3A_2073, %add3A_2074 : vector<16xf32>
        %add3A_2082 = arith.addf %add3A_2075, %add3A_2076 : vector<16xf32>
        %add3A_2083 = arith.addf %add3A_2077, %add3A_2078 : vector<16xf32>
        %add3A_2084 = arith.addf %add3A_2079, %add3A_2080 : vector<16xf32>
        %add3A_2085 = arith.addf %add3A_2081, %add3A_2082 : vector<16xf32>
        %add3A_2086 = arith.addf %add3A_2083, %add3A_2084 : vector<16xf32>
        %add3A_2087 = arith.addf %add3A_2085, %add3A_2086 : vector<16xf32>
        %add3A_2088 = arith.constant 3 : i32
        %add3A_2089 = arith.addi %mul3A_286, %add3A_2088 : i32
        %add3A_2090 = vector.broadcast %add3A_2089 : i32 to vector<16xi32>
        %add3A_2091 = arith.addi %add3A_34, %add3A_2090 : vector<16xi32>
        tpu.vector_store_idx %arg8[%add3A_2091], %add3A_2087 : memref<3136xf32, #tpu.memory_space<vmem>>[vector<16xi32>], vector<16xf32>,
        %get3A_2092 = arith.index_cast %add3A_1754 : i32 to index
        %get3A_2093 = arith.constant 48 : index
        %get3A_2094 = tpu.vector_load %arg7[%get3A_2092, %get3A_2093] {strides = array<i32>} : memref<392x128xf32, #tpu.memory_space<vmem>>, vector<16xf32>,
        %mul3A_2095 = arith.mulf %mul3A_1755, %get3A_2094 : vector<16xf32>
        %add3A_2096 = arith.constant 196 : i32
        %add3A_2097 = arith.addi %add3A_1754, %add3A_2096 : i32
        %get3A_2098 = arith.index_cast %add3A_2097 : i32 to index
        %get3A_2099 = arith.constant 48 : index
        %get3A_2100 = tpu.vector_load %arg7[%get3A_2098, %get3A_2099] {strides = array<i32>} : memref<392x128xf32, #tpu.memory_space<vmem>>, vector<16xf32>,
        %mul3A_2101 = arith.mulf %mul3A_1756, %get3A_2100 : vector<16xf32>
        %get3A_2102 = arith.index_cast %add3A_1754 : i32 to index
        %get3A_2103 = arith.constant 112 : index
        %get3A_2104 = tpu.vector_load %arg7[%get3A_2102, %get3A_2103] {strides = array<i32>} : memref<392x128xf32, #tpu.memory_space<vmem>>, vector<16xf32>,
        %mul3A_2105 = arith.mulf %mul3A_1757, %get3A_2104 : vector<16xf32>
        %add3A_2106 = arith.constant 196 : i32
        %add3A_2107 = arith.addi %add3A_1754, %add3A_2106 : i32
        %get3A_2108 = arith.index_cast %add3A_2107 : i32 to index
        %get3A_2109 = arith.constant 112 : index
        %get3A_2110 = tpu.vector_load %arg7[%get3A_2108, %get3A_2109] {strides = array<i32>} : memref<392x128xf32, #tpu.memory_space<vmem>>, vector<16xf32>,
        %mul3A_2111 = arith.mulf %mul3A_1758, %get3A_2110 : vector<16xf32>
        %get3A_2112 = arith.index_cast %add3A_1766 : i32 to index
        %get3A_2113 = arith.constant 48 : index
        %get3A_2114 = tpu.vector_load %arg7[%get3A_2112, %get3A_2113] {strides = array<i32>} : memref<392x128xf32, #tpu.memory_space<vmem>>, vector<16xf32>,
        %mul3A_2115 = arith.mulf %mul3A_1767, %get3A_2114 : vector<16xf32>
        %add3A_2116 = arith.constant 196 : i32
        %add3A_2117 = arith.addi %add3A_1766, %add3A_2116 : i32
        %get3A_2118 = arith.index_cast %add3A_2117 : i32 to index
        %get3A_2119 = arith.constant 48 : index
        %get3A_2120 = tpu.vector_load %arg7[%get3A_2118, %get3A_2119] {strides = array<i32>} : memref<392x128xf32, #tpu.memory_space<vmem>>, vector<16xf32>,
        %mul3A_2121 = arith.mulf %mul3A_1768, %get3A_2120 : vector<16xf32>
        %get3A_2122 = arith.index_cast %add3A_1766 : i32 to index
        %get3A_2123 = arith.constant 112 : index
        %get3A_2124 = tpu.vector_load %arg7[%get3A_2122, %get3A_2123] {strides = array<i32>} : memref<392x128xf32, #tpu.memory_space<vmem>>, vector<16xf32>,
        %mul3A_2125 = arith.mulf %mul3A_1769, %get3A_2124 : vector<16xf32>
        %add3A_2126 = arith.constant 196 : i32
        %add3A_2127 = arith.addi %add3A_1766, %add3A_2126 : i32
        %get3A_2128 = arith.index_cast %add3A_2127 : i32 to index
        %get3A_2129 = arith.constant 112 : index
        %get3A_2130 = tpu.vector_load %arg7[%get3A_2128, %get3A_2129] {strides = array<i32>} : memref<392x128xf32, #tpu.memory_space<vmem>>, vector<16xf32>,
        %mul3A_2131 = arith.mulf %mul3A_1770, %get3A_2130 : vector<16xf32>
        %get3A_2132 = arith.index_cast %add3A_1778 : i32 to index
        %get3A_2133 = arith.constant 48 : index
        %get3A_2134 = tpu.vector_load %arg7[%get3A_2132, %get3A_2133] {strides = array<i32>} : memref<392x128xf32, #tpu.memory_space<vmem>>, vector<16xf32>,
        %mul3A_2135 = arith.mulf %mul3A_1779, %get3A_2134 : vector<16xf32>
        %add3A_2136 = arith.constant 196 : i32
        %add3A_2137 = arith.addi %add3A_1778, %add3A_2136 : i32
        %get3A_2138 = arith.index_cast %add3A_2137 : i32 to index
        %get3A_2139 = arith.constant 48 : index
        %get3A_2140 = tpu.vector_load %arg7[%get3A_2138, %get3A_2139] {strides = array<i32>} : memref<392x128xf32, #tpu.memory_space<vmem>>, vector<16xf32>,
        %mul3A_2141 = arith.mulf %mul3A_1780, %get3A_2140 : vector<16xf32>
        %get3A_2142 = arith.index_cast %add3A_1778 : i32 to index
        %get3A_2143 = arith.constant 112 : index
        %get3A_2144 = tpu.vector_load %arg7[%get3A_2142, %get3A_2143] {strides = array<i32>} : memref<392x128xf32, #tpu.memory_space<vmem>>, vector<16xf32>,
        %mul3A_2145 = arith.mulf %mul3A_1781, %get3A_2144 : vector<16xf32>
        %add3A_2146 = arith.constant 196 : i32
        %add3A_2147 = arith.addi %add3A_1778, %add3A_2146 : i32
        %get3A_2148 = arith.index_cast %add3A_2147 : i32 to index
        %get3A_2149 = arith.constant 112 : index
        %get3A_2150 = tpu.vector_load %arg7[%get3A_2148, %get3A_2149] {strides = array<i32>} : memref<392x128xf32, #tpu.memory_space<vmem>>, vector<16xf32>,
        %mul3A_2151 = arith.mulf %mul3A_1782, %get3A_2150 : vector<16xf32>
        %get3A_2152 = arith.index_cast %add3A_1790 : i32 to index
        %get3A_2153 = arith.constant 48 : index
        %get3A_2154 = tpu.vector_load %arg7[%get3A_2152, %get3A_2153] {strides = array<i32>} : memref<392x128xf32, #tpu.memory_space<vmem>>, vector<16xf32>,
        %mul3A_2155 = arith.mulf %mul3A_1791, %get3A_2154 : vector<16xf32>
        %add3A_2156 = arith.constant 196 : i32
        %add3A_2157 = arith.addi %add3A_1790, %add3A_2156 : i32
        %get3A_2158 = arith.index_cast %add3A_2157 : i32 to index
        %get3A_2159 = arith.constant 48 : index
        %get3A_2160 = tpu.vector_load %arg7[%get3A_2158, %get3A_2159] {strides = array<i32>} : memref<392x128xf32, #tpu.memory_space<vmem>>, vector<16xf32>,
        %mul3A_2161 = arith.mulf %mul3A_1792, %get3A_2160 : vector<16xf32>
        %get3A_2162 = arith.index_cast %add3A_1790 : i32 to index
        %get3A_2163 = arith.constant 112 : index
        %get3A_2164 = tpu.vector_load %arg7[%get3A_2162, %get3A_2163] {strides = array<i32>} : memref<392x128xf32, #tpu.memory_space<vmem>>, vector<16xf32>,
        %mul3A_2165 = arith.mulf %mul3A_1793, %get3A_2164 : vector<16xf32>
        %add3A_2166 = arith.constant 196 : i32
        %add3A_2167 = arith.addi %add3A_1790, %add3A_2166 : i32
        %get3A_2168 = arith.index_cast %add3A_2167 : i32 to index
        %get3A_2169 = arith.constant 112 : index
        %get3A_2170 = tpu.vector_load %arg7[%get3A_2168, %get3A_2169] {strides = array<i32>} : memref<392x128xf32, #tpu.memory_space<vmem>>, vector<16xf32>,
        %mul3A_2171 = arith.mulf %mul3A_1794, %get3A_2170 : vector<16xf32>
        %add3A_2172 = arith.addf %mul3A_2095, %mul3A_2101 : vector<16xf32>
        %add3A_2173 = arith.addf %mul3A_2105, %mul3A_2111 : vector<16xf32>
        %add3A_2174 = arith.addf %mul3A_2115, %mul3A_2121 : vector<16xf32>
        %add3A_2175 = arith.addf %mul3A_2125, %mul3A_2131 : vector<16xf32>
        %add3A_2176 = arith.addf %mul3A_2135, %mul3A_2141 : vector<16xf32>
        %add3A_2177 = arith.addf %mul3A_2145, %mul3A_2151 : vector<16xf32>
        %add3A_2178 = arith.addf %mul3A_2155, %mul3A_2161 : vector<16xf32>
        %add3A_2179 = arith.addf %mul3A_2165, %mul3A_2171 : vector<16xf32>
        %add3A_2180 = arith.addf %add3A_2172, %add3A_2173 : vector<16xf32>
        %add3A_2181 = arith.addf %add3A_2174, %add3A_2175 : vector<16xf32>
        %add3A_2182 = arith.addf %add3A_2176, %add3A_2177 : vector<16xf32>
        %add3A_2183 = arith.addf %add3A_2178, %add3A_2179 : vector<16xf32>
        %add3A_2184 = arith.addf %add3A_2180, %add3A_2181 : vector<16xf32>
        %add3A_2185 = arith.addf %add3A_2182, %add3A_2183 : vector<16xf32>
        %add3A_2186 = arith.addf %add3A_2184, %add3A_2185 : vector<16xf32>
        %add3A_2187 = arith.constant 3 : i32
        %add3A_2188 = arith.addi %mul3A_286, %add3A_2187 : i32
        %add3A_2189 = vector.broadcast %add3A_2188 : i32 to vector<16xi32>
        %add3A_2190 = arith.addi %add3A_40, %add3A_2189 : vector<16xi32>
        tpu.vector_store_idx %arg8[%add3A_2190], %add3A_2186 : memref<3136xf32, #tpu.memory_space<vmem>>[vector<16xi32>], vector<16xf32>,
        %broadcast_in_dim3A_2191 = arith.constant 0 : i32
        %broadcast_in_dim3A_2192 = vector.broadcast %broadcast_in_dim3A_2191 : i32 to vector<16xi32>
        %add3A_2193 = arith.constant 8 : i32
        %add3A_2194 = vector.broadcast %add3A_2193 : i32 to vector<16xi32>
        %add3A_2195 = arith.addi %broadcast_in_dim3A_2192, %add3A_2194 : vector<16xi32>
        %broadcast_in_dim3A_2196 = vector.shape_cast %add3A_2195 : vector<16xi32> to vector<16x1xi32>
        %gather3A_2197 = vector.shape_cast %broadcast_in_dim3A_2196 : vector<16x1xi32> to vector<16xi32>
        %gather3A_2198 = tpu.dynamic_gather %mul3A_171[%gather3A_2197] in [0] : vector<16xf32>, vector<16xi32> -> vector<16xf32>
        %broadcast_in_dim3A_2199 = arith.constant 0 : i32
        %broadcast_in_dim3A_2200 = vector.broadcast %broadcast_in_dim3A_2199 : i32 to vector<16xi32>
        %add3A_2201 = arith.constant 8 : i32
        %add3A_2202 = vector.broadcast %add3A_2201 : i32 to vector<16xi32>
        %add3A_2203 = arith.addi %broadcast_in_dim3A_2200, %add3A_2202 : vector<16xi32>
        %broadcast_in_dim3A_2204 = vector.shape_cast %add3A_2203 : vector<16xi32> to vector<16x1xi32>
        %gather3A_2205 = vector.shape_cast %broadcast_in_dim3A_2204 : vector<16x1xi32> to vector<16xi32>
        %gather3A_2206 = tpu.dynamic_gather %mul3A_172[%gather3A_2205] in [0] : vector<16xf32>, vector<16xi32> -> vector<16xf32>
        %broadcast_in_dim3A_2207 = arith.constant 0 : i32
        %broadcast_in_dim3A_2208 = vector.broadcast %broadcast_in_dim3A_2207 : i32 to vector<16xi32>
        %add3A_2209 = arith.constant 9 : i32
        %add3A_2210 = vector.broadcast %add3A_2209 : i32 to vector<16xi32>
        %add3A_2211 = arith.addi %broadcast_in_dim3A_2208, %add3A_2210 : vector<16xi32>
        %broadcast_in_dim3A_2212 = vector.shape_cast %add3A_2211 : vector<16xi32> to vector<16x1xi32>
        %gather3A_2213 = vector.shape_cast %broadcast_in_dim3A_2212 : vector<16x1xi32> to vector<16xi32>
        %gather3A_2214 = tpu.dynamic_gather %mul3A_171[%gather3A_2213] in [0] : vector<16xf32>, vector<16xi32> -> vector<16xf32>
        %broadcast_in_dim3A_2215 = arith.constant 0 : i32
        %broadcast_in_dim3A_2216 = vector.broadcast %broadcast_in_dim3A_2215 : i32 to vector<16xi32>
        %add3A_2217 = arith.constant 9 : i32
        %add3A_2218 = vector.broadcast %add3A_2217 : i32 to vector<16xi32>
        %add3A_2219 = arith.addi %broadcast_in_dim3A_2216, %add3A_2218 : vector<16xi32>
        %broadcast_in_dim3A_2220 = vector.shape_cast %add3A_2219 : vector<16xi32> to vector<16x1xi32>
        %gather3A_2221 = vector.shape_cast %broadcast_in_dim3A_2220 : vector<16x1xi32> to vector<16xi32>
        %gather3A_2222 = tpu.dynamic_gather %mul3A_172[%gather3A_2221] in [0] : vector<16xf32>, vector<16xi32> -> vector<16xf32>
        %add3A_2223 = arith.constant 0 : i32
        %add3A_2224 = arith.addi %mul3A_262, %add3A_2223 : i32
        %mul3A_2225 = arith.constant 14 : i32
        %mul3A_2226 = arith.muli %add3A_2224, %mul3A_2225 : i32
        %add3A_2227 = arith.constant 8 : i32
        %add3A_2228 = arith.addi %mul3A_2226, %add3A_2227 : i32
        %add3A_2229 = arith.constant 0 : i32
        %add3A_2230 = arith.addi %add3A_2228, %add3A_2229 : i32
        %mul3A_2231 = arith.mulf %gather3A_269, %gather3A_2198 : vector<16xf32>
        %mul3A_2232 = arith.mulf %gather3A_269, %gather3A_2206 : vector<16xf32>
        %mul3A_2233 = arith.mulf %gather3A_272, %gather3A_2198 : vector<16xf32>
        %mul3A_2234 = arith.mulf %gather3A_272, %gather3A_2206 : vector<16xf32>
        %add3A_2235 = arith.constant 0 : i32
        %add3A_2236 = arith.addi %mul3A_262, %add3A_2235 : i32
        %mul3A_2237 = arith.constant 14 : i32
        %mul3A_2238 = arith.muli %add3A_2236, %mul3A_2237 : i32
        %add3A_2239 = arith.constant 8 : i32
        %add3A_2240 = arith.addi %mul3A_2238, %add3A_2239 : i32
        %add3A_2241 = arith.constant 1 : i32
        %add3A_2242 = arith.addi %add3A_2240, %add3A_2241 : i32
        %mul3A_2243 = arith.mulf %gather3A_269, %gather3A_2214 : vector<16xf32>
        %mul3A_2244 = arith.mulf %gather3A_269, %gather3A_2222 : vector<16xf32>
        %mul3A_2245 = arith.mulf %gather3A_272, %gather3A_2214 : vector<16xf32>
        %mul3A_2246 = arith.mulf %gather3A_272, %gather3A_2222 : vector<16xf32>
        %add3A_2247 = arith.constant 1 : i32
        %add3A_2248 = arith.addi %mul3A_262, %add3A_2247 : i32
        %mul3A_2249 = arith.constant 14 : i32
        %mul3A_2250 = arith.muli %add3A_2248, %mul3A_2249 : i32
        %add3A_2251 = arith.constant 8 : i32
        %add3A_2252 = arith.addi %mul3A_2250, %add3A_2251 : i32
        %add3A_2253 = arith.constant 0 : i32
        %add3A_2254 = arith.addi %add3A_2252, %add3A_2253 : i32
        %mul3A_2255 = arith.mulf %gather3A_278, %gather3A_2198 : vector<16xf32>
        %mul3A_2256 = arith.mulf %gather3A_278, %gather3A_2206 : vector<16xf32>
        %mul3A_2257 = arith.mulf %gather3A_284, %gather3A_2198 : vector<16xf32>
        %mul3A_2258 = arith.mulf %gather3A_284, %gather3A_2206 : vector<16xf32>
        %add3A_2259 = arith.constant 1 : i32
        %add3A_2260 = arith.addi %mul3A_262, %add3A_2259 : i32
        %mul3A_2261 = arith.constant 14 : i32
        %mul3A_2262 = arith.muli %add3A_2260, %mul3A_2261 : i32
        %add3A_2263 = arith.constant 8 : i32
        %add3A_2264 = arith.addi %mul3A_2262, %add3A_2263 : i32
        %add3A_2265 = arith.constant 1 : i32
        %add3A_2266 = arith.addi %add3A_2264, %add3A_2265 : i32
        %mul3A_2267 = arith.mulf %gather3A_278, %gather3A_2214 : vector<16xf32>
        %mul3A_2268 = arith.mulf %gather3A_278, %gather3A_2222 : vector<16xf32>
        %mul3A_2269 = arith.mulf %gather3A_284, %gather3A_2214 : vector<16xf32>
        %mul3A_2270 = arith.mulf %gather3A_284, %gather3A_2222 : vector<16xf32>
        %get3A_2271 = arith.index_cast %add3A_2230 : i32 to index
        %get3A_2272 = arith.constant 0 : index
        %get3A_2273 = tpu.vector_load %arg7[%get3A_2271, %get3A_2272] {strides = array<i32>} : memref<392x128xf32, #tpu.memory_space<vmem>>, vector<16xf32>,
        %mul3A_2274 = arith.mulf %mul3A_2231, %get3A_2273 : vector<16xf32>
        %add3A_2275 = arith.constant 196 : i32
        %add3A_2276 = arith.addi %add3A_2230, %add3A_2275 : i32
        %get3A_2277 = arith.index_cast %add3A_2276 : i32 to index
        %get3A_2278 = arith.constant 0 : index
        %get3A_2279 = tpu.vector_load %arg7[%get3A_2277, %get3A_2278] {strides = array<i32>} : memref<392x128xf32, #tpu.memory_space<vmem>>, vector<16xf32>,
        %mul3A_2280 = arith.mulf %mul3A_2232, %get3A_2279 : vector<16xf32>
        %get3A_2281 = arith.index_cast %add3A_2230 : i32 to index
        %get3A_2282 = arith.constant 64 : index
        %get3A_2283 = tpu.vector_load %arg7[%get3A_2281, %get3A_2282] {strides = array<i32>} : memref<392x128xf32, #tpu.memory_space<vmem>>, vector<16xf32>,
        %mul3A_2284 = arith.mulf %mul3A_2233, %get3A_2283 : vector<16xf32>
        %add3A_2285 = arith.constant 196 : i32
        %add3A_2286 = arith.addi %add3A_2230, %add3A_2285 : i32
        %get3A_2287 = arith.index_cast %add3A_2286 : i32 to index
        %get3A_2288 = arith.constant 64 : index
        %get3A_2289 = tpu.vector_load %arg7[%get3A_2287, %get3A_2288] {strides = array<i32>} : memref<392x128xf32, #tpu.memory_space<vmem>>, vector<16xf32>,
        %mul3A_2290 = arith.mulf %mul3A_2234, %get3A_2289 : vector<16xf32>
        %get3A_2291 = arith.index_cast %add3A_2242 : i32 to index
        %get3A_2292 = arith.constant 0 : index
        %get3A_2293 = tpu.vector_load %arg7[%get3A_2291, %get3A_2292] {strides = array<i32>} : memref<392x128xf32, #tpu.memory_space<vmem>>, vector<16xf32>,
        %mul3A_2294 = arith.mulf %mul3A_2243, %get3A_2293 : vector<16xf32>
        %add3A_2295 = arith.constant 196 : i32
        %add3A_2296 = arith.addi %add3A_2242, %add3A_2295 : i32
        %get3A_2297 = arith.index_cast %add3A_2296 : i32 to index
        %get3A_2298 = arith.constant 0 : index
        %get3A_2299 = tpu.vector_load %arg7[%get3A_2297, %get3A_2298] {strides = array<i32>} : memref<392x128xf32, #tpu.memory_space<vmem>>, vector<16xf32>,
        %mul3A_2300 = arith.mulf %mul3A_2244, %get3A_2299 : vector<16xf32>
        %get3A_2301 = arith.index_cast %add3A_2242 : i32 to index
        %get3A_2302 = arith.constant 64 : index
        %get3A_2303 = tpu.vector_load %arg7[%get3A_2301, %get3A_2302] {strides = array<i32>} : memref<392x128xf32, #tpu.memory_space<vmem>>, vector<16xf32>,
        %mul3A_2304 = arith.mulf %mul3A_2245, %get3A_2303 : vector<16xf32>
        %add3A_2305 = arith.constant 196 : i32
        %add3A_2306 = arith.addi %add3A_2242, %add3A_2305 : i32
        %get3A_2307 = arith.index_cast %add3A_2306 : i32 to index
        %get3A_2308 = arith.constant 64 : index
        %get3A_2309 = tpu.vector_load %arg7[%get3A_2307, %get3A_2308] {strides = array<i32>} : memref<392x128xf32, #tpu.memory_space<vmem>>, vector<16xf32>,
        %mul3A_2310 = arith.mulf %mul3A_2246, %get3A_2309 : vector<16xf32>
        %get3A_2311 = arith.index_cast %add3A_2254 : i32 to index
        %get3A_2312 = arith.constant 0 : index
        %get3A_2313 = tpu.vector_load %arg7[%get3A_2311, %get3A_2312] {strides = array<i32>} : memref<392x128xf32, #tpu.memory_space<vmem>>, vector<16xf32>,
        %mul3A_2314 = arith.mulf %mul3A_2255, %get3A_2313 : vector<16xf32>
        %add3A_2315 = arith.constant 196 : i32
        %add3A_2316 = arith.addi %add3A_2254, %add3A_2315 : i32
        %get3A_2317 = arith.index_cast %add3A_2316 : i32 to index
        %get3A_2318 = arith.constant 0 : index
        %get3A_2319 = tpu.vector_load %arg7[%get3A_2317, %get3A_2318] {strides = array<i32>} : memref<392x128xf32, #tpu.memory_space<vmem>>, vector<16xf32>,
        %mul3A_2320 = arith.mulf %mul3A_2256, %get3A_2319 : vector<16xf32>
        %get3A_2321 = arith.index_cast %add3A_2254 : i32 to index
        %get3A_2322 = arith.constant 64 : index
        %get3A_2323 = tpu.vector_load %arg7[%get3A_2321, %get3A_2322] {strides = array<i32>} : memref<392x128xf32, #tpu.memory_space<vmem>>, vector<16xf32>,
        %mul3A_2324 = arith.mulf %mul3A_2257, %get3A_2323 : vector<16xf32>
        %add3A_2325 = arith.constant 196 : i32
        %add3A_2326 = arith.addi %add3A_2254, %add3A_2325 : i32
        %get3A_2327 = arith.index_cast %add3A_2326 : i32 to index
        %get3A_2328 = arith.constant 64 : index
        %get3A_2329 = tpu.vector_load %arg7[%get3A_2327, %get3A_2328] {strides = array<i32>} : memref<392x128xf32, #tpu.memory_space<vmem>>, vector<16xf32>,
        %mul3A_2330 = arith.mulf %mul3A_2258, %get3A_2329 : vector<16xf32>
        %get3A_2331 = arith.index_cast %add3A_2266 : i32 to index
        %get3A_2332 = arith.constant 0 : index
        %get3A_2333 = tpu.vector_load %arg7[%get3A_2331, %get3A_2332] {strides = array<i32>} : memref<392x128xf32, #tpu.memory_space<vmem>>, vector<16xf32>,
        %mul3A_2334 = arith.mulf %mul3A_2267, %get3A_2333 : vector<16xf32>
        %add3A_2335 = arith.constant 196 : i32
        %add3A_2336 = arith.addi %add3A_2266, %add3A_2335 : i32
        %get3A_2337 = arith.index_cast %add3A_2336 : i32 to index
        %get3A_2338 = arith.constant 0 : index
        %get3A_2339 = tpu.vector_load %arg7[%get3A_2337, %get3A_2338] {strides = array<i32>} : memref<392x128xf32, #tpu.memory_space<vmem>>, vector<16xf32>,
        %mul3A_2340 = arith.mulf %mul3A_2268, %get3A_2339 : vector<16xf32>
        %get3A_2341 = arith.index_cast %add3A_2266 : i32 to index
        %get3A_2342 = arith.constant 64 : index
        %get3A_2343 = tpu.vector_load %arg7[%get3A_2341, %get3A_2342] {strides = array<i32>} : memref<392x128xf32, #tpu.memory_space<vmem>>, vector<16xf32>,
        %mul3A_2344 = arith.mulf %mul3A_2269, %get3A_2343 : vector<16xf32>
        %add3A_2345 = arith.constant 196 : i32
        %add3A_2346 = arith.addi %add3A_2266, %add3A_2345 : i32
        %get3A_2347 = arith.index_cast %add3A_2346 : i32 to index
        %get3A_2348 = arith.constant 64 : index
        %get3A_2349 = tpu.vector_load %arg7[%get3A_2347, %get3A_2348] {strides = array<i32>} : memref<392x128xf32, #tpu.memory_space<vmem>>, vector<16xf32>,
        %mul3A_2350 = arith.mulf %mul3A_2270, %get3A_2349 : vector<16xf32>
        %add3A_2351 = arith.addf %mul3A_2274, %mul3A_2280 : vector<16xf32>
        %add3A_2352 = arith.addf %mul3A_2284, %mul3A_2290 : vector<16xf32>
        %add3A_2353 = arith.addf %mul3A_2294, %mul3A_2300 : vector<16xf32>
        %add3A_2354 = arith.addf %mul3A_2304, %mul3A_2310 : vector<16xf32>
        %add3A_2355 = arith.addf %mul3A_2314, %mul3A_2320 : vector<16xf32>
        %add3A_2356 = arith.addf %mul3A_2324, %mul3A_2330 : vector<16xf32>
        %add3A_2357 = arith.addf %mul3A_2334, %mul3A_2340 : vector<16xf32>
        %add3A_2358 = arith.addf %mul3A_2344, %mul3A_2350 : vector<16xf32>
        %add3A_2359 = arith.addf %add3A_2351, %add3A_2352 : vector<16xf32>
        %add3A_2360 = arith.addf %add3A_2353, %add3A_2354 : vector<16xf32>
        %add3A_2361 = arith.addf %add3A_2355, %add3A_2356 : vector<16xf32>
        %add3A_2362 = arith.addf %add3A_2357, %add3A_2358 : vector<16xf32>
        %add3A_2363 = arith.addf %add3A_2359, %add3A_2360 : vector<16xf32>
        %add3A_2364 = arith.addf %add3A_2361, %add3A_2362 : vector<16xf32>
        %add3A_2365 = arith.addf %add3A_2363, %add3A_2364 : vector<16xf32>
        %add3A_2366 = arith.constant 4 : i32
        %add3A_2367 = arith.addi %mul3A_286, %add3A_2366 : i32
        %add3A_2368 = vector.broadcast %add3A_2367 : i32 to vector<16xi32>
        %add3A_2369 = arith.addi %add3A_22, %add3A_2368 : vector<16xi32>
        tpu.vector_store_idx %arg8[%add3A_2369], %add3A_2365 : memref<3136xf32, #tpu.memory_space<vmem>>[vector<16xi32>], vector<16xf32>,
        %get3A_2370 = arith.index_cast %add3A_2230 : i32 to index
        %get3A_2371 = arith.constant 16 : index
        %get3A_2372 = tpu.vector_load %arg7[%get3A_2370, %get3A_2371] {strides = array<i32>} : memref<392x128xf32, #tpu.memory_space<vmem>>, vector<16xf32>,
        %mul3A_2373 = arith.mulf %mul3A_2231, %get3A_2372 : vector<16xf32>
        %add3A_2374 = arith.constant 196 : i32
        %add3A_2375 = arith.addi %add3A_2230, %add3A_2374 : i32
        %get3A_2376 = arith.index_cast %add3A_2375 : i32 to index
        %get3A_2377 = arith.constant 16 : index
        %get3A_2378 = tpu.vector_load %arg7[%get3A_2376, %get3A_2377] {strides = array<i32>} : memref<392x128xf32, #tpu.memory_space<vmem>>, vector<16xf32>,
        %mul3A_2379 = arith.mulf %mul3A_2232, %get3A_2378 : vector<16xf32>
        %get3A_2380 = arith.index_cast %add3A_2230 : i32 to index
        %get3A_2381 = arith.constant 80 : index
        %get3A_2382 = tpu.vector_load %arg7[%get3A_2380, %get3A_2381] {strides = array<i32>} : memref<392x128xf32, #tpu.memory_space<vmem>>, vector<16xf32>,
        %mul3A_2383 = arith.mulf %mul3A_2233, %get3A_2382 : vector<16xf32>
        %add3A_2384 = arith.constant 196 : i32
        %add3A_2385 = arith.addi %add3A_2230, %add3A_2384 : i32
        %get3A_2386 = arith.index_cast %add3A_2385 : i32 to index
        %get3A_2387 = arith.constant 80 : index
        %get3A_2388 = tpu.vector_load %arg7[%get3A_2386, %get3A_2387] {strides = array<i32>} : memref<392x128xf32, #tpu.memory_space<vmem>>, vector<16xf32>,
        %mul3A_2389 = arith.mulf %mul3A_2234, %get3A_2388 : vector<16xf32>
        %get3A_2390 = arith.index_cast %add3A_2242 : i32 to index
        %get3A_2391 = arith.constant 16 : index
        %get3A_2392 = tpu.vector_load %arg7[%get3A_2390, %get3A_2391] {strides = array<i32>} : memref<392x128xf32, #tpu.memory_space<vmem>>, vector<16xf32>,
        %mul3A_2393 = arith.mulf %mul3A_2243, %get3A_2392 : vector<16xf32>
        %add3A_2394 = arith.constant 196 : i32
        %add3A_2395 = arith.addi %add3A_2242, %add3A_2394 : i32
        %get3A_2396 = arith.index_cast %add3A_2395 : i32 to index
        %get3A_2397 = arith.constant 16 : index
        %get3A_2398 = tpu.vector_load %arg7[%get3A_2396, %get3A_2397] {strides = array<i32>} : memref<392x128xf32, #tpu.memory_space<vmem>>, vector<16xf32>,
        %mul3A_2399 = arith.mulf %mul3A_2244, %get3A_2398 : vector<16xf32>
        %get3A_2400 = arith.index_cast %add3A_2242 : i32 to index
        %get3A_2401 = arith.constant 80 : index
        %get3A_2402 = tpu.vector_load %arg7[%get3A_2400, %get3A_2401] {strides = array<i32>} : memref<392x128xf32, #tpu.memory_space<vmem>>, vector<16xf32>,
        %mul3A_2403 = arith.mulf %mul3A_2245, %get3A_2402 : vector<16xf32>
        %add3A_2404 = arith.constant 196 : i32
        %add3A_2405 = arith.addi %add3A_2242, %add3A_2404 : i32
        %get3A_2406 = arith.index_cast %add3A_2405 : i32 to index
        %get3A_2407 = arith.constant 80 : index
        %get3A_2408 = tpu.vector_load %arg7[%get3A_2406, %get3A_2407] {strides = array<i32>} : memref<392x128xf32, #tpu.memory_space<vmem>>, vector<16xf32>,
        %mul3A_2409 = arith.mulf %mul3A_2246, %get3A_2408 : vector<16xf32>
        %get3A_2410 = arith.index_cast %add3A_2254 : i32 to index
        %get3A_2411 = arith.constant 16 : index
        %get3A_2412 = tpu.vector_load %arg7[%get3A_2410, %get3A_2411] {strides = array<i32>} : memref<392x128xf32, #tpu.memory_space<vmem>>, vector<16xf32>,
        %mul3A_2413 = arith.mulf %mul3A_2255, %get3A_2412 : vector<16xf32>
        %add3A_2414 = arith.constant 196 : i32
        %add3A_2415 = arith.addi %add3A_2254, %add3A_2414 : i32
        %get3A_2416 = arith.index_cast %add3A_2415 : i32 to index
        %get3A_2417 = arith.constant 16 : index
        %get3A_2418 = tpu.vector_load %arg7[%get3A_2416, %get3A_2417] {strides = array<i32>} : memref<392x128xf32, #tpu.memory_space<vmem>>, vector<16xf32>,
        %mul3A_2419 = arith.mulf %mul3A_2256, %get3A_2418 : vector<16xf32>
        %get3A_2420 = arith.index_cast %add3A_2254 : i32 to index
        %get3A_2421 = arith.constant 80 : index
        %get3A_2422 = tpu.vector_load %arg7[%get3A_2420, %get3A_2421] {strides = array<i32>} : memref<392x128xf32, #tpu.memory_space<vmem>>, vector<16xf32>,
        %mul3A_2423 = arith.mulf %mul3A_2257, %get3A_2422 : vector<16xf32>
        %add3A_2424 = arith.constant 196 : i32
        %add3A_2425 = arith.addi %add3A_2254, %add3A_2424 : i32
        %get3A_2426 = arith.index_cast %add3A_2425 : i32 to index
        %get3A_2427 = arith.constant 80 : index
        %get3A_2428 = tpu.vector_load %arg7[%get3A_2426, %get3A_2427] {strides = array<i32>} : memref<392x128xf32, #tpu.memory_space<vmem>>, vector<16xf32>,
        %mul3A_2429 = arith.mulf %mul3A_2258, %get3A_2428 : vector<16xf32>
        %get3A_2430 = arith.index_cast %add3A_2266 : i32 to index
        %get3A_2431 = arith.constant 16 : index
        %get3A_2432 = tpu.vector_load %arg7[%get3A_2430, %get3A_2431] {strides = array<i32>} : memref<392x128xf32, #tpu.memory_space<vmem>>, vector<16xf32>,
        %mul3A_2433 = arith.mulf %mul3A_2267, %get3A_2432 : vector<16xf32>
        %add3A_2434 = arith.constant 196 : i32
        %add3A_2435 = arith.addi %add3A_2266, %add3A_2434 : i32
        %get3A_2436 = arith.index_cast %add3A_2435 : i32 to index
        %get3A_2437 = arith.constant 16 : index
        %get3A_2438 = tpu.vector_load %arg7[%get3A_2436, %get3A_2437] {strides = array<i32>} : memref<392x128xf32, #tpu.memory_space<vmem>>, vector<16xf32>,
        %mul3A_2439 = arith.mulf %mul3A_2268, %get3A_2438 : vector<16xf32>
        %get3A_2440 = arith.index_cast %add3A_2266 : i32 to index
        %get3A_2441 = arith.constant 80 : index
        %get3A_2442 = tpu.vector_load %arg7[%get3A_2440, %get3A_2441] {strides = array<i32>} : memref<392x128xf32, #tpu.memory_space<vmem>>, vector<16xf32>,
        %mul3A_2443 = arith.mulf %mul3A_2269, %get3A_2442 : vector<16xf32>
        %add3A_2444 = arith.constant 196 : i32
        %add3A_2445 = arith.addi %add3A_2266, %add3A_2444 : i32
        %get3A_2446 = arith.index_cast %add3A_2445 : i32 to index
        %get3A_2447 = arith.constant 80 : index
        %get3A_2448 = tpu.vector_load %arg7[%get3A_2446, %get3A_2447] {strides = array<i32>} : memref<392x128xf32, #tpu.memory_space<vmem>>, vector<16xf32>,
        %mul3A_2449 = arith.mulf %mul3A_2270, %get3A_2448 : vector<16xf32>
        %add3A_2450 = arith.addf %mul3A_2373, %mul3A_2379 : vector<16xf32>
        %add3A_2451 = arith.addf %mul3A_2383, %mul3A_2389 : vector<16xf32>
        %add3A_2452 = arith.addf %mul3A_2393, %mul3A_2399 : vector<16xf32>
        %add3A_2453 = arith.addf %mul3A_2403, %mul3A_2409 : vector<16xf32>
        %add3A_2454 = arith.addf %mul3A_2413, %mul3A_2419 : vector<16xf32>
        %add3A_2455 = arith.addf %mul3A_2423, %mul3A_2429 : vector<16xf32>
        %add3A_2456 = arith.addf %mul3A_2433, %mul3A_2439 : vector<16xf32>
        %add3A_2457 = arith.addf %mul3A_2443, %mul3A_2449 : vector<16xf32>
        %add3A_2458 = arith.addf %add3A_2450, %add3A_2451 : vector<16xf32>
        %add3A_2459 = arith.addf %add3A_2452, %add3A_2453 : vector<16xf32>
        %add3A_2460 = arith.addf %add3A_2454, %add3A_2455 : vector<16xf32>
        %add3A_2461 = arith.addf %add3A_2456, %add3A_2457 : vector<16xf32>
        %add3A_2462 = arith.addf %add3A_2458, %add3A_2459 : vector<16xf32>
        %add3A_2463 = arith.addf %add3A_2460, %add3A_2461 : vector<16xf32>
        %add3A_2464 = arith.addf %add3A_2462, %add3A_2463 : vector<16xf32>
        %add3A_2465 = arith.constant 4 : i32
        %add3A_2466 = arith.addi %mul3A_286, %add3A_2465 : i32
        %add3A_2467 = vector.broadcast %add3A_2466 : i32 to vector<16xi32>
        %add3A_2468 = arith.addi %add3A_28, %add3A_2467 : vector<16xi32>
        tpu.vector_store_idx %arg8[%add3A_2468], %add3A_2464 : memref<3136xf32, #tpu.memory_space<vmem>>[vector<16xi32>], vector<16xf32>,
        %get3A_2469 = arith.index_cast %add3A_2230 : i32 to index
        %get3A_2470 = arith.constant 32 : index
        %get3A_2471 = tpu.vector_load %arg7[%get3A_2469, %get3A_2470] {strides = array<i32>} : memref<392x128xf32, #tpu.memory_space<vmem>>, vector<16xf32>,
        %mul3A_2472 = arith.mulf %mul3A_2231, %get3A_2471 : vector<16xf32>
        %add3A_2473 = arith.constant 196 : i32
        %add3A_2474 = arith.addi %add3A_2230, %add3A_2473 : i32
        %get3A_2475 = arith.index_cast %add3A_2474 : i32 to index
        %get3A_2476 = arith.constant 32 : index
        %get3A_2477 = tpu.vector_load %arg7[%get3A_2475, %get3A_2476] {strides = array<i32>} : memref<392x128xf32, #tpu.memory_space<vmem>>, vector<16xf32>,
        %mul3A_2478 = arith.mulf %mul3A_2232, %get3A_2477 : vector<16xf32>
        %get3A_2479 = arith.index_cast %add3A_2230 : i32 to index
        %get3A_2480 = arith.constant 96 : index
        %get3A_2481 = tpu.vector_load %arg7[%get3A_2479, %get3A_2480] {strides = array<i32>} : memref<392x128xf32, #tpu.memory_space<vmem>>, vector<16xf32>,
        %mul3A_2482 = arith.mulf %mul3A_2233, %get3A_2481 : vector<16xf32>
        %add3A_2483 = arith.constant 196 : i32
        %add3A_2484 = arith.addi %add3A_2230, %add3A_2483 : i32
        %get3A_2485 = arith.index_cast %add3A_2484 : i32 to index
        %get3A_2486 = arith.constant 96 : index
        %get3A_2487 = tpu.vector_load %arg7[%get3A_2485, %get3A_2486] {strides = array<i32>} : memref<392x128xf32, #tpu.memory_space<vmem>>, vector<16xf32>,
        %mul3A_2488 = arith.mulf %mul3A_2234, %get3A_2487 : vector<16xf32>
        %get3A_2489 = arith.index_cast %add3A_2242 : i32 to index
        %get3A_2490 = arith.constant 32 : index
        %get3A_2491 = tpu.vector_load %arg7[%get3A_2489, %get3A_2490] {strides = array<i32>} : memref<392x128xf32, #tpu.memory_space<vmem>>, vector<16xf32>,
        %mul3A_2492 = arith.mulf %mul3A_2243, %get3A_2491 : vector<16xf32>
        %add3A_2493 = arith.constant 196 : i32
        %add3A_2494 = arith.addi %add3A_2242, %add3A_2493 : i32
        %get3A_2495 = arith.index_cast %add3A_2494 : i32 to index
        %get3A_2496 = arith.constant 32 : index
        %get3A_2497 = tpu.vector_load %arg7[%get3A_2495, %get3A_2496] {strides = array<i32>} : memref<392x128xf32, #tpu.memory_space<vmem>>, vector<16xf32>,
        %mul3A_2498 = arith.mulf %mul3A_2244, %get3A_2497 : vector<16xf32>
        %get3A_2499 = arith.index_cast %add3A_2242 : i32 to index
        %get3A_2500 = arith.constant 96 : index
        %get3A_2501 = tpu.vector_load %arg7[%get3A_2499, %get3A_2500] {strides = array<i32>} : memref<392x128xf32, #tpu.memory_space<vmem>>, vector<16xf32>,
        %mul3A_2502 = arith.mulf %mul3A_2245, %get3A_2501 : vector<16xf32>
        %add3A_2503 = arith.constant 196 : i32
        %add3A_2504 = arith.addi %add3A_2242, %add3A_2503 : i32
        %get3A_2505 = arith.index_cast %add3A_2504 : i32 to index
        %get3A_2506 = arith.constant 96 : index
        %get3A_2507 = tpu.vector_load %arg7[%get3A_2505, %get3A_2506] {strides = array<i32>} : memref<392x128xf32, #tpu.memory_space<vmem>>, vector<16xf32>,
        %mul3A_2508 = arith.mulf %mul3A_2246, %get3A_2507 : vector<16xf32>
        %get3A_2509 = arith.index_cast %add3A_2254 : i32 to index
        %get3A_2510 = arith.constant 32 : index
        %get3A_2511 = tpu.vector_load %arg7[%get3A_2509, %get3A_2510] {strides = array<i32>} : memref<392x128xf32, #tpu.memory_space<vmem>>, vector<16xf32>,
        %mul3A_2512 = arith.mulf %mul3A_2255, %get3A_2511 : vector<16xf32>
        %add3A_2513 = arith.constant 196 : i32
        %add3A_2514 = arith.addi %add3A_2254, %add3A_2513 : i32
        %get3A_2515 = arith.index_cast %add3A_2514 : i32 to index
        %get3A_2516 = arith.constant 32 : index
        %get3A_2517 = tpu.vector_load %arg7[%get3A_2515, %get3A_2516] {strides = array<i32>} : memref<392x128xf32, #tpu.memory_space<vmem>>, vector<16xf32>,
        %mul3A_2518 = arith.mulf %mul3A_2256, %get3A_2517 : vector<16xf32>
        %get3A_2519 = arith.index_cast %add3A_2254 : i32 to index
        %get3A_2520 = arith.constant 96 : index
        %get3A_2521 = tpu.vector_load %arg7[%get3A_2519, %get3A_2520] {strides = array<i32>} : memref<392x128xf32, #tpu.memory_space<vmem>>, vector<16xf32>,
        %mul3A_2522 = arith.mulf %mul3A_2257, %get3A_2521 : vector<16xf32>
        %add3A_2523 = arith.constant 196 : i32
        %add3A_2524 = arith.addi %add3A_2254, %add3A_2523 : i32
        %get3A_2525 = arith.index_cast %add3A_2524 : i32 to index
        %get3A_2526 = arith.constant 96 : index
        %get3A_2527 = tpu.vector_load %arg7[%get3A_2525, %get3A_2526] {strides = array<i32>} : memref<392x128xf32, #tpu.memory_space<vmem>>, vector<16xf32>,
        %mul3A_2528 = arith.mulf %mul3A_2258, %get3A_2527 : vector<16xf32>
        %get3A_2529 = arith.index_cast %add3A_2266 : i32 to index
        %get3A_2530 = arith.constant 32 : index
        %get3A_2531 = tpu.vector_load %arg7[%get3A_2529, %get3A_2530] {strides = array<i32>} : memref<392x128xf32, #tpu.memory_space<vmem>>, vector<16xf32>,
        %mul3A_2532 = arith.mulf %mul3A_2267, %get3A_2531 : vector<16xf32>
        %add3A_2533 = arith.constant 196 : i32
        %add3A_2534 = arith.addi %add3A_2266, %add3A_2533 : i32
        %get3A_2535 = arith.index_cast %add3A_2534 : i32 to index
        %get3A_2536 = arith.constant 32 : index
        %get3A_2537 = tpu.vector_load %arg7[%get3A_2535, %get3A_2536] {strides = array<i32>} : memref<392x128xf32, #tpu.memory_space<vmem>>, vector<16xf32>,
        %mul3A_2538 = arith.mulf %mul3A_2268, %get3A_2537 : vector<16xf32>
        %get3A_2539 = arith.index_cast %add3A_2266 : i32 to index
        %get3A_2540 = arith.constant 96 : index
        %get3A_2541 = tpu.vector_load %arg7[%get3A_2539, %get3A_2540] {strides = array<i32>} : memref<392x128xf32, #tpu.memory_space<vmem>>, vector<16xf32>,
        %mul3A_2542 = arith.mulf %mul3A_2269, %get3A_2541 : vector<16xf32>
        %add3A_2543 = arith.constant 196 : i32
        %add3A_2544 = arith.addi %add3A_2266, %add3A_2543 : i32
        %get3A_2545 = arith.index_cast %add3A_2544 : i32 to index
        %get3A_2546 = arith.constant 96 : index
        %get3A_2547 = tpu.vector_load %arg7[%get3A_2545, %get3A_2546] {strides = array<i32>} : memref<392x128xf32, #tpu.memory_space<vmem>>, vector<16xf32>,
        %mul3A_2548 = arith.mulf %mul3A_2270, %get3A_2547 : vector<16xf32>
        %add3A_2549 = arith.addf %mul3A_2472, %mul3A_2478 : vector<16xf32>
        %add3A_2550 = arith.addf %mul3A_2482, %mul3A_2488 : vector<16xf32>
        %add3A_2551 = arith.addf %mul3A_2492, %mul3A_2498 : vector<16xf32>
        %add3A_2552 = arith.addf %mul3A_2502, %mul3A_2508 : vector<16xf32>
        %add3A_2553 = arith.addf %mul3A_2512, %mul3A_2518 : vector<16xf32>
        %add3A_2554 = arith.addf %mul3A_2522, %mul3A_2528 : vector<16xf32>
        %add3A_2555 = arith.addf %mul3A_2532, %mul3A_2538 : vector<16xf32>
        %add3A_2556 = arith.addf %mul3A_2542, %mul3A_2548 : vector<16xf32>
        %add3A_2557 = arith.addf %add3A_2549, %add3A_2550 : vector<16xf32>
        %add3A_2558 = arith.addf %add3A_2551, %add3A_2552 : vector<16xf32>
        %add3A_2559 = arith.addf %add3A_2553, %add3A_2554 : vector<16xf32>
        %add3A_2560 = arith.addf %add3A_2555, %add3A_2556 : vector<16xf32>
        %add3A_2561 = arith.addf %add3A_2557, %add3A_2558 : vector<16xf32>
        %add3A_2562 = arith.addf %add3A_2559, %add3A_2560 : vector<16xf32>
        %add3A_2563 = arith.addf %add3A_2561, %add3A_2562 : vector<16xf32>
        %add3A_2564 = arith.constant 4 : i32
        %add3A_2565 = arith.addi %mul3A_286, %add3A_2564 : i32
        %add3A_2566 = vector.broadcast %add3A_2565 : i32 to vector<16xi32>
        %add3A_2567 = arith.addi %add3A_34, %add3A_2566 : vector<16xi32>
        tpu.vector_store_idx %arg8[%add3A_2567], %add3A_2563 : memref<3136xf32, #tpu.memory_space<vmem>>[vector<16xi32>], vector<16xf32>,
        %get3A_2568 = arith.index_cast %add3A_2230 : i32 to index
        %get3A_2569 = arith.constant 48 : index
        %get3A_2570 = tpu.vector_load %arg7[%get3A_2568, %get3A_2569] {strides = array<i32>} : memref<392x128xf32, #tpu.memory_space<vmem>>, vector<16xf32>,
        %mul3A_2571 = arith.mulf %mul3A_2231, %get3A_2570 : vector<16xf32>
        %add3A_2572 = arith.constant 196 : i32
        %add3A_2573 = arith.addi %add3A_2230, %add3A_2572 : i32
        %get3A_2574 = arith.index_cast %add3A_2573 : i32 to index
        %get3A_2575 = arith.constant 48 : index
        %get3A_2576 = tpu.vector_load %arg7[%get3A_2574, %get3A_2575] {strides = array<i32>} : memref<392x128xf32, #tpu.memory_space<vmem>>, vector<16xf32>,
        %mul3A_2577 = arith.mulf %mul3A_2232, %get3A_2576 : vector<16xf32>
        %get3A_2578 = arith.index_cast %add3A_2230 : i32 to index
        %get3A_2579 = arith.constant 112 : index
        %get3A_2580 = tpu.vector_load %arg7[%get3A_2578, %get3A_2579] {strides = array<i32>} : memref<392x128xf32, #tpu.memory_space<vmem>>, vector<16xf32>,
        %mul3A_2581 = arith.mulf %mul3A_2233, %get3A_2580 : vector<16xf32>
        %add3A_2582 = arith.constant 196 : i32
        %add3A_2583 = arith.addi %add3A_2230, %add3A_2582 : i32
        %get3A_2584 = arith.index_cast %add3A_2583 : i32 to index
        %get3A_2585 = arith.constant 112 : index
        %get3A_2586 = tpu.vector_load %arg7[%get3A_2584, %get3A_2585] {strides = array<i32>} : memref<392x128xf32, #tpu.memory_space<vmem>>, vector<16xf32>,
        %mul3A_2587 = arith.mulf %mul3A_2234, %get3A_2586 : vector<16xf32>
        %get3A_2588 = arith.index_cast %add3A_2242 : i32 to index
        %get3A_2589 = arith.constant 48 : index
        %get3A_2590 = tpu.vector_load %arg7[%get3A_2588, %get3A_2589] {strides = array<i32>} : memref<392x128xf32, #tpu.memory_space<vmem>>, vector<16xf32>,
        %mul3A_2591 = arith.mulf %mul3A_2243, %get3A_2590 : vector<16xf32>
        %add3A_2592 = arith.constant 196 : i32
        %add3A_2593 = arith.addi %add3A_2242, %add3A_2592 : i32
        %get3A_2594 = arith.index_cast %add3A_2593 : i32 to index
        %get3A_2595 = arith.constant 48 : index
        %get3A_2596 = tpu.vector_load %arg7[%get3A_2594, %get3A_2595] {strides = array<i32>} : memref<392x128xf32, #tpu.memory_space<vmem>>, vector<16xf32>,
        %mul3A_2597 = arith.mulf %mul3A_2244, %get3A_2596 : vector<16xf32>
        %get3A_2598 = arith.index_cast %add3A_2242 : i32 to index
        %get3A_2599 = arith.constant 112 : index
        %get3A_2600 = tpu.vector_load %arg7[%get3A_2598, %get3A_2599] {strides = array<i32>} : memref<392x128xf32, #tpu.memory_space<vmem>>, vector<16xf32>,
        %mul3A_2601 = arith.mulf %mul3A_2245, %get3A_2600 : vector<16xf32>
        %add3A_2602 = arith.constant 196 : i32
        %add3A_2603 = arith.addi %add3A_2242, %add3A_2602 : i32
        %get3A_2604 = arith.index_cast %add3A_2603 : i32 to index
        %get3A_2605 = arith.constant 112 : index
        %get3A_2606 = tpu.vector_load %arg7[%get3A_2604, %get3A_2605] {strides = array<i32>} : memref<392x128xf32, #tpu.memory_space<vmem>>, vector<16xf32>,
        %mul3A_2607 = arith.mulf %mul3A_2246, %get3A_2606 : vector<16xf32>
        %get3A_2608 = arith.index_cast %add3A_2254 : i32 to index
        %get3A_2609 = arith.constant 48 : index
        %get3A_2610 = tpu.vector_load %arg7[%get3A_2608, %get3A_2609] {strides = array<i32>} : memref<392x128xf32, #tpu.memory_space<vmem>>, vector<16xf32>,
        %mul3A_2611 = arith.mulf %mul3A_2255, %get3A_2610 : vector<16xf32>
        %add3A_2612 = arith.constant 196 : i32
        %add3A_2613 = arith.addi %add3A_2254, %add3A_2612 : i32
        %get3A_2614 = arith.index_cast %add3A_2613 : i32 to index
        %get3A_2615 = arith.constant 48 : index
        %get3A_2616 = tpu.vector_load %arg7[%get3A_2614, %get3A_2615] {strides = array<i32>} : memref<392x128xf32, #tpu.memory_space<vmem>>, vector<16xf32>,
        %mul3A_2617 = arith.mulf %mul3A_2256, %get3A_2616 : vector<16xf32>
        %get3A_2618 = arith.index_cast %add3A_2254 : i32 to index
        %get3A_2619 = arith.constant 112 : index
        %get3A_2620 = tpu.vector_load %arg7[%get3A_2618, %get3A_2619] {strides = array<i32>} : memref<392x128xf32, #tpu.memory_space<vmem>>, vector<16xf32>,
        %mul3A_2621 = arith.mulf %mul3A_2257, %get3A_2620 : vector<16xf32>
        %add3A_2622 = arith.constant 196 : i32
        %add3A_2623 = arith.addi %add3A_2254, %add3A_2622 : i32
        %get3A_2624 = arith.index_cast %add3A_2623 : i32 to index
        %get3A_2625 = arith.constant 112 : index
        %get3A_2626 = tpu.vector_load %arg7[%get3A_2624, %get3A_2625] {strides = array<i32>} : memref<392x128xf32, #tpu.memory_space<vmem>>, vector<16xf32>,
        %mul3A_2627 = arith.mulf %mul3A_2258, %get3A_2626 : vector<16xf32>
        %get3A_2628 = arith.index_cast %add3A_2266 : i32 to index
        %get3A_2629 = arith.constant 48 : index
        %get3A_2630 = tpu.vector_load %arg7[%get3A_2628, %get3A_2629] {strides = array<i32>} : memref<392x128xf32, #tpu.memory_space<vmem>>, vector<16xf32>,
        %mul3A_2631 = arith.mulf %mul3A_2267, %get3A_2630 : vector<16xf32>
        %add3A_2632 = arith.constant 196 : i32
        %add3A_2633 = arith.addi %add3A_2266, %add3A_2632 : i32
        %get3A_2634 = arith.index_cast %add3A_2633 : i32 to index
        %get3A_2635 = arith.constant 48 : index
        %get3A_2636 = tpu.vector_load %arg7[%get3A_2634, %get3A_2635] {strides = array<i32>} : memref<392x128xf32, #tpu.memory_space<vmem>>, vector<16xf32>,
        %mul3A_2637 = arith.mulf %mul3A_2268, %get3A_2636 : vector<16xf32>
        %get3A_2638 = arith.index_cast %add3A_2266 : i32 to index
        %get3A_2639 = arith.constant 112 : index
        %get3A_2640 = tpu.vector_load %arg7[%get3A_2638, %get3A_2639] {strides = array<i32>} : memref<392x128xf32, #tpu.memory_space<vmem>>, vector<16xf32>,
        %mul3A_2641 = arith.mulf %mul3A_2269, %get3A_2640 : vector<16xf32>
        %add3A_2642 = arith.constant 196 : i32
        %add3A_2643 = arith.addi %add3A_2266, %add3A_2642 : i32
        %get3A_2644 = arith.index_cast %add3A_2643 : i32 to index
        %get3A_2645 = arith.constant 112 : index
        %get3A_2646 = tpu.vector_load %arg7[%get3A_2644, %get3A_2645] {strides = array<i32>} : memref<392x128xf32, #tpu.memory_space<vmem>>, vector<16xf32>,
        %mul3A_2647 = arith.mulf %mul3A_2270, %get3A_2646 : vector<16xf32>
        %add3A_2648 = arith.addf %mul3A_2571, %mul3A_2577 : vector<16xf32>
        %add3A_2649 = arith.addf %mul3A_2581, %mul3A_2587 : vector<16xf32>
        %add3A_2650 = arith.addf %mul3A_2591, %mul3A_2597 : vector<16xf32>
        %add3A_2651 = arith.addf %mul3A_2601, %mul3A_2607 : vector<16xf32>
        %add3A_2652 = arith.addf %mul3A_2611, %mul3A_2617 : vector<16xf32>
        %add3A_2653 = arith.addf %mul3A_2621, %mul3A_2627 : vector<16xf32>
        %add3A_2654 = arith.addf %mul3A_2631, %mul3A_2637 : vector<16xf32>
        %add3A_2655 = arith.addf %mul3A_2641, %mul3A_2647 : vector<16xf32>
        %add3A_2656 = arith.addf %add3A_2648, %add3A_2649 : vector<16xf32>
        %add3A_2657 = arith.addf %add3A_2650, %add3A_2651 : vector<16xf32>
        %add3A_2658 = arith.addf %add3A_2652, %add3A_2653 : vector<16xf32>
        %add3A_2659 = arith.addf %add3A_2654, %add3A_2655 : vector<16xf32>
        %add3A_2660 = arith.addf %add3A_2656, %add3A_2657 : vector<16xf32>
        %add3A_2661 = arith.addf %add3A_2658, %add3A_2659 : vector<16xf32>
        %add3A_2662 = arith.addf %add3A_2660, %add3A_2661 : vector<16xf32>
        %add3A_2663 = arith.constant 4 : i32
        %add3A_2664 = arith.addi %mul3A_286, %add3A_2663 : i32
        %add3A_2665 = vector.broadcast %add3A_2664 : i32 to vector<16xi32>
        %add3A_2666 = arith.addi %add3A_40, %add3A_2665 : vector<16xi32>
        tpu.vector_store_idx %arg8[%add3A_2666], %add3A_2662 : memref<3136xf32, #tpu.memory_space<vmem>>[vector<16xi32>], vector<16xf32>,
        %broadcast_in_dim3A_2667 = arith.constant 0 : i32
        %broadcast_in_dim3A_2668 = vector.broadcast %broadcast_in_dim3A_2667 : i32 to vector<16xi32>
        %add3A_2669 = arith.constant 10 : i32
        %add3A_2670 = vector.broadcast %add3A_2669 : i32 to vector<16xi32>
        %add3A_2671 = arith.addi %broadcast_in_dim3A_2668, %add3A_2670 : vector<16xi32>
        %broadcast_in_dim3A_2672 = vector.shape_cast %add3A_2671 : vector<16xi32> to vector<16x1xi32>
        %gather3A_2673 = vector.shape_cast %broadcast_in_dim3A_2672 : vector<16x1xi32> to vector<16xi32>
        %gather3A_2674 = tpu.dynamic_gather %mul3A_171[%gather3A_2673] in [0] : vector<16xf32>, vector<16xi32> -> vector<16xf32>
        %broadcast_in_dim3A_2675 = arith.constant 0 : i32
        %broadcast_in_dim3A_2676 = vector.broadcast %broadcast_in_dim3A_2675 : i32 to vector<16xi32>
        %add3A_2677 = arith.constant 10 : i32
        %add3A_2678 = vector.broadcast %add3A_2677 : i32 to vector<16xi32>
        %add3A_2679 = arith.addi %broadcast_in_dim3A_2676, %add3A_2678 : vector<16xi32>
        %broadcast_in_dim3A_2680 = vector.shape_cast %add3A_2679 : vector<16xi32> to vector<16x1xi32>
        %gather3A_2681 = vector.shape_cast %broadcast_in_dim3A_2680 : vector<16x1xi32> to vector<16xi32>
        %gather3A_2682 = tpu.dynamic_gather %mul3A_172[%gather3A_2681] in [0] : vector<16xf32>, vector<16xi32> -> vector<16xf32>
        %broadcast_in_dim3A_2683 = arith.constant 0 : i32
        %broadcast_in_dim3A_2684 = vector.broadcast %broadcast_in_dim3A_2683 : i32 to vector<16xi32>
        %add3A_2685 = arith.constant 11 : i32
        %add3A_2686 = vector.broadcast %add3A_2685 : i32 to vector<16xi32>
        %add3A_2687 = arith.addi %broadcast_in_dim3A_2684, %add3A_2686 : vector<16xi32>
        %broadcast_in_dim3A_2688 = vector.shape_cast %add3A_2687 : vector<16xi32> to vector<16x1xi32>
        %gather3A_2689 = vector.shape_cast %broadcast_in_dim3A_2688 : vector<16x1xi32> to vector<16xi32>
        %gather3A_2690 = tpu.dynamic_gather %mul3A_171[%gather3A_2689] in [0] : vector<16xf32>, vector<16xi32> -> vector<16xf32>
        %broadcast_in_dim3A_2691 = arith.constant 0 : i32
        %broadcast_in_dim3A_2692 = vector.broadcast %broadcast_in_dim3A_2691 : i32 to vector<16xi32>
        %add3A_2693 = arith.constant 11 : i32
        %add3A_2694 = vector.broadcast %add3A_2693 : i32 to vector<16xi32>
        %add3A_2695 = arith.addi %broadcast_in_dim3A_2692, %add3A_2694 : vector<16xi32>
        %broadcast_in_dim3A_2696 = vector.shape_cast %add3A_2695 : vector<16xi32> to vector<16x1xi32>
        %gather3A_2697 = vector.shape_cast %broadcast_in_dim3A_2696 : vector<16x1xi32> to vector<16xi32>
        %gather3A_2698 = tpu.dynamic_gather %mul3A_172[%gather3A_2697] in [0] : vector<16xf32>, vector<16xi32> -> vector<16xf32>
        %add3A_2699 = arith.constant 0 : i32
        %add3A_2700 = arith.addi %mul3A_262, %add3A_2699 : i32
        %mul3A_2701 = arith.constant 14 : i32
        %mul3A_2702 = arith.muli %add3A_2700, %mul3A_2701 : i32
        %add3A_2703 = arith.constant 10 : i32
        %add3A_2704 = arith.addi %mul3A_2702, %add3A_2703 : i32
        %add3A_2705 = arith.constant 0 : i32
        %add3A_2706 = arith.addi %add3A_2704, %add3A_2705 : i32
        %mul3A_2707 = arith.mulf %gather3A_269, %gather3A_2674 : vector<16xf32>
        %mul3A_2708 = arith.mulf %gather3A_269, %gather3A_2682 : vector<16xf32>
        %mul3A_2709 = arith.mulf %gather3A_272, %gather3A_2674 : vector<16xf32>
        %mul3A_2710 = arith.mulf %gather3A_272, %gather3A_2682 : vector<16xf32>
        %add3A_2711 = arith.constant 0 : i32
        %add3A_2712 = arith.addi %mul3A_262, %add3A_2711 : i32
        %mul3A_2713 = arith.constant 14 : i32
        %mul3A_2714 = arith.muli %add3A_2712, %mul3A_2713 : i32
        %add3A_2715 = arith.constant 10 : i32
        %add3A_2716 = arith.addi %mul3A_2714, %add3A_2715 : i32
        %add3A_2717 = arith.constant 1 : i32
        %add3A_2718 = arith.addi %add3A_2716, %add3A_2717 : i32
        %mul3A_2719 = arith.mulf %gather3A_269, %gather3A_2690 : vector<16xf32>
        %mul3A_2720 = arith.mulf %gather3A_269, %gather3A_2698 : vector<16xf32>
        %mul3A_2721 = arith.mulf %gather3A_272, %gather3A_2690 : vector<16xf32>
        %mul3A_2722 = arith.mulf %gather3A_272, %gather3A_2698 : vector<16xf32>
        %add3A_2723 = arith.constant 1 : i32
        %add3A_2724 = arith.addi %mul3A_262, %add3A_2723 : i32
        %mul3A_2725 = arith.constant 14 : i32
        %mul3A_2726 = arith.muli %add3A_2724, %mul3A_2725 : i32
        %add3A_2727 = arith.constant 10 : i32
        %add3A_2728 = arith.addi %mul3A_2726, %add3A_2727 : i32
        %add3A_2729 = arith.constant 0 : i32
        %add3A_2730 = arith.addi %add3A_2728, %add3A_2729 : i32
        %mul3A_2731 = arith.mulf %gather3A_278, %gather3A_2674 : vector<16xf32>
        %mul3A_2732 = arith.mulf %gather3A_278, %gather3A_2682 : vector<16xf32>
        %mul3A_2733 = arith.mulf %gather3A_284, %gather3A_2674 : vector<16xf32>
        %mul3A_2734 = arith.mulf %gather3A_284, %gather3A_2682 : vector<16xf32>
        %add3A_2735 = arith.constant 1 : i32
        %add3A_2736 = arith.addi %mul3A_262, %add3A_2735 : i32
        %mul3A_2737 = arith.constant 14 : i32
        %mul3A_2738 = arith.muli %add3A_2736, %mul3A_2737 : i32
        %add3A_2739 = arith.constant 10 : i32
        %add3A_2740 = arith.addi %mul3A_2738, %add3A_2739 : i32
        %add3A_2741 = arith.constant 1 : i32
        %add3A_2742 = arith.addi %add3A_2740, %add3A_2741 : i32
        %mul3A_2743 = arith.mulf %gather3A_278, %gather3A_2690 : vector<16xf32>
        %mul3A_2744 = arith.mulf %gather3A_278, %gather3A_2698 : vector<16xf32>
        %mul3A_2745 = arith.mulf %gather3A_284, %gather3A_2690 : vector<16xf32>
        %mul3A_2746 = arith.mulf %gather3A_284, %gather3A_2698 : vector<16xf32>
        %get3A_2747 = arith.index_cast %add3A_2706 : i32 to index
        %get3A_2748 = arith.constant 0 : index
        %get3A_2749 = tpu.vector_load %arg7[%get3A_2747, %get3A_2748] {strides = array<i32>} : memref<392x128xf32, #tpu.memory_space<vmem>>, vector<16xf32>,
        %mul3A_2750 = arith.mulf %mul3A_2707, %get3A_2749 : vector<16xf32>
        %add3A_2751 = arith.constant 196 : i32
        %add3A_2752 = arith.addi %add3A_2706, %add3A_2751 : i32
        %get3A_2753 = arith.index_cast %add3A_2752 : i32 to index
        %get3A_2754 = arith.constant 0 : index
        %get3A_2755 = tpu.vector_load %arg7[%get3A_2753, %get3A_2754] {strides = array<i32>} : memref<392x128xf32, #tpu.memory_space<vmem>>, vector<16xf32>,
        %mul3A_2756 = arith.mulf %mul3A_2708, %get3A_2755 : vector<16xf32>
        %get3A_2757 = arith.index_cast %add3A_2706 : i32 to index
        %get3A_2758 = arith.constant 64 : index
        %get3A_2759 = tpu.vector_load %arg7[%get3A_2757, %get3A_2758] {strides = array<i32>} : memref<392x128xf32, #tpu.memory_space<vmem>>, vector<16xf32>,
        %mul3A_2760 = arith.mulf %mul3A_2709, %get3A_2759 : vector<16xf32>
        %add3A_2761 = arith.constant 196 : i32
        %add3A_2762 = arith.addi %add3A_2706, %add3A_2761 : i32
        %get3A_2763 = arith.index_cast %add3A_2762 : i32 to index
        %get3A_2764 = arith.constant 64 : index
        %get3A_2765 = tpu.vector_load %arg7[%get3A_2763, %get3A_2764] {strides = array<i32>} : memref<392x128xf32, #tpu.memory_space<vmem>>, vector<16xf32>,
        %mul3A_2766 = arith.mulf %mul3A_2710, %get3A_2765 : vector<16xf32>
        %get3A_2767 = arith.index_cast %add3A_2718 : i32 to index
        %get3A_2768 = arith.constant 0 : index
        %get3A_2769 = tpu.vector_load %arg7[%get3A_2767, %get3A_2768] {strides = array<i32>} : memref<392x128xf32, #tpu.memory_space<vmem>>, vector<16xf32>,
        %mul3A_2770 = arith.mulf %mul3A_2719, %get3A_2769 : vector<16xf32>
        %add3A_2771 = arith.constant 196 : i32
        %add3A_2772 = arith.addi %add3A_2718, %add3A_2771 : i32
        %get3A_2773 = arith.index_cast %add3A_2772 : i32 to index
        %get3A_2774 = arith.constant 0 : index
        %get3A_2775 = tpu.vector_load %arg7[%get3A_2773, %get3A_2774] {strides = array<i32>} : memref<392x128xf32, #tpu.memory_space<vmem>>, vector<16xf32>,
        %mul3A_2776 = arith.mulf %mul3A_2720, %get3A_2775 : vector<16xf32>
        %get3A_2777 = arith.index_cast %add3A_2718 : i32 to index
        %get3A_2778 = arith.constant 64 : index
        %get3A_2779 = tpu.vector_load %arg7[%get3A_2777, %get3A_2778] {strides = array<i32>} : memref<392x128xf32, #tpu.memory_space<vmem>>, vector<16xf32>,
        %mul3A_2780 = arith.mulf %mul3A_2721, %get3A_2779 : vector<16xf32>
        %add3A_2781 = arith.constant 196 : i32
        %add3A_2782 = arith.addi %add3A_2718, %add3A_2781 : i32
        %get3A_2783 = arith.index_cast %add3A_2782 : i32 to index
        %get3A_2784 = arith.constant 64 : index
        %get3A_2785 = tpu.vector_load %arg7[%get3A_2783, %get3A_2784] {strides = array<i32>} : memref<392x128xf32, #tpu.memory_space<vmem>>, vector<16xf32>,
        %mul3A_2786 = arith.mulf %mul3A_2722, %get3A_2785 : vector<16xf32>
        %get3A_2787 = arith.index_cast %add3A_2730 : i32 to index
        %get3A_2788 = arith.constant 0 : index
        %get3A_2789 = tpu.vector_load %arg7[%get3A_2787, %get3A_2788] {strides = array<i32>} : memref<392x128xf32, #tpu.memory_space<vmem>>, vector<16xf32>,
        %mul3A_2790 = arith.mulf %mul3A_2731, %get3A_2789 : vector<16xf32>
        %add3A_2791 = arith.constant 196 : i32
        %add3A_2792 = arith.addi %add3A_2730, %add3A_2791 : i32
        %get3A_2793 = arith.index_cast %add3A_2792 : i32 to index
        %get3A_2794 = arith.constant 0 : index
        %get3A_2795 = tpu.vector_load %arg7[%get3A_2793, %get3A_2794] {strides = array<i32>} : memref<392x128xf32, #tpu.memory_space<vmem>>, vector<16xf32>,
        %mul3A_2796 = arith.mulf %mul3A_2732, %get3A_2795 : vector<16xf32>
        %get3A_2797 = arith.index_cast %add3A_2730 : i32 to index
        %get3A_2798 = arith.constant 64 : index
        %get3A_2799 = tpu.vector_load %arg7[%get3A_2797, %get3A_2798] {strides = array<i32>} : memref<392x128xf32, #tpu.memory_space<vmem>>, vector<16xf32>,
        %mul3A_2800 = arith.mulf %mul3A_2733, %get3A_2799 : vector<16xf32>
        %add3A_2801 = arith.constant 196 : i32
        %add3A_2802 = arith.addi %add3A_2730, %add3A_2801 : i32
        %get3A_2803 = arith.index_cast %add3A_2802 : i32 to index
        %get3A_2804 = arith.constant 64 : index
        %get3A_2805 = tpu.vector_load %arg7[%get3A_2803, %get3A_2804] {strides = array<i32>} : memref<392x128xf32, #tpu.memory_space<vmem>>, vector<16xf32>,
        %mul3A_2806 = arith.mulf %mul3A_2734, %get3A_2805 : vector<16xf32>
        %get3A_2807 = arith.index_cast %add3A_2742 : i32 to index
        %get3A_2808 = arith.constant 0 : index
        %get3A_2809 = tpu.vector_load %arg7[%get3A_2807, %get3A_2808] {strides = array<i32>} : memref<392x128xf32, #tpu.memory_space<vmem>>, vector<16xf32>,
        %mul3A_2810 = arith.mulf %mul3A_2743, %get3A_2809 : vector<16xf32>
        %add3A_2811 = arith.constant 196 : i32
        %add3A_2812 = arith.addi %add3A_2742, %add3A_2811 : i32
        %get3A_2813 = arith.index_cast %add3A_2812 : i32 to index
        %get3A_2814 = arith.constant 0 : index
        %get3A_2815 = tpu.vector_load %arg7[%get3A_2813, %get3A_2814] {strides = array<i32>} : memref<392x128xf32, #tpu.memory_space<vmem>>, vector<16xf32>,
        %mul3A_2816 = arith.mulf %mul3A_2744, %get3A_2815 : vector<16xf32>
        %get3A_2817 = arith.index_cast %add3A_2742 : i32 to index
        %get3A_2818 = arith.constant 64 : index
        %get3A_2819 = tpu.vector_load %arg7[%get3A_2817, %get3A_2818] {strides = array<i32>} : memref<392x128xf32, #tpu.memory_space<vmem>>, vector<16xf32>,
        %mul3A_2820 = arith.mulf %mul3A_2745, %get3A_2819 : vector<16xf32>
        %add3A_2821 = arith.constant 196 : i32
        %add3A_2822 = arith.addi %add3A_2742, %add3A_2821 : i32
        %get3A_2823 = arith.index_cast %add3A_2822 : i32 to index
        %get3A_2824 = arith.constant 64 : index
        %get3A_2825 = tpu.vector_load %arg7[%get3A_2823, %get3A_2824] {strides = array<i32>} : memref<392x128xf32, #tpu.memory_space<vmem>>, vector<16xf32>,
        %mul3A_2826 = arith.mulf %mul3A_2746, %get3A_2825 : vector<16xf32>
        %add3A_2827 = arith.addf %mul3A_2750, %mul3A_2756 : vector<16xf32>
        %add3A_2828 = arith.addf %mul3A_2760, %mul3A_2766 : vector<16xf32>
        %add3A_2829 = arith.addf %mul3A_2770, %mul3A_2776 : vector<16xf32>
        %add3A_2830 = arith.addf %mul3A_2780, %mul3A_2786 : vector<16xf32>
        %add3A_2831 = arith.addf %mul3A_2790, %mul3A_2796 : vector<16xf32>
        %add3A_2832 = arith.addf %mul3A_2800, %mul3A_2806 : vector<16xf32>
        %add3A_2833 = arith.addf %mul3A_2810, %mul3A_2816 : vector<16xf32>
        %add3A_2834 = arith.addf %mul3A_2820, %mul3A_2826 : vector<16xf32>
        %add3A_2835 = arith.addf %add3A_2827, %add3A_2828 : vector<16xf32>
        %add3A_2836 = arith.addf %add3A_2829, %add3A_2830 : vector<16xf32>
        %add3A_2837 = arith.addf %add3A_2831, %add3A_2832 : vector<16xf32>
        %add3A_2838 = arith.addf %add3A_2833, %add3A_2834 : vector<16xf32>
        %add3A_2839 = arith.addf %add3A_2835, %add3A_2836 : vector<16xf32>
        %add3A_2840 = arith.addf %add3A_2837, %add3A_2838 : vector<16xf32>
        %add3A_2841 = arith.addf %add3A_2839, %add3A_2840 : vector<16xf32>
        %add3A_2842 = arith.constant 5 : i32
        %add3A_2843 = arith.addi %mul3A_286, %add3A_2842 : i32
        %add3A_2844 = vector.broadcast %add3A_2843 : i32 to vector<16xi32>
        %add3A_2845 = arith.addi %add3A_22, %add3A_2844 : vector<16xi32>
        tpu.vector_store_idx %arg8[%add3A_2845], %add3A_2841 : memref<3136xf32, #tpu.memory_space<vmem>>[vector<16xi32>], vector<16xf32>,
        %get3A_2846 = arith.index_cast %add3A_2706 : i32 to index
        %get3A_2847 = arith.constant 16 : index
        %get3A_2848 = tpu.vector_load %arg7[%get3A_2846, %get3A_2847] {strides = array<i32>} : memref<392x128xf32, #tpu.memory_space<vmem>>, vector<16xf32>,
        %mul3A_2849 = arith.mulf %mul3A_2707, %get3A_2848 : vector<16xf32>
        %add3A_2850 = arith.constant 196 : i32
        %add3A_2851 = arith.addi %add3A_2706, %add3A_2850 : i32
        %get3A_2852 = arith.index_cast %add3A_2851 : i32 to index
        %get3A_2853 = arith.constant 16 : index
        %get3A_2854 = tpu.vector_load %arg7[%get3A_2852, %get3A_2853] {strides = array<i32>} : memref<392x128xf32, #tpu.memory_space<vmem>>, vector<16xf32>,
        %mul3A_2855 = arith.mulf %mul3A_2708, %get3A_2854 : vector<16xf32>
        %get3A_2856 = arith.index_cast %add3A_2706 : i32 to index
        %get3A_2857 = arith.constant 80 : index
        %get3A_2858 = tpu.vector_load %arg7[%get3A_2856, %get3A_2857] {strides = array<i32>} : memref<392x128xf32, #tpu.memory_space<vmem>>, vector<16xf32>,
        %mul3A_2859 = arith.mulf %mul3A_2709, %get3A_2858 : vector<16xf32>
        %add3A_2860 = arith.constant 196 : i32
        %add3A_2861 = arith.addi %add3A_2706, %add3A_2860 : i32
        %get3A_2862 = arith.index_cast %add3A_2861 : i32 to index
        %get3A_2863 = arith.constant 80 : index
        %get3A_2864 = tpu.vector_load %arg7[%get3A_2862, %get3A_2863] {strides = array<i32>} : memref<392x128xf32, #tpu.memory_space<vmem>>, vector<16xf32>,
        %mul3A_2865 = arith.mulf %mul3A_2710, %get3A_2864 : vector<16xf32>
        %get3A_2866 = arith.index_cast %add3A_2718 : i32 to index
        %get3A_2867 = arith.constant 16 : index
        %get3A_2868 = tpu.vector_load %arg7[%get3A_2866, %get3A_2867] {strides = array<i32>} : memref<392x128xf32, #tpu.memory_space<vmem>>, vector<16xf32>,
        %mul3A_2869 = arith.mulf %mul3A_2719, %get3A_2868 : vector<16xf32>
        %add3A_2870 = arith.constant 196 : i32
        %add3A_2871 = arith.addi %add3A_2718, %add3A_2870 : i32
        %get3A_2872 = arith.index_cast %add3A_2871 : i32 to index
        %get3A_2873 = arith.constant 16 : index
        %get3A_2874 = tpu.vector_load %arg7[%get3A_2872, %get3A_2873] {strides = array<i32>} : memref<392x128xf32, #tpu.memory_space<vmem>>, vector<16xf32>,
        %mul3A_2875 = arith.mulf %mul3A_2720, %get3A_2874 : vector<16xf32>
        %get3A_2876 = arith.index_cast %add3A_2718 : i32 to index
        %get3A_2877 = arith.constant 80 : index
        %get3A_2878 = tpu.vector_load %arg7[%get3A_2876, %get3A_2877] {strides = array<i32>} : memref<392x128xf32, #tpu.memory_space<vmem>>, vector<16xf32>,
        %mul3A_2879 = arith.mulf %mul3A_2721, %get3A_2878 : vector<16xf32>
        %add3A_2880 = arith.constant 196 : i32
        %add3A_2881 = arith.addi %add3A_2718, %add3A_2880 : i32
        %get3A_2882 = arith.index_cast %add3A_2881 : i32 to index
        %get3A_2883 = arith.constant 80 : index
        %get3A_2884 = tpu.vector_load %arg7[%get3A_2882, %get3A_2883] {strides = array<i32>} : memref<392x128xf32, #tpu.memory_space<vmem>>, vector<16xf32>,
        %mul3A_2885 = arith.mulf %mul3A_2722, %get3A_2884 : vector<16xf32>
        %get3A_2886 = arith.index_cast %add3A_2730 : i32 to index
        %get3A_2887 = arith.constant 16 : index
        %get3A_2888 = tpu.vector_load %arg7[%get3A_2886, %get3A_2887] {strides = array<i32>} : memref<392x128xf32, #tpu.memory_space<vmem>>, vector<16xf32>,
        %mul3A_2889 = arith.mulf %mul3A_2731, %get3A_2888 : vector<16xf32>
        %add3A_2890 = arith.constant 196 : i32
        %add3A_2891 = arith.addi %add3A_2730, %add3A_2890 : i32
        %get3A_2892 = arith.index_cast %add3A_2891 : i32 to index
        %get3A_2893 = arith.constant 16 : index
        %get3A_2894 = tpu.vector_load %arg7[%get3A_2892, %get3A_2893] {strides = array<i32>} : memref<392x128xf32, #tpu.memory_space<vmem>>, vector<16xf32>,
        %mul3A_2895 = arith.mulf %mul3A_2732, %get3A_2894 : vector<16xf32>
        %get3A_2896 = arith.index_cast %add3A_2730 : i32 to index
        %get3A_2897 = arith.constant 80 : index
        %get3A_2898 = tpu.vector_load %arg7[%get3A_2896, %get3A_2897] {strides = array<i32>} : memref<392x128xf32, #tpu.memory_space<vmem>>, vector<16xf32>,
        %mul3A_2899 = arith.mulf %mul3A_2733, %get3A_2898 : vector<16xf32>
        %add3A_2900 = arith.constant 196 : i32
        %add3A_2901 = arith.addi %add3A_2730, %add3A_2900 : i32
        %get3A_2902 = arith.index_cast %add3A_2901 : i32 to index
        %get3A_2903 = arith.constant 80 : index
        %get3A_2904 = tpu.vector_load %arg7[%get3A_2902, %get3A_2903] {strides = array<i32>} : memref<392x128xf32, #tpu.memory_space<vmem>>, vector<16xf32>,
        %mul3A_2905 = arith.mulf %mul3A_2734, %get3A_2904 : vector<16xf32>
        %get3A_2906 = arith.index_cast %add3A_2742 : i32 to index
        %get3A_2907 = arith.constant 16 : index
        %get3A_2908 = tpu.vector_load %arg7[%get3A_2906, %get3A_2907] {strides = array<i32>} : memref<392x128xf32, #tpu.memory_space<vmem>>, vector<16xf32>,
        %mul3A_2909 = arith.mulf %mul3A_2743, %get3A_2908 : vector<16xf32>
        %add3A_2910 = arith.constant 196 : i32
        %add3A_2911 = arith.addi %add3A_2742, %add3A_2910 : i32
        %get3A_2912 = arith.index_cast %add3A_2911 : i32 to index
        %get3A_2913 = arith.constant 16 : index
        %get3A_2914 = tpu.vector_load %arg7[%get3A_2912, %get3A_2913] {strides = array<i32>} : memref<392x128xf32, #tpu.memory_space<vmem>>, vector<16xf32>,
        %mul3A_2915 = arith.mulf %mul3A_2744, %get3A_2914 : vector<16xf32>
        %get3A_2916 = arith.index_cast %add3A_2742 : i32 to index
        %get3A_2917 = arith.constant 80 : index
        %get3A_2918 = tpu.vector_load %arg7[%get3A_2916, %get3A_2917] {strides = array<i32>} : memref<392x128xf32, #tpu.memory_space<vmem>>, vector<16xf32>,
        %mul3A_2919 = arith.mulf %mul3A_2745, %get3A_2918 : vector<16xf32>
        %add3A_2920 = arith.constant 196 : i32
        %add3A_2921 = arith.addi %add3A_2742, %add3A_2920 : i32
        %get3A_2922 = arith.index_cast %add3A_2921 : i32 to index
        %get3A_2923 = arith.constant 80 : index
        %get3A_2924 = tpu.vector_load %arg7[%get3A_2922, %get3A_2923] {strides = array<i32>} : memref<392x128xf32, #tpu.memory_space<vmem>>, vector<16xf32>,
        %mul3A_2925 = arith.mulf %mul3A_2746, %get3A_2924 : vector<16xf32>
        %add3A_2926 = arith.addf %mul3A_2849, %mul3A_2855 : vector<16xf32>
        %add3A_2927 = arith.addf %mul3A_2859, %mul3A_2865 : vector<16xf32>
        %add3A_2928 = arith.addf %mul3A_2869, %mul3A_2875 : vector<16xf32>
        %add3A_2929 = arith.addf %mul3A_2879, %mul3A_2885 : vector<16xf32>
        %add3A_2930 = arith.addf %mul3A_2889, %mul3A_2895 : vector<16xf32>
        %add3A_2931 = arith.addf %mul3A_2899, %mul3A_2905 : vector<16xf32>
        %add3A_2932 = arith.addf %mul3A_2909, %mul3A_2915 : vector<16xf32>
        %add3A_2933 = arith.addf %mul3A_2919, %mul3A_2925 : vector<16xf32>
        %add3A_2934 = arith.addf %add3A_2926, %add3A_2927 : vector<16xf32>
        %add3A_2935 = arith.addf %add3A_2928, %add3A_2929 : vector<16xf32>
        %add3A_2936 = arith.addf %add3A_2930, %add3A_2931 : vector<16xf32>
        %add3A_2937 = arith.addf %add3A_2932, %add3A_2933 : vector<16xf32>
        %add3A_2938 = arith.addf %add3A_2934, %add3A_2935 : vector<16xf32>
        %add3A_2939 = arith.addf %add3A_2936, %add3A_2937 : vector<16xf32>
        %add3A_2940 = arith.addf %add3A_2938, %add3A_2939 : vector<16xf32>
        %add3A_2941 = arith.constant 5 : i32
        %add3A_2942 = arith.addi %mul3A_286, %add3A_2941 : i32
        %add3A_2943 = vector.broadcast %add3A_2942 : i32 to vector<16xi32>
        %add3A_2944 = arith.addi %add3A_28, %add3A_2943 : vector<16xi32>
        tpu.vector_store_idx %arg8[%add3A_2944], %add3A_2940 : memref<3136xf32, #tpu.memory_space<vmem>>[vector<16xi32>], vector<16xf32>,
        %get3A_2945 = arith.index_cast %add3A_2706 : i32 to index
        %get3A_2946 = arith.constant 32 : index
        %get3A_2947 = tpu.vector_load %arg7[%get3A_2945, %get3A_2946] {strides = array<i32>} : memref<392x128xf32, #tpu.memory_space<vmem>>, vector<16xf32>,
        %mul3A_2948 = arith.mulf %mul3A_2707, %get3A_2947 : vector<16xf32>
        %add3A_2949 = arith.constant 196 : i32
        %add3A_2950 = arith.addi %add3A_2706, %add3A_2949 : i32
        %get3A_2951 = arith.index_cast %add3A_2950 : i32 to index
        %get3A_2952 = arith.constant 32 : index
        %get3A_2953 = tpu.vector_load %arg7[%get3A_2951, %get3A_2952] {strides = array<i32>} : memref<392x128xf32, #tpu.memory_space<vmem>>, vector<16xf32>,
        %mul3A_2954 = arith.mulf %mul3A_2708, %get3A_2953 : vector<16xf32>
        %get3A_2955 = arith.index_cast %add3A_2706 : i32 to index
        %get3A_2956 = arith.constant 96 : index
        %get3A_2957 = tpu.vector_load %arg7[%get3A_2955, %get3A_2956] {strides = array<i32>} : memref<392x128xf32, #tpu.memory_space<vmem>>, vector<16xf32>,
        %mul3A_2958 = arith.mulf %mul3A_2709, %get3A_2957 : vector<16xf32>
        %add3A_2959 = arith.constant 196 : i32
        %add3A_2960 = arith.addi %add3A_2706, %add3A_2959 : i32
        %get3A_2961 = arith.index_cast %add3A_2960 : i32 to index
        %get3A_2962 = arith.constant 96 : index
        %get3A_2963 = tpu.vector_load %arg7[%get3A_2961, %get3A_2962] {strides = array<i32>} : memref<392x128xf32, #tpu.memory_space<vmem>>, vector<16xf32>,
        %mul3A_2964 = arith.mulf %mul3A_2710, %get3A_2963 : vector<16xf32>
        %get3A_2965 = arith.index_cast %add3A_2718 : i32 to index
        %get3A_2966 = arith.constant 32 : index
        %get3A_2967 = tpu.vector_load %arg7[%get3A_2965, %get3A_2966] {strides = array<i32>} : memref<392x128xf32, #tpu.memory_space<vmem>>, vector<16xf32>,
        %mul3A_2968 = arith.mulf %mul3A_2719, %get3A_2967 : vector<16xf32>
        %add3A_2969 = arith.constant 196 : i32
        %add3A_2970 = arith.addi %add3A_2718, %add3A_2969 : i32
        %get3A_2971 = arith.index_cast %add3A_2970 : i32 to index
        %get3A_2972 = arith.constant 32 : index
        %get3A_2973 = tpu.vector_load %arg7[%get3A_2971, %get3A_2972] {strides = array<i32>} : memref<392x128xf32, #tpu.memory_space<vmem>>, vector<16xf32>,
        %mul3A_2974 = arith.mulf %mul3A_2720, %get3A_2973 : vector<16xf32>
        %get3A_2975 = arith.index_cast %add3A_2718 : i32 to index
        %get3A_2976 = arith.constant 96 : index
        %get3A_2977 = tpu.vector_load %arg7[%get3A_2975, %get3A_2976] {strides = array<i32>} : memref<392x128xf32, #tpu.memory_space<vmem>>, vector<16xf32>,
        %mul3A_2978 = arith.mulf %mul3A_2721, %get3A_2977 : vector<16xf32>
        %add3A_2979 = arith.constant 196 : i32
        %add3A_2980 = arith.addi %add3A_2718, %add3A_2979 : i32
        %get3A_2981 = arith.index_cast %add3A_2980 : i32 to index
        %get3A_2982 = arith.constant 96 : index
        %get3A_2983 = tpu.vector_load %arg7[%get3A_2981, %get3A_2982] {strides = array<i32>} : memref<392x128xf32, #tpu.memory_space<vmem>>, vector<16xf32>,
        %mul3A_2984 = arith.mulf %mul3A_2722, %get3A_2983 : vector<16xf32>
        %get3A_2985 = arith.index_cast %add3A_2730 : i32 to index
        %get3A_2986 = arith.constant 32 : index
        %get3A_2987 = tpu.vector_load %arg7[%get3A_2985, %get3A_2986] {strides = array<i32>} : memref<392x128xf32, #tpu.memory_space<vmem>>, vector<16xf32>,
        %mul3A_2988 = arith.mulf %mul3A_2731, %get3A_2987 : vector<16xf32>
        %add3A_2989 = arith.constant 196 : i32
        %add3A_2990 = arith.addi %add3A_2730, %add3A_2989 : i32
        %get3A_2991 = arith.index_cast %add3A_2990 : i32 to index
        %get3A_2992 = arith.constant 32 : index
        %get3A_2993 = tpu.vector_load %arg7[%get3A_2991, %get3A_2992] {strides = array<i32>} : memref<392x128xf32, #tpu.memory_space<vmem>>, vector<16xf32>,
        %mul3A_2994 = arith.mulf %mul3A_2732, %get3A_2993 : vector<16xf32>
        %get3A_2995 = arith.index_cast %add3A_2730 : i32 to index
        %get3A_2996 = arith.constant 96 : index
        %get3A_2997 = tpu.vector_load %arg7[%get3A_2995, %get3A_2996] {strides = array<i32>} : memref<392x128xf32, #tpu.memory_space<vmem>>, vector<16xf32>,
        %mul3A_2998 = arith.mulf %mul3A_2733, %get3A_2997 : vector<16xf32>
        %add3A_2999 = arith.constant 196 : i32
        %add3A_3000 = arith.addi %add3A_2730, %add3A_2999 : i32
        %get3A_3001 = arith.index_cast %add3A_3000 : i32 to index
        %get3A_3002 = arith.constant 96 : index
        %get3A_3003 = tpu.vector_load %arg7[%get3A_3001, %get3A_3002] {strides = array<i32>} : memref<392x128xf32, #tpu.memory_space<vmem>>, vector<16xf32>,
        %mul3A_3004 = arith.mulf %mul3A_2734, %get3A_3003 : vector<16xf32>
        %get3A_3005 = arith.index_cast %add3A_2742 : i32 to index
        %get3A_3006 = arith.constant 32 : index
        %get3A_3007 = tpu.vector_load %arg7[%get3A_3005, %get3A_3006] {strides = array<i32>} : memref<392x128xf32, #tpu.memory_space<vmem>>, vector<16xf32>,
        %mul3A_3008 = arith.mulf %mul3A_2743, %get3A_3007 : vector<16xf32>
        %add3A_3009 = arith.constant 196 : i32
        %add3A_3010 = arith.addi %add3A_2742, %add3A_3009 : i32
        %get3A_3011 = arith.index_cast %add3A_3010 : i32 to index
        %get3A_3012 = arith.constant 32 : index
        %get3A_3013 = tpu.vector_load %arg7[%get3A_3011, %get3A_3012] {strides = array<i32>} : memref<392x128xf32, #tpu.memory_space<vmem>>, vector<16xf32>,
        %mul3A_3014 = arith.mulf %mul3A_2744, %get3A_3013 : vector<16xf32>
        %get3A_3015 = arith.index_cast %add3A_2742 : i32 to index
        %get3A_3016 = arith.constant 96 : index
        %get3A_3017 = tpu.vector_load %arg7[%get3A_3015, %get3A_3016] {strides = array<i32>} : memref<392x128xf32, #tpu.memory_space<vmem>>, vector<16xf32>,
        %mul3A_3018 = arith.mulf %mul3A_2745, %get3A_3017 : vector<16xf32>
        %add3A_3019 = arith.constant 196 : i32
        %add3A_3020 = arith.addi %add3A_2742, %add3A_3019 : i32
        %get3A_3021 = arith.index_cast %add3A_3020 : i32 to index
        %get3A_3022 = arith.constant 96 : index
        %get3A_3023 = tpu.vector_load %arg7[%get3A_3021, %get3A_3022] {strides = array<i32>} : memref<392x128xf32, #tpu.memory_space<vmem>>, vector<16xf32>,
        %mul3A_3024 = arith.mulf %mul3A_2746, %get3A_3023 : vector<16xf32>
        %add3A_3025 = arith.addf %mul3A_2948, %mul3A_2954 : vector<16xf32>
        %add3A_3026 = arith.addf %mul3A_2958, %mul3A_2964 : vector<16xf32>
        %add3A_3027 = arith.addf %mul3A_2968, %mul3A_2974 : vector<16xf32>
        %add3A_3028 = arith.addf %mul3A_2978, %mul3A_2984 : vector<16xf32>
        %add3A_3029 = arith.addf %mul3A_2988, %mul3A_2994 : vector<16xf32>
        %add3A_3030 = arith.addf %mul3A_2998, %mul3A_3004 : vector<16xf32>
        %add3A_3031 = arith.addf %mul3A_3008, %mul3A_3014 : vector<16xf32>
        %add3A_3032 = arith.addf %mul3A_3018, %mul3A_3024 : vector<16xf32>
        %add3A_3033 = arith.addf %add3A_3025, %add3A_3026 : vector<16xf32>
        %add3A_3034 = arith.addf %add3A_3027, %add3A_3028 : vector<16xf32>
        %add3A_3035 = arith.addf %add3A_3029, %add3A_3030 : vector<16xf32>
        %add3A_3036 = arith.addf %add3A_3031, %add3A_3032 : vector<16xf32>
        %add3A_3037 = arith.addf %add3A_3033, %add3A_3034 : vector<16xf32>
        %add3A_3038 = arith.addf %add3A_3035, %add3A_3036 : vector<16xf32>
        %add3A_3039 = arith.addf %add3A_3037, %add3A_3038 : vector<16xf32>
        %add3A_3040 = arith.constant 5 : i32
        %add3A_3041 = arith.addi %mul3A_286, %add3A_3040 : i32
        %add3A_3042 = vector.broadcast %add3A_3041 : i32 to vector<16xi32>
        %add3A_3043 = arith.addi %add3A_34, %add3A_3042 : vector<16xi32>
        tpu.vector_store_idx %arg8[%add3A_3043], %add3A_3039 : memref<3136xf32, #tpu.memory_space<vmem>>[vector<16xi32>], vector<16xf32>,
        %get3A_3044 = arith.index_cast %add3A_2706 : i32 to index
        %get3A_3045 = arith.constant 48 : index
        %get3A_3046 = tpu.vector_load %arg7[%get3A_3044, %get3A_3045] {strides = array<i32>} : memref<392x128xf32, #tpu.memory_space<vmem>>, vector<16xf32>,
        %mul3A_3047 = arith.mulf %mul3A_2707, %get3A_3046 : vector<16xf32>
        %add3A_3048 = arith.constant 196 : i32
        %add3A_3049 = arith.addi %add3A_2706, %add3A_3048 : i32
        %get3A_3050 = arith.index_cast %add3A_3049 : i32 to index
        %get3A_3051 = arith.constant 48 : index
        %get3A_3052 = tpu.vector_load %arg7[%get3A_3050, %get3A_3051] {strides = array<i32>} : memref<392x128xf32, #tpu.memory_space<vmem>>, vector<16xf32>,
        %mul3A_3053 = arith.mulf %mul3A_2708, %get3A_3052 : vector<16xf32>
        %get3A_3054 = arith.index_cast %add3A_2706 : i32 to index
        %get3A_3055 = arith.constant 112 : index
        %get3A_3056 = tpu.vector_load %arg7[%get3A_3054, %get3A_3055] {strides = array<i32>} : memref<392x128xf32, #tpu.memory_space<vmem>>, vector<16xf32>,
        %mul3A_3057 = arith.mulf %mul3A_2709, %get3A_3056 : vector<16xf32>
        %add3A_3058 = arith.constant 196 : i32
        %add3A_3059 = arith.addi %add3A_2706, %add3A_3058 : i32
        %get3A_3060 = arith.index_cast %add3A_3059 : i32 to index
        %get3A_3061 = arith.constant 112 : index
        %get3A_3062 = tpu.vector_load %arg7[%get3A_3060, %get3A_3061] {strides = array<i32>} : memref<392x128xf32, #tpu.memory_space<vmem>>, vector<16xf32>,
        %mul3A_3063 = arith.mulf %mul3A_2710, %get3A_3062 : vector<16xf32>
        %get3A_3064 = arith.index_cast %add3A_2718 : i32 to index
        %get3A_3065 = arith.constant 48 : index
        %get3A_3066 = tpu.vector_load %arg7[%get3A_3064, %get3A_3065] {strides = array<i32>} : memref<392x128xf32, #tpu.memory_space<vmem>>, vector<16xf32>,
        %mul3A_3067 = arith.mulf %mul3A_2719, %get3A_3066 : vector<16xf32>
        %add3A_3068 = arith.constant 196 : i32
        %add3A_3069 = arith.addi %add3A_2718, %add3A_3068 : i32
        %get3A_3070 = arith.index_cast %add3A_3069 : i32 to index
        %get3A_3071 = arith.constant 48 : index
        %get3A_3072 = tpu.vector_load %arg7[%get3A_3070, %get3A_3071] {strides = array<i32>} : memref<392x128xf32, #tpu.memory_space<vmem>>, vector<16xf32>,
        %mul3A_3073 = arith.mulf %mul3A_2720, %get3A_3072 : vector<16xf32>
        %get3A_3074 = arith.index_cast %add3A_2718 : i32 to index
        %get3A_3075 = arith.constant 112 : index
        %get3A_3076 = tpu.vector_load %arg7[%get3A_3074, %get3A_3075] {strides = array<i32>} : memref<392x128xf32, #tpu.memory_space<vmem>>, vector<16xf32>,
        %mul3A_3077 = arith.mulf %mul3A_2721, %get3A_3076 : vector<16xf32>
        %add3A_3078 = arith.constant 196 : i32
        %add3A_3079 = arith.addi %add3A_2718, %add3A_3078 : i32
        %get3A_3080 = arith.index_cast %add3A_3079 : i32 to index
        %get3A_3081 = arith.constant 112 : index
        %get3A_3082 = tpu.vector_load %arg7[%get3A_3080, %get3A_3081] {strides = array<i32>} : memref<392x128xf32, #tpu.memory_space<vmem>>, vector<16xf32>,
        %mul3A_3083 = arith.mulf %mul3A_2722, %get3A_3082 : vector<16xf32>
        %get3A_3084 = arith.index_cast %add3A_2730 : i32 to index
        %get3A_3085 = arith.constant 48 : index
        %get3A_3086 = tpu.vector_load %arg7[%get3A_3084, %get3A_3085] {strides = array<i32>} : memref<392x128xf32, #tpu.memory_space<vmem>>, vector<16xf32>,
        %mul3A_3087 = arith.mulf %mul3A_2731, %get3A_3086 : vector<16xf32>
        %add3A_3088 = arith.constant 196 : i32
        %add3A_3089 = arith.addi %add3A_2730, %add3A_3088 : i32
        %get3A_3090 = arith.index_cast %add3A_3089 : i32 to index
        %get3A_3091 = arith.constant 48 : index
        %get3A_3092 = tpu.vector_load %arg7[%get3A_3090, %get3A_3091] {strides = array<i32>} : memref<392x128xf32, #tpu.memory_space<vmem>>, vector<16xf32>,
        %mul3A_3093 = arith.mulf %mul3A_2732, %get3A_3092 : vector<16xf32>
        %get3A_3094 = arith.index_cast %add3A_2730 : i32 to index
        %get3A_3095 = arith.constant 112 : index
        %get3A_3096 = tpu.vector_load %arg7[%get3A_3094, %get3A_3095] {strides = array<i32>} : memref<392x128xf32, #tpu.memory_space<vmem>>, vector<16xf32>,
        %mul3A_3097 = arith.mulf %mul3A_2733, %get3A_3096 : vector<16xf32>
        %add3A_3098 = arith.constant 196 : i32
        %add3A_3099 = arith.addi %add3A_2730, %add3A_3098 : i32
        %get3A_3100 = arith.index_cast %add3A_3099 : i32 to index
        %get3A_3101 = arith.constant 112 : index
        %get3A_3102 = tpu.vector_load %arg7[%get3A_3100, %get3A_3101] {strides = array<i32>} : memref<392x128xf32, #tpu.memory_space<vmem>>, vector<16xf32>,
        %mul3A_3103 = arith.mulf %mul3A_2734, %get3A_3102 : vector<16xf32>
        %get3A_3104 = arith.index_cast %add3A_2742 : i32 to index
        %get3A_3105 = arith.constant 48 : index
        %get3A_3106 = tpu.vector_load %arg7[%get3A_3104, %get3A_3105] {strides = array<i32>} : memref<392x128xf32, #tpu.memory_space<vmem>>, vector<16xf32>,
        %mul3A_3107 = arith.mulf %mul3A_2743, %get3A_3106 : vector<16xf32>
        %add3A_3108 = arith.constant 196 : i32
        %add3A_3109 = arith.addi %add3A_2742, %add3A_3108 : i32
        %get3A_3110 = arith.index_cast %add3A_3109 : i32 to index
        %get3A_3111 = arith.constant 48 : index
        %get3A_3112 = tpu.vector_load %arg7[%get3A_3110, %get3A_3111] {strides = array<i32>} : memref<392x128xf32, #tpu.memory_space<vmem>>, vector<16xf32>,
        %mul3A_3113 = arith.mulf %mul3A_2744, %get3A_3112 : vector<16xf32>
        %get3A_3114 = arith.index_cast %add3A_2742 : i32 to index
        %get3A_3115 = arith.constant 112 : index
        %get3A_3116 = tpu.vector_load %arg7[%get3A_3114, %get3A_3115] {strides = array<i32>} : memref<392x128xf32, #tpu.memory_space<vmem>>, vector<16xf32>,
        %mul3A_3117 = arith.mulf %mul3A_2745, %get3A_3116 : vector<16xf32>
        %add3A_3118 = arith.constant 196 : i32
        %add3A_3119 = arith.addi %add3A_2742, %add3A_3118 : i32
        %get3A_3120 = arith.index_cast %add3A_3119 : i32 to index
        %get3A_3121 = arith.constant 112 : index
        %get3A_3122 = tpu.vector_load %arg7[%get3A_3120, %get3A_3121] {strides = array<i32>} : memref<392x128xf32, #tpu.memory_space<vmem>>, vector<16xf32>,
        %mul3A_3123 = arith.mulf %mul3A_2746, %get3A_3122 : vector<16xf32>
        %add3A_3124 = arith.addf %mul3A_3047, %mul3A_3053 : vector<16xf32>
        %add3A_3125 = arith.addf %mul3A_3057, %mul3A_3063 : vector<16xf32>
        %add3A_3126 = arith.addf %mul3A_3067, %mul3A_3073 : vector<16xf32>
        %add3A_3127 = arith.addf %mul3A_3077, %mul3A_3083 : vector<16xf32>
        %add3A_3128 = arith.addf %mul3A_3087, %mul3A_3093 : vector<16xf32>
        %add3A_3129 = arith.addf %mul3A_3097, %mul3A_3103 : vector<16xf32>
        %add3A_3130 = arith.addf %mul3A_3107, %mul3A_3113 : vector<16xf32>
        %add3A_3131 = arith.addf %mul3A_3117, %mul3A_3123 : vector<16xf32>
        %add3A_3132 = arith.addf %add3A_3124, %add3A_3125 : vector<16xf32>
        %add3A_3133 = arith.addf %add3A_3126, %add3A_3127 : vector<16xf32>
        %add3A_3134 = arith.addf %add3A_3128, %add3A_3129 : vector<16xf32>
        %add3A_3135 = arith.addf %add3A_3130, %add3A_3131 : vector<16xf32>
        %add3A_3136 = arith.addf %add3A_3132, %add3A_3133 : vector<16xf32>
        %add3A_3137 = arith.addf %add3A_3134, %add3A_3135 : vector<16xf32>
        %add3A_3138 = arith.addf %add3A_3136, %add3A_3137 : vector<16xf32>
        %add3A_3139 = arith.constant 5 : i32
        %add3A_3140 = arith.addi %mul3A_286, %add3A_3139 : i32
        %add3A_3141 = vector.broadcast %add3A_3140 : i32 to vector<16xi32>
        %add3A_3142 = arith.addi %add3A_40, %add3A_3141 : vector<16xi32>
        tpu.vector_store_idx %arg8[%add3A_3142], %add3A_3138 : memref<3136xf32, #tpu.memory_space<vmem>>[vector<16xi32>], vector<16xf32>,
        %broadcast_in_dim3A_3143 = arith.constant 0 : i32
        %broadcast_in_dim3A_3144 = vector.broadcast %broadcast_in_dim3A_3143 : i32 to vector<16xi32>
        %add3A_3145 = arith.constant 12 : i32
        %add3A_3146 = vector.broadcast %add3A_3145 : i32 to vector<16xi32>
        %add3A_3147 = arith.addi %broadcast_in_dim3A_3144, %add3A_3146 : vector<16xi32>
        %broadcast_in_dim3A_3148 = vector.shape_cast %add3A_3147 : vector<16xi32> to vector<16x1xi32>
        %gather3A_3149 = vector.shape_cast %broadcast_in_dim3A_3148 : vector<16x1xi32> to vector<16xi32>
        %gather3A_3150 = tpu.dynamic_gather %mul3A_171[%gather3A_3149] in [0] : vector<16xf32>, vector<16xi32> -> vector<16xf32>
        %broadcast_in_dim3A_3151 = arith.constant 0 : i32
        %broadcast_in_dim3A_3152 = vector.broadcast %broadcast_in_dim3A_3151 : i32 to vector<16xi32>
        %add3A_3153 = arith.constant 12 : i32
        %add3A_3154 = vector.broadcast %add3A_3153 : i32 to vector<16xi32>
        %add3A_3155 = arith.addi %broadcast_in_dim3A_3152, %add3A_3154 : vector<16xi32>
        %broadcast_in_dim3A_3156 = vector.shape_cast %add3A_3155 : vector<16xi32> to vector<16x1xi32>
        %gather3A_3157 = vector.shape_cast %broadcast_in_dim3A_3156 : vector<16x1xi32> to vector<16xi32>
        %gather3A_3158 = tpu.dynamic_gather %mul3A_172[%gather3A_3157] in [0] : vector<16xf32>, vector<16xi32> -> vector<16xf32>
        %broadcast_in_dim3A_3159 = arith.constant 0 : i32
        %broadcast_in_dim3A_3160 = vector.broadcast %broadcast_in_dim3A_3159 : i32 to vector<16xi32>
        %add3A_3161 = arith.constant 13 : i32
        %add3A_3162 = vector.broadcast %add3A_3161 : i32 to vector<16xi32>
        %add3A_3163 = arith.addi %broadcast_in_dim3A_3160, %add3A_3162 : vector<16xi32>
        %broadcast_in_dim3A_3164 = vector.shape_cast %add3A_3163 : vector<16xi32> to vector<16x1xi32>
        %gather3A_3165 = vector.shape_cast %broadcast_in_dim3A_3164 : vector<16x1xi32> to vector<16xi32>
        %gather3A_3166 = tpu.dynamic_gather %mul3A_171[%gather3A_3165] in [0] : vector<16xf32>, vector<16xi32> -> vector<16xf32>
        %broadcast_in_dim3A_3167 = arith.constant 0 : i32
        %broadcast_in_dim3A_3168 = vector.broadcast %broadcast_in_dim3A_3167 : i32 to vector<16xi32>
        %add3A_3169 = arith.constant 13 : i32
        %add3A_3170 = vector.broadcast %add3A_3169 : i32 to vector<16xi32>
        %add3A_3171 = arith.addi %broadcast_in_dim3A_3168, %add3A_3170 : vector<16xi32>
        %broadcast_in_dim3A_3172 = vector.shape_cast %add3A_3171 : vector<16xi32> to vector<16x1xi32>
        %gather3A_3173 = vector.shape_cast %broadcast_in_dim3A_3172 : vector<16x1xi32> to vector<16xi32>
        %gather3A_3174 = tpu.dynamic_gather %mul3A_172[%gather3A_3173] in [0] : vector<16xf32>, vector<16xi32> -> vector<16xf32>
        %add3A_3175 = arith.constant 0 : i32
        %add3A_3176 = arith.addi %mul3A_262, %add3A_3175 : i32
        %mul3A_3177 = arith.constant 14 : i32
        %mul3A_3178 = arith.muli %add3A_3176, %mul3A_3177 : i32
        %add3A_3179 = arith.constant 12 : i32
        %add3A_3180 = arith.addi %mul3A_3178, %add3A_3179 : i32
        %add3A_3181 = arith.constant 0 : i32
        %add3A_3182 = arith.addi %add3A_3180, %add3A_3181 : i32
        %mul3A_3183 = arith.mulf %gather3A_269, %gather3A_3150 : vector<16xf32>
        %mul3A_3184 = arith.mulf %gather3A_269, %gather3A_3158 : vector<16xf32>
        %mul3A_3185 = arith.mulf %gather3A_272, %gather3A_3150 : vector<16xf32>
        %mul3A_3186 = arith.mulf %gather3A_272, %gather3A_3158 : vector<16xf32>
        %add3A_3187 = arith.constant 0 : i32
        %add3A_3188 = arith.addi %mul3A_262, %add3A_3187 : i32
        %mul3A_3189 = arith.constant 14 : i32
        %mul3A_3190 = arith.muli %add3A_3188, %mul3A_3189 : i32
        %add3A_3191 = arith.constant 12 : i32
        %add3A_3192 = arith.addi %mul3A_3190, %add3A_3191 : i32
        %add3A_3193 = arith.constant 1 : i32
        %add3A_3194 = arith.addi %add3A_3192, %add3A_3193 : i32
        %mul3A_3195 = arith.mulf %gather3A_269, %gather3A_3166 : vector<16xf32>
        %mul3A_3196 = arith.mulf %gather3A_269, %gather3A_3174 : vector<16xf32>
        %mul3A_3197 = arith.mulf %gather3A_272, %gather3A_3166 : vector<16xf32>
        %mul3A_3198 = arith.mulf %gather3A_272, %gather3A_3174 : vector<16xf32>
        %add3A_3199 = arith.constant 1 : i32
        %add3A_3200 = arith.addi %mul3A_262, %add3A_3199 : i32
        %mul3A_3201 = arith.constant 14 : i32
        %mul3A_3202 = arith.muli %add3A_3200, %mul3A_3201 : i32
        %add3A_3203 = arith.constant 12 : i32
        %add3A_3204 = arith.addi %mul3A_3202, %add3A_3203 : i32
        %add3A_3205 = arith.constant 0 : i32
        %add3A_3206 = arith.addi %add3A_3204, %add3A_3205 : i32
        %mul3A_3207 = arith.mulf %gather3A_278, %gather3A_3150 : vector<16xf32>
        %mul3A_3208 = arith.mulf %gather3A_278, %gather3A_3158 : vector<16xf32>
        %mul3A_3209 = arith.mulf %gather3A_284, %gather3A_3150 : vector<16xf32>
        %mul3A_3210 = arith.mulf %gather3A_284, %gather3A_3158 : vector<16xf32>
        %add3A_3211 = arith.constant 1 : i32
        %add3A_3212 = arith.addi %mul3A_262, %add3A_3211 : i32
        %mul3A_3213 = arith.constant 14 : i32
        %mul3A_3214 = arith.muli %add3A_3212, %mul3A_3213 : i32
        %add3A_3215 = arith.constant 12 : i32
        %add3A_3216 = arith.addi %mul3A_3214, %add3A_3215 : i32
        %add3A_3217 = arith.constant 1 : i32
        %add3A_3218 = arith.addi %add3A_3216, %add3A_3217 : i32
        %mul3A_3219 = arith.mulf %gather3A_278, %gather3A_3166 : vector<16xf32>
        %mul3A_3220 = arith.mulf %gather3A_278, %gather3A_3174 : vector<16xf32>
        %mul3A_3221 = arith.mulf %gather3A_284, %gather3A_3166 : vector<16xf32>
        %mul3A_3222 = arith.mulf %gather3A_284, %gather3A_3174 : vector<16xf32>
        %get3A_3223 = arith.index_cast %add3A_3182 : i32 to index
        %get3A_3224 = arith.constant 0 : index
        %get3A_3225 = tpu.vector_load %arg7[%get3A_3223, %get3A_3224] {strides = array<i32>} : memref<392x128xf32, #tpu.memory_space<vmem>>, vector<16xf32>,
        %mul3A_3226 = arith.mulf %mul3A_3183, %get3A_3225 : vector<16xf32>
        %add3A_3227 = arith.constant 196 : i32
        %add3A_3228 = arith.addi %add3A_3182, %add3A_3227 : i32
        %get3A_3229 = arith.index_cast %add3A_3228 : i32 to index
        %get3A_3230 = arith.constant 0 : index
        %get3A_3231 = tpu.vector_load %arg7[%get3A_3229, %get3A_3230] {strides = array<i32>} : memref<392x128xf32, #tpu.memory_space<vmem>>, vector<16xf32>,
        %mul3A_3232 = arith.mulf %mul3A_3184, %get3A_3231 : vector<16xf32>
        %get3A_3233 = arith.index_cast %add3A_3182 : i32 to index
        %get3A_3234 = arith.constant 64 : index
        %get3A_3235 = tpu.vector_load %arg7[%get3A_3233, %get3A_3234] {strides = array<i32>} : memref<392x128xf32, #tpu.memory_space<vmem>>, vector<16xf32>,
        %mul3A_3236 = arith.mulf %mul3A_3185, %get3A_3235 : vector<16xf32>
        %add3A_3237 = arith.constant 196 : i32
        %add3A_3238 = arith.addi %add3A_3182, %add3A_3237 : i32
        %get3A_3239 = arith.index_cast %add3A_3238 : i32 to index
        %get3A_3240 = arith.constant 64 : index
        %get3A_3241 = tpu.vector_load %arg7[%get3A_3239, %get3A_3240] {strides = array<i32>} : memref<392x128xf32, #tpu.memory_space<vmem>>, vector<16xf32>,
        %mul3A_3242 = arith.mulf %mul3A_3186, %get3A_3241 : vector<16xf32>
        %get3A_3243 = arith.index_cast %add3A_3194 : i32 to index
        %get3A_3244 = arith.constant 0 : index
        %get3A_3245 = tpu.vector_load %arg7[%get3A_3243, %get3A_3244] {strides = array<i32>} : memref<392x128xf32, #tpu.memory_space<vmem>>, vector<16xf32>,
        %mul3A_3246 = arith.mulf %mul3A_3195, %get3A_3245 : vector<16xf32>
        %add3A_3247 = arith.constant 196 : i32
        %add3A_3248 = arith.addi %add3A_3194, %add3A_3247 : i32
        %get3A_3249 = arith.index_cast %add3A_3248 : i32 to index
        %get3A_3250 = arith.constant 0 : index
        %get3A_3251 = tpu.vector_load %arg7[%get3A_3249, %get3A_3250] {strides = array<i32>} : memref<392x128xf32, #tpu.memory_space<vmem>>, vector<16xf32>,
        %mul3A_3252 = arith.mulf %mul3A_3196, %get3A_3251 : vector<16xf32>
        %get3A_3253 = arith.index_cast %add3A_3194 : i32 to index
        %get3A_3254 = arith.constant 64 : index
        %get3A_3255 = tpu.vector_load %arg7[%get3A_3253, %get3A_3254] {strides = array<i32>} : memref<392x128xf32, #tpu.memory_space<vmem>>, vector<16xf32>,
        %mul3A_3256 = arith.mulf %mul3A_3197, %get3A_3255 : vector<16xf32>
        %add3A_3257 = arith.constant 196 : i32
        %add3A_3258 = arith.addi %add3A_3194, %add3A_3257 : i32
        %get3A_3259 = arith.index_cast %add3A_3258 : i32 to index
        %get3A_3260 = arith.constant 64 : index
        %get3A_3261 = tpu.vector_load %arg7[%get3A_3259, %get3A_3260] {strides = array<i32>} : memref<392x128xf32, #tpu.memory_space<vmem>>, vector<16xf32>,
        %mul3A_3262 = arith.mulf %mul3A_3198, %get3A_3261 : vector<16xf32>
        %get3A_3263 = arith.index_cast %add3A_3206 : i32 to index
        %get3A_3264 = arith.constant 0 : index
        %get3A_3265 = tpu.vector_load %arg7[%get3A_3263, %get3A_3264] {strides = array<i32>} : memref<392x128xf32, #tpu.memory_space<vmem>>, vector<16xf32>,
        %mul3A_3266 = arith.mulf %mul3A_3207, %get3A_3265 : vector<16xf32>
        %add3A_3267 = arith.constant 196 : i32
        %add3A_3268 = arith.addi %add3A_3206, %add3A_3267 : i32
        %get3A_3269 = arith.index_cast %add3A_3268 : i32 to index
        %get3A_3270 = arith.constant 0 : index
        %get3A_3271 = tpu.vector_load %arg7[%get3A_3269, %get3A_3270] {strides = array<i32>} : memref<392x128xf32, #tpu.memory_space<vmem>>, vector<16xf32>,
        %mul3A_3272 = arith.mulf %mul3A_3208, %get3A_3271 : vector<16xf32>
        %get3A_3273 = arith.index_cast %add3A_3206 : i32 to index
        %get3A_3274 = arith.constant 64 : index
        %get3A_3275 = tpu.vector_load %arg7[%get3A_3273, %get3A_3274] {strides = array<i32>} : memref<392x128xf32, #tpu.memory_space<vmem>>, vector<16xf32>,
        %mul3A_3276 = arith.mulf %mul3A_3209, %get3A_3275 : vector<16xf32>
        %add3A_3277 = arith.constant 196 : i32
        %add3A_3278 = arith.addi %add3A_3206, %add3A_3277 : i32
        %get3A_3279 = arith.index_cast %add3A_3278 : i32 to index
        %get3A_3280 = arith.constant 64 : index
        %get3A_3281 = tpu.vector_load %arg7[%get3A_3279, %get3A_3280] {strides = array<i32>} : memref<392x128xf32, #tpu.memory_space<vmem>>, vector<16xf32>,
        %mul3A_3282 = arith.mulf %mul3A_3210, %get3A_3281 : vector<16xf32>
        %get3A_3283 = arith.index_cast %add3A_3218 : i32 to index
        %get3A_3284 = arith.constant 0 : index
        %get3A_3285 = tpu.vector_load %arg7[%get3A_3283, %get3A_3284] {strides = array<i32>} : memref<392x128xf32, #tpu.memory_space<vmem>>, vector<16xf32>,
        %mul3A_3286 = arith.mulf %mul3A_3219, %get3A_3285 : vector<16xf32>
        %add3A_3287 = arith.constant 196 : i32
        %add3A_3288 = arith.addi %add3A_3218, %add3A_3287 : i32
        %get3A_3289 = arith.index_cast %add3A_3288 : i32 to index
        %get3A_3290 = arith.constant 0 : index
        %get3A_3291 = tpu.vector_load %arg7[%get3A_3289, %get3A_3290] {strides = array<i32>} : memref<392x128xf32, #tpu.memory_space<vmem>>, vector<16xf32>,
        %mul3A_3292 = arith.mulf %mul3A_3220, %get3A_3291 : vector<16xf32>
        %get3A_3293 = arith.index_cast %add3A_3218 : i32 to index
        %get3A_3294 = arith.constant 64 : index
        %get3A_3295 = tpu.vector_load %arg7[%get3A_3293, %get3A_3294] {strides = array<i32>} : memref<392x128xf32, #tpu.memory_space<vmem>>, vector<16xf32>,
        %mul3A_3296 = arith.mulf %mul3A_3221, %get3A_3295 : vector<16xf32>
        %add3A_3297 = arith.constant 196 : i32
        %add3A_3298 = arith.addi %add3A_3218, %add3A_3297 : i32
        %get3A_3299 = arith.index_cast %add3A_3298 : i32 to index
        %get3A_3300 = arith.constant 64 : index
        %get3A_3301 = tpu.vector_load %arg7[%get3A_3299, %get3A_3300] {strides = array<i32>} : memref<392x128xf32, #tpu.memory_space<vmem>>, vector<16xf32>,
        %mul3A_3302 = arith.mulf %mul3A_3222, %get3A_3301 : vector<16xf32>
        %add3A_3303 = arith.addf %mul3A_3226, %mul3A_3232 : vector<16xf32>
        %add3A_3304 = arith.addf %mul3A_3236, %mul3A_3242 : vector<16xf32>
        %add3A_3305 = arith.addf %mul3A_3246, %mul3A_3252 : vector<16xf32>
        %add3A_3306 = arith.addf %mul3A_3256, %mul3A_3262 : vector<16xf32>
        %add3A_3307 = arith.addf %mul3A_3266, %mul3A_3272 : vector<16xf32>
        %add3A_3308 = arith.addf %mul3A_3276, %mul3A_3282 : vector<16xf32>
        %add3A_3309 = arith.addf %mul3A_3286, %mul3A_3292 : vector<16xf32>
        %add3A_3310 = arith.addf %mul3A_3296, %mul3A_3302 : vector<16xf32>
        %add3A_3311 = arith.addf %add3A_3303, %add3A_3304 : vector<16xf32>
        %add3A_3312 = arith.addf %add3A_3305, %add3A_3306 : vector<16xf32>
        %add3A_3313 = arith.addf %add3A_3307, %add3A_3308 : vector<16xf32>
        %add3A_3314 = arith.addf %add3A_3309, %add3A_3310 : vector<16xf32>
        %add3A_3315 = arith.addf %add3A_3311, %add3A_3312 : vector<16xf32>
        %add3A_3316 = arith.addf %add3A_3313, %add3A_3314 : vector<16xf32>
        %add3A_3317 = arith.addf %add3A_3315, %add3A_3316 : vector<16xf32>
        %add3A_3318 = arith.constant 6 : i32
        %add3A_3319 = arith.addi %mul3A_286, %add3A_3318 : i32
        %add3A_3320 = vector.broadcast %add3A_3319 : i32 to vector<16xi32>
        %add3A_3321 = arith.addi %add3A_22, %add3A_3320 : vector<16xi32>
        tpu.vector_store_idx %arg8[%add3A_3321], %add3A_3317 : memref<3136xf32, #tpu.memory_space<vmem>>[vector<16xi32>], vector<16xf32>,
        %get3A_3322 = arith.index_cast %add3A_3182 : i32 to index
        %get3A_3323 = arith.constant 16 : index
        %get3A_3324 = tpu.vector_load %arg7[%get3A_3322, %get3A_3323] {strides = array<i32>} : memref<392x128xf32, #tpu.memory_space<vmem>>, vector<16xf32>,
        %mul3A_3325 = arith.mulf %mul3A_3183, %get3A_3324 : vector<16xf32>
        %add3A_3326 = arith.constant 196 : i32
        %add3A_3327 = arith.addi %add3A_3182, %add3A_3326 : i32
        %get3A_3328 = arith.index_cast %add3A_3327 : i32 to index
        %get3A_3329 = arith.constant 16 : index
        %get3A_3330 = tpu.vector_load %arg7[%get3A_3328, %get3A_3329] {strides = array<i32>} : memref<392x128xf32, #tpu.memory_space<vmem>>, vector<16xf32>,
        %mul3A_3331 = arith.mulf %mul3A_3184, %get3A_3330 : vector<16xf32>
        %get3A_3332 = arith.index_cast %add3A_3182 : i32 to index
        %get3A_3333 = arith.constant 80 : index
        %get3A_3334 = tpu.vector_load %arg7[%get3A_3332, %get3A_3333] {strides = array<i32>} : memref<392x128xf32, #tpu.memory_space<vmem>>, vector<16xf32>,
        %mul3A_3335 = arith.mulf %mul3A_3185, %get3A_3334 : vector<16xf32>
        %add3A_3336 = arith.constant 196 : i32
        %add3A_3337 = arith.addi %add3A_3182, %add3A_3336 : i32
        %get3A_3338 = arith.index_cast %add3A_3337 : i32 to index
        %get3A_3339 = arith.constant 80 : index
        %get3A_3340 = tpu.vector_load %arg7[%get3A_3338, %get3A_3339] {strides = array<i32>} : memref<392x128xf32, #tpu.memory_space<vmem>>, vector<16xf32>,
        %mul3A_3341 = arith.mulf %mul3A_3186, %get3A_3340 : vector<16xf32>
        %get3A_3342 = arith.index_cast %add3A_3194 : i32 to index
        %get3A_3343 = arith.constant 16 : index
        %get3A_3344 = tpu.vector_load %arg7[%get3A_3342, %get3A_3343] {strides = array<i32>} : memref<392x128xf32, #tpu.memory_space<vmem>>, vector<16xf32>,
        %mul3A_3345 = arith.mulf %mul3A_3195, %get3A_3344 : vector<16xf32>
        %add3A_3346 = arith.constant 196 : i32
        %add3A_3347 = arith.addi %add3A_3194, %add3A_3346 : i32
        %get3A_3348 = arith.index_cast %add3A_3347 : i32 to index
        %get3A_3349 = arith.constant 16 : index
        %get3A_3350 = tpu.vector_load %arg7[%get3A_3348, %get3A_3349] {strides = array<i32>} : memref<392x128xf32, #tpu.memory_space<vmem>>, vector<16xf32>,
        %mul3A_3351 = arith.mulf %mul3A_3196, %get3A_3350 : vector<16xf32>
        %get3A_3352 = arith.index_cast %add3A_3194 : i32 to index
        %get3A_3353 = arith.constant 80 : index
        %get3A_3354 = tpu.vector_load %arg7[%get3A_3352, %get3A_3353] {strides = array<i32>} : memref<392x128xf32, #tpu.memory_space<vmem>>, vector<16xf32>,
        %mul3A_3355 = arith.mulf %mul3A_3197, %get3A_3354 : vector<16xf32>
        %add3A_3356 = arith.constant 196 : i32
        %add3A_3357 = arith.addi %add3A_3194, %add3A_3356 : i32
        %get3A_3358 = arith.index_cast %add3A_3357 : i32 to index
        %get3A_3359 = arith.constant 80 : index
        %get3A_3360 = tpu.vector_load %arg7[%get3A_3358, %get3A_3359] {strides = array<i32>} : memref<392x128xf32, #tpu.memory_space<vmem>>, vector<16xf32>,
        %mul3A_3361 = arith.mulf %mul3A_3198, %get3A_3360 : vector<16xf32>
        %get3A_3362 = arith.index_cast %add3A_3206 : i32 to index
        %get3A_3363 = arith.constant 16 : index
        %get3A_3364 = tpu.vector_load %arg7[%get3A_3362, %get3A_3363] {strides = array<i32>} : memref<392x128xf32, #tpu.memory_space<vmem>>, vector<16xf32>,
        %mul3A_3365 = arith.mulf %mul3A_3207, %get3A_3364 : vector<16xf32>
        %add3A_3366 = arith.constant 196 : i32
        %add3A_3367 = arith.addi %add3A_3206, %add3A_3366 : i32
        %get3A_3368 = arith.index_cast %add3A_3367 : i32 to index
        %get3A_3369 = arith.constant 16 : index
        %get3A_3370 = tpu.vector_load %arg7[%get3A_3368, %get3A_3369] {strides = array<i32>} : memref<392x128xf32, #tpu.memory_space<vmem>>, vector<16xf32>,
        %mul3A_3371 = arith.mulf %mul3A_3208, %get3A_3370 : vector<16xf32>
        %get3A_3372 = arith.index_cast %add3A_3206 : i32 to index
        %get3A_3373 = arith.constant 80 : index
        %get3A_3374 = tpu.vector_load %arg7[%get3A_3372, %get3A_3373] {strides = array<i32>} : memref<392x128xf32, #tpu.memory_space<vmem>>, vector<16xf32>,
        %mul3A_3375 = arith.mulf %mul3A_3209, %get3A_3374 : vector<16xf32>
        %add3A_3376 = arith.constant 196 : i32
        %add3A_3377 = arith.addi %add3A_3206, %add3A_3376 : i32
        %get3A_3378 = arith.index_cast %add3A_3377 : i32 to index
        %get3A_3379 = arith.constant 80 : index
        %get3A_3380 = tpu.vector_load %arg7[%get3A_3378, %get3A_3379] {strides = array<i32>} : memref<392x128xf32, #tpu.memory_space<vmem>>, vector<16xf32>,
        %mul3A_3381 = arith.mulf %mul3A_3210, %get3A_3380 : vector<16xf32>
        %get3A_3382 = arith.index_cast %add3A_3218 : i32 to index
        %get3A_3383 = arith.constant 16 : index
        %get3A_3384 = tpu.vector_load %arg7[%get3A_3382, %get3A_3383] {strides = array<i32>} : memref<392x128xf32, #tpu.memory_space<vmem>>, vector<16xf32>,
        %mul3A_3385 = arith.mulf %mul3A_3219, %get3A_3384 : vector<16xf32>
        %add3A_3386 = arith.constant 196 : i32
        %add3A_3387 = arith.addi %add3A_3218, %add3A_3386 : i32
        %get3A_3388 = arith.index_cast %add3A_3387 : i32 to index
        %get3A_3389 = arith.constant 16 : index
        %get3A_3390 = tpu.vector_load %arg7[%get3A_3388, %get3A_3389] {strides = array<i32>} : memref<392x128xf32, #tpu.memory_space<vmem>>, vector<16xf32>,
        %mul3A_3391 = arith.mulf %mul3A_3220, %get3A_3390 : vector<16xf32>
        %get3A_3392 = arith.index_cast %add3A_3218 : i32 to index
        %get3A_3393 = arith.constant 80 : index
        %get3A_3394 = tpu.vector_load %arg7[%get3A_3392, %get3A_3393] {strides = array<i32>} : memref<392x128xf32, #tpu.memory_space<vmem>>, vector<16xf32>,
        %mul3A_3395 = arith.mulf %mul3A_3221, %get3A_3394 : vector<16xf32>
        %add3A_3396 = arith.constant 196 : i32
        %add3A_3397 = arith.addi %add3A_3218, %add3A_3396 : i32
        %get3A_3398 = arith.index_cast %add3A_3397 : i32 to index
        %get3A_3399 = arith.constant 80 : index
        %get3A_3400 = tpu.vector_load %arg7[%get3A_3398, %get3A_3399] {strides = array<i32>} : memref<392x128xf32, #tpu.memory_space<vmem>>, vector<16xf32>,
        %mul3A_3401 = arith.mulf %mul3A_3222, %get3A_3400 : vector<16xf32>
        %add3A_3402 = arith.addf %mul3A_3325, %mul3A_3331 : vector<16xf32>
        %add3A_3403 = arith.addf %mul3A_3335, %mul3A_3341 : vector<16xf32>
        %add3A_3404 = arith.addf %mul3A_3345, %mul3A_3351 : vector<16xf32>
        %add3A_3405 = arith.addf %mul3A_3355, %mul3A_3361 : vector<16xf32>
        %add3A_3406 = arith.addf %mul3A_3365, %mul3A_3371 : vector<16xf32>
        %add3A_3407 = arith.addf %mul3A_3375, %mul3A_3381 : vector<16xf32>
        %add3A_3408 = arith.addf %mul3A_3385, %mul3A_3391 : vector<16xf32>
        %add3A_3409 = arith.addf %mul3A_3395, %mul3A_3401 : vector<16xf32>
        %add3A_3410 = arith.addf %add3A_3402, %add3A_3403 : vector<16xf32>
        %add3A_3411 = arith.addf %add3A_3404, %add3A_3405 : vector<16xf32>
        %add3A_3412 = arith.addf %add3A_3406, %add3A_3407 : vector<16xf32>
        %add3A_3413 = arith.addf %add3A_3408, %add3A_3409 : vector<16xf32>
        %add3A_3414 = arith.addf %add3A_3410, %add3A_3411 : vector<16xf32>
        %add3A_3415 = arith.addf %add3A_3412, %add3A_3413 : vector<16xf32>
        %add3A_3416 = arith.addf %add3A_3414, %add3A_3415 : vector<16xf32>
        %add3A_3417 = arith.constant 6 : i32
        %add3A_3418 = arith.addi %mul3A_286, %add3A_3417 : i32
        %add3A_3419 = vector.broadcast %add3A_3418 : i32 to vector<16xi32>
        %add3A_3420 = arith.addi %add3A_28, %add3A_3419 : vector<16xi32>
        tpu.vector_store_idx %arg8[%add3A_3420], %add3A_3416 : memref<3136xf32, #tpu.memory_space<vmem>>[vector<16xi32>], vector<16xf32>,
        %get3A_3421 = arith.index_cast %add3A_3182 : i32 to index
        %get3A_3422 = arith.constant 32 : index
        %get3A_3423 = tpu.vector_load %arg7[%get3A_3421, %get3A_3422] {strides = array<i32>} : memref<392x128xf32, #tpu.memory_space<vmem>>, vector<16xf32>,
        %mul3A_3424 = arith.mulf %mul3A_3183, %get3A_3423 : vector<16xf32>
        %add3A_3425 = arith.constant 196 : i32
        %add3A_3426 = arith.addi %add3A_3182, %add3A_3425 : i32
        %get3A_3427 = arith.index_cast %add3A_3426 : i32 to index
        %get3A_3428 = arith.constant 32 : index
        %get3A_3429 = tpu.vector_load %arg7[%get3A_3427, %get3A_3428] {strides = array<i32>} : memref<392x128xf32, #tpu.memory_space<vmem>>, vector<16xf32>,
        %mul3A_3430 = arith.mulf %mul3A_3184, %get3A_3429 : vector<16xf32>
        %get3A_3431 = arith.index_cast %add3A_3182 : i32 to index
        %get3A_3432 = arith.constant 96 : index
        %get3A_3433 = tpu.vector_load %arg7[%get3A_3431, %get3A_3432] {strides = array<i32>} : memref<392x128xf32, #tpu.memory_space<vmem>>, vector<16xf32>,
        %mul3A_3434 = arith.mulf %mul3A_3185, %get3A_3433 : vector<16xf32>
        %add3A_3435 = arith.constant 196 : i32
        %add3A_3436 = arith.addi %add3A_3182, %add3A_3435 : i32
        %get3A_3437 = arith.index_cast %add3A_3436 : i32 to index
        %get3A_3438 = arith.constant 96 : index
        %get3A_3439 = tpu.vector_load %arg7[%get3A_3437, %get3A_3438] {strides = array<i32>} : memref<392x128xf32, #tpu.memory_space<vmem>>, vector<16xf32>,
        %mul3A_3440 = arith.mulf %mul3A_3186, %get3A_3439 : vector<16xf32>
        %get3A_3441 = arith.index_cast %add3A_3194 : i32 to index
        %get3A_3442 = arith.constant 32 : index
        %get3A_3443 = tpu.vector_load %arg7[%get3A_3441, %get3A_3442] {strides = array<i32>} : memref<392x128xf32, #tpu.memory_space<vmem>>, vector<16xf32>,
        %mul3A_3444 = arith.mulf %mul3A_3195, %get3A_3443 : vector<16xf32>
        %add3A_3445 = arith.constant 196 : i32
        %add3A_3446 = arith.addi %add3A_3194, %add3A_3445 : i32
        %get3A_3447 = arith.index_cast %add3A_3446 : i32 to index
        %get3A_3448 = arith.constant 32 : index
        %get3A_3449 = tpu.vector_load %arg7[%get3A_3447, %get3A_3448] {strides = array<i32>} : memref<392x128xf32, #tpu.memory_space<vmem>>, vector<16xf32>,
        %mul3A_3450 = arith.mulf %mul3A_3196, %get3A_3449 : vector<16xf32>
        %get3A_3451 = arith.index_cast %add3A_3194 : i32 to index
        %get3A_3452 = arith.constant 96 : index
        %get3A_3453 = tpu.vector_load %arg7[%get3A_3451, %get3A_3452] {strides = array<i32>} : memref<392x128xf32, #tpu.memory_space<vmem>>, vector<16xf32>,
        %mul3A_3454 = arith.mulf %mul3A_3197, %get3A_3453 : vector<16xf32>
        %add3A_3455 = arith.constant 196 : i32
        %add3A_3456 = arith.addi %add3A_3194, %add3A_3455 : i32
        %get3A_3457 = arith.index_cast %add3A_3456 : i32 to index
        %get3A_3458 = arith.constant 96 : index
        %get3A_3459 = tpu.vector_load %arg7[%get3A_3457, %get3A_3458] {strides = array<i32>} : memref<392x128xf32, #tpu.memory_space<vmem>>, vector<16xf32>,
        %mul3A_3460 = arith.mulf %mul3A_3198, %get3A_3459 : vector<16xf32>
        %get3A_3461 = arith.index_cast %add3A_3206 : i32 to index
        %get3A_3462 = arith.constant 32 : index
        %get3A_3463 = tpu.vector_load %arg7[%get3A_3461, %get3A_3462] {strides = array<i32>} : memref<392x128xf32, #tpu.memory_space<vmem>>, vector<16xf32>,
        %mul3A_3464 = arith.mulf %mul3A_3207, %get3A_3463 : vector<16xf32>
        %add3A_3465 = arith.constant 196 : i32
        %add3A_3466 = arith.addi %add3A_3206, %add3A_3465 : i32
        %get3A_3467 = arith.index_cast %add3A_3466 : i32 to index
        %get3A_3468 = arith.constant 32 : index
        %get3A_3469 = tpu.vector_load %arg7[%get3A_3467, %get3A_3468] {strides = array<i32>} : memref<392x128xf32, #tpu.memory_space<vmem>>, vector<16xf32>,
        %mul3A_3470 = arith.mulf %mul3A_3208, %get3A_3469 : vector<16xf32>
        %get3A_3471 = arith.index_cast %add3A_3206 : i32 to index
        %get3A_3472 = arith.constant 96 : index
        %get3A_3473 = tpu.vector_load %arg7[%get3A_3471, %get3A_3472] {strides = array<i32>} : memref<392x128xf32, #tpu.memory_space<vmem>>, vector<16xf32>,
        %mul3A_3474 = arith.mulf %mul3A_3209, %get3A_3473 : vector<16xf32>
        %add3A_3475 = arith.constant 196 : i32
        %add3A_3476 = arith.addi %add3A_3206, %add3A_3475 : i32
        %get3A_3477 = arith.index_cast %add3A_3476 : i32 to index
        %get3A_3478 = arith.constant 96 : index
        %get3A_3479 = tpu.vector_load %arg7[%get3A_3477, %get3A_3478] {strides = array<i32>} : memref<392x128xf32, #tpu.memory_space<vmem>>, vector<16xf32>,
        %mul3A_3480 = arith.mulf %mul3A_3210, %get3A_3479 : vector<16xf32>
        %get3A_3481 = arith.index_cast %add3A_3218 : i32 to index
        %get3A_3482 = arith.constant 32 : index
        %get3A_3483 = tpu.vector_load %arg7[%get3A_3481, %get3A_3482] {strides = array<i32>} : memref<392x128xf32, #tpu.memory_space<vmem>>, vector<16xf32>,
        %mul3A_3484 = arith.mulf %mul3A_3219, %get3A_3483 : vector<16xf32>
        %add3A_3485 = arith.constant 196 : i32
        %add3A_3486 = arith.addi %add3A_3218, %add3A_3485 : i32
        %get3A_3487 = arith.index_cast %add3A_3486 : i32 to index
        %get3A_3488 = arith.constant 32 : index
        %get3A_3489 = tpu.vector_load %arg7[%get3A_3487, %get3A_3488] {strides = array<i32>} : memref<392x128xf32, #tpu.memory_space<vmem>>, vector<16xf32>,
        %mul3A_3490 = arith.mulf %mul3A_3220, %get3A_3489 : vector<16xf32>
        %get3A_3491 = arith.index_cast %add3A_3218 : i32 to index
        %get3A_3492 = arith.constant 96 : index
        %get3A_3493 = tpu.vector_load %arg7[%get3A_3491, %get3A_3492] {strides = array<i32>} : memref<392x128xf32, #tpu.memory_space<vmem>>, vector<16xf32>,
        %mul3A_3494 = arith.mulf %mul3A_3221, %get3A_3493 : vector<16xf32>
        %add3A_3495 = arith.constant 196 : i32
        %add3A_3496 = arith.addi %add3A_3218, %add3A_3495 : i32
        %get3A_3497 = arith.index_cast %add3A_3496 : i32 to index
        %get3A_3498 = arith.constant 96 : index
        %get3A_3499 = tpu.vector_load %arg7[%get3A_3497, %get3A_3498] {strides = array<i32>} : memref<392x128xf32, #tpu.memory_space<vmem>>, vector<16xf32>,
        %mul3A_3500 = arith.mulf %mul3A_3222, %get3A_3499 : vector<16xf32>
        %add3A_3501 = arith.addf %mul3A_3424, %mul3A_3430 : vector<16xf32>
        %add3A_3502 = arith.addf %mul3A_3434, %mul3A_3440 : vector<16xf32>
        %add3A_3503 = arith.addf %mul3A_3444, %mul3A_3450 : vector<16xf32>
        %add3A_3504 = arith.addf %mul3A_3454, %mul3A_3460 : vector<16xf32>
        %add3A_3505 = arith.addf %mul3A_3464, %mul3A_3470 : vector<16xf32>
        %add3A_3506 = arith.addf %mul3A_3474, %mul3A_3480 : vector<16xf32>
        %add3A_3507 = arith.addf %mul3A_3484, %mul3A_3490 : vector<16xf32>
        %add3A_3508 = arith.addf %mul3A_3494, %mul3A_3500 : vector<16xf32>
        %add3A_3509 = arith.addf %add3A_3501, %add3A_3502 : vector<16xf32>
        %add3A_3510 = arith.addf %add3A_3503, %add3A_3504 : vector<16xf32>
        %add3A_3511 = arith.addf %add3A_3505, %add3A_3506 : vector<16xf32>
        %add3A_3512 = arith.addf %add3A_3507, %add3A_3508 : vector<16xf32>
        %add3A_3513 = arith.addf %add3A_3509, %add3A_3510 : vector<16xf32>
        %add3A_3514 = arith.addf %add3A_3511, %add3A_3512 : vector<16xf32>
        %add3A_3515 = arith.addf %add3A_3513, %add3A_3514 : vector<16xf32>
        %add3A_3516 = arith.constant 6 : i32
        %add3A_3517 = arith.addi %mul3A_286, %add3A_3516 : i32
        %add3A_3518 = vector.broadcast %add3A_3517 : i32 to vector<16xi32>
        %add3A_3519 = arith.addi %add3A_34, %add3A_3518 : vector<16xi32>
        tpu.vector_store_idx %arg8[%add3A_3519], %add3A_3515 : memref<3136xf32, #tpu.memory_space<vmem>>[vector<16xi32>], vector<16xf32>,
        %get3A_3520 = arith.index_cast %add3A_3182 : i32 to index
        %get3A_3521 = arith.constant 48 : index
        %get3A_3522 = tpu.vector_load %arg7[%get3A_3520, %get3A_3521] {strides = array<i32>} : memref<392x128xf32, #tpu.memory_space<vmem>>, vector<16xf32>,
        %mul3A_3523 = arith.mulf %mul3A_3183, %get3A_3522 : vector<16xf32>
        %add3A_3524 = arith.constant 196 : i32
        %add3A_3525 = arith.addi %add3A_3182, %add3A_3524 : i32
        %get3A_3526 = arith.index_cast %add3A_3525 : i32 to index
        %get3A_3527 = arith.constant 48 : index
        %get3A_3528 = tpu.vector_load %arg7[%get3A_3526, %get3A_3527] {strides = array<i32>} : memref<392x128xf32, #tpu.memory_space<vmem>>, vector<16xf32>,
        %mul3A_3529 = arith.mulf %mul3A_3184, %get3A_3528 : vector<16xf32>
        %get3A_3530 = arith.index_cast %add3A_3182 : i32 to index
        %get3A_3531 = arith.constant 112 : index
        %get3A_3532 = tpu.vector_load %arg7[%get3A_3530, %get3A_3531] {strides = array<i32>} : memref<392x128xf32, #tpu.memory_space<vmem>>, vector<16xf32>,
        %mul3A_3533 = arith.mulf %mul3A_3185, %get3A_3532 : vector<16xf32>
        %add3A_3534 = arith.constant 196 : i32
        %add3A_3535 = arith.addi %add3A_3182, %add3A_3534 : i32
        %get3A_3536 = arith.index_cast %add3A_3535 : i32 to index
        %get3A_3537 = arith.constant 112 : index
        %get3A_3538 = tpu.vector_load %arg7[%get3A_3536, %get3A_3537] {strides = array<i32>} : memref<392x128xf32, #tpu.memory_space<vmem>>, vector<16xf32>,
        %mul3A_3539 = arith.mulf %mul3A_3186, %get3A_3538 : vector<16xf32>
        %get3A_3540 = arith.index_cast %add3A_3194 : i32 to index
        %get3A_3541 = arith.constant 48 : index
        %get3A_3542 = tpu.vector_load %arg7[%get3A_3540, %get3A_3541] {strides = array<i32>} : memref<392x128xf32, #tpu.memory_space<vmem>>, vector<16xf32>,
        %mul3A_3543 = arith.mulf %mul3A_3195, %get3A_3542 : vector<16xf32>
        %add3A_3544 = arith.constant 196 : i32
        %add3A_3545 = arith.addi %add3A_3194, %add3A_3544 : i32
        %get3A_3546 = arith.index_cast %add3A_3545 : i32 to index
        %get3A_3547 = arith.constant 48 : index
        %get3A_3548 = tpu.vector_load %arg7[%get3A_3546, %get3A_3547] {strides = array<i32>} : memref<392x128xf32, #tpu.memory_space<vmem>>, vector<16xf32>,
        %mul3A_3549 = arith.mulf %mul3A_3196, %get3A_3548 : vector<16xf32>
        %get3A_3550 = arith.index_cast %add3A_3194 : i32 to index
        %get3A_3551 = arith.constant 112 : index
        %get3A_3552 = tpu.vector_load %arg7[%get3A_3550, %get3A_3551] {strides = array<i32>} : memref<392x128xf32, #tpu.memory_space<vmem>>, vector<16xf32>,
        %mul3A_3553 = arith.mulf %mul3A_3197, %get3A_3552 : vector<16xf32>
        %add3A_3554 = arith.constant 196 : i32
        %add3A_3555 = arith.addi %add3A_3194, %add3A_3554 : i32
        %get3A_3556 = arith.index_cast %add3A_3555 : i32 to index
        %get3A_3557 = arith.constant 112 : index
        %get3A_3558 = tpu.vector_load %arg7[%get3A_3556, %get3A_3557] {strides = array<i32>} : memref<392x128xf32, #tpu.memory_space<vmem>>, vector<16xf32>,
        %mul3A_3559 = arith.mulf %mul3A_3198, %get3A_3558 : vector<16xf32>
        %get3A_3560 = arith.index_cast %add3A_3206 : i32 to index
        %get3A_3561 = arith.constant 48 : index
        %get3A_3562 = tpu.vector_load %arg7[%get3A_3560, %get3A_3561] {strides = array<i32>} : memref<392x128xf32, #tpu.memory_space<vmem>>, vector<16xf32>,
        %mul3A_3563 = arith.mulf %mul3A_3207, %get3A_3562 : vector<16xf32>
        %add3A_3564 = arith.constant 196 : i32
        %add3A_3565 = arith.addi %add3A_3206, %add3A_3564 : i32
        %get3A_3566 = arith.index_cast %add3A_3565 : i32 to index
        %get3A_3567 = arith.constant 48 : index
        %get3A_3568 = tpu.vector_load %arg7[%get3A_3566, %get3A_3567] {strides = array<i32>} : memref<392x128xf32, #tpu.memory_space<vmem>>, vector<16xf32>,
        %mul3A_3569 = arith.mulf %mul3A_3208, %get3A_3568 : vector<16xf32>
        %get3A_3570 = arith.index_cast %add3A_3206 : i32 to index
        %get3A_3571 = arith.constant 112 : index
        %get3A_3572 = tpu.vector_load %arg7[%get3A_3570, %get3A_3571] {strides = array<i32>} : memref<392x128xf32, #tpu.memory_space<vmem>>, vector<16xf32>,
        %mul3A_3573 = arith.mulf %mul3A_3209, %get3A_3572 : vector<16xf32>
        %add3A_3574 = arith.constant 196 : i32
        %add3A_3575 = arith.addi %add3A_3206, %add3A_3574 : i32
        %get3A_3576 = arith.index_cast %add3A_3575 : i32 to index
        %get3A_3577 = arith.constant 112 : index
        %get3A_3578 = tpu.vector_load %arg7[%get3A_3576, %get3A_3577] {strides = array<i32>} : memref<392x128xf32, #tpu.memory_space<vmem>>, vector<16xf32>,
        %mul3A_3579 = arith.mulf %mul3A_3210, %get3A_3578 : vector<16xf32>
        %get3A_3580 = arith.index_cast %add3A_3218 : i32 to index
        %get3A_3581 = arith.constant 48 : index
        %get3A_3582 = tpu.vector_load %arg7[%get3A_3580, %get3A_3581] {strides = array<i32>} : memref<392x128xf32, #tpu.memory_space<vmem>>, vector<16xf32>,
        %mul3A_3583 = arith.mulf %mul3A_3219, %get3A_3582 : vector<16xf32>
        %add3A_3584 = arith.constant 196 : i32
        %add3A_3585 = arith.addi %add3A_3218, %add3A_3584 : i32
        %get3A_3586 = arith.index_cast %add3A_3585 : i32 to index
        %get3A_3587 = arith.constant 48 : index
        %get3A_3588 = tpu.vector_load %arg7[%get3A_3586, %get3A_3587] {strides = array<i32>} : memref<392x128xf32, #tpu.memory_space<vmem>>, vector<16xf32>,
        %mul3A_3589 = arith.mulf %mul3A_3220, %get3A_3588 : vector<16xf32>
        %get3A_3590 = arith.index_cast %add3A_3218 : i32 to index
        %get3A_3591 = arith.constant 112 : index
        %get3A_3592 = tpu.vector_load %arg7[%get3A_3590, %get3A_3591] {strides = array<i32>} : memref<392x128xf32, #tpu.memory_space<vmem>>, vector<16xf32>,
        %mul3A_3593 = arith.mulf %mul3A_3221, %get3A_3592 : vector<16xf32>
        %add3A_3594 = arith.constant 196 : i32
        %add3A_3595 = arith.addi %add3A_3218, %add3A_3594 : i32
        %get3A_3596 = arith.index_cast %add3A_3595 : i32 to index
        %get3A_3597 = arith.constant 112 : index
        %get3A_3598 = tpu.vector_load %arg7[%get3A_3596, %get3A_3597] {strides = array<i32>} : memref<392x128xf32, #tpu.memory_space<vmem>>, vector<16xf32>,
        %mul3A_3599 = arith.mulf %mul3A_3222, %get3A_3598 : vector<16xf32>
        %add3A_3600 = arith.addf %mul3A_3523, %mul3A_3529 : vector<16xf32>
        %add3A_3601 = arith.addf %mul3A_3533, %mul3A_3539 : vector<16xf32>
        %add3A_3602 = arith.addf %mul3A_3543, %mul3A_3549 : vector<16xf32>
        %add3A_3603 = arith.addf %mul3A_3553, %mul3A_3559 : vector<16xf32>
        %add3A_3604 = arith.addf %mul3A_3563, %mul3A_3569 : vector<16xf32>
        %add3A_3605 = arith.addf %mul3A_3573, %mul3A_3579 : vector<16xf32>
        %add3A_3606 = arith.addf %mul3A_3583, %mul3A_3589 : vector<16xf32>
        %add3A_3607 = arith.addf %mul3A_3593, %mul3A_3599 : vector<16xf32>
        %add3A_3608 = arith.addf %add3A_3600, %add3A_3601 : vector<16xf32>
        %add3A_3609 = arith.addf %add3A_3602, %add3A_3603 : vector<16xf32>
        %add3A_3610 = arith.addf %add3A_3604, %add3A_3605 : vector<16xf32>
        %add3A_3611 = arith.addf %add3A_3606, %add3A_3607 : vector<16xf32>
        %add3A_3612 = arith.addf %add3A_3608, %add3A_3609 : vector<16xf32>
        %add3A_3613 = arith.addf %add3A_3610, %add3A_3611 : vector<16xf32>
        %add3A_3614 = arith.addf %add3A_3612, %add3A_3613 : vector<16xf32>
        %add3A_3615 = arith.constant 6 : i32
        %add3A_3616 = arith.addi %mul3A_286, %add3A_3615 : i32
        %add3A_3617 = vector.broadcast %add3A_3616 : i32 to vector<16xi32>
        %add3A_3618 = arith.addi %add3A_40, %add3A_3617 : vector<16xi32>
        tpu.vector_store_idx %arg8[%add3A_3618], %add3A_3614 : memref<3136xf32, #tpu.memory_space<vmem>>[vector<16xi32>], vector<16xf32>,
      }
      %scan3A_254 = arith.constant 7 : i32
      %mul3A_255 = arith.constant 32 : i32
      %mul3A_256 = arith.muli %add3A, %mul3A_255 : i32
      %add3A_257 = arith.addi %mul3A_256, %scan3A_50 : i32
      %mul3A_258 = arith.constant 3136 : i32
      %mul3A_259 = arith.muli %add3A_257, %mul3A_258 : i32
      "tpu.region"() ({
        %run_scoped3A = tpu.sem_alloc : memref<!tpu.dma_semaphore, #tpu.memory_space<semaphore_mem>>
        %dma_start3A_260 = tpu.memref_slice %arg4[%mul3A_259] : memref<3211264xf32, #tpu.memory_space<hbm>> -> memref<3136xf32, #tpu.memory_space<hbm>>
        %dma_start3A_261 = tpu.memref_slice %arg4[%mul3A_259] : memref<3211264xf32, #tpu.memory_space<hbm>> -> memref<3136xf32, #tpu.memory_space<hbm>>
        tpu.enqueue_dma source(%arg8 : memref<3136xf32, #tpu.memory_space<vmem>>) target(%dma_start3A_261 : memref<3136xf32, #tpu.memory_space<hbm>>) target_semaphore(%run_scoped3A : memref<!tpu.dma_semaphore, #tpu.memory_space<semaphore_mem>>)
        %dma_wait3A_262 = tpu.memref_slice %arg4[%mul3A_259] : memref<3211264xf32, #tpu.memory_space<hbm>> -> memref<3136xf32, #tpu.memory_space<hbm>>
        %dma_wait3A_263 = tpu.memref_slice %arg4[%mul3A_259] : memref<3211264xf32, #tpu.memory_space<hbm>> -> memref<3136xf32, #tpu.memory_space<hbm>>
        tpu.wait_dma2 semaphore(%run_scoped3A : memref<!tpu.dma_semaphore, #tpu.memory_space<semaphore_mem>>) src(%arg8 : memref<3136xf32, #tpu.memory_space<vmem>>) dst(%dma_wait3A_263 : memref<3136xf32, #tpu.memory_space<hbm>>)
        tpu.yield
      }) : () -> ()
    }
    %scan3A_49 = arith.constant 32 : i32
    return
  }
}

module attributes {stable_mosaic.version = 14 : i64} {
  func.func @_transpose_kernel(%arg0: i32, %arg1: memref<1x64x10000xf32, #tpu.memory_space<vmem>>, %arg2: memref<1x10000x128xf32, #tpu.memory_space<vmem>>) attributes {dimension_semantics = [#tpu.dimension_semantics<arbitrary>], iteration_bounds = array<i64: 2>, scalar_prefetch = 0 : i64, scratch_operands = 0 : i64, tpu.core_type = #tpu.core_type<tc>, window_params = [{transform_indices = @transform_0, window_bounds = array<i64: 1, 64, 10000>}, {transform_indices = @transform_1, window_bounds = array<i64: 1, 10000, 128>}]} {
    %get3A = arith.constant 0 : index
    %get3A_0 = arith.constant 0 : index
    %get3A_1 = arith.constant 0 : index
    %get3A_2 = vector.load %arg1[%get3A, %get3A_0, %get3A_1] : memref<1x64x10000xf32, #tpu.memory_space<vmem>>, vector<1x64x10000xf32>
    %get3A_3 = vector.shape_cast %get3A_2 : vector<1x64x10000xf32> to vector<64x10000xf32>
    %transpose3A = tpu.transpose %get3A_3, [1, 0] : vector<64x10000xf32> -> vector<10000x64xf32>
    %swap3A = arith.constant 0 : index
    %swap3A_4 = arith.constant 0 : index
    %swap3A_5 = arith.constant 0 : index
    %swap3A_6 = vector.load %arg2[%swap3A, %swap3A_4, %swap3A_5] : memref<1x10000x128xf32, #tpu.memory_space<vmem>>, vector<1x10000x64xf32>
    %swap3A_7 = vector.shape_cast %swap3A_6 : vector<1x10000x64xf32> to vector<10000x64xf32>
    %swap3A_8 = vector.shape_cast %transpose3A : vector<10000x64xf32> to vector<1x10000x64xf32>
    tpu.vector_store %arg2[%swap3A, %swap3A_4, %swap3A_5], %swap3A_8 {strides = array<i32>} : memref<1x10000x128xf32, #tpu.memory_space<vmem>>, vector<1x10000x64xf32>,
    %slice3A = vector.extract_strided_slice %transpose3A {offsets = [100, 0], sizes = [9900, 64], strides = [1, 1]} : vector<10000x64xf32> to vector<9900x64xf32>
    %swap3A_9 = arith.constant 0 : index
    %swap3A_10 = arith.constant 0 : index
    %swap3A_11 = arith.constant 64 : index
    %swap3A_12 = vector.load %arg2[%swap3A_9, %swap3A_10, %swap3A_11] : memref<1x10000x128xf32, #tpu.memory_space<vmem>>, vector<1x9900x64xf32>
    %swap3A_13 = vector.shape_cast %swap3A_12 : vector<1x9900x64xf32> to vector<9900x64xf32>
    %swap3A_14 = vector.shape_cast %slice3A : vector<9900x64xf32> to vector<1x9900x64xf32>
    tpu.vector_store %arg2[%swap3A_9, %swap3A_10, %swap3A_11], %swap3A_14 {strides = array<i32>} : memref<1x10000x128xf32, #tpu.memory_space<vmem>>, vector<1x9900x64xf32>,
    %slice3A_15 = vector.extract_strided_slice %transpose3A {offsets = [9900, 0], sizes = [100, 64], strides = [1, 1]} : vector<10000x64xf32> to vector<100x64xf32>
    %swap3A_16 = arith.constant 0 : index
    %swap3A_17 = arith.constant 9900 : index
    %swap3A_18 = arith.constant 64 : index
    %swap3A_19 = vector.load %arg2[%swap3A_16, %swap3A_17, %swap3A_18] : memref<1x10000x128xf32, #tpu.memory_space<vmem>>, vector<1x100x64xf32>
    %swap3A_20 = vector.shape_cast %swap3A_19 : vector<1x100x64xf32> to vector<100x64xf32>
    %swap3A_21 = vector.shape_cast %slice3A_15 : vector<100x64xf32> to vector<1x100x64xf32>
    tpu.vector_store %arg2[%swap3A_16, %swap3A_17, %swap3A_18], %swap3A_21 {strides = array<i32>} : memref<1x10000x128xf32, #tpu.memory_space<vmem>>, vector<1x100x64xf32>,
    return
  }
  func.func @transform_0(%arg0: i32) -> (i32, i32, i32) {
    %c0_i32 = arith.constant 0 : i32
    %c0_i32_0 = arith.constant 0 : i32
    %c0_i32_1 = arith.constant 0 : i32
    return %arg0, %c0_i32, %c0_i32_0 : i32, i32, i32
  }
  func.func @transform_1(%arg0: i32) -> (i32, i32, i32) {
    %c0_i32 = arith.constant 0 : i32
    %c0_i32_0 = arith.constant 0 : i32
    %c0_i32_1 = arith.constant 0 : i32
    return %arg0, %c0_i32, %c0_i32_0 : i32, i32, i32
  }
}

</mosaic_0001>

<sc_bundles>
// kernel: kernel.4.cloned.1.call-start
scs
__scs_entry_jumppad:
0x0: {  	(pc) =	sbr.rel $0x88, $3  }
0x1: {  	(tag) =	ssettag $0x0;
	lr =	simm.s32 $0x1  }
0x2: {  	[smem:$0x3F9F] =	sst lr;
	_ =	strace $0xD0000000  }
0x3: {  	_ = 	snop  }
0x4: {  	_ = 	snop  }
0x5: {  	_ = 	snop  }
0x6: {  	_ = 	snop  }
0x7: {  	_ = 	snop  }
__scs_overlays_trampoline_lowered:
0x8: {  	[smem:$0x3FAE] =	sst s0  }
0x9: {  	[smem:$0x3FAF] =	sst s1  }
0xa: {  	[smem:$0x3FB0] =	sst s2  }
0xb: {  	[smem:$0x3FB1] =	sst s3  }
0xc: {  	[smem:$0x3FB2] =	sst s4  }
0xd: {  	[smem:$0x3FB3] =	sst s5  }
0xe: {  	[smem:$0x3FB4] =	sst s6  }
0xf: {  	[smem:$0x3FB5] =	sst s7  }
0x10: {  	[smem:$0x3FB6] =	sst s8  }
0x11: {  	[smem:$0x3FB7] =	sst s9;
	s0 =	simm.s32 @!p0 $0x0  }
0x12: {  	s1 =	sld [smem:$0x3F9D];
	s0 =	simm.s32 @p0 $0x1  }
0x13: {  	[smem:$0x3FB8] =	sst s0;
	s0 =	simm.s32 @!p1 $0x0  }
0x14: {  	s2 =	sld [smem:$0x3F9C];
	s0 =	simm.s32 @p1 $0x1  }
0x15: {  	[smem:$0x3FB9] =	sst s0;
	s0 =	simm.s32 @!p2 $0x0  }
0x16: {  	s3 =	sld [smem:$0x3FDB];
	s0 =	simm.s32 @p2 $0x1  }
0x17: {  	s4 =	simm.s32 $0x1BF5;
	[smem:$0x3FBB] =	sst s0  }
0x18: {  	s0 =	sld [smem:$0x3F9E];
	_ =	swait.ge [sflag:s4], $0x0  }
0x19: {  	s7 =	sld [smem:$0x3F9F]  }
0x1a: {  	s8 =	sadd.s32 $0xFFFFE003, lr  }
0x1b: {  	s9 =	sadd.s32 $0xFFFFFEF7, lr;
	s5 =	simm.s32 $0xFFFFFFFF;
	p2 =	slt.u32 s8, $0xFFFFF086  }
0x1c: {  	p1 =	slt.u32 s9, $0xF7A;
	s5 =	simm.s32 @!p2 $0x0  }
0x1d: {  	s5 =	simm.s32 @p1 $0x1;
	p0 =	seq.s32 s7, s2  }
0x1e: {  	s7 =	smul.u32 @!p0 $0xF7A, s2;
	p2 =	seq.s32 @!p0 s5, $0x0  }
0x1f: {  	s9 =	smul.u32 $0xF7A, s1;
	s8 =	simm.s32 @!p0 $0x1BF5;
	p2 =	por !p2, p0  }
0x20: {  	[sflag:s8] =	ssyncset.s32 @!p0 $0xFFFFF086;
	s6 =	sadd.s32 @!p0 s3, s7;
	s7 =	simm.s32 @!p0 $0x108  }
0x21: {  	s3 =	sadd.s32 s3, s9;
	s6 =	sadd.s32 @!p0 $0x88, s6;
	s7 =	simm.s32 @p2 $0x1082  }
0x22: {  	[simem:s7], [sflag:s8] =	dma.local @!p0 [hbm:s6], $0xF7A  }
0x23: {  	s9 =	sor.u32 $0xD0000000, s2;
	s6 =	simm.s32 $0x108;
	_ =	swait.ge @!p0 [sflag:s8], $0x0  }
0x24: {  	s3 =	sadd.s32 $0x88, s3;
	s6 =	simm.s32 @!p1 $0x1082;
	[sflag:s4] =	ssyncset.s32 $0xFFFFF086  }
0x25: {  	[simem:s6], [sflag:s4] =	dma.local [hbm:s3], $0xF7A  }
0x26: {  	[smem:$0x3F9F] =	sst s1;
	(tag) =	ssettag s2;
	_ =	strace s9  }
0x27: {  	s1 =	sld [smem:$0x3FAF]  }
0x28: {  	s2 =	sld [smem:$0x3FB0]  }
0x29: {  	s4 =	sld [smem:$0x3FB2]  }
0x2a: {  	p0 =	seq.s32 s5, $0x0;
	s5 =	sld [smem:$0x3FB3]  }
0x2b: {  	s6 =	sld [smem:$0x3FB4]  }
0x2c: {  	s7 =	sld [smem:$0x3FB5]  }
0x2d: {  	s3 =	simm.s32 $0x108;
	s8 =	sld [smem:$0x3FB6]  }
0x2e: {  	s3 =	simm.s32 @!p0 $0x1082;
	s9 =	sld [smem:$0x3FB7]  }
0x2f: {  	lr =	sadd.s32 s0, s3;
	s0 =	sld [smem:$0x3FAE]  }
0x30: {  	s3 =	sld [smem:$0x3FB1]  }
0x31: {  	[smem:$0x3FBA] =	sst s10  }
0x32: {  	s10 =	sld [smem:$0x3FB8];
	_ =	sdelay $0x3  }
0x33: {  	p0 =	seq.s32 s10, $0x1;
	s10 =	sld [smem:$0x3FBA];
	_ =	sdelay $0x3  }
0x34: {  	[smem:$0x3FBA] =	sst s10  }
0x35: {  	s10 =	sld [smem:$0x3FB9];
	_ =	sdelay $0x3  }
0x36: {  	p1 =	seq.s32 s10, $0x1;
	s10 =	sld [smem:$0x3FBA];
	_ =	sdelay $0x3  }
0x37: {  	[smem:$0x3FBA] =	sst s10  }
0x38: {  	s10 =	sld [smem:$0x3FBB]  }
0x39: {  	_ = 	snop;
	(pc) =	sbr.ind lr, $3  }
0x3a: {  	_ = 	snop  }
0x3b: {  	_ = 	snop  }
0x3c: {  	p2 =	seq.s32 s10, $0x1;
	s10 =	sld [smem:$0x3FBA]  }
0x3d: {  	_ =	shalt  }
0x3e: {  	_ =	shalt  }
0x3f: {  	_ =	shalt  }
0x40: {  	_ =	shalt  }
0x41: {  	_ =	shalt  }
0x42: {  	_ =	shalt  }
0x43: {  	_ =	shalt  }
0x44: {  	_ =	shalt  }
0x45: {  	_ =	shalt  }
0x46: {  	_ =	shalt  }
0x47: {  	_ =	shalt  }
0x48: {  	_ =	shalt  }
0x49: {  	_ =	shalt  }
0x4a: {  	_ =	shalt  }
0x4b: {  	_ =	shalt  }
0x4c: {  	_ =	shalt  }
0x4d: {  	_ =	shalt  }
0x4e: {  	_ =	shalt  }
0x4f: {  	_ =	shalt  }
0x50: {  	_ =	shalt  }
0x51: {  	_ =	shalt  }
0x52: {  	_ =	shalt  }
0x53: {  	_ =	shalt  }
0x54: {  	_ =	shalt  }
0x55: {  	_ =	shalt  }
0x56: {  	_ =	shalt  }
0x57: {  	_ =	shalt  }
0x58: {  	_ =	shalt  }
0x59: {  	_ =	shalt  }
0x5a: {  	_ =	shalt  }
0x5b: {  	_ =	shalt  }
0x5c: {  	_ =	shalt  }
0x5d: {  	_ =	shalt  }
0x5e: {  	_ =	shalt  }
0x5f: {  	_ =	shalt  }
0x60: {  	_ =	shalt  }
0x61: {  	_ =	shalt  }
0x62: {  	_ =	shalt  }
0x63: {  	_ =	shalt  }
0x64: {  	_ =	shalt  }
0x65: {  	_ =	shalt  }
0x66: {  	_ =	shalt  }
0x67: {  	_ =	shalt  }
0x68: {  	_ =	shalt  }
0x69: {  	_ =	shalt  }
0x6a: {  	_ =	shalt  }
0x6b: {  	_ =	shalt  }
0x6c: {  	_ =	shalt  }
0x6d: {  	_ =	shalt  }
0x6e: {  	_ =	shalt  }
0x6f: {  	_ =	shalt  }
0x70: {  	_ =	shalt  }
0x71: {  	_ =	shalt  }
0x72: {  	_ =	shalt  }
0x73: {  	_ =	shalt  }
0x74: {  	_ =	shalt  }
0x75: {  	_ =	shalt  }
0x76: {  	_ =	shalt  }
0x77: {  	_ =	shalt  }
0x78: {  	_ =	shalt  }
0x79: {  	_ =	shalt  }
0x7a: {  	_ =	shalt  }
0x7b: {  	_ =	shalt  }
0x7c: {  	_ =	shalt  }
0x7d: {  	_ =	shalt  }
0x7e: {  	_ =	shalt  }
0x7f: {  	_ =	shalt  }
0x80: {  	_ =	shalt  }
0x81: {  	_ =	shalt  }
0x82: {  	_ =	shalt  }
0x83: {  	_ =	shalt  }
0x84: {  	_ =	shalt  }
0x85: {  	_ =	shalt  }
0x86: {  	_ =	shalt  }
0x87: {  	_ =	shalt  }
.Lfunc_end0:
.L_simem_size_0:
called_computation_lowered:
.L_overlay_start_0:
0x88: {  	s2 =	sld [smem:$0x3FD9]  }
0x89: {  	s3 =	sld [smem:$0x3FFE];
	_ =	sdelay $0x1  }
0x8a: {  	s1 =	srdreg.scid  }
0x8b: {  	s0 =	sand.u32 $0x1, s1  }
0x8c: {  	s17 =	sshll.u32 s0, $0xA;
	s2 =	sadd.s32 s3, s2  }
0x8d: {  	s2 =	sadd.s32 s2, s17  }
0x8e: {  	[smem:$0x3FC6] =	sst s2  }
0x8f: {  	_ = 	snop  }
0x90: {  	s2 =	sld [smem:$0x3FD0];
	(tm) =	ssettm $0x1  }
0x91: {  	s18 =	sld [smem:$0x3FFB];
	_ =	sdelay $0x3  }
0x92: {  	_ =	strace s18  }
0x93: {  	s3 =	sld [smem:$0x3FFC];
	_ =	sdelay $0x3  }
0x94: {  	_ =	strace s3  }
0x95: {  	s3 =	sld [smem:$0x3FFD];
	_ =	sdelay $0x3  }
0x96: {  	_ =	strace s3  }
0x97: {  	_ =	strace $0x8FFFFFFF  }
0x98: {  	s19 =	sld [smem:$0x3FDB];
	_ =	sdelay $0x1  }
0x99: {  	s4 =	simm.s32 $_scs_section_size  }
0x9a: {  	s5 =	simm.s32 $_size__tile_overlayer_lowered;
	s6 =	simm.s32 $_tile_overlayer_lowered  }
0x9b: {  	s22 =	simm.s32 $0x1BFF;
	s21 =	sshll.u32 s6, $0x1;
	s3 =	sadd.s32 s4, s19  }
0x9c: {  	s7 =	simm.s32 $0x0;
	s20 =	sshll.u32 s5, $0x1;
	s5 =	sadd.s32 s21, s3  }
0x9d: {  	[timem:s7], [sflag:s22] =	dma.local [hbm:s5], s20  }
0x9e: {  	_ =	swait.ge [sflag:s22], s20  }
0x9f: {  	s4 =	ssub.s32 $0x0, s20;
	[sflag:s22] =	ssyncset.done $0x0  }
0xa0: {  	[sflag:s22] =	ssyncadd.s32 s4;
	_ =	sdelay $0x1  }
0xa1: {  	s23 =	simm.s32 $0x1B8B  }
0xa2: {  	_ =	swait.ge [sflag:s23], $0x1  }
0xa3: {  	[sflag:s23] =	ssyncset.done $0x0  }
0xa4: {  	s25 =	simm.s32 $0x1B8E;
	s24 =	sld [smem:$0x3FFE];
	[sflag:s23] =	ssyncadd.s32 $0xFFFFFFFF  }
0xa5: {  	s26 =	simm.s32 $execute0_lowered;
	[smem:$0x3FD2] =	sst s25  }
0xa6: {  	s5 =	sshll.u32 s26, $0x1;
	_ =	strace $0x80000046;
	[dreg:$0x1] =	wrdreg $0xFFFFFFFF  }
0xa7: {  	s28 =	simm.s32 $_size_execute0_lowered;
	s3 =	sadd.s32 s3, s5;
	[dreg:$0x0] =	wrdreg $0x0  }
0xa8: {  	s5 =	sshll.u32 s28, $0x1;
	[dreg:$0x2] =	wrdreg s3  }
0xa9: {  	[dreg:$0x3] =	wrdreg s5  }
0xaa: {  	[dreg:$0x4] =	wrdreg $0xC0  }
0xab: {  	_ =	task [dreg:s7], $0x5FFFF  }
0xac: {  	[dreg:$0x1] =	wrdreg $0xFFFFFFFF  }
0xad: {  	[dreg:$0x0] =	wrdreg $0x60  }
0xae: {  	[dreg:$0x2] =	wrdreg s24  }
0xaf: {  	[dreg:$0x3] =	wrdreg s2  }
0xb0: {  	[dreg:$0x4] =	wrdreg $0x9  }
0xb1: {  	_ =	task.clear_ibuf [dreg:s7], $0x5FFFF;
	_ =	strace $0x90000046  }
0xb2: {  	s29 =	simm.s32 $0x9;
	_ =	strace $0x80000048  }
0xb3: {  	_ =	swait.ge [sflag:s29], $0x1  }
0xb4: {  	[sflag:s29] =	ssyncadd.s32 $0xFFFFFFFF  }
0xb5: {  	_ =	strace $0x90000048  }
0xb6: {  	_ =	sfence  }
0xb7: {  	s30 =	sld [smem:$0x0];
	_ =	sdelay $0x2  }
0xb8: {  	s31 =	sshll.u32 s1, $0xD;
	s1 =	sshrl.u32 s1, $0x2  }
0xb9: {  	s3 =	sand.u32 $0x4000, s31;
	s1 =	sadd.s32 s1, s30  }
0xba: {  	s0 =	sor.u32 s3, s0;
	s1 =	sshll.u32 s1, $0x11  }
0xbb: {  	s0 =	sor.u32 s1, s0  }
0xbc: {  	s0 =	sadd.s32 $0x8F2B, s0  }
0xbd: {  	[sflag:s0] =	ssyncadd.remote.s32 $0x1  }
0xbe: {  	_ =	sfence.sel $0xFFFF  }
0xbf: {  	[dreg:$0x0] =	wrdreg $0xFFFFFFFF;
	(pc) =	sbr.abs _section_cstart, $3  }
0xc0: {  	[dreg:$0x1] =	wrdreg $0xFFFFFFFF  }
0xc1: {  	_ =	task.clear_ibuf [dreg:s7], $0x2FFFF;
	_ =	strace $0x9FFFFFFF  }
0xc2: {  	(tm) =	ssettm $0x7FFFFFFF  }
0xc3: {  	_ =	shalt  }
tec
execute0_lowered:
.L_overlay_start_1:
0x0: {  	(tag) =	ssettag $0x1  }
0x1: {  	v0 =	vimm.f32 $7.750000000e+00;
	vm0 =	vcmask $0x300  }
0x2: {  	vm14 =	vcmask $0x704;
	v0 =	vsel vm0, $0x3E800000, v0  }
0x3: {  	vm15 =	vcmask $0xB08;
	v0 =	vsel vm14, $0x3F400000, v0  }
0x4: {  	s5 =	rddreg [dreg:$0x0];
	vm4 =	vcmask $0xF0C;
	v0 =	vsel vm15, $0x3FA00000, v0  }
0x5: {  	s1 =	rddreg [dreg:$0x1];
	s2 =	simm.s32 $0x0;
	vm5 =	vcmask $0x1310;
	v0 =	vsel vm4, $0x3FE00000, v0  }
0x6: {  	vm6 =	vcmask $0x1714;
	[smem:$0x7FF] =	sst s2;
	v0 =	vsel vm5, $0x40100000, v0  }
0x7: {  	s0 =	rddreg [dreg:$0x2];
	v1 =	vimm.f32 $7.000000000e+00;
	vm7 =	vcmask $0x1B18;
	_ =	strace $0x80000047;
	v0 =	vsel vm6, $0x40300000, v0  }
0x8: {  	vm8 =	vcmask $0x1F1C;
	(erf) = vrcp.f32 v1;
	v1 =	vsel vm7, $0x40500000, v0  }
0x9: {  	vm9 =	vcmask $0x2320;
	v2 =	vsel vm8, $0x40700000, v1  }
0xa: {  	vm10 =	vcmask $0x2724;
	v3 =	vsel vm9, $0x40880000, v2  }
0xb: {  	vm11 =	vcmask $0x2B28;
	v4 =	vsel vm10, $0x40980000, v3  }
0xc: {  	s4 =	srdreg.scid;
	s3 =	stileid.u32;
	vm12 =	vcmask $0x2F2C;
	s9 =	simm.s32 $0x180;
	v5 =	vsel vm11, $0x40A80000, v4  }
0xd: {  	vm13 =	vcmask $0x3330;
	s10 =	simm.s32 $0x70;
	s11 =	simm.s32 $0x380;
	s12 =	simm.s32 $0x1F0;
	v5 =	vsel vm12, $0x40B80000, v5  }
0xe: {  	s13 =	simm.s32 $0x3B80;
	s14 =	simm.s32 $0x260;
	s15 =	simm.s32 $0x7380;
	vm14 =	vcmask $0x3734;
	v6 =	vsel vm13, $0x40C80000, v5  }
0xf: {  	s16 =	simm.s32 $0x38;
	s17 =	simm.s32 $0x2D0;
	s18 =	simm.s32 $0xAB80;
	vm15 =	vcmask $0x3B38;
	v7 =	vsel vm14, $0x40D80000, v6  }
0x10: {  	s19 =	simm.s32 $0x1;
	s20 =	simm.s32 $0xC780;
	s6 =	sand.u32 $0x1, s4;
	v7 =	vsel vm15, $0x40E80000, v7  }
0x11: {  	v62 =	vimm.s32 $0xD;
	s31 =	sshll.u32 s3, $0x6;
	s7 =	sshll.u32 s6, $0x5;
	s6 =	ssub.s32 $0x2, s6;
	v0 =	vimm.s32 $0x0;
	v5 =	vlaneseq.u32  }
0x12: {  	s21 =	simm.s32 $0x0;
	s4 =	sor.u32 s7, s31;
	s8 =	sshrl.u32 s6, $0x1;
	v1 =	vimm.s32 $0x1;
	v2 =	vimm.s32 $0x2;
	v6 =	vmul.u32 $0x31, v5  }
0x13: {  	s7 =	sadd.s32 s4, s5;
	s5 =	sadd.s32 $0xE00, s5;
	s8 =	ssub.s32 s6, s8;
	v3 =	vimm.s32 $0x3;
	v4 =	vimm.s32 $0x4;
	v8 =	vadd.s32 $0xC4, v5;
	[tilespmem:$0x1FFE0] =	vst v7;
	v7 =	vpop (erf)  }
0x14: {  	s6 =	sadd.s32 $0xA00, s7;
	s7 =	smax.u32 s8, $0x1;
	s8 =	simm.s32 $0x2;
	v10 =	vadd.s32 $0x310, v6;
	v11 =	vadd.s32 $0x620, v6;
	v12 =	vadd.s32 $0x930, v6;
	[tilespmem:$0x1FFF0] =	vst v7  }
.LBB2_1:
0x15: {  	[tilespmem:s2], [sflag:$0x2] =	stream.linear.gather [hbm4b:s6+s2], $0x100, $0x38;
	[tilespmem:$0xD400] =	vst v63  }
0x16: {  	_ =	swait.ge [sflag:s8], $0x100  }
0x17: {  	[sflag:s8] =	ssyncset.done $0x0  }
0x18: {  	s22 =	simm.s32 $0x0;
	[sflag:s8] =	ssyncadd.s32 $0xFFFFFF00  }
.LBB2_2:
0x19: {  	s23 =	sshll.u32 s22, $0x3  }
0x1a: {  	s23 =	sand.u32 $0x3FFFFFF8, s23  }
0x1b: {  	v15 =	vld [tilespmem:s23+$0x0];
	_ =	sdelay $0x4  }
0x1c: {  	v9 =	vperm.xlane v15, v2;
	v13 =	vperm.xlane v15, v4;
	_ =	sdelay $0x1  }
0x1d: {  	v18 =	vld [tilespmem:$0x1FFF0];
	v9 =	vmul.f32 $2.500000000e-01, v9;
	v13 =	vmul.f32 $2.500000000e-01, v13;
	_ =	sdelay $0x1  }
0x1e: {  	v7 =	vld [tilespmem:$0x1FFE0];
	v13 =	vsub.f32 v13, v9;
	_ =	sdelay $0x1  }
0x1f: {  	v13 =	vmax.f32 v13, $1.000000000e+00  }
0x20: {  	v13 =	vmul.f32 v13, v18  }
0x21: {  	v14 =	vperm.xlane v15, v1;
	v16 =	vperm.xlane v15, v3  }
0x22: {  	v13 =	vmul.f32 v7, v13  }
0x23: {  	v14 =	vmul.f32 $2.500000000e-01, v14;
	v16 =	vmul.f32 $2.500000000e-01, v16  }
0x24: {  	v9 =	vadd.f32 v13, v9  }
0x25: {  	v13 =	vsub.f32 v16, v14  }
0x26: {  	v16 =	vmax.f32 v9, $0.0e+00  }
0x27: {  	v17 =	vmax.f32 v13, $1.000000000e+00;
	v13 =	vmin.f32 v16, $9.900000000e+01  }
0x28: {  	v16 =	vmul.f32 v17, v18;
	v17 =	vtrunc.f32 v13  }
0x29: {  	v17 =	vcvt.f32.s32 v17  }
0x2a: {  	v16 =	vmul.f32 v7, v16  }
0x2b: {  	vm0 =	vlt.s32 v17, $0x62  }
0x2c: {  	v14 =	vadd.f32 v16, v14;
	v16 =	vnsel vm0, $0x62, v17  }
0x2d: {  	v17 =	vperm.xlane v15, v0;
	v15 =	vcvt.s32.f32 v16;
	_ =	sdelay $0x1  }
0x2e: {  	v16 =	vmax.f32 v14, $0.0e+00;
	v17 =	vmul.f32 $1.000000000e+04, v17;
	v18 =	vmul.f32 $1.000000000e+02, v15  }
0x2f: {  	v16 =	vmin.f32 v16, $9.900000000e+01  }
0x30: {  	s23 =	simm.s32 $0x0;
	v20 =	vtrunc.f32 v16;
	v17 =	vadd.f32 v18, v17  }
0x31: {  	v20 =	vcvt.f32.s32 v20;
	v18 =	vmov s23  }
0x32: {  	v21 =	vperm.xlane v17, v18  }
0x33: {  	v23 =	vadd.s32 s23, v5;
	vm15 =	vlt.s32 v20, $0x62  }
0x34: {  	v20 =	vnsel vm15, $0x62, v20;
	v24 =	vtrunc.f32 v21;
	v21 =	vadd.s32 s23, v8  }
0x35: {  	s24 =	simm.s32 $0x1;
	v18 =	vadd.s32 $0x1, v20;
	v24 =	vcvt.f32.s32 v24  }
.LBB2_3:
0x36: {  	p0 =	sne.s32 s24, $0xD  }
.Ltmp0:
0x37: {  	v25 =	vmov s24;
	v26 =	vadd.s32 v24, v20;
	(pc) =	sbr.rel @p0 .LBB2_3-.Ltmp0, $4  }
0x38: {  	s24 =	sadd.s32 $0x1, s24;
	s23 =	sadd.s32 $0xE, s23;
	v25 =	vperm.xlane v17, v25;
	v24 =	vadd.s32 v24, v18;
	[tilespmem:v23+s9+$0x0] =	vst.idx.msk $0x3fff, v26  }
0x39: {  	v23 =	vadd.s32 s23, v5;
	[tilespmem:v21+s9+$0x0] =	vst.idx.msk $0x3fff, v24  }
0x3a: {  	v24 =	vtrunc.f32 v25;
	v21 =	vadd.s32 s23, v8  }
0x3b: {  	v24 =	vcvt.f32.s32 v24  }
0x3c: {  	v48 =	vcvt.s32.f32 v20  }
0x3d: {  	vm0 =	vge.f32 v9, $-1.000000000e+00;
	vm1 =	vge.f32 v14, $-1.000000000e+00;
	vm2 =	vle.f32 v14, $1.000000000e+02  }
0x3e: {  	v13 =	vsub.f32 v13, v15;
	vm15 =	vle.f32 v9, $1.000000000e+02;
	v7 =	vimm.f32 $0.0e+00  }
0x3f: {  	v17 =	vadd.s32 v24, v20;
	vm0 =	vmand vm0, vm15;
	v16 =	vsub.f32 v16, v48  }
0x40: {  	v49 =	vadd.s32 v24, v18;
	vm1 =	vmand vm1, vm2;
	[tilespmem:v23+s9+$0x0] =	vst.idx.msk $0x3fff, v17;
	v50 =	vsel vm0, $0x3F000000, v7  }
0x41: {  	v15 =	vsub.f32 $1.000000000e+00, v13;
	[tilespmem:v21+s9+$0x0] =	vst.idx.msk $0x3fff, v49;
	v13 =	vmul.f32 v13, v50;
	v9 =	vsub.f32 $1.000000000e+00, v16  }
0x42: {  	v14 =	vsel vm1, $0x3F000000, v7;
	[tilespmem:s11], [sflag:$0x1] =	stream.indirect.gather [hbm4b:s5+s10], $0x80, s9, s10, $0xb8;
	[tilespmem:$0xD400] =	vst v63  }
0x43: {  	v7 =	vmul.f32 v15, v50;
	[tilespmem:$0x1FF70] =	vst v13;
	v9 =	vmul.f32 v9, v14  }
0x44: {  	[tilespmem:s13], [sflag:$0x1] =	stream.indirect.gather [hbm4b:s5+s10], $0x80, s12, s10, $0xb8;
	[tilespmem:$0xD400] =	vst v63  }
0x45: {  	[tilespmem:$0x1FF60] =	vst v7;
	v7 =	vmul.f32 v16, v14;
	v13 =	vperm.xlane v9, v0  }
0x46: {  	[tilespmem:s15], [sflag:$0x1] =	stream.indirect.gather [hbm4b:s5+s10], $0x80, s14, s10, $0xb8;
	[tilespmem:$0xD400] =	vst v63  }
0x47: {  	v51 =	vperm.xlane v7, v0;
	[tilespmem:$0x1FF80] =	vst v13  }
0x48: {  	v52 =	vperm.xlane v9, v1;
	[tilespmem:s18], [sflag:$0x1] =	stream.indirect.gather [hbm4b:s5+s16], $0x80, s17, s16, $0xb8;
	[tilespmem:$0xD400] =	vst v63  }
0x49: {  	[tilespmem:$0x1FF90] =	vst v51  }
0x4a: {  	v53 =	vperm.xlane v7, v1;
	[tilespmem:$0x1FFA0] =	vst v52  }
0x4b: {  	v54 =	vperm.xlane v9, v2;
	_ =	swait.ge [sflag:s19], $0x3800  }
0x4c: {  	v31 =	vperm.xlane v7, v2;
	v32 =	vperm.xlane v9, v3;
	[tilespmem:$0x1FFB0] =	vst v53;
	[sflag:s19] =	ssyncset.done $0x0  }
0x4d: {  	v55 =	vimm.s32 $0x5;
	v33 =	vperm.xlane v7, v3;
	v34 =	vperm.xlane v9, v4;
	[tilespmem:$0x1FFC0] =	vst v54;
	[sflag:s19] =	ssyncadd.s32 $0xFFFFC800  }
0x4e: {  	v56 =	vimm.s32 $0x6;
	v35 =	vperm.xlane v7, v4;
	v36 =	vperm.xlane v9, v55;
	_ =	swait.ge [sflag:s19], $0x3800  }
0x4f: {  	v57 =	vimm.s32 $0x7;
	v37 =	vperm.xlane v7, v55;
	v38 =	vperm.xlane v9, v56;
	[sflag:s19] =	ssyncset.done $0x0  }
0x50: {  	v58 =	vimm.s32 $0x8;
	v39 =	vperm.xlane v7, v56;
	v40 =	vperm.xlane v9, v57;
	[sflag:s19] =	ssyncadd.s32 $0xFFFFC800  }
0x51: {  	v59 =	vimm.s32 $0x9;
	v41 =	vperm.xlane v7, v57;
	v42 =	vperm.xlane v9, v58;
	_ =	swait.ge [sflag:s19], $0x3800  }
0x52: {  	v60 =	vimm.s32 $0xA;
	v43 =	vperm.xlane v7, v58;
	v44 =	vperm.xlane v9, v59;
	[sflag:s19] =	ssyncset.done $0x0  }
0x53: {  	v61 =	vimm.s32 $0xB;
	v45 =	vperm.xlane v7, v59;
	v46 =	vperm.xlane v9, v60;
	[sflag:s19] =	ssyncadd.s32 $0xFFFFC800  }
0x54: {  	v63 =	vimm.s32 $0xC;
	v47 =	vperm.xlane v7, v60;
	v48 =	vperm.xlane v9, v61;
	_ =	swait.ge [sflag:s19], $0x1C00  }
0x55: {  	v49 =	vperm.xlane v7, v61;
	v50 =	vperm.xlane v9, v63;
	[sflag:s19] =	ssyncset.done $0x0  }
0x56: {  	s23 =	simm.s32 $0x0;
	v51 =	vperm.xlane v7, v63;
	v52 =	vperm.xlane v9, v62;
	[tilespmem:$0x1FFD0] =	vst v7;
	[sflag:s19] =	ssyncadd.s32 $0xFFFFE400  }
.LBB2_5:
0x57: {  	v3 =	vld [tilespmem:$0x1FF60]  }
0x58: {  	v4 =	vld [tilespmem:$0x1FF70]  }
0x59: {  	v15 =	vld [tilespmem:$0x1FF80]  }
0x5a: {  	s24 =	smul.u32 $0x3800, s23;
	v16 =	vld [tilespmem:$0x1FF90]  }
0x5b: {  	v17 =	vld [tilespmem:$0x1FFA0]  }
0x5c: {  	v26 =	vld [tilespmem:$0x1FFB0];
	s24 =	sshra.s32 s24, $0x2  }
0x5d: {  	s25 =	sshll.u32 s23, $0x1;
	v0 =	vld [tilespmem:s24+$0x380]  }
0x5e: {  	v9 =	vmov s25;
	v1 =	vld [tilespmem:s24+$0x6580]  }
0x5f: {  	v2 =	vld [tilespmem:s24+$0x3C0];
	v56 =	vperm.xlane v3, v9;
	v55 =	vperm.xlane v4, v9;
	v9 =	vor.u32 $0x1, v9  }
0x60: {  	v7 =	vld [tilespmem:s24+$0x6600];
	v54 =	vperm.xlane v3, v9;
	v53 =	vperm.xlane v4, v9  }
0x61: {  	v19 =	vld [tilespmem:s24+$0x440];
	v57 =	vmul.f32 v15, v56;
	v58 =	vmul.f32 v16, v56  }
0x62: {  	v22 =	vld [tilespmem:s24+$0x6640];
	v59 =	vmul.f32 v15, v55;
	v60 =	vmul.f32 v16, v55  }
0x63: {  	v24 =	vld [tilespmem:s24+$0xA80];
	v61 =	vmul.f32 v17, v56;
	v62 =	vmul.f32 v26, v56  }
0x64: {  	v23 =	vld [tilespmem:s24+$0x6C80];
	v63 =	vmul.f32 v17, v55;
	v9 =	vmul.f32 v26, v55  }
0x65: {  	v25 =	vld [tilespmem:s24+$0xAC0];
	v13 =	vmul.f32 v15, v54;
	v14 =	vmul.f32 v16, v54  }
0x66: {  	v27 =	vld [tilespmem:s24+$0xB00];
	v15 =	vmul.f32 v15, v53;
	v16 =	vmul.f32 v16, v53  }
0x67: {  	v28 =	vld [tilespmem:s24+$0x6D00];
	v18 =	vmul.f32 v17, v54;
	v20 =	vmul.f32 v26, v54  }
0x68: {  	v29 =	vld [tilespmem:s24+$0xB40];
	v21 =	vmul.f32 v17, v53;
	v17 =	vmul.f32 v26, v53  }
0x69: {  	v3 =	vld [tilespmem:s24+$0x65C0];
	v0 =	vmul.f32 v0, v57;
	v1 =	vmul.f32 v1, v58  }
0x6a: {  	v4 =	vld [tilespmem:s24+$0x400];
	v2 =	vmul.f32 v2, v59;
	v7 =	vmul.f32 v7, v62  }
0x6b: {  	v26 =	vld [tilespmem:s24+$0x6CC0];
	v19 =	vmul.f32 v19, v63;
	v22 =	vmul.f32 v22, v9  }
0x6c: {  	v30 =	vld [tilespmem:s24+$0x6D40];
	v24 =	vmul.f32 v24, v13;
	v23 =	vmul.f32 v23, v14  }
0x6d: {  	v25 =	vmul.f32 v25, v15;
	v27 =	vmul.f32 v27, v18  }
0x6e: {  	v28 =	vmul.f32 v28, v20;
	v29 =	vmul.f32 v29, v21  }
0x6f: {  	v3 =	vmul.f32 v3, v60;
	v4 =	vmul.f32 v4, v61  }
0x70: {  	v0 =	vadd.f32 v1, v0;
	v27 =	vadd.f32 v28, v27;
	v26 =	vmul.f32 v26, v16  }
0x71: {  	v1 =	vadd.f32 v3, v2;
	v2 =	vmul.f32 v30, v17;
	v3 =	vadd.f32 v7, v4  }
0x72: {  	v4 =	vadd.f32 v22, v19;
	v7 =	vadd.f32 v23, v24  }
0x73: {  	v26 =	vadd.f32 v26, v25;
	v2 =	vadd.f32 v2, v29  }
0x74: {  	s25 =	smul.u32 $0x7, s23;
	v0 =	vadd.f32 v1, v0;
	v23 =	vadd.f32 v4, v3  }
0x75: {  	v3 =	vadd.f32 v26, v7;
	v2 =	vadd.f32 v2, v27  }
0x76: {  	v4 =	vadd.s32 s25, v6  }
0x77: {  	v0 =	vadd.f32 v23, v0;
	v24 =	vadd.f32 v2, v3;
	_ =	sdelay $0x1  }
0x78: {  	v0 =	vadd.f32 v24, v0;
	_ =	sdelay $0x1  }
0x79: {  	[tilespmem:v4+s20+$0x0] =	vst.idx.msk $0xffff, v0  }
0x7a: {  	v0 =	vld [tilespmem:s24+$0x390]  }
0x7b: {  	v1 =	vld [tilespmem:s24+$0x6590]  }
0x7c: {  	v2 =	vld [tilespmem:s24+$0x3D0]  }
0x7d: {  	v3 =	vld [tilespmem:s24+$0x65D0]  }
0x7e: {  	v4 =	vld [tilespmem:s24+$0x410]  }
0x7f: {  	v7 =	vld [tilespmem:s24+$0x6610]  }
0x80: {  	v19 =	vld [tilespmem:s24+$0x450]  }
0x81: {  	v22 =	vld [tilespmem:s24+$0x6650]  }
0x82: {  	v23 =	vld [tilespmem:s24+$0xA90]  }
0x83: {  	v24 =	vld [tilespmem:s24+$0x6C90]  }
0x84: {  	v25 =	vld [tilespmem:s24+$0xAD0]  }
0x85: {  	v26 =	vld [tilespmem:s24+$0x6CD0]  }
0x86: {  	v27 =	vld [tilespmem:s24+$0xB10];
	v0 =	vmul.f32 v0, v57;
	v1 =	vmul.f32 v1, v58  }
0x87: {  	v28 =	vld [tilespmem:s24+$0x6D10];
	v2 =	vmul.f32 v2, v59;
	v3 =	vmul.f32 v3, v60  }
0x88: {  	v29 =	vld [tilespmem:s24+$0xB50];
	v4 =	vmul.f32 v4, v61;
	v7 =	vmul.f32 v7, v62  }
0x89: {  	v30 =	vld [tilespmem:s24+$0x6D50];
	v19 =	vmul.f32 v19, v63;
	v22 =	vmul.f32 v22, v9  }
0x8a: {  	v23 =	vmul.f32 v23, v13;
	v24 =	vmul.f32 v24, v14  }
0x8b: {  	v25 =	vmul.f32 v25, v15;
	v26 =	vmul.f32 v26, v16  }
0x8c: {  	v27 =	vmul.f32 v27, v18;
	v28 =	vmul.f32 v28, v20  }
0x8d: {  	v29 =	vmul.f32 v29, v21;
	v0 =	vadd.f32 v1, v0;
	v1 =	vadd.f32 v3, v2  }
0x8e: {  	v2 =	vmul.f32 v30, v17;
	v3 =	vadd.f32 v7, v4;
	v4 =	vadd.f32 v22, v19  }
0x8f: {  	v7 =	vadd.f32 v24, v23;
	v25 =	vadd.f32 v26, v25  }
0x90: {  	v26 =	vadd.f32 v28, v27;
	v2 =	vadd.f32 v2, v29  }
0x91: {  	v0 =	vadd.f32 v1, v0;
	v27 =	vadd.f32 v4, v3  }
0x92: {  	v3 =	vadd.f32 v25, v7;
	v2 =	vadd.f32 v2, v26  }
0x93: {  	v4 =	vadd.s32 s25, v10  }
0x94: {  	v0 =	vadd.f32 v27, v0;
	v23 =	vadd.f32 v2, v3;
	_ =	sdelay $0x1  }
0x95: {  	v0 =	vadd.f32 v23, v0;
	_ =	sdelay $0x1  }
0x96: {  	[tilespmem:v4+s20+$0x0] =	vst.idx.msk $0xffff, v0  }
0x97: {  	v0 =	vld [tilespmem:s24+$0x3A0]  }
0x98: {  	v1 =	vld [tilespmem:s24+$0x65A0]  }
0x99: {  	v2 =	vld [tilespmem:s24+$0x3E0]  }
0x9a: {  	v3 =	vld [tilespmem:s24+$0x65E0]  }
0x9b: {  	v4 =	vld [tilespmem:s24+$0x420]  }
0x9c: {  	v7 =	vld [tilespmem:s24+$0x6620]  }
0x9d: {  	v19 =	vld [tilespmem:s24+$0x460]  }
0x9e: {  	v22 =	vld [tilespmem:s24+$0x6660]  }
0x9f: {  	v23 =	vld [tilespmem:s24+$0xAA0]  }
0xa0: {  	v24 =	vld [tilespmem:s24+$0x6CA0]  }
0xa1: {  	v25 =	vld [tilespmem:s24+$0xAE0]  }
0xa2: {  	v26 =	vld [tilespmem:s24+$0x6CE0]  }
0xa3: {  	v27 =	vld [tilespmem:s24+$0xB20];
	v0 =	vmul.f32 v0, v57;
	v1 =	vmul.f32 v1, v58  }
0xa4: {  	v28 =	vld [tilespmem:s24+$0x6D20];
	v2 =	vmul.f32 v2, v59;
	v3 =	vmul.f32 v3, v60  }
0xa5: {  	v29 =	vld [tilespmem:s24+$0xB60];
	v4 =	vmul.f32 v4, v61;
	v7 =	vmul.f32 v7, v62  }
0xa6: {  	v30 =	vld [tilespmem:s24+$0x6D60];
	v19 =	vmul.f32 v19, v63;
	v22 =	vmul.f32 v22, v9  }
0xa7: {  	v23 =	vmul.f32 v23, v13;
	v24 =	vmul.f32 v24, v14  }
0xa8: {  	v25 =	vmul.f32 v25, v15;
	v26 =	vmul.f32 v26, v16  }
0xa9: {  	v27 =	vmul.f32 v27, v18;
	v28 =	vmul.f32 v28, v20  }
0xaa: {  	v29 =	vmul.f32 v29, v21;
	v0 =	vadd.f32 v1, v0;
	v1 =	vadd.f32 v3, v2  }
0xab: {  	v2 =	vmul.f32 v30, v17;
	v3 =	vadd.f32 v7, v4;
	v4 =	vadd.f32 v22, v19  }
0xac: {  	v7 =	vadd.f32 v24, v23;
	v24 =	vadd.f32 v26, v25  }
0xad: {  	v25 =	vadd.f32 v28, v27;
	v2 =	vadd.f32 v2, v29  }
0xae: {  	v0 =	vadd.f32 v1, v0;
	v26 =	vadd.f32 v4, v3  }
0xaf: {  	v3 =	vadd.f32 v24, v7;
	v2 =	vadd.f32 v2, v25  }
0xb0: {  	v4 =	vadd.s32 s25, v11  }
0xb1: {  	v0 =	vadd.f32 v26, v0;
	v27 =	vadd.f32 v2, v3;
	_ =	sdelay $0x1  }
0xb2: {  	v0 =	vadd.f32 v27, v0;
	_ =	sdelay $0x1  }
0xb3: {  	[tilespmem:v4+s20+$0x0] =	vst.idx.msk $0xffff, v0  }
0xb4: {  	v0 =	vld [tilespmem:s24+$0x3B0]  }
0xb5: {  	v1 =	vld [tilespmem:s24+$0x65B0]  }
0xb6: {  	v2 =	vld [tilespmem:s24+$0x3F0]  }
0xb7: {  	v3 =	vld [tilespmem:s24+$0x65F0]  }
0xb8: {  	v4 =	vld [tilespmem:s24+$0x430]  }
0xb9: {  	v7 =	vld [tilespmem:s24+$0x6630]  }
0xba: {  	v19 =	vld [tilespmem:s24+$0x470]  }
0xbb: {  	v22 =	vld [tilespmem:s24+$0x6670]  }
0xbc: {  	v23 =	vld [tilespmem:s24+$0xAB0]  }
0xbd: {  	v24 =	vld [tilespmem:s24+$0x6CB0]  }
0xbe: {  	v25 =	vld [tilespmem:s24+$0xAF0]  }
0xbf: {  	v26 =	vld [tilespmem:s24+$0x6CF0]  }
0xc0: {  	v28 =	vld [tilespmem:s24+$0x6D30];
	v0 =	vmul.f32 v0, v57  }
0xc1: {  	v29 =	vld [tilespmem:s24+$0xB70];
	v1 =	vmul.f32 v1, v58;
	v2 =	vmul.f32 v2, v59  }
0xc2: {  	v58 =	vld [tilespmem:s24+$0xB30];
	v3 =	vmul.f32 v3, v60;
	v4 =	vmul.f32 v4, v61  }
0xc3: {  	v7 =	vmul.f32 v7, v62;
	v19 =	vmul.f32 v19, v63;
	v62 =	vld [tilespmem:s24+$0x6D70]  }
0xc4: {  	v9 =	vmul.f32 v22, v9;
	v13 =	vmul.f32 v23, v13  }
0xc5: {  	v14 =	vmul.f32 v24, v14;
	v15 =	vmul.f32 v25, v15  }
0xc6: {  	v16 =	vmul.f32 v26, v16;
	v20 =	vmul.f32 v28, v20;
	v0 =	vadd.f32 v1, v0  }
0xc7: {  	v21 =	vmul.f32 v29, v21;
	v63 =	vadd.f32 v3, v2;
	v3 =	vadd.f32 v7, v4  }
0xc8: {  	v4 =	vadd.f32 v9, v19;
	v18 =	vmul.f32 v58, v18;
	v23 =	vmul.f32 v62, v17  }
0xc9: {  	v7 =	vadd.f32 v14, v13;
	v9 =	vadd.f32 v16, v15  }
0xca: {  	v13 =	vadd.f32 v20, v18;
	v2 =	vadd.f32 v23, v21  }
0xcb: {  	v0 =	vadd.f32 v63, v0;
	v24 =	vadd.f32 v4, v3  }
0xcc: {  	v3 =	vadd.f32 v9, v7;
	v2 =	vadd.f32 v2, v13  }
0xcd: {  	v4 =	vadd.s32 s25, v12  }
0xce: {  	v0 =	vadd.f32 v24, v0;
	v25 =	vadd.f32 v2, v3;
	_ =	sdelay $0x1  }
0xcf: {  	v0 =	vadd.f32 v25, v0;
	_ =	sdelay $0x1  }
0xd0: {  	v15 =	vld [tilespmem:$0x1FFC0];
	[tilespmem:v4+s20+$0x0] =	vst.idx.msk $0xffff, v0  }
0xd1: {  	v0 =	vld [tilespmem:s24+$0x480]  }
0xd2: {  	v1 =	vld [tilespmem:s24+$0x6680]  }
0xd3: {  	v2 =	vld [tilespmem:s24+$0x4C0]  }
0xd4: {  	v3 =	vld [tilespmem:s24+$0x66C0]  }
0xd5: {  	v57 =	vmul.f32 v31, v55;
	v59 =	vmul.f32 v33, v56;
	v4 =	vld [tilespmem:s24+$0x500]  }
0xd6: {  	v60 =	vmul.f32 v32, v55;
	v61 =	vmul.f32 v33, v55;
	v7 =	vld [tilespmem:s24+$0x6700]  }
0xd7: {  	v16 =	vmul.f32 v31, v53;
	v63 =	vmul.f32 v31, v54;
	v19 =	vld [tilespmem:s24+$0x540]  }
0xd8: {  	v58 =	vmul.f32 v32, v56;
	v17 =	vmul.f32 v33, v53;
	v22 =	vld [tilespmem:s24+$0x6740]  }
0xd9: {  	v9 =	vmul.f32 v15, v56;
	v14 =	vmul.f32 v15, v55;
	v23 =	vld [tilespmem:s24+$0xB80]  }
0xda: {  	v62 =	vmul.f32 v15, v54;
	v15 =	vmul.f32 v15, v53;
	v24 =	vld [tilespmem:s24+$0x6D80]  }
0xdb: {  	v18 =	vmul.f32 v32, v54;
	v13 =	vmul.f32 v31, v56;
	v25 =	vld [tilespmem:s24+$0xBC0]  }
0xdc: {  	v20 =	vmul.f32 v33, v54;
	v21 =	vmul.f32 v32, v53;
	v26 =	vld [tilespmem:s24+$0x6DC0]  }
0xdd: {  	v27 =	vld [tilespmem:s24+$0xC00];
	v0 =	vmul.f32 v0, v9;
	v1 =	vmul.f32 v1, v13  }
0xde: {  	v28 =	vld [tilespmem:s24+$0x6E00];
	v2 =	vmul.f32 v2, v14;
	v3 =	vmul.f32 v3, v57  }
0xdf: {  	v29 =	vld [tilespmem:s24+$0xC40];
	v4 =	vmul.f32 v4, v58;
	v7 =	vmul.f32 v7, v59  }
0xe0: {  	v30 =	vld [tilespmem:s24+$0x6E40];
	v19 =	vmul.f32 v19, v60;
	v22 =	vmul.f32 v22, v61  }
0xe1: {  	v23 =	vmul.f32 v23, v62;
	v24 =	vmul.f32 v24, v63  }
0xe2: {  	v25 =	vmul.f32 v25, v15;
	v26 =	vmul.f32 v26, v16  }
0xe3: {  	v27 =	vmul.f32 v27, v18;
	v28 =	vmul.f32 v28, v20  }
0xe4: {  	v29 =	vmul.f32 v29, v21;
	v0 =	vadd.f32 v1, v0;
	v1 =	vadd.f32 v3, v2  }
0xe5: {  	v2 =	vmul.f32 v30, v17;
	v3 =	vadd.f32 v7, v4;
	v4 =	vadd.f32 v22, v19  }
0xe6: {  	v7 =	vadd.f32 v24, v23;
	v26 =	vadd.f32 v26, v25  }
0xe7: {  	v27 =	vadd.f32 v28, v27;
	v2 =	vadd.f32 v2, v29  }
0xe8: {  	v0 =	vadd.f32 v1, v0;
	v23 =	vadd.f32 v4, v3  }
0xe9: {  	s26 =	sadd.s32 $0x1, s25;
	v3 =	vadd.f32 v26, v7;
	v2 =	vadd.f32 v2, v27  }
0xea: {  	v4 =	vadd.s32 s26, v6  }
0xeb: {  	v0 =	vadd.f32 v23, v0;
	v24 =	vadd.f32 v2, v3;
	_ =	sdelay $0x1  }
0xec: {  	v0 =	vadd.f32 v24, v0;
	_ =	sdelay $0x1  }
0xed: {  	[tilespmem:v4+s20+$0x0] =	vst.idx.msk $0xffff, v0  }
0xee: {  	v0 =	vld [tilespmem:s24+$0x490]  }
0xef: {  	v1 =	vld [tilespmem:s24+$0x6690]  }
0xf0: {  	v2 =	vld [tilespmem:s24+$0x4D0]  }
0xf1: {  	v3 =	vld [tilespmem:s24+$0x66D0]  }
0xf2: {  	v4 =	vld [tilespmem:s24+$0x510]  }
0xf3: {  	v7 =	vld [tilespmem:s24+$0x6710]  }
0xf4: {  	v19 =	vld [tilespmem:s24+$0x550]  }
0xf5: {  	v22 =	vld [tilespmem:s24+$0x6750]  }
0xf6: {  	v23 =	vld [tilespmem:s24+$0xB90]  }
0xf7: {  	v24 =	vld [tilespmem:s24+$0x6D90]  }
0xf8: {  	v25 =	vld [tilespmem:s24+$0xBD0]  }
0xf9: {  	v26 =	vld [tilespmem:s24+$0x6DD0]  }
0xfa: {  	v27 =	vld [tilespmem:s24+$0xC10];
	v0 =	vmul.f32 v0, v9;
	v1 =	vmul.f32 v1, v13  }
0xfb: {  	v28 =	vld [tilespmem:s24+$0x6E10];
	v2 =	vmul.f32 v2, v14;
	v3 =	vmul.f32 v3, v57  }
0xfc: {  	v29 =	vld [tilespmem:s24+$0xC50];
	v4 =	vmul.f32 v4, v58;
	v7 =	vmul.f32 v7, v59  }
0xfd: {  	v30 =	vld [tilespmem:s24+$0x6E50];
	v19 =	vmul.f32 v19, v60;
	v22 =	vmul.f32 v22, v61  }
0xfe: {  	v23 =	vmul.f32 v23, v62;
	v24 =	vmul.f32 v24, v63  }
0xff: {  	v25 =	vmul.f32 v25, v15;
	v26 =	vmul.f32 v26, v16  }
0x100: {  	v27 =	vmul.f32 v27, v18;
	v28 =	vmul.f32 v28, v20  }
0x101: {  	v29 =	vmul.f32 v29, v21;
	v0 =	vadd.f32 v1, v0;
	v1 =	vadd.f32 v3, v2  }
0x102: {  	v2 =	vmul.f32 v30, v17;
	v3 =	vadd.f32 v7, v4;
	v4 =	vadd.f32 v22, v19  }
0x103: {  	v7 =	vadd.f32 v24, v23;
	v25 =	vadd.f32 v26, v25  }
0x104: {  	v26 =	vadd.f32 v28, v27;
	v2 =	vadd.f32 v2, v29  }
0x105: {  	v0 =	vadd.f32 v1, v0;
	v27 =	vadd.f32 v4, v3  }
0x106: {  	v3 =	vadd.f32 v25, v7;
	v2 =	vadd.f32 v2, v26  }
0x107: {  	v4 =	vadd.s32 s26, v10  }
0x108: {  	v0 =	vadd.f32 v27, v0;
	v23 =	vadd.f32 v2, v3;
	_ =	sdelay $0x1  }
0x109: {  	v0 =	vadd.f32 v23, v0;
	_ =	sdelay $0x1  }
0x10a: {  	[tilespmem:v4+s20+$0x0] =	vst.idx.msk $0xffff, v0  }
0x10b: {  	v0 =	vld [tilespmem:s24+$0x4A0]  }
0x10c: {  	v1 =	vld [tilespmem:s24+$0x66A0]  }
0x10d: {  	v2 =	vld [tilespmem:s24+$0x4E0]  }
0x10e: {  	v3 =	vld [tilespmem:s24+$0x66E0]  }
0x10f: {  	v4 =	vld [tilespmem:s24+$0x520]  }
0x110: {  	v7 =	vld [tilespmem:s24+$0x6720]  }
0x111: {  	v19 =	vld [tilespmem:s24+$0x560]  }
0x112: {  	v22 =	vld [tilespmem:s24+$0x6760]  }
0x113: {  	v23 =	vld [tilespmem:s24+$0xBA0]  }
0x114: {  	v24 =	vld [tilespmem:s24+$0x6DA0]  }
0x115: {  	v25 =	vld [tilespmem:s24+$0xBE0]  }
0x116: {  	v26 =	vld [tilespmem:s24+$0x6DE0]  }
0x117: {  	v27 =	vld [tilespmem:s24+$0xC20];
	v0 =	vmul.f32 v0, v9;
	v1 =	vmul.f32 v1, v13  }
0x118: {  	v28 =	vld [tilespmem:s24+$0x6E20];
	v2 =	vmul.f32 v2, v14;
	v3 =	vmul.f32 v3, v57  }
0x119: {  	v29 =	vld [tilespmem:s24+$0xC60];
	v4 =	vmul.f32 v4, v58;
	v7 =	vmul.f32 v7, v59  }
0x11a: {  	v30 =	vld [tilespmem:s24+$0x6E60];
	v19 =	vmul.f32 v19, v60;
	v22 =	vmul.f32 v22, v61  }
0x11b: {  	v23 =	vmul.f32 v23, v62;
	v24 =	vmul.f32 v24, v63  }
0x11c: {  	v25 =	vmul.f32 v25, v15;
	v26 =	vmul.f32 v26, v16  }
0x11d: {  	v27 =	vmul.f32 v27, v18;
	v28 =	vmul.f32 v28, v20  }
0x11e: {  	v29 =	vmul.f32 v29, v21;
	v0 =	vadd.f32 v1, v0;
	v1 =	vadd.f32 v3, v2  }
0x11f: {  	v2 =	vmul.f32 v30, v17;
	v3 =	vadd.f32 v7, v4;
	v4 =	vadd.f32 v22, v19  }
0x120: {  	v7 =	vadd.f32 v24, v23;
	v24 =	vadd.f32 v26, v25  }
0x121: {  	v25 =	vadd.f32 v28, v27;
	v2 =	vadd.f32 v2, v29  }
0x122: {  	v0 =	vadd.f32 v1, v0;
	v26 =	vadd.f32 v4, v3  }
0x123: {  	v3 =	vadd.f32 v24, v7;
	v2 =	vadd.f32 v2, v25  }
0x124: {  	v4 =	vadd.s32 s26, v11  }
0x125: {  	v0 =	vadd.f32 v26, v0;
	v27 =	vadd.f32 v2, v3;
	_ =	sdelay $0x1  }
0x126: {  	v0 =	vadd.f32 v27, v0;
	_ =	sdelay $0x1  }
0x127: {  	[tilespmem:v4+s20+$0x0] =	vst.idx.msk $0xffff, v0  }
0x128: {  	v0 =	vld [tilespmem:s24+$0x4B0]  }
0x129: {  	v1 =	vld [tilespmem:s24+$0x66B0]  }
0x12a: {  	v2 =	vld [tilespmem:s24+$0x4F0]  }
0x12b: {  	v3 =	vld [tilespmem:s24+$0x66F0]  }
0x12c: {  	v4 =	vld [tilespmem:s24+$0x530]  }
0x12d: {  	v7 =	vld [tilespmem:s24+$0x6730]  }
0x12e: {  	v19 =	vld [tilespmem:s24+$0x570]  }
0x12f: {  	v22 =	vld [tilespmem:s24+$0x6770]  }
0x130: {  	v23 =	vld [tilespmem:s24+$0xBB0]  }
0x131: {  	v24 =	vld [tilespmem:s24+$0x6DB0]  }
0x132: {  	v25 =	vld [tilespmem:s24+$0xBF0]  }
0x133: {  	v26 =	vld [tilespmem:s24+$0x6DF0]  }
0x134: {  	v0 =	vmul.f32 v0, v9;
	v9 =	vld [tilespmem:s24+$0xC30]  }
0x135: {  	v1 =	vmul.f32 v1, v13;
	v2 =	vmul.f32 v2, v14;
	v13 =	vld [tilespmem:s24+$0x6E30]  }
0x136: {  	v3 =	vmul.f32 v3, v57;
	v4 =	vmul.f32 v4, v58;
	v14 =	vld [tilespmem:s24+$0xC70]  }
0x137: {  	v7 =	vmul.f32 v7, v59;
	v22 =	vmul.f32 v22, v61;
	v61 =	vld [tilespmem:s24+$0x6E70]  }
0x138: {  	v19 =	vmul.f32 v19, v60;
	v23 =	vmul.f32 v23, v62  }
0x139: {  	v15 =	vmul.f32 v25, v15;
	v16 =	vmul.f32 v26, v16  }
0x13a: {  	v24 =	vmul.f32 v24, v63;
	v0 =	vadd.f32 v1, v0;
	v9 =	vmul.f32 v9, v18  }
0x13b: {  	v15 =	vadd.f32 v16, v15;
	v13 =	vmul.f32 v13, v20;
	v14 =	vmul.f32 v14, v21  }
0x13c: {  	v20 =	vadd.f32 v3, v2;
	v21 =	vmul.f32 v61, v17;
	v3 =	vadd.f32 v7, v4  }
0x13d: {  	v4 =	vadd.f32 v22, v19;
	v7 =	vadd.f32 v24, v23  }
0x13e: {  	v9 =	vadd.f32 v13, v9;
	v2 =	vadd.f32 v21, v14  }
0x13f: {  	v0 =	vadd.f32 v20, v0;
	v24 =	vadd.f32 v4, v3  }
0x140: {  	v3 =	vadd.f32 v15, v7;
	v2 =	vadd.f32 v2, v9  }
0x141: {  	v4 =	vadd.s32 s26, v12  }
0x142: {  	v0 =	vadd.f32 v24, v0;
	v25 =	vadd.f32 v2, v3;
	_ =	sdelay $0x1  }
0x143: {  	v0 =	vadd.f32 v25, v0;
	_ =	sdelay $0x1  }
0x144: {  	[tilespmem:v4+s20+$0x0] =	vst.idx.msk $0xffff, v0  }
0x145: {  	v0 =	vld [tilespmem:s24+$0x580]  }
0x146: {  	v1 =	vld [tilespmem:s24+$0x6780]  }
0x147: {  	v2 =	vld [tilespmem:s24+$0x5C0]  }
0x148: {  	v3 =	vld [tilespmem:s24+$0x67C0]  }
0x149: {  	v57 =	vmul.f32 v35, v55;
	v58 =	vmul.f32 v36, v56;
	v4 =	vld [tilespmem:s24+$0x600]  }
0x14a: {  	v59 =	vmul.f32 v37, v56;
	v60 =	vmul.f32 v36, v55;
	v7 =	vld [tilespmem:s24+$0x6800]  }
0x14b: {  	v62 =	vmul.f32 v34, v54;
	v63 =	vmul.f32 v35, v54;
	v19 =	vld [tilespmem:s24+$0x640]  }
0x14c: {  	v16 =	vmul.f32 v35, v53;
	v61 =	vmul.f32 v37, v55;
	v22 =	vld [tilespmem:s24+$0x6840]  }
0x14d: {  	v18 =	vmul.f32 v36, v54;
	v17 =	vmul.f32 v37, v53;
	v23 =	vld [tilespmem:s24+$0xC80]  }
0x14e: {  	v13 =	vmul.f32 v35, v56;
	v14 =	vmul.f32 v34, v55;
	v24 =	vld [tilespmem:s24+$0x6E80]  }
0x14f: {  	v15 =	vmul.f32 v34, v53;
	v9 =	vmul.f32 v34, v56;
	v25 =	vld [tilespmem:s24+$0xCC0]  }
0x150: {  	v20 =	vmul.f32 v37, v54;
	v21 =	vmul.f32 v36, v53;
	v26 =	vld [tilespmem:s24+$0x6EC0]  }
0x151: {  	v27 =	vld [tilespmem:s24+$0xD00];
	v0 =	vmul.f32 v0, v9;
	v1 =	vmul.f32 v1, v13  }
0x152: {  	v28 =	vld [tilespmem:s24+$0x6F00];
	v2 =	vmul.f32 v2, v14;
	v3 =	vmul.f32 v3, v57  }
0x153: {  	v29 =	vld [tilespmem:s24+$0xD40];
	v4 =	vmul.f32 v4, v58;
	v7 =	vmul.f32 v7, v59  }
0x154: {  	v30 =	vld [tilespmem:s24+$0x6F40];
	v19 =	vmul.f32 v19, v60;
	v22 =	vmul.f32 v22, v61  }
0x155: {  	v23 =	vmul.f32 v23, v62;
	v24 =	vmul.f32 v24, v63  }
0x156: {  	v25 =	vmul.f32 v25, v15;
	v26 =	vmul.f32 v26, v16  }
0x157: {  	v27 =	vmul.f32 v27, v18;
	v28 =	vmul.f32 v28, v20  }
0x158: {  	v29 =	vmul.f32 v29, v21;
	v0 =	vadd.f32 v1, v0;
	v1 =	vadd.f32 v3, v2  }
0x159: {  	v2 =	vmul.f32 v30, v17;
	v3 =	vadd.f32 v7, v4;
	v4 =	vadd.f32 v22, v19  }
0x15a: {  	v7 =	vadd.f32 v24, v23;
	v26 =	vadd.f32 v26, v25  }
0x15b: {  	v27 =	vadd.f32 v28, v27;
	v2 =	vadd.f32 v2, v29  }
0x15c: {  	v0 =	vadd.f32 v1, v0;
	v23 =	vadd.f32 v4, v3  }
0x15d: {  	s28 =	sadd.s32 $0x2, s25;
	v3 =	vadd.f32 v26, v7;
	v2 =	vadd.f32 v2, v27  }
0x15e: {  	v4 =	vadd.s32 s28, v6  }
0x15f: {  	v0 =	vadd.f32 v23, v0;
	v24 =	vadd.f32 v2, v3;
	_ =	sdelay $0x1  }
0x160: {  	v0 =	vadd.f32 v24, v0;
	_ =	sdelay $0x1  }
0x161: {  	[tilespmem:v4+s20+$0x0] =	vst.idx.msk $0xffff, v0  }
0x162: {  	v0 =	vld [tilespmem:s24+$0x590]  }
0x163: {  	v1 =	vld [tilespmem:s24+$0x6790]  }
0x164: {  	v2 =	vld [tilespmem:s24+$0x5D0]  }
0x165: {  	v3 =	vld [tilespmem:s24+$0x67D0]  }
0x166: {  	v4 =	vld [tilespmem:s24+$0x610]  }
0x167: {  	v7 =	vld [tilespmem:s24+$0x6810]  }
0x168: {  	v19 =	vld [tilespmem:s24+$0x650]  }
0x169: {  	v22 =	vld [tilespmem:s24+$0x6850]  }
0x16a: {  	v23 =	vld [tilespmem:s24+$0xC90]  }
0x16b: {  	v24 =	vld [tilespmem:s24+$0x6E90]  }
0x16c: {  	v25 =	vld [tilespmem:s24+$0xCD0]  }
0x16d: {  	v26 =	vld [tilespmem:s24+$0x6ED0]  }
0x16e: {  	v27 =	vld [tilespmem:s24+$0xD10];
	v0 =	vmul.f32 v0, v9;
	v1 =	vmul.f32 v1, v13  }
0x16f: {  	v28 =	vld [tilespmem:s24+$0x6F10];
	v2 =	vmul.f32 v2, v14;
	v3 =	vmul.f32 v3, v57  }
0x170: {  	v29 =	vld [tilespmem:s24+$0xD50];
	v4 =	vmul.f32 v4, v58;
	v7 =	vmul.f32 v7, v59  }
0x171: {  	v30 =	vld [tilespmem:s24+$0x6F50];
	v19 =	vmul.f32 v19, v60;
	v22 =	vmul.f32 v22, v61  }
0x172: {  	v23 =	vmul.f32 v23, v62;
	v24 =	vmul.f32 v24, v63  }
0x173: {  	v25 =	vmul.f32 v25, v15;
	v26 =	vmul.f32 v26, v16  }
0x174: {  	v27 =	vmul.f32 v27, v18;
	v28 =	vmul.f32 v28, v20  }
0x175: {  	v29 =	vmul.f32 v29, v21;
	v0 =	vadd.f32 v1, v0;
	v1 =	vadd.f32 v3, v2  }
0x176: {  	v2 =	vmul.f32 v30, v17;
	v3 =	vadd.f32 v7, v4;
	v4 =	vadd.f32 v22, v19  }
0x177: {  	v7 =	vadd.f32 v24, v23;
	v25 =	vadd.f32 v26, v25  }
0x178: {  	v26 =	vadd.f32 v28, v27;
	v2 =	vadd.f32 v2, v29  }
0x179: {  	v0 =	vadd.f32 v1, v0;
	v27 =	vadd.f32 v4, v3  }
0x17a: {  	v3 =	vadd.f32 v25, v7;
	v2 =	vadd.f32 v2, v26  }
0x17b: {  	v4 =	vadd.s32 s28, v10  }
0x17c: {  	v0 =	vadd.f32 v27, v0;
	v23 =	vadd.f32 v2, v3;
	_ =	sdelay $0x1  }
0x17d: {  	v0 =	vadd.f32 v23, v0;
	_ =	sdelay $0x1  }
0x17e: {  	[tilespmem:v4+s20+$0x0] =	vst.idx.msk $0xffff, v0  }
0x17f: {  	v0 =	vld [tilespmem:s24+$0x5A0]  }
0x180: {  	v1 =	vld [tilespmem:s24+$0x67A0]  }
0x181: {  	v2 =	vld [tilespmem:s24+$0x5E0]  }
0x182: {  	v3 =	vld [tilespmem:s24+$0x67E0]  }
0x183: {  	v4 =	vld [tilespmem:s24+$0x620]  }
0x184: {  	v7 =	vld [tilespmem:s24+$0x6820]  }
0x185: {  	v19 =	vld [tilespmem:s24+$0x660]  }
0x186: {  	v22 =	vld [tilespmem:s24+$0x6860]  }
0x187: {  	v23 =	vld [tilespmem:s24+$0xCA0]  }
0x188: {  	v24 =	vld [tilespmem:s24+$0x6EA0]  }
0x189: {  	v25 =	vld [tilespmem:s24+$0xCE0]  }
0x18a: {  	v26 =	vld [tilespmem:s24+$0x6EE0]  }
0x18b: {  	v27 =	vld [tilespmem:s24+$0xD20];
	v0 =	vmul.f32 v0, v9;
	v1 =	vmul.f32 v1, v13  }
0x18c: {  	v28 =	vld [tilespmem:s24+$0x6F20];
	v2 =	vmul.f32 v2, v14;
	v3 =	vmul.f32 v3, v57  }
0x18d: {  	v29 =	vld [tilespmem:s24+$0xD60];
	v4 =	vmul.f32 v4, v58;
	v7 =	vmul.f32 v7, v59  }
0x18e: {  	v30 =	vld [tilespmem:s24+$0x6F60];
	v19 =	vmul.f32 v19, v60;
	v22 =	vmul.f32 v22, v61  }
0x18f: {  	v23 =	vmul.f32 v23, v62;
	v24 =	vmul.f32 v24, v63  }
0x190: {  	v25 =	vmul.f32 v25, v15;
	v26 =	vmul.f32 v26, v16  }
0x191: {  	v27 =	vmul.f32 v27, v18;
	v28 =	vmul.f32 v28, v20  }
0x192: {  	v29 =	vmul.f32 v29, v21;
	v0 =	vadd.f32 v1, v0;
	v1 =	vadd.f32 v3, v2  }
0x193: {  	v2 =	vmul.f32 v30, v17;
	v3 =	vadd.f32 v7, v4;
	v4 =	vadd.f32 v22, v19  }
0x194: {  	v7 =	vadd.f32 v24, v23;
	v24 =	vadd.f32 v26, v25  }
0x195: {  	v25 =	vadd.f32 v28, v27;
	v2 =	vadd.f32 v2, v29  }
0x196: {  	v0 =	vadd.f32 v1, v0;
	v26 =	vadd.f32 v4, v3  }
0x197: {  	v3 =	vadd.f32 v24, v7;
	v2 =	vadd.f32 v2, v25  }
0x198: {  	v4 =	vadd.s32 s28, v11  }
0x199: {  	v0 =	vadd.f32 v26, v0;
	v27 =	vadd.f32 v2, v3;
	_ =	sdelay $0x1  }
0x19a: {  	v0 =	vadd.f32 v27, v0;
	_ =	sdelay $0x1  }
0x19b: {  	[tilespmem:v4+s20+$0x0] =	vst.idx.msk $0xffff, v0  }
0x19c: {  	v0 =	vld [tilespmem:s24+$0x5B0]  }
0x19d: {  	v1 =	vld [tilespmem:s24+$0x67B0]  }
0x19e: {  	v2 =	vld [tilespmem:s24+$0x5F0]  }
0x19f: {  	v3 =	vld [tilespmem:s24+$0x67F0]  }
0x1a0: {  	v4 =	vld [tilespmem:s24+$0x630]  }
0x1a1: {  	v7 =	vld [tilespmem:s24+$0x6830]  }
0x1a2: {  	v19 =	vld [tilespmem:s24+$0x670]  }
0x1a3: {  	v22 =	vld [tilespmem:s24+$0x6870]  }
0x1a4: {  	v23 =	vld [tilespmem:s24+$0xCB0]  }
0x1a5: {  	v24 =	vld [tilespmem:s24+$0x6EB0]  }
0x1a6: {  	v25 =	vld [tilespmem:s24+$0xCF0]  }
0x1a7: {  	v26 =	vld [tilespmem:s24+$0x6EF0]  }
0x1a8: {  	v0 =	vmul.f32 v0, v9;
	v9 =	vld [tilespmem:s24+$0xD30]  }
0x1a9: {  	v1 =	vmul.f32 v1, v13;
	v2 =	vmul.f32 v2, v14;
	v13 =	vld [tilespmem:s24+$0x6F30]  }
0x1aa: {  	v3 =	vmul.f32 v3, v57;
	v4 =	vmul.f32 v4, v58;
	v14 =	vld [tilespmem:s24+$0xD70]  }
0x1ab: {  	v7 =	vmul.f32 v7, v59;
	v22 =	vmul.f32 v22, v61;
	v61 =	vld [tilespmem:s24+$0x6F70]  }
0x1ac: {  	v19 =	vmul.f32 v19, v60;
	v23 =	vmul.f32 v23, v62  }
0x1ad: {  	v15 =	vmul.f32 v25, v15;
	v16 =	vmul.f32 v26, v16  }
0x1ae: {  	v24 =	vmul.f32 v24, v63;
	v0 =	vadd.f32 v1, v0;
	v9 =	vmul.f32 v9, v18  }
0x1af: {  	v15 =	vadd.f32 v16, v15;
	v13 =	vmul.f32 v13, v20;
	v14 =	vmul.f32 v14, v21  }
0x1b0: {  	v20 =	vadd.f32 v3, v2;
	v21 =	vmul.f32 v61, v17;
	v3 =	vadd.f32 v7, v4  }
0x1b1: {  	v4 =	vadd.f32 v22, v19;
	v7 =	vadd.f32 v24, v23  }
0x1b2: {  	v9 =	vadd.f32 v13, v9;
	v2 =	vadd.f32 v21, v14  }
0x1b3: {  	v0 =	vadd.f32 v20, v0;
	v24 =	vadd.f32 v4, v3  }
0x1b4: {  	v3 =	vadd.f32 v15, v7;
	v2 =	vadd.f32 v2, v9  }
0x1b5: {  	v4 =	vadd.s32 s28, v12  }
0x1b6: {  	v0 =	vadd.f32 v24, v0;
	v25 =	vadd.f32 v2, v3;
	_ =	sdelay $0x1  }
0x1b7: {  	v0 =	vadd.f32 v25, v0;
	_ =	sdelay $0x1  }
0x1b8: {  	[tilespmem:v4+s20+$0x0] =	vst.idx.msk $0xffff, v0  }
0x1b9: {  	v0 =	vld [tilespmem:s24+$0x680]  }
0x1ba: {  	v1 =	vld [tilespmem:s24+$0x6880]  }
0x1bb: {  	v2 =	vld [tilespmem:s24+$0x6C0]  }
0x1bc: {  	v3 =	vld [tilespmem:s24+$0x68C0]  }
0x1bd: {  	v57 =	vmul.f32 v39, v55;
	v58 =	vmul.f32 v40, v56;
	v4 =	vld [tilespmem:s24+$0x700]  }
0x1be: {  	v59 =	vmul.f32 v41, v56;
	v60 =	vmul.f32 v40, v55;
	v7 =	vld [tilespmem:s24+$0x6900]  }
0x1bf: {  	v62 =	vmul.f32 v38, v54;
	v63 =	vmul.f32 v39, v54;
	v19 =	vld [tilespmem:s24+$0x740]  }
0x1c0: {  	v16 =	vmul.f32 v39, v53;
	v61 =	vmul.f32 v41, v55;
	v22 =	vld [tilespmem:s24+$0x6940]  }
0x1c1: {  	v18 =	vmul.f32 v40, v54;
	v17 =	vmul.f32 v41, v53;
	v23 =	vld [tilespmem:s24+$0xD80]  }
0x1c2: {  	v13 =	vmul.f32 v39, v56;
	v14 =	vmul.f32 v38, v55;
	v24 =	vld [tilespmem:s24+$0x6F80]  }
0x1c3: {  	v15 =	vmul.f32 v38, v53;
	v9 =	vmul.f32 v38, v56;
	v25 =	vld [tilespmem:s24+$0xDC0]  }
0x1c4: {  	v20 =	vmul.f32 v41, v54;
	v21 =	vmul.f32 v40, v53;
	v26 =	vld [tilespmem:s24+$0x6FC0]  }
0x1c5: {  	v27 =	vld [tilespmem:s24+$0xE00];
	v0 =	vmul.f32 v0, v9;
	v1 =	vmul.f32 v1, v13  }
0x1c6: {  	v28 =	vld [tilespmem:s24+$0x7000];
	v2 =	vmul.f32 v2, v14;
	v3 =	vmul.f32 v3, v57  }
0x1c7: {  	v29 =	vld [tilespmem:s24+$0xE40];
	v4 =	vmul.f32 v4, v58;
	v7 =	vmul.f32 v7, v59  }
0x1c8: {  	v30 =	vld [tilespmem:s24+$0x7040];
	v19 =	vmul.f32 v19, v60;
	v22 =	vmul.f32 v22, v61  }
0x1c9: {  	v23 =	vmul.f32 v23, v62;
	v24 =	vmul.f32 v24, v63  }
0x1ca: {  	v25 =	vmul.f32 v25, v15;
	v26 =	vmul.f32 v26, v16  }
0x1cb: {  	v27 =	vmul.f32 v27, v18;
	v28 =	vmul.f32 v28, v20  }
0x1cc: {  	v29 =	vmul.f32 v29, v21;
	v0 =	vadd.f32 v1, v0;
	v1 =	vadd.f32 v3, v2  }
0x1cd: {  	v2 =	vmul.f32 v30, v17;
	v3 =	vadd.f32 v7, v4;
	v4 =	vadd.f32 v22, v19  }
0x1ce: {  	v7 =	vadd.f32 v24, v23;
	v26 =	vadd.f32 v26, v25  }
0x1cf: {  	v27 =	vadd.f32 v28, v27;
	v2 =	vadd.f32 v2, v29  }
0x1d0: {  	v0 =	vadd.f32 v1, v0;
	v23 =	vadd.f32 v4, v3  }
0x1d1: {  	s29 =	sadd.s32 $0x3, s25;
	v3 =	vadd.f32 v26, v7;
	v2 =	vadd.f32 v2, v27  }
0x1d2: {  	v4 =	vadd.s32 s29, v6  }
0x1d3: {  	v0 =	vadd.f32 v23, v0;
	v24 =	vadd.f32 v2, v3;
	_ =	sdelay $0x1  }
0x1d4: {  	v0 =	vadd.f32 v24, v0;
	_ =	sdelay $0x1  }
0x1d5: {  	[tilespmem:v4+s20+$0x0] =	vst.idx.msk $0xffff, v0  }
0x1d6: {  	v0 =	vld [tilespmem:s24+$0x690]  }
0x1d7: {  	v1 =	vld [tilespmem:s24+$0x6890]  }
0x1d8: {  	v2 =	vld [tilespmem:s24+$0x6D0]  }
0x1d9: {  	v3 =	vld [tilespmem:s24+$0x68D0]  }
0x1da: {  	v4 =	vld [tilespmem:s24+$0x710]  }
0x1db: {  	v7 =	vld [tilespmem:s24+$0x6910]  }
0x1dc: {  	v19 =	vld [tilespmem:s24+$0x750]  }
0x1dd: {  	v22 =	vld [tilespmem:s24+$0x6950]  }
0x1de: {  	v23 =	vld [tilespmem:s24+$0xD90]  }
0x1df: {  	v24 =	vld [tilespmem:s24+$0x6F90]  }
0x1e0: {  	v25 =	vld [tilespmem:s24+$0xDD0]  }
0x1e1: {  	v26 =	vld [tilespmem:s24+$0x6FD0]  }
0x1e2: {  	v27 =	vld [tilespmem:s24+$0xE10];
	v0 =	vmul.f32 v0, v9;
	v1 =	vmul.f32 v1, v13  }
0x1e3: {  	v28 =	vld [tilespmem:s24+$0x7010];
	v2 =	vmul.f32 v2, v14;
	v3 =	vmul.f32 v3, v57  }
0x1e4: {  	v29 =	vld [tilespmem:s24+$0xE50];
	v4 =	vmul.f32 v4, v58;
	v7 =	vmul.f32 v7, v59  }
0x1e5: {  	v30 =	vld [tilespmem:s24+$0x7050];
	v19 =	vmul.f32 v19, v60;
	v22 =	vmul.f32 v22, v61  }
0x1e6: {  	v23 =	vmul.f32 v23, v62;
	v24 =	vmul.f32 v24, v63  }
0x1e7: {  	v25 =	vmul.f32 v25, v15;
	v26 =	vmul.f32 v26, v16  }
0x1e8: {  	v27 =	vmul.f32 v27, v18;
	v28 =	vmul.f32 v28, v20  }
0x1e9: {  	v29 =	vmul.f32 v29, v21;
	v0 =	vadd.f32 v1, v0;
	v1 =	vadd.f32 v3, v2  }
0x1ea: {  	v2 =	vmul.f32 v30, v17;
	v3 =	vadd.f32 v7, v4;
	v4 =	vadd.f32 v22, v19  }
0x1eb: {  	v7 =	vadd.f32 v24, v23;
	v25 =	vadd.f32 v26, v25  }
0x1ec: {  	v26 =	vadd.f32 v28, v27;
	v2 =	vadd.f32 v2, v29  }
0x1ed: {  	v0 =	vadd.f32 v1, v0;
	v27 =	vadd.f32 v4, v3  }
0x1ee: {  	v3 =	vadd.f32 v25, v7;
	v2 =	vadd.f32 v2, v26  }
0x1ef: {  	v4 =	vadd.s32 s29, v10  }
0x1f0: {  	v0 =	vadd.f32 v27, v0;
	v23 =	vadd.f32 v2, v3;
	_ =	sdelay $0x1  }
0x1f1: {  	v0 =	vadd.f32 v23, v0;
	_ =	sdelay $0x1  }
0x1f2: {  	[tilespmem:v4+s20+$0x0] =	vst.idx.msk $0xffff, v0  }
0x1f3: {  	v0 =	vld [tilespmem:s24+$0x6A0]  }
0x1f4: {  	v1 =	vld [tilespmem:s24+$0x68A0]  }
0x1f5: {  	v2 =	vld [tilespmem:s24+$0x6E0]  }
0x1f6: {  	v3 =	vld [tilespmem:s24+$0x68E0]  }
0x1f7: {  	v4 =	vld [tilespmem:s24+$0x720]  }
0x1f8: {  	v7 =	vld [tilespmem:s24+$0x6920]  }
0x1f9: {  	v19 =	vld [tilespmem:s24+$0x760]  }
0x1fa: {  	v22 =	vld [tilespmem:s24+$0x6960]  }
0x1fb: {  	v23 =	vld [tilespmem:s24+$0xDA0]  }
0x1fc: {  	v24 =	vld [tilespmem:s24+$0x6FA0]  }
0x1fd: {  	v25 =	vld [tilespmem:s24+$0xDE0]  }
0x1fe: {  	v26 =	vld [tilespmem:s24+$0x6FE0]  }
0x1ff: {  	v27 =	vld [tilespmem:s24+$0xE20];
	v0 =	vmul.f32 v0, v9;
	v1 =	vmul.f32 v1, v13  }
0x200: {  	v28 =	vld [tilespmem:s24+$0x7020];
	v2 =	vmul.f32 v2, v14;
	v3 =	vmul.f32 v3, v57  }
0x201: {  	v29 =	vld [tilespmem:s24+$0xE60];
	v4 =	vmul.f32 v4, v58;
	v7 =	vmul.f32 v7, v59  }
0x202: {  	v30 =	vld [tilespmem:s24+$0x7060];
	v19 =	vmul.f32 v19, v60;
	v22 =	vmul.f32 v22, v61  }
0x203: {  	v23 =	vmul.f32 v23, v62;
	v24 =	vmul.f32 v24, v63  }
0x204: {  	v25 =	vmul.f32 v25, v15;
	v26 =	vmul.f32 v26, v16  }
0x205: {  	v27 =	vmul.f32 v27, v18;
	v28 =	vmul.f32 v28, v20  }
0x206: {  	v29 =	vmul.f32 v29, v21;
	v0 =	vadd.f32 v1, v0;
	v1 =	vadd.f32 v3, v2  }
0x207: {  	v2 =	vmul.f32 v30, v17;
	v3 =	vadd.f32 v7, v4;
	v4 =	vadd.f32 v22, v19  }
0x208: {  	v7 =	vadd.f32 v24, v23;
	v24 =	vadd.f32 v26, v25  }
0x209: {  	v25 =	vadd.f32 v28, v27;
	v2 =	vadd.f32 v2, v29  }
0x20a: {  	v0 =	vadd.f32 v1, v0;
	v26 =	vadd.f32 v4, v3  }
0x20b: {  	v3 =	vadd.f32 v24, v7;
	v2 =	vadd.f32 v2, v25  }
0x20c: {  	v4 =	vadd.s32 s29, v11  }
0x20d: {  	v0 =	vadd.f32 v26, v0;
	v27 =	vadd.f32 v2, v3;
	_ =	sdelay $0x1  }
0x20e: {  	v0 =	vadd.f32 v27, v0;
	_ =	sdelay $0x1  }
0x20f: {  	[tilespmem:v4+s20+$0x0] =	vst.idx.msk $0xffff, v0  }
0x210: {  	v0 =	vld [tilespmem:s24+$0x6B0]  }
0x211: {  	v1 =	vld [tilespmem:s24+$0x68B0]  }
0x212: {  	v2 =	vld [tilespmem:s24+$0x6F0]  }
0x213: {  	v3 =	vld [tilespmem:s24+$0x68F0]  }
0x214: {  	v4 =	vld [tilespmem:s24+$0x730]  }
0x215: {  	v7 =	vld [tilespmem:s24+$0x6930]  }
0x216: {  	v19 =	vld [tilespmem:s24+$0x770]  }
0x217: {  	v22 =	vld [tilespmem:s24+$0x6970]  }
0x218: {  	v23 =	vld [tilespmem:s24+$0xDB0]  }
0x219: {  	v24 =	vld [tilespmem:s24+$0x6FB0]  }
0x21a: {  	v25 =	vld [tilespmem:s24+$0xDF0]  }
0x21b: {  	v26 =	vld [tilespmem:s24+$0x6FF0]  }
0x21c: {  	v0 =	vmul.f32 v0, v9;
	v9 =	vld [tilespmem:s24+$0xE30]  }
0x21d: {  	v1 =	vmul.f32 v1, v13;
	v2 =	vmul.f32 v2, v14;
	v13 =	vld [tilespmem:s24+$0x7030]  }
0x21e: {  	v3 =	vmul.f32 v3, v57;
	v4 =	vmul.f32 v4, v58;
	v14 =	vld [tilespmem:s24+$0xE70]  }
0x21f: {  	v7 =	vmul.f32 v7, v59;
	v22 =	vmul.f32 v22, v61;
	v61 =	vld [tilespmem:s24+$0x7070]  }
0x220: {  	v19 =	vmul.f32 v19, v60;
	v23 =	vmul.f32 v23, v62  }
0x221: {  	v15 =	vmul.f32 v25, v15;
	v16 =	vmul.f32 v26, v16  }
0x222: {  	v24 =	vmul.f32 v24, v63;
	v0 =	vadd.f32 v1, v0;
	v9 =	vmul.f32 v9, v18  }
0x223: {  	v15 =	vadd.f32 v16, v15;
	v13 =	vmul.f32 v13, v20;
	v14 =	vmul.f32 v14, v21  }
0x224: {  	v20 =	vadd.f32 v3, v2;
	v21 =	vmul.f32 v61, v17;
	v3 =	vadd.f32 v7, v4  }
0x225: {  	v4 =	vadd.f32 v22, v19;
	v7 =	vadd.f32 v24, v23  }
0x226: {  	v9 =	vadd.f32 v13, v9;
	v2 =	vadd.f32 v21, v14  }
0x227: {  	v0 =	vadd.f32 v20, v0;
	v24 =	vadd.f32 v4, v3  }
0x228: {  	v3 =	vadd.f32 v15, v7;
	v2 =	vadd.f32 v2, v9  }
0x229: {  	v4 =	vadd.s32 s29, v12  }
0x22a: {  	v0 =	vadd.f32 v24, v0;
	v25 =	vadd.f32 v2, v3;
	_ =	sdelay $0x1  }
0x22b: {  	v0 =	vadd.f32 v25, v0;
	_ =	sdelay $0x1  }
0x22c: {  	[tilespmem:v4+s20+$0x0] =	vst.idx.msk $0xffff, v0  }
0x22d: {  	v0 =	vld [tilespmem:s24+$0x780]  }
0x22e: {  	v1 =	vld [tilespmem:s24+$0x6980]  }
0x22f: {  	v2 =	vld [tilespmem:s24+$0x7C0]  }
0x230: {  	v3 =	vld [tilespmem:s24+$0x69C0]  }
0x231: {  	v57 =	vmul.f32 v43, v55;
	v58 =	vmul.f32 v44, v56;
	v4 =	vld [tilespmem:s24+$0x800]  }
0x232: {  	v59 =	vmul.f32 v45, v56;
	v60 =	vmul.f32 v44, v55;
	v7 =	vld [tilespmem:s24+$0x6A00]  }
0x233: {  	v62 =	vmul.f32 v42, v54;
	v63 =	vmul.f32 v43, v54;
	v19 =	vld [tilespmem:s24+$0x840]  }
0x234: {  	v16 =	vmul.f32 v43, v53;
	v61 =	vmul.f32 v45, v55;
	v22 =	vld [tilespmem:s24+$0x6A40]  }
0x235: {  	v18 =	vmul.f32 v44, v54;
	v17 =	vmul.f32 v45, v53;
	v23 =	vld [tilespmem:s24+$0xE80]  }
0x236: {  	v13 =	vmul.f32 v43, v56;
	v14 =	vmul.f32 v42, v55;
	v24 =	vld [tilespmem:s24+$0x7080]  }
0x237: {  	v15 =	vmul.f32 v42, v53;
	v9 =	vmul.f32 v42, v56;
	v25 =	vld [tilespmem:s24+$0xEC0]  }
0x238: {  	v20 =	vmul.f32 v45, v54;
	v21 =	vmul.f32 v44, v53;
	v26 =	vld [tilespmem:s24+$0x70C0]  }
0x239: {  	v27 =	vld [tilespmem:s24+$0xF00];
	v0 =	vmul.f32 v0, v9;
	v1 =	vmul.f32 v1, v13  }
0x23a: {  	v28 =	vld [tilespmem:s24+$0x7100];
	v2 =	vmul.f32 v2, v14;
	v3 =	vmul.f32 v3, v57  }
0x23b: {  	v29 =	vld [tilespmem:s24+$0xF40];
	v4 =	vmul.f32 v4, v58;
	v7 =	vmul.f32 v7, v59  }
0x23c: {  	v30 =	vld [tilespmem:s24+$0x7140];
	v19 =	vmul.f32 v19, v60;
	v22 =	vmul.f32 v22, v61  }
0x23d: {  	v23 =	vmul.f32 v23, v62;
	v24 =	vmul.f32 v24, v63  }
0x23e: {  	v25 =	vmul.f32 v25, v15;
	v26 =	vmul.f32 v26, v16  }
0x23f: {  	v27 =	vmul.f32 v27, v18;
	v28 =	vmul.f32 v28, v20  }
0x240: {  	v29 =	vmul.f32 v29, v21;
	v0 =	vadd.f32 v1, v0;
	v1 =	vadd.f32 v3, v2  }
0x241: {  	v2 =	vmul.f32 v30, v17;
	v3 =	vadd.f32 v7, v4;
	v4 =	vadd.f32 v22, v19  }
0x242: {  	v7 =	vadd.f32 v24, v23;
	v26 =	vadd.f32 v26, v25  }
0x243: {  	v27 =	vadd.f32 v28, v27;
	v2 =	vadd.f32 v2, v29  }
0x244: {  	v0 =	vadd.f32 v1, v0;
	v23 =	vadd.f32 v4, v3  }
0x245: {  	s30 =	sadd.s32 $0x4, s25;
	v3 =	vadd.f32 v26, v7;
	v2 =	vadd.f32 v2, v27  }
0x246: {  	v4 =	vadd.s32 s30, v6  }
0x247: {  	v0 =	vadd.f32 v23, v0;
	v24 =	vadd.f32 v2, v3;
	_ =	sdelay $0x1  }
0x248: {  	v0 =	vadd.f32 v24, v0;
	_ =	sdelay $0x1  }
0x249: {  	[tilespmem:v4+s20+$0x0] =	vst.idx.msk $0xffff, v0  }
0x24a: {  	v0 =	vld [tilespmem:s24+$0x790]  }
0x24b: {  	v1 =	vld [tilespmem:s24+$0x6990]  }
0x24c: {  	v2 =	vld [tilespmem:s24+$0x7D0]  }
0x24d: {  	v3 =	vld [tilespmem:s24+$0x69D0]  }
0x24e: {  	v4 =	vld [tilespmem:s24+$0x810]  }
0x24f: {  	v7 =	vld [tilespmem:s24+$0x6A10]  }
0x250: {  	v19 =	vld [tilespmem:s24+$0x850]  }
0x251: {  	v22 =	vld [tilespmem:s24+$0x6A50]  }
0x252: {  	v23 =	vld [tilespmem:s24+$0xE90]  }
0x253: {  	v24 =	vld [tilespmem:s24+$0x7090]  }
0x254: {  	v25 =	vld [tilespmem:s24+$0xED0]  }
0x255: {  	v26 =	vld [tilespmem:s24+$0x70D0]  }
0x256: {  	v27 =	vld [tilespmem:s24+$0xF10];
	v0 =	vmul.f32 v0, v9;
	v1 =	vmul.f32 v1, v13  }
0x257: {  	v28 =	vld [tilespmem:s24+$0x7110];
	v2 =	vmul.f32 v2, v14;
	v3 =	vmul.f32 v3, v57  }
0x258: {  	v29 =	vld [tilespmem:s24+$0xF50];
	v4 =	vmul.f32 v4, v58;
	v7 =	vmul.f32 v7, v59  }
0x259: {  	v30 =	vld [tilespmem:s24+$0x7150];
	v19 =	vmul.f32 v19, v60;
	v22 =	vmul.f32 v22, v61  }
0x25a: {  	v23 =	vmul.f32 v23, v62;
	v24 =	vmul.f32 v24, v63  }
0x25b: {  	v25 =	vmul.f32 v25, v15;
	v26 =	vmul.f32 v26, v16  }
0x25c: {  	v27 =	vmul.f32 v27, v18;
	v28 =	vmul.f32 v28, v20  }
0x25d: {  	v29 =	vmul.f32 v29, v21;
	v0 =	vadd.f32 v1, v0;
	v1 =	vadd.f32 v3, v2  }
0x25e: {  	v2 =	vmul.f32 v30, v17;
	v3 =	vadd.f32 v7, v4;
	v4 =	vadd.f32 v22, v19  }
0x25f: {  	v7 =	vadd.f32 v24, v23;
	v25 =	vadd.f32 v26, v25  }
0x260: {  	v26 =	vadd.f32 v28, v27;
	v2 =	vadd.f32 v2, v29  }
0x261: {  	v0 =	vadd.f32 v1, v0;
	v27 =	vadd.f32 v4, v3  }
0x262: {  	v3 =	vadd.f32 v25, v7;
	v2 =	vadd.f32 v2, v26  }
0x263: {  	v4 =	vadd.s32 s30, v10  }
0x264: {  	v0 =	vadd.f32 v27, v0;
	v23 =	vadd.f32 v2, v3;
	_ =	sdelay $0x1  }
0x265: {  	v0 =	vadd.f32 v23, v0;
	_ =	sdelay $0x1  }
0x266: {  	[tilespmem:v4+s20+$0x0] =	vst.idx.msk $0xffff, v0  }
0x267: {  	v0 =	vld [tilespmem:s24+$0x7A0]  }
0x268: {  	v1 =	vld [tilespmem:s24+$0x69A0]  }
0x269: {  	v2 =	vld [tilespmem:s24+$0x7E0]  }
0x26a: {  	v3 =	vld [tilespmem:s24+$0x69E0]  }
0x26b: {  	v4 =	vld [tilespmem:s24+$0x820]  }
0x26c: {  	v7 =	vld [tilespmem:s24+$0x6A20]  }
0x26d: {  	v19 =	vld [tilespmem:s24+$0x860]  }
0x26e: {  	v22 =	vld [tilespmem:s24+$0x6A60]  }
0x26f: {  	v23 =	vld [tilespmem:s24+$0xEA0]  }
0x270: {  	v24 =	vld [tilespmem:s24+$0x70A0]  }
0x271: {  	v25 =	vld [tilespmem:s24+$0xEE0]  }
0x272: {  	v26 =	vld [tilespmem:s24+$0x70E0]  }
0x273: {  	v27 =	vld [tilespmem:s24+$0xF20];
	v0 =	vmul.f32 v0, v9;
	v1 =	vmul.f32 v1, v13  }
0x274: {  	v28 =	vld [tilespmem:s24+$0x7120];
	v2 =	vmul.f32 v2, v14;
	v3 =	vmul.f32 v3, v57  }
0x275: {  	v29 =	vld [tilespmem:s24+$0xF60];
	v4 =	vmul.f32 v4, v58;
	v7 =	vmul.f32 v7, v59  }
0x276: {  	v30 =	vld [tilespmem:s24+$0x7160];
	v19 =	vmul.f32 v19, v60;
	v22 =	vmul.f32 v22, v61  }
0x277: {  	v23 =	vmul.f32 v23, v62;
	v24 =	vmul.f32 v24, v63  }
0x278: {  	v25 =	vmul.f32 v25, v15;
	v26 =	vmul.f32 v26, v16  }
0x279: {  	v27 =	vmul.f32 v27, v18;
	v28 =	vmul.f32 v28, v20  }
0x27a: {  	v29 =	vmul.f32 v29, v21;
	v0 =	vadd.f32 v1, v0;
	v1 =	vadd.f32 v3, v2  }
0x27b: {  	v2 =	vmul.f32 v30, v17;
	v3 =	vadd.f32 v7, v4;
	v4 =	vadd.f32 v22, v19  }
0x27c: {  	v7 =	vadd.f32 v24, v23;
	v24 =	vadd.f32 v26, v25  }
0x27d: {  	v25 =	vadd.f32 v28, v27;
	v2 =	vadd.f32 v2, v29  }
0x27e: {  	v0 =	vadd.f32 v1, v0;
	v26 =	vadd.f32 v4, v3  }
0x27f: {  	v3 =	vadd.f32 v24, v7;
	v2 =	vadd.f32 v2, v25  }
0x280: {  	v4 =	vadd.s32 s30, v11  }
0x281: {  	v0 =	vadd.f32 v26, v0;
	v27 =	vadd.f32 v2, v3;
	_ =	sdelay $0x1  }
0x282: {  	v0 =	vadd.f32 v27, v0;
	_ =	sdelay $0x1  }
0x283: {  	[tilespmem:v4+s20+$0x0] =	vst.idx.msk $0xffff, v0  }
0x284: {  	v0 =	vld [tilespmem:s24+$0x7B0]  }
0x285: {  	v1 =	vld [tilespmem:s24+$0x69B0]  }
0x286: {  	v2 =	vld [tilespmem:s24+$0x7F0]  }
0x287: {  	v3 =	vld [tilespmem:s24+$0x69F0]  }
0x288: {  	v4 =	vld [tilespmem:s24+$0x830]  }
0x289: {  	v7 =	vld [tilespmem:s24+$0x6A30]  }
0x28a: {  	v19 =	vld [tilespmem:s24+$0x870]  }
0x28b: {  	v22 =	vld [tilespmem:s24+$0x6A70]  }
0x28c: {  	v23 =	vld [tilespmem:s24+$0xEB0]  }
0x28d: {  	v24 =	vld [tilespmem:s24+$0x70B0]  }
0x28e: {  	v25 =	vld [tilespmem:s24+$0xEF0]  }
0x28f: {  	v26 =	vld [tilespmem:s24+$0x70F0]  }
0x290: {  	v0 =	vmul.f32 v0, v9;
	v9 =	vld [tilespmem:s24+$0xF30]  }
0x291: {  	v1 =	vmul.f32 v1, v13;
	v2 =	vmul.f32 v2, v14;
	v13 =	vld [tilespmem:s24+$0x7130]  }
0x292: {  	v3 =	vmul.f32 v3, v57;
	v4 =	vmul.f32 v4, v58;
	v14 =	vld [tilespmem:s24+$0xF70]  }
0x293: {  	v7 =	vmul.f32 v7, v59;
	v22 =	vmul.f32 v22, v61;
	v61 =	vld [tilespmem:s24+$0x7170]  }
0x294: {  	v19 =	vmul.f32 v19, v60;
	v23 =	vmul.f32 v23, v62  }
0x295: {  	v15 =	vmul.f32 v25, v15;
	v16 =	vmul.f32 v26, v16  }
0x296: {  	v24 =	vmul.f32 v24, v63;
	v0 =	vadd.f32 v1, v0;
	v9 =	vmul.f32 v9, v18  }
0x297: {  	v15 =	vadd.f32 v16, v15;
	v13 =	vmul.f32 v13, v20;
	v14 =	vmul.f32 v14, v21  }
0x298: {  	v20 =	vadd.f32 v3, v2;
	v21 =	vmul.f32 v61, v17;
	v3 =	vadd.f32 v7, v4  }
0x299: {  	v4 =	vadd.f32 v22, v19;
	v7 =	vadd.f32 v24, v23  }
0x29a: {  	v9 =	vadd.f32 v13, v9;
	v2 =	vadd.f32 v21, v14  }
0x29b: {  	v0 =	vadd.f32 v20, v0;
	v24 =	vadd.f32 v4, v3  }
0x29c: {  	v3 =	vadd.f32 v15, v7;
	v2 =	vadd.f32 v2, v9  }
0x29d: {  	v4 =	vadd.s32 s30, v12  }
0x29e: {  	v0 =	vadd.f32 v24, v0;
	v25 =	vadd.f32 v2, v3;
	_ =	sdelay $0x1  }
0x29f: {  	v0 =	vadd.f32 v25, v0;
	_ =	sdelay $0x1  }
0x2a0: {  	[tilespmem:v4+s20+$0x0] =	vst.idx.msk $0xffff, v0  }
0x2a1: {  	v0 =	vld [tilespmem:s24+$0x880]  }
0x2a2: {  	v1 =	vld [tilespmem:s24+$0x6A80]  }
0x2a3: {  	v2 =	vld [tilespmem:s24+$0x8C0]  }
0x2a4: {  	v3 =	vld [tilespmem:s24+$0x6AC0]  }
0x2a5: {  	v57 =	vmul.f32 v47, v55;
	v58 =	vmul.f32 v48, v56;
	v4 =	vld [tilespmem:s24+$0x900]  }
0x2a6: {  	v59 =	vmul.f32 v49, v56;
	v60 =	vmul.f32 v48, v55;
	v7 =	vld [tilespmem:s24+$0x6B00]  }
0x2a7: {  	v62 =	vmul.f32 v46, v54;
	v63 =	vmul.f32 v47, v54;
	v19 =	vld [tilespmem:s24+$0x940]  }
0x2a8: {  	v16 =	vmul.f32 v47, v53;
	v61 =	vmul.f32 v49, v55;
	v22 =	vld [tilespmem:s24+$0x6B40]  }
0x2a9: {  	v18 =	vmul.f32 v48, v54;
	v17 =	vmul.f32 v49, v53;
	v23 =	vld [tilespmem:s24+$0xF80]  }
0x2aa: {  	v13 =	vmul.f32 v47, v56;
	v14 =	vmul.f32 v46, v55;
	v24 =	vld [tilespmem:s24+$0x7180]  }
0x2ab: {  	v15 =	vmul.f32 v46, v53;
	v9 =	vmul.f32 v46, v56;
	v25 =	vld [tilespmem:s24+$0xFC0]  }
0x2ac: {  	v20 =	vmul.f32 v49, v54;
	v21 =	vmul.f32 v48, v53;
	v26 =	vld [tilespmem:s24+$0x71C0]  }
0x2ad: {  	v27 =	vld [tilespmem:s24+$0x1000];
	v0 =	vmul.f32 v0, v9;
	v1 =	vmul.f32 v1, v13  }
0x2ae: {  	v28 =	vld [tilespmem:s24+$0x7200];
	v2 =	vmul.f32 v2, v14;
	v3 =	vmul.f32 v3, v57  }
0x2af: {  	v29 =	vld [tilespmem:s24+$0x1040];
	v4 =	vmul.f32 v4, v58;
	v7 =	vmul.f32 v7, v59  }
0x2b0: {  	v30 =	vld [tilespmem:s24+$0x7240];
	v19 =	vmul.f32 v19, v60;
	v22 =	vmul.f32 v22, v61  }
0x2b1: {  	v23 =	vmul.f32 v23, v62;
	v24 =	vmul.f32 v24, v63  }
0x2b2: {  	v25 =	vmul.f32 v25, v15;
	v26 =	vmul.f32 v26, v16  }
0x2b3: {  	v27 =	vmul.f32 v27, v18;
	v28 =	vmul.f32 v28, v20  }
0x2b4: {  	v29 =	vmul.f32 v29, v21;
	v0 =	vadd.f32 v1, v0;
	v1 =	vadd.f32 v3, v2  }
0x2b5: {  	v2 =	vmul.f32 v30, v17;
	v3 =	vadd.f32 v7, v4;
	v4 =	vadd.f32 v22, v19  }
0x2b6: {  	v7 =	vadd.f32 v24, v23;
	v26 =	vadd.f32 v26, v25  }
0x2b7: {  	v27 =	vadd.f32 v28, v27;
	v2 =	vadd.f32 v2, v29  }
0x2b8: {  	v0 =	vadd.f32 v1, v0;
	v24 =	vadd.f32 v4, v3  }
0x2b9: {  	s31 =	sadd.s32 $0x5, s25;
	v3 =	vadd.f32 v26, v7;
	v2 =	vadd.f32 v2, v27  }
0x2ba: {  	v4 =	vadd.s32 s31, v6  }
0x2bb: {  	v0 =	vadd.f32 v24, v0;
	v25 =	vadd.f32 v2, v3;
	_ =	sdelay $0x1  }
0x2bc: {  	v0 =	vadd.f32 v25, v0;
	_ =	sdelay $0x1  }
0x2bd: {  	[tilespmem:v4+s20+$0x0] =	vst.idx.msk $0xffff, v0  }
0x2be: {  	v0 =	vld [tilespmem:s24+$0x890]  }
0x2bf: {  	v1 =	vld [tilespmem:s24+$0x6A90]  }
0x2c0: {  	v2 =	vld [tilespmem:s24+$0x8D0]  }
0x2c1: {  	v3 =	vld [tilespmem:s24+$0x6AD0]  }
0x2c2: {  	v4 =	vld [tilespmem:s24+$0x910]  }
0x2c3: {  	v7 =	vld [tilespmem:s24+$0x6B10]  }
0x2c4: {  	v19 =	vld [tilespmem:s24+$0x950]  }
0x2c5: {  	v22 =	vld [tilespmem:s24+$0x6B50]  }
0x2c6: {  	v23 =	vld [tilespmem:s24+$0xF90]  }
0x2c7: {  	v24 =	vld [tilespmem:s24+$0x7190]  }
0x2c8: {  	v25 =	vld [tilespmem:s24+$0xFD0]  }
0x2c9: {  	v26 =	vld [tilespmem:s24+$0x71D0]  }
0x2ca: {  	v27 =	vld [tilespmem:s24+$0x1010];
	v0 =	vmul.f32 v0, v9;
	v1 =	vmul.f32 v1, v13  }
0x2cb: {  	v28 =	vld [tilespmem:s24+$0x7210];
	v2 =	vmul.f32 v2, v14;
	v3 =	vmul.f32 v3, v57  }
0x2cc: {  	v29 =	vld [tilespmem:s24+$0x1050];
	v4 =	vmul.f32 v4, v58;
	v7 =	vmul.f32 v7, v59  }
0x2cd: {  	v30 =	vld [tilespmem:s24+$0x7250];
	v19 =	vmul.f32 v19, v60;
	v22 =	vmul.f32 v22, v61  }
0x2ce: {  	v23 =	vmul.f32 v23, v62;
	v24 =	vmul.f32 v24, v63  }
0x2cf: {  	v25 =	vmul.f32 v25, v15;
	v26 =	vmul.f32 v26, v16  }
0x2d0: {  	v27 =	vmul.f32 v27, v18;
	v28 =	vmul.f32 v28, v20  }
0x2d1: {  	v29 =	vmul.f32 v29, v21;
	v0 =	vadd.f32 v1, v0;
	v1 =	vadd.f32 v3, v2  }
0x2d2: {  	v2 =	vmul.f32 v30, v17;
	v3 =	vadd.f32 v7, v4;
	v4 =	vadd.f32 v22, v19  }
0x2d3: {  	v7 =	vadd.f32 v24, v23;
	v26 =	vadd.f32 v26, v25  }
0x2d4: {  	v24 =	vadd.f32 v28, v27;
	v2 =	vadd.f32 v2, v29  }
0x2d5: {  	v0 =	vadd.f32 v1, v0;
	v25 =	vadd.f32 v4, v3  }
0x2d6: {  	v3 =	vadd.f32 v26, v7;
	v2 =	vadd.f32 v2, v24  }
0x2d7: {  	v4 =	vadd.s32 s31, v10  }
0x2d8: {  	v0 =	vadd.f32 v25, v0;
	v26 =	vadd.f32 v2, v3;
	_ =	sdelay $0x1  }
0x2d9: {  	v0 =	vadd.f32 v26, v0;
	_ =	sdelay $0x1  }
0x2da: {  	[tilespmem:v4+s20+$0x0] =	vst.idx.msk $0xffff, v0  }
0x2db: {  	v0 =	vld [tilespmem:s24+$0x8A0]  }
0x2dc: {  	v1 =	vld [tilespmem:s24+$0x6AA0]  }
0x2dd: {  	v2 =	vld [tilespmem:s24+$0x8E0]  }
0x2de: {  	v3 =	vld [tilespmem:s24+$0x6AE0]  }
0x2df: {  	v4 =	vld [tilespmem:s24+$0x920]  }
0x2e0: {  	v7 =	vld [tilespmem:s24+$0x6B20]  }
0x2e1: {  	v19 =	vld [tilespmem:s24+$0x960]  }
0x2e2: {  	v22 =	vld [tilespmem:s24+$0x6B60]  }
0x2e3: {  	v23 =	vld [tilespmem:s24+$0xFA0]  }
0x2e4: {  	v24 =	vld [tilespmem:s24+$0x71A0]  }
0x2e5: {  	v25 =	vld [tilespmem:s24+$0xFE0]  }
0x2e6: {  	v26 =	vld [tilespmem:s24+$0x71E0]  }
0x2e7: {  	v27 =	vld [tilespmem:s24+$0x1020]  }
0x2e8: {  	v28 =	vld [tilespmem:s24+$0x7220];
	v0 =	vmul.f32 v0, v9;
	v1 =	vmul.f32 v1, v13  }
0x2e9: {  	v29 =	vld [tilespmem:s24+$0x1060];
	v2 =	vmul.f32 v2, v14;
	v3 =	vmul.f32 v3, v57  }
0x2ea: {  	v30 =	vld [tilespmem:s24+$0x7260];
	v4 =	vmul.f32 v4, v58;
	v7 =	vmul.f32 v7, v59  }
0x2eb: {  	v19 =	vmul.f32 v19, v60;
	v22 =	vmul.f32 v22, v61  }
0x2ec: {  	v0 =	vadd.f32 v1, v0;
	v1 =	vmul.f32 v23, v62;
	v23 =	vmul.f32 v24, v63  }
0x2ed: {  	v2 =	vadd.f32 v3, v2;
	v3 =	vmul.f32 v25, v15;
	v24 =	vmul.f32 v26, v16  }
0x2ee: {  	v4 =	vadd.f32 v7, v4;
	v7 =	vmul.f32 v27, v18;
	v25 =	vmul.f32 v28, v20  }
0x2ef: {  	v19 =	vadd.f32 v22, v19;
	v22 =	vmul.f32 v29, v21;
	v26 =	vmul.f32 v30, v17  }
0x2f0: {  	v1 =	vadd.f32 v23, v1;
	v3 =	vadd.f32 v24, v3  }
0x2f1: {  	v7 =	vadd.f32 v25, v7;
	v22 =	vadd.f32 v26, v22  }
0x2f2: {  	v0 =	vadd.f32 v2, v0;
	v27 =	vadd.f32 v19, v4  }
0x2f3: {  	v1 =	vadd.f32 v3, v1;
	v3 =	vadd.f32 v22, v7  }
0x2f4: {  	v4 =	vadd.s32 s31, v11  }
0x2f5: {  	v0 =	vadd.f32 v27, v0;
	v1 =	vadd.f32 v3, v1;
	_ =	sdelay $0x1  }
0x2f6: {  	v0 =	vadd.f32 v1, v0;
	_ =	sdelay $0x1  }
0x2f7: {  	[tilespmem:v4+s20+$0x0] =	vst.idx.msk $0xffff, v0  }
0x2f8: {  	v0 =	vld [tilespmem:s24+$0x8B0]  }
0x2f9: {  	v1 =	vld [tilespmem:s24+$0x6AB0]  }
0x2fa: {  	v2 =	vld [tilespmem:s24+$0x8F0]  }
0x2fb: {  	v3 =	vld [tilespmem:s24+$0x6AF0]  }
0x2fc: {  	v4 =	vld [tilespmem:s24+$0x930]  }
0x2fd: {  	v7 =	vld [tilespmem:s24+$0x6B30]  }
0x2fe: {  	v19 =	vld [tilespmem:s24+$0x970]  }
0x2ff: {  	v22 =	vld [tilespmem:s24+$0x6B70]  }
0x300: {  	v23 =	vld [tilespmem:s24+$0xFB0]  }
0x301: {  	v24 =	vld [tilespmem:s24+$0x71B0]  }
0x302: {  	v25 =	vld [tilespmem:s24+$0xFF0]  }
0x303: {  	v26 =	vld [tilespmem:s24+$0x71F0]  }
0x304: {  	v0 =	vmul.f32 v0, v9;
	v9 =	vld [tilespmem:s24+$0x1030]  }
0x305: {  	v1 =	vmul.f32 v1, v13;
	v2 =	vmul.f32 v2, v14;
	v13 =	vld [tilespmem:s24+$0x7230]  }
0x306: {  	v3 =	vmul.f32 v3, v57;
	v4 =	vmul.f32 v4, v58;
	v14 =	vld [tilespmem:s24+$0x1070]  }
0x307: {  	v7 =	vmul.f32 v7, v59;
	v19 =	vmul.f32 v19, v60;
	v57 =	vld [tilespmem:s24+$0x7270]  }
0x308: {  	v22 =	vmul.f32 v22, v61;
	v23 =	vmul.f32 v23, v62  }
0x309: {  	v24 =	vmul.f32 v24, v63;
	v15 =	vmul.f32 v25, v15  }
0x30a: {  	v16 =	vmul.f32 v26, v16;
	v0 =	vadd.f32 v1, v0;
	v58 =	vadd.f32 v3, v2  }
0x30b: {  	v3 =	vadd.f32 v7, v4;
	v9 =	vmul.f32 v9, v18;
	v13 =	vmul.f32 v13, v20  }
0x30c: {  	v4 =	vadd.f32 v22, v19;
	v14 =	vmul.f32 v14, v21;
	v59 =	vmul.f32 v57, v17  }
0x30d: {  	v7 =	vadd.f32 v24, v23;
	v15 =	vadd.f32 v16, v15  }
0x30e: {  	v9 =	vadd.f32 v13, v9;
	v2 =	vadd.f32 v59, v14  }
0x30f: {  	v0 =	vadd.f32 v58, v0;
	v60 =	vadd.f32 v4, v3  }
0x310: {  	v3 =	vadd.f32 v15, v7;
	v2 =	vadd.f32 v2, v9  }
0x311: {  	v4 =	vadd.s32 s31, v12  }
0x312: {  	v0 =	vadd.f32 v60, v0;
	v61 =	vadd.f32 v2, v3;
	_ =	sdelay $0x1  }
0x313: {  	v0 =	vadd.f32 v61, v0;
	_ =	sdelay $0x1  }
0x314: {  	v3 =	vld [tilespmem:$0x1FFD0];
	[tilespmem:v4+s20+$0x0] =	vst.idx.msk $0xffff, v0  }
0x315: {  	v0 =	vld [tilespmem:s24+$0x980]  }
0x316: {  	v1 =	vld [tilespmem:s24+$0x6B80]  }
0x317: {  	v2 =	vld [tilespmem:s24+$0x9C0]  }
0x318: {  	v16 =	vmul.f32 v51, v53;
	v4 =	vld [tilespmem:s24+$0x6BC0]  }
0x319: {  	v58 =	vmul.f32 v52, v56;
	v15 =	vmul.f32 v50, v53;
	v7 =	vld [tilespmem:s24+$0xA00]  }
0x31a: {  	v57 =	vmul.f32 v51, v55;
	v18 =	vmul.f32 v52, v54;
	v19 =	vld [tilespmem:s24+$0x6C00]  }
0x31b: {  	v21 =	vmul.f32 v52, v53;
	v60 =	vmul.f32 v50, v54;
	v22 =	vld [tilespmem:s24+$0xA40]  }
0x31c: {  	v62 =	vimm.s32 $0xD;
	v13 =	vmul.f32 v51, v56;
	v14 =	vmul.f32 v50, v55;
	v23 =	vld [tilespmem:s24+$0x6C40]  }
0x31d: {  	v59 =	vmul.f32 v52, v55;
	v3 =	vperm.xlane v3, v62;
	v24 =	vld [tilespmem:s24+$0x1080]  }
0x31e: {  	v9 =	vmul.f32 v50, v56;
	v61 =	vmul.f32 v51, v54;
	v25 =	vld [tilespmem:s24+$0x7280]  }
0x31f: {  	v63 =	vld [tilespmem:s24+$0x10C0];
	v56 =	vmul.f32 v3, v56;
	v55 =	vmul.f32 v3, v55  }
0x320: {  	v28 =	vld [tilespmem:s24+$0x7300];
	v20 =	vmul.f32 v3, v54;
	v17 =	vmul.f32 v3, v53  }
0x321: {  	v29 =	vld [tilespmem:s24+$0x1140];
	v0 =	vmul.f32 v0, v9;
	v1 =	vmul.f32 v1, v13  }
0x322: {  	v30 =	vld [tilespmem:s24+$0x7340];
	v2 =	vmul.f32 v2, v14;
	v4 =	vmul.f32 v4, v57  }
0x323: {  	v3 =	vld [tilespmem:s24+$0x72C0];
	v7 =	vmul.f32 v7, v58;
	v19 =	vmul.f32 v19, v56  }
0x324: {  	v53 =	vld [tilespmem:s24+$0x1100];
	v22 =	vmul.f32 v22, v59;
	v23 =	vmul.f32 v23, v55  }
0x325: {  	v24 =	vmul.f32 v24, v60;
	v25 =	vmul.f32 v25, v61  }
0x326: {  	v26 =	vmul.f32 v63, v15;
	v28 =	vmul.f32 v28, v20  }
0x327: {  	v29 =	vmul.f32 v29, v21;
	v63 =	vmul.f32 v30, v17  }
0x328: {  	v3 =	vmul.f32 v3, v16;
	v0 =	vadd.f32 v1, v0;
	v54 =	vadd.f32 v4, v2  }
0x329: {  	v27 =	vmul.f32 v53, v18;
	v4 =	vadd.f32 v19, v7;
	v7 =	vadd.f32 v23, v22  }
0x32a: {  	v24 =	vadd.f32 v25, v24;
	v2 =	vadd.f32 v63, v29  }
0x32b: {  	v3 =	vadd.f32 v3, v26;
	v25 =	vadd.f32 v28, v27  }
0x32c: {  	v0 =	vadd.f32 v54, v0;
	v26 =	vadd.f32 v7, v4  }
0x32d: {  	s25 =	sadd.s32 $0x6, s25;
	v3 =	vadd.f32 v3, v24;
	v2 =	vadd.f32 v2, v25  }
0x32e: {  	v4 =	vadd.s32 s25, v6  }
0x32f: {  	v0 =	vadd.f32 v26, v0;
	v27 =	vadd.f32 v2, v3;
	_ =	sdelay $0x1  }
0x330: {  	v0 =	vadd.f32 v27, v0;
	_ =	sdelay $0x1  }
0x331: {  	[tilespmem:v4+s20+$0x0] =	vst.idx.msk $0xffff, v0  }
0x332: {  	v0 =	vld [tilespmem:s24+$0x990]  }
0x333: {  	v53 =	vld [tilespmem:s24+$0x6B90]  }
0x334: {  	v2 =	vld [tilespmem:s24+$0x9D0]  }
0x335: {  	v3 =	vld [tilespmem:s24+$0x6BD0]  }
0x336: {  	v4 =	vld [tilespmem:s24+$0xA10]  }
0x337: {  	v7 =	vld [tilespmem:s24+$0x6C10]  }
0x338: {  	v19 =	vld [tilespmem:s24+$0xA50]  }
0x339: {  	v22 =	vld [tilespmem:s24+$0x6C50]  }
0x33a: {  	v23 =	vld [tilespmem:s24+$0x1090]  }
0x33b: {  	v24 =	vld [tilespmem:s24+$0x7290]  }
0x33c: {  	v54 =	vld [tilespmem:s24+$0x10D0]  }
0x33d: {  	v63 =	vld [tilespmem:s24+$0x72D0]  }
0x33e: {  	v28 =	vld [tilespmem:s24+$0x7310];
	v0 =	vmul.f32 v0, v9;
	v1 =	vmul.f32 v53, v13  }
0x33f: {  	v29 =	vld [tilespmem:s24+$0x1150];
	v2 =	vmul.f32 v2, v14;
	v3 =	vmul.f32 v3, v57  }
0x340: {  	v30 =	vld [tilespmem:s24+$0x7350];
	v4 =	vmul.f32 v4, v58;
	v7 =	vmul.f32 v7, v56  }
0x341: {  	v53 =	vld [tilespmem:s24+$0x1110];
	v19 =	vmul.f32 v19, v59;
	v22 =	vmul.f32 v22, v55  }
0x342: {  	v23 =	vmul.f32 v23, v60;
	v24 =	vmul.f32 v24, v61  }
0x343: {  	v25 =	vmul.f32 v54, v15;
	v26 =	vmul.f32 v63, v16  }
0x344: {  	v28 =	vmul.f32 v28, v20;
	v29 =	vmul.f32 v29, v21  }
0x345: {  	v63 =	vmul.f32 v30, v17;
	v0 =	vadd.f32 v1, v0;
	v54 =	vadd.f32 v3, v2  }
0x346: {  	v3 =	vadd.f32 v7, v4;
	v4 =	vadd.f32 v22, v19;
	v27 =	vmul.f32 v53, v18  }
0x347: {  	v7 =	vadd.f32 v24, v23;
	v25 =	vadd.f32 v26, v25  }
0x348: {  	v2 =	vadd.f32 v63, v29;
	v26 =	vadd.f32 v28, v27  }
0x349: {  	v0 =	vadd.f32 v54, v0;
	v27 =	vadd.f32 v4, v3  }
0x34a: {  	v3 =	vadd.f32 v25, v7;
	v2 =	vadd.f32 v2, v26  }
0x34b: {  	v4 =	vadd.s32 s25, v10  }
0x34c: {  	v0 =	vadd.f32 v27, v0;
	v53 =	vadd.f32 v2, v3;
	_ =	sdelay $0x1  }
0x34d: {  	v0 =	vadd.f32 v53, v0;
	_ =	sdelay $0x1  }
0x34e: {  	[tilespmem:v4+s20+$0x0] =	vst.idx.msk $0xffff, v0  }
0x34f: {  	v0 =	vld [tilespmem:s24+$0x9A0]  }
0x350: {  	v1 =	vld [tilespmem:s24+$0x6BA0]  }
0x351: {  	v2 =	vld [tilespmem:s24+$0x9E0]  }
0x352: {  	v3 =	vld [tilespmem:s24+$0x6BE0]  }
0x353: {  	v4 =	vld [tilespmem:s24+$0xA20]  }
0x354: {  	v7 =	vld [tilespmem:s24+$0x6C20]  }
0x355: {  	v19 =	vld [tilespmem:s24+$0xA60]  }
0x356: {  	v22 =	vld [tilespmem:s24+$0x6C60]  }
0x357: {  	v23 =	vld [tilespmem:s24+$0x10A0]  }
0x358: {  	v24 =	vld [tilespmem:s24+$0x72A0]  }
0x359: {  	v54 =	vld [tilespmem:s24+$0x10E0]  }
0x35a: {  	v63 =	vld [tilespmem:s24+$0x72E0]  }
0x35b: {  	v53 =	vld [tilespmem:s24+$0x1120]  }
0x35c: {  	v28 =	vld [tilespmem:s24+$0x7320];
	v0 =	vmul.f32 v0, v9;
	v1 =	vmul.f32 v1, v13  }
0x35d: {  	v29 =	vld [tilespmem:s24+$0x1160];
	v2 =	vmul.f32 v2, v14;
	v3 =	vmul.f32 v3, v57  }
0x35e: {  	v30 =	vld [tilespmem:s24+$0x7360];
	v4 =	vmul.f32 v4, v58;
	v7 =	vmul.f32 v7, v56  }
0x35f: {  	v19 =	vmul.f32 v19, v59;
	v22 =	vmul.f32 v22, v55  }
0x360: {  	v0 =	vadd.f32 v1, v0;
	v1 =	vmul.f32 v23, v60;
	v23 =	vmul.f32 v24, v61  }
0x361: {  	v2 =	vadd.f32 v3, v2;
	v3 =	vmul.f32 v54, v15;
	v24 =	vmul.f32 v63, v16  }
0x362: {  	v4 =	vadd.f32 v7, v4;
	v7 =	vmul.f32 v53, v18;
	v54 =	vmul.f32 v28, v20  }
0x363: {  	v19 =	vadd.f32 v22, v19;
	v63 =	vmul.f32 v29, v21;
	v53 =	vmul.f32 v30, v17  }
0x364: {  	v1 =	vadd.f32 v23, v1;
	v3 =	vadd.f32 v24, v3  }
0x365: {  	v7 =	vadd.f32 v54, v7;
	v22 =	vadd.f32 v53, v63  }
0x366: {  	v0 =	vadd.f32 v2, v0;
	v54 =	vadd.f32 v19, v4  }
0x367: {  	v1 =	vadd.f32 v3, v1;
	v3 =	vadd.f32 v22, v7  }
0x368: {  	v4 =	vadd.s32 s25, v11  }
0x369: {  	v0 =	vadd.f32 v54, v0;
	v1 =	vadd.f32 v3, v1;
	_ =	sdelay $0x1  }
0x36a: {  	v0 =	vadd.f32 v1, v0;
	_ =	sdelay $0x1  }
0x36b: {  	[tilespmem:v4+s20+$0x0] =	vst.idx.msk $0xffff, v0  }
0x36c: {  	v0 =	vld [tilespmem:s24+$0x9B0]  }
0x36d: {  	v1 =	vld [tilespmem:s24+$0x6BB0]  }
0x36e: {  	v2 =	vld [tilespmem:s24+$0x9F0]  }
0x36f: {  	v3 =	vld [tilespmem:s24+$0x6BF0]  }
0x370: {  	v4 =	vld [tilespmem:s24+$0xA30]  }
0x371: {  	v7 =	vld [tilespmem:s24+$0x6C30]  }
0x372: {  	v19 =	vld [tilespmem:s24+$0xA70]  }
0x373: {  	v22 =	vld [tilespmem:s24+$0x6C70]  }
0x374: {  	v23 =	vld [tilespmem:s24+$0x10B0]  }
0x375: {  	v63 =	vld [tilespmem:s24+$0x72B0]  }
0x376: {  	v53 =	vld [tilespmem:s24+$0x10F0]  }
0x377: {  	v54 =	vld [tilespmem:s24+$0x72F0]  }
0x378: {  	v0 =	vmul.f32 v0, v9;
	v9 =	vld [tilespmem:s24+$0x1130]  }
0x379: {  	v1 =	vmul.f32 v1, v13;
	v2 =	vmul.f32 v2, v14;
	v13 =	vld [tilespmem:s24+$0x7330]  }
0x37a: {  	v3 =	vmul.f32 v3, v57;
	v4 =	vmul.f32 v4, v58;
	v14 =	vld [tilespmem:s24+$0x1170]  }
0x37b: {  	v7 =	vmul.f32 v7, v56;
	v19 =	vmul.f32 v19, v59;
	v58 =	vld [tilespmem:s24+$0x7370]  }
0x37c: {  	v22 =	vmul.f32 v22, v55;
	v23 =	vmul.f32 v23, v60  }
0x37d: {  	v24 =	vmul.f32 v63, v61;
	v15 =	vmul.f32 v53, v15  }
0x37e: {  	v16 =	vmul.f32 v54, v16;
	v0 =	vadd.f32 v1, v0;
	v59 =	vadd.f32 v3, v2  }
0x37f: {  	v3 =	vadd.f32 v7, v4;
	v9 =	vmul.f32 v9, v18;
	v13 =	vmul.f32 v13, v20  }
0x380: {  	v4 =	vadd.f32 v22, v19;
	v14 =	vmul.f32 v14, v21;
	v60 =	vmul.f32 v58, v17  }
0x381: {  	v7 =	vadd.f32 v24, v23;
	v15 =	vadd.f32 v16, v15  }
0x382: {  	v9 =	vadd.f32 v13, v9;
	v2 =	vadd.f32 v60, v14  }
0x383: {  	v0 =	vadd.f32 v59, v0;
	v61 =	vadd.f32 v4, v3  }
0x384: {  	v3 =	vadd.f32 v15, v7;
	v2 =	vadd.f32 v2, v9  }
0x385: {  	p0 =	sne.s32 s23, $0x6;
	v4 =	vadd.s32 s25, v12  }
.Ltmp1:
0x386: {  	v0 =	vadd.f32 v61, v0;
	v63 =	vadd.f32 v2, v3;
	(pc) =	sbr.rel @p0 .LBB2_5-.Ltmp1, $3  }
0x387: {  	_ = 	snop  }
0x388: {  	v0 =	vadd.f32 v63, v0;
	_ =	sdelay $0x1  }
0x389: {  	s23 =	sadd.s32 $0x1, s23;
	[tilespmem:v4+s20+$0x0] =	vst.idx.msk $0xffff, v0  }
0x38a: {  	s23 =	sadd.s32 s4, s22  }
0x38b: {  	s22 =	sadd.s32 $0x1, s22;
	s23 =	smul.u32 $0x188, s23  }
0x38c: {  	p0 =	sne.s32 s22, $0x20  }
.Ltmp2:
0x38d: {  	s23 =	sadd.s32 s1, s23;
	(pc) =	sbr.rel @p0 .LBB2_2-.Ltmp2, $4  }
0x38e: {  	[hbm4b:s23+s2] =	stream.linear.scatter [tilespmem:s20], [sflag:$0x2], $0xC40, $0x38;
	[tilespmem:$0xD400] =	vst v63  }
0x38f: {  	_ =	swait.ge [sflag:s8], $0xC40  }
0x390: {  	v0 =	vimm.s32 $0x0;
	v1 =	vimm.s32 $0x1;
	[sflag:s8] =	ssyncset.done $0x0  }
0x391: {  	v2 =	vimm.s32 $0x2;
	v3 =	vimm.s32 $0x3;
	v4 =	vimm.s32 $0x4;
	[sflag:s8] =	ssyncadd.s32 $0xFFFFF3C0  }
0x392: {  	s21 =	sadd.s32 $0x1, s21  }
0x393: {  	p0 =	sne.s32 s21, s7  }
.Ltmp3:
0x394: {  	_ = 	snop;
	(pc) =	sbr.rel @p0 .LBB2_1-.Ltmp3, $1  }
0x395: {  	_ =	sdelay $0x3  }
0x396: {  	_ =	sfence.sel $0x180000  }
0x397: {  	[bflag:$0x0] =	sbarrier.arrive $0xFFFF  }
0x398: {  	p0 =	sne.s32 s3, $0x0;
	_ =	strace $0x90000047  }
0x399: {  	s0 =	sadd.s32 @!p0 $0x100000, s0;
	[bflag:$0x2] =	sbarrier.arrive $0xFFFF  }
0x39a: {  	[sflag:s0] =	ssyncadd.tile.s32 @!p0 $0x1;
	_ =	shalt  }
.Lfunc_end2:
_tile_overlayer_lowered:
.L_overlay_start_2:
0x39b: {  	(tag) =	ssettag $0x2  }
0x39c: {  	s0 =	rddreg [dreg:$0x0];
	s2 =	stileid.u32  }
0x39d: {  	s1 =	rddreg [dreg:$0x1];
	p0 =	sne.s32 s2, $0x0  }
0x39e: {  	s3 =	rddreg [dreg:$0x2];
	[bflag:$0x3] =	sbarrier.arrive $0xFFFF;
	s2 =	simm.s32 @!p0 $0x1C02  }
0x39f: {  	[timem:s3], [sflag:s2] =	dma.local @!p0 [hbm:s0], s1  }
0x3a0: {  	s0 =	simm.s32 @!p0 $0x2  }
0x3a1: {  	_ =	swait.ge @!p0 [sflag:s0], s1  }
0x3a2: {  	s1 =	ssub.s32 @!p0 $0x0, s1;
	[sflag:s0] =	ssyncset.done @!p0 $0x0  }
0x3a3: {  	[sflag:s0] =	ssyncadd.s32 @!p0 s1  }
0x3a4: {  	[bflag:$0x3] =	sbarrier.arrive $0xFFFF  }
0x3a5: {  	_ =	shalt  }

</sc_bundles>
